<compile_context>
chip_gen: v7x
topology: tpu7x:2x2x1
jax: 0.10.2.dev20260603
libtpu: 0.0.44.dev20260713+nightly
codegen_flags: <defaults>
</compile_context>

<pallas_src>
import jax
import jax.numpy as jnp
from jax import lax
from jax.experimental import pallas as pl
from jax.experimental.pallas import tpu as pltpu
from jax.experimental.pallas import tpu_sc as plsc

_K = 512
_NROWS = 128
_NCOLS = 32768
_L = 16
_NW = 32
_RPW = _NROWS // _NW
_CAP = 8192
_CAP2 = 1024
_MIN32 = -(2 ** 31)
_C0_U = 0x40000000 ^ _MIN32


def _monokey(bits):
    return bits ^ (lax.shift_right_arithmetic(bits, 31) & jnp.int32(0x7FFFFFFF))


def _sc_body(x_hbm, out_hbm, row0, row1, outb, pos0, pos1, cand2_v, hist_v,
             sem_in, sem_out):
    wid = lax.axis_index("s") * 2 + lax.axis_index("c")
    base = wid * _RPW
    zeros16 = jnp.zeros((_L,), jnp.int32)
    ones16 = jnp.ones((_L,), jnp.int32)
    zerosf = jnp.zeros((_L,), jnp.float32)
    lanes = lax.iota(jnp.int32, _L)
    pad16 = jnp.full((_L,), _NCOLS, jnp.int32)
    rows = (row0, row1)
    poss = (pos0, pos1)

    row0[pl.ds(_NCOLS, _L)] = zerosf
    row1[pl.ds(_NCOLS, _L)] = zerosf

    in_desc = [None] * _RPW
    in_desc[0] = pltpu.async_copy(x_hbm.at[base], row0.at[pl.ds(0, _NCOLS)],
                                  sem_in)
    out_desc = None
    prev_ok = jnp.bool_(False)
    prev_nv = jnp.int32(0)

    for r in range(_RPW):
        row_v = rows[r & 1]
        pos_v = poss[r & 1]
        in_desc[r].wait()
        if r + 1 < _RPW:
            in_desc[r + 1] = pltpu.async_copy(
                x_hbm.at[base + (r + 1)],
                rows[(r + 1) & 1].at[pl.ds(0, _NCOLS)], sem_in)

        @plsc.parallel_loop(0, _NCOLS, step=_L, unroll=8, carry=zeros16)
        def off_vec(i, ov):
            v = row_v[pl.ds(i, _L)]
            m = v >= jnp.float32(2.0)
            mi = m.astype(jnp.int32)
            pos = ov + plsc.cumsum(mi) - mi
            plsc.store_scatter(pos_v, [pos], i + lanes,
                               mask=m & (pos < jnp.int32(_CAP)))
            return ov + plsc.all_reduce_population_count(m)

        cnt0 = off_vec[0]
        ok = (cnt0 >= _K) & (cnt0 <= _CAP)
        pos_v[pl.ds(jnp.minimum(cnt0, jnp.int32(_CAP)), _L)] = pad16
        nv2 = (jnp.minimum(cnt0, jnp.int32(_CAP)) + (_L - 1)) // _L

        @plsc.parallel_loop(0, 17 * _L, step=_L)
        def _hclr(i):
            hist_v[pl.ds(i, _L)] = jnp.zeros((_L,), jnp.int32)

        @plsc.parallel_loop(0, nv2 * _L, step=_L)
        def _hpass(j):
            v = plsc.load_gather(row_v, [pos_v[pl.ds(j, _L)]])
            bits = plsc.bitcast(v, jnp.int32)
            b = lax.shift_right_arithmetic(bits - jnp.int32(0x40000000), 19)
            b = jnp.clip(b, 0, 16)
            plsc.addupdate_scatter(hist_v, [b * _L + lanes], ones16)

        def hscan(i, carry):
            acc, b_star, above, h_star = carry
            b = jnp.int32(16) - i
            s = jnp.sum(hist_v[pl.ds(b * _L, _L)])
            acc2 = acc + s
            hit = (acc < _K) & (acc2 >= _K)
            return (acc2,
                    jnp.where(hit, b, b_star),
                    jnp.where(hit, acc, above),
                    jnp.where(hit, s, h_star))

        _, b_star, above, h_star = lax.fori_loop(
            0, 17, hscan, (jnp.int32(0),) * 4)
        histable = ok & (b_star < 16) & (h_star <= jnp.int32(_CAP2))

        def hist_thr():
            bkey = jnp.int32(0x40000000) + (b_star << 19)

            @plsc.parallel_loop(0, nv2 * _L, step=_L, carry=zeros16)
            def off2_vec(j, ov):
                p = pos_v[pl.ds(j, _L)]
                bits = plsc.bitcast(plsc.load_gather(row_v, [p]), jnp.int32)
                m = (bits >= bkey) & (bits < bkey + jnp.int32(1 << 19))
                mi = m.astype(jnp.int32)
                pos = ov + plsc.cumsum(mi) - mi
                plsc.store_scatter(cand2_v, [pos], p,
                                   mask=m & (pos < jnp.int32(_CAP2)))
                return ov + plsc.all_reduce_population_count(m)

            cnt2 = off2_vec[0]
            cand2_v[pl.ds(jnp.minimum(cnt2, jnp.int32(_CAP2)), _L)] = pad16
            nv3 = (cnt2 + (_L - 1)) // _L
            r2 = _K - above

            def bis(i, t_u):
                cand_u = t_u | (jnp.int32(1) << (jnp.int32(31) - i))
                cand_f = plsc.bitcast(cand_u ^ jnp.int32(_MIN32), jnp.float32)

                @plsc.parallel_loop(0, nv3 * _L, step=_L, carry=zeros16)
                def cvec(j, a):
                    v = plsc.load_gather(row_v, [cand2_v[pl.ds(j, _L)]])
                    return a + plsc.all_reduce_population_count(v >= cand_f)

                return jnp.where(cvec >= r2, cand_u, t_u)

            t_u = lax.fori_loop(
                13, 32, bis,
                jnp.full((_L,), bkey ^ jnp.int32(_MIN32), jnp.int32))
            return t_u[0]

        def fast_thr():
            def bis(i, t_u):
                cand_u = t_u | (jnp.int32(1) << (jnp.int32(31) - i))
                cand_f = plsc.bitcast(cand_u ^ jnp.int32(_MIN32), jnp.float32)

                @plsc.parallel_loop(0, nv2 * _L, step=_L, carry=zeros16)
                def cvec(j, a):
                    v = plsc.load_gather(row_v, [pos_v[pl.ds(j, _L)]])
                    return a + plsc.all_reduce_population_count(v >= cand_f)

                return jnp.where(cvec >= _K, cand_u, t_u)

            t_u = lax.fori_loop(
                2, 32, bis, jnp.full((_L,), _C0_U, jnp.int32))
            return t_u[0]

        def slow_thr():
            def bis(i, t_u):
                cand_u = t_u | (jnp.int32(1) << (jnp.int32(31) - i))
                cand = cand_u ^ jnp.int32(_MIN32)

                @plsc.parallel_loop(0, _NCOLS, step=_L, unroll=4, carry=zeros16)
                def cvec(j, a):
                    key = _monokey(
                        plsc.bitcast(row_v[pl.ds(j, _L)], jnp.int32))
                    return a + jnp.where(key >= cand, 1, 0)

                cnt = jnp.sum(cvec)
                return jnp.where(cnt >= _K, cand_u, t_u)

            return lax.fori_loop(0, 32, bis, jnp.int32(0))

        t_u = lax.cond(
            histable, hist_thr, lambda: lax.cond(ok, fast_thr, slow_thr))
        thr = jnp.maximum(t_u ^ jnp.int32(_MIN32), jnp.int32(1))
        thr_f = plsc.bitcast(jnp.full((_L,), thr, jnp.int32), jnp.float32)

        if out_desc is not None:
            out_desc.wait()

        if r == 0:
            @plsc.parallel_loop(0, _NCOLS, step=_L, unroll=8)
            def _z0(j):
                outb[pl.ds(j, _L)] = zerosf
        else:
            prev_pos = poss[(r - 1) & 1]
            p_nv = prev_nv

            def rezero_scatter():
                @plsc.parallel_loop(0, p_nv * _L, step=_L)
                def _zs(j):
                    plsc.store_scatter(outb, [prev_pos[pl.ds(j, _L)]], zerosf)
                return 0

            def rezero_full():
                @plsc.parallel_loop(0, _NCOLS, step=_L, unroll=8)
                def _zf(j):
                    outb[pl.ds(j, _L)] = zerosf
                return 0

            lax.cond(prev_ok, rezero_scatter, rezero_full)

        def write_scatter():
            @plsc.parallel_loop(0, nv2 * _L, step=_L)
            def _ws(j):
                p = pos_v[pl.ds(j, _L)]
                v = plsc.load_gather(row_v, [p])
                plsc.store_scatter(outb, [p], v, mask=v >= thr_f)
            return 0

        def write_full():
            @plsc.parallel_loop(0, _NCOLS, step=_L, unroll=8)
            def _wf(j):
                v = row_v[pl.ds(j, _L)]
                outb[pl.ds(j, _L)] = jnp.where(v >= thr_f, v, 0.0)
            return 0

        lax.cond(ok, write_scatter, write_full)
        out_desc = pltpu.async_copy(outb.at[pl.ds(0, _NCOLS)],
                                    out_hbm.at[base + r], sem_out)
        prev_ok = ok
        prev_nv = nv2

    out_desc.wait()


def kernel(x):
    mesh = plsc.VectorSubcoreMesh(
        core_axis_name="c", subcore_axis_name="s", num_cores=2, num_subcores=16)
    f = pl.kernel(
        _sc_body,
        out_type=jax.ShapeDtypeStruct((_NROWS, _NCOLS), jnp.float32),
        mesh=mesh,
        compiler_params=pltpu.CompilerParams(needs_layout_passes=False),
        scratch_types=[
            pltpu.VMEM((_NCOLS + _L,), jnp.float32),
            pltpu.VMEM((_NCOLS + _L,), jnp.float32),
            pltpu.VMEM((_NCOLS + _L,), jnp.float32),
            pltpu.VMEM((_CAP + _L,), jnp.int32),
            pltpu.VMEM((_CAP + _L,), jnp.int32),
            pltpu.VMEM((_CAP2 + _L,), jnp.int32),
            pltpu.VMEM((17 * _L,), jnp.int32),
            pltpu.SemaphoreType.DMA,
            pltpu.SemaphoreType.DMA,
        ],
    )
    return f(x)

# --- scband reference (transcript-rebuilt; emitter-appended) ---
"""Pipeline reference for scband-top-k-19808389169780 (READ-ONLY COPY).

The authoritative reference and input builder live on the scoring server;
editing this copy changes nothing except your own understanding.
"""

import jax, jax.numpy as jnp
import numpy as np

K = 512

def setup_inputs(seed: int = 0) -> dict:
    key = jax.random.key(seed)
    x = jax.random.normal(key, (128, 32768), dtype=jnp.float32)
    return {"x": x}

def reference(x):
    # TopK activation: keep top-k values along last dim, apply ReLU, zero elsewhere
    values, indices = jax.lax.top_k(x, K)
    values = jnp.maximum(values, 0.0)  # nn.ReLU postact
    rows = jnp.arange(x.shape[0])[:, None]
    result = jnp.zeros_like(x).at[rows, indices].set(values)
    return result

if __name__ == "__main__":
    import jax
    _d = setup_inputs()
    print(jax.jit(kernel)(*tuple(_d.values())))

</pallas_src>

<mosaic_0001>
#map = affine_map<(d0, d1) -> (0, 0)>
module attributes {stable_mosaic.version = 14 : i64} {
  func.func @_sc_body(%arg0: i32, %arg1: i32, %arg2: memref<128x32768xf32, #tpu.memory_space<hbm>>, %arg3: memref<128x32768xf32, #tpu.memory_space<hbm>>, %arg4: memref<32784xf32, #tpu.memory_space<vmem>>, %arg5: memref<32784xf32, #tpu.memory_space<vmem>>, %arg6: memref<32784xf32, #tpu.memory_space<vmem>>, %arg7: memref<8208xi32, #tpu.memory_space<vmem>>, %arg8: memref<8208xi32, #tpu.memory_space<vmem>>, %arg9: memref<1040xi32, #tpu.memory_space<vmem>>, %arg10: memref<272xi32, #tpu.memory_space<vmem>>, %arg11: memref<!tpu.dma_semaphore, #tpu.memory_space<semaphore_mem>>, %arg12: memref<!tpu.dma_semaphore, #tpu.memory_space<semaphore_mem>>) attributes {dimension_semantics = [#tpu.dimension_semantics<core_parallel>, #tpu.dimension_semantics<subcore_parallel>], iteration_bounds = array<i64: 2, 16>, scalar_prefetch = 0 : i64, scratch_operands = 9 : i64, tpu.core_type = #tpu.core_type<sc_vector_subcore>, window_params = [{transform_indices = #map}, {transform_indices = #map}]} {
    %mul3A = arith.constant 2 : i32
    %mul3A_0 = arith.muli %arg1, %mul3A : i32
    %add3A = arith.addi %mul3A_0, %arg0 : i32
    %mul3A_1 = arith.constant 4 : i32
    %mul3A_2 = arith.muli %add3A, %mul3A_1 : i32
    %broadcast_in_dim3A = arith.constant 0 : i32
    %broadcast_in_dim3A_3 = vector.broadcast %broadcast_in_dim3A : i32 to vector<16xi32>
    %broadcast_in_dim3A_4 = arith.constant 1 : i32
    %broadcast_in_dim3A_5 = vector.broadcast %broadcast_in_dim3A_4 : i32 to vector<16xi32>
    %broadcast_in_dim3A_6 = arith.constant 0.000000e+00 : f32
    %broadcast_in_dim3A_7 = vector.broadcast %broadcast_in_dim3A_6 : f32 to vector<16xf32>
    %iota3A = tpu.iota {dimensions = array<i32: 0>} : vector<16xi32>
    %broadcast_in_dim3A_8 = arith.constant 32768 : i32
    %broadcast_in_dim3A_9 = vector.broadcast %broadcast_in_dim3A_8 : i32 to vector<16xi32>
    %swap3A = arith.constant 32768 : index
    %swap3A_10 = tpu.vector_load %arg4[%swap3A] {strides = array<i32>} : memref<32784xf32, #tpu.memory_space<vmem>>, vector<16xf32>,
    tpu.vector_store %arg4[%swap3A], %broadcast_in_dim3A_7 {strides = array<i32>} : memref<32784xf32, #tpu.memory_space<vmem>>, vector<16xf32>,
    %swap3A_11 = arith.constant 32768 : index
    %swap3A_12 = tpu.vector_load %arg5[%swap3A_11] {strides = array<i32>} : memref<32784xf32, #tpu.memory_space<vmem>>, vector<16xf32>,
    tpu.vector_store %arg5[%swap3A_11], %broadcast_in_dim3A_7 {strides = array<i32>} : memref<32784xf32, #tpu.memory_space<vmem>>, vector<16xf32>,
    %dma_start3A = arith.constant 0 : i32
    %dma_start3A_13 = tpu.memref_slice %arg4[%dma_start3A] : memref<32784xf32, #tpu.memory_space<vmem>> -> memref<32768xf32, #tpu.memory_space<vmem>>
    %dma_start3A_14 = arith.constant 0 : i32
    %dma_start3A_15 = tpu.memref_slice %arg2[%mul3A_2, %dma_start3A_14] : memref<128x32768xf32, #tpu.memory_space<hbm>> -> memref<1x32768xf32, #tpu.memory_space<hbm>>
    %dma_start3A_16 = tpu.memref_squeeze %dma_start3A_15 : memref<1x32768xf32, #tpu.memory_space<hbm>> -> memref<32768xf32, #tpu.memory_space<hbm>>
    %dma_start3A_17 = arith.constant 0 : i32
    %dma_start3A_18 = tpu.memref_slice %arg4[%dma_start3A_17] : memref<32784xf32, #tpu.memory_space<vmem>> -> memref<32768xf32, #tpu.memory_space<vmem>>
    %dma_start3A_19 = arith.constant 0 : i32
    %dma_start3A_20 = tpu.memref_slice %arg2[%mul3A_2, %dma_start3A_19] : memref<128x32768xf32, #tpu.memory_space<hbm>> -> memref<1x32768xf32, #tpu.memory_space<hbm>>
    %dma_start3A_21 = tpu.memref_squeeze %dma_start3A_20 : memref<1x32768xf32, #tpu.memory_space<hbm>> -> memref<32768xf32, #tpu.memory_space<hbm>>
    tpu.enqueue_dma source(%dma_start3A_21 : memref<32768xf32, #tpu.memory_space<hbm>>) target(%dma_start3A_18 : memref<32768xf32, #tpu.memory_space<vmem>>) target_semaphore(%arg11 : memref<!tpu.dma_semaphore, #tpu.memory_space<semaphore_mem>>)
    %dma_wait3A = arith.constant 0 : i32
    %dma_wait3A_22 = tpu.memref_slice %arg4[%dma_wait3A] : memref<32784xf32, #tpu.memory_space<vmem>> -> memref<32768xf32, #tpu.memory_space<vmem>>
    %dma_wait3A_23 = arith.constant 0 : i32
    %dma_wait3A_24 = tpu.memref_slice %arg2[%mul3A_2, %dma_wait3A_23] : memref<128x32768xf32, #tpu.memory_space<hbm>> -> memref<1x32768xf32, #tpu.memory_space<hbm>>
    %dma_wait3A_25 = tpu.memref_squeeze %dma_wait3A_24 : memref<1x32768xf32, #tpu.memory_space<hbm>> -> memref<32768xf32, #tpu.memory_space<hbm>>
    %dma_wait3A_26 = arith.constant 0 : i32
    %dma_wait3A_27 = tpu.memref_slice %arg4[%dma_wait3A_26] : memref<32784xf32, #tpu.memory_space<vmem>> -> memref<32768xf32, #tpu.memory_space<vmem>>
    %dma_wait3A_28 = arith.constant 0 : i32
    %dma_wait3A_29 = tpu.memref_slice %arg2[%mul3A_2, %dma_wait3A_28] : memref<128x32768xf32, #tpu.memory_space<hbm>> -> memref<1x32768xf32, #tpu.memory_space<hbm>>
    %dma_wait3A_30 = tpu.memref_squeeze %dma_wait3A_29 : memref<1x32768xf32, #tpu.memory_space<hbm>> -> memref<32768xf32, #tpu.memory_space<hbm>>
    tpu.wait_dma2 semaphore(%arg11 : memref<!tpu.dma_semaphore, #tpu.memory_space<semaphore_mem>>) src(%dma_wait3A_30 : memref<32768xf32, #tpu.memory_space<hbm>>) dst(%dma_wait3A_27 : memref<32768xf32, #tpu.memory_space<vmem>>)
    %add3A_31 = arith.constant 1 : i32
    %add3A_32 = arith.addi %mul3A_2, %add3A_31 : i32
    %dma_start3A_33 = arith.constant 0 : i32
    %dma_start3A_34 = tpu.memref_slice %arg5[%dma_start3A_33] : memref<32784xf32, #tpu.memory_space<vmem>> -> memref<32768xf32, #tpu.memory_space<vmem>>
    %dma_start3A_35 = arith.constant 0 : i32
    %dma_start3A_36 = tpu.memref_slice %arg2[%add3A_32, %dma_start3A_35] : memref<128x32768xf32, #tpu.memory_space<hbm>> -> memref<1x32768xf32, #tpu.memory_space<hbm>>
    %dma_start3A_37 = tpu.memref_squeeze %dma_start3A_36 : memref<1x32768xf32, #tpu.memory_space<hbm>> -> memref<32768xf32, #tpu.memory_space<hbm>>
    %dma_start3A_38 = arith.constant 0 : i32
    %dma_start3A_39 = tpu.memref_slice %arg5[%dma_start3A_38] : memref<32784xf32, #tpu.memory_space<vmem>> -> memref<32768xf32, #tpu.memory_space<vmem>>
    %dma_start3A_40 = arith.constant 0 : i32
    %dma_start3A_41 = tpu.memref_slice %arg2[%add3A_32, %dma_start3A_40] : memref<128x32768xf32, #tpu.memory_space<hbm>> -> memref<1x32768xf32, #tpu.memory_space<hbm>>
    %dma_start3A_42 = tpu.memref_squeeze %dma_start3A_41 : memref<1x32768xf32, #tpu.memory_space<hbm>> -> memref<32768xf32, #tpu.memory_space<hbm>>
    tpu.enqueue_dma source(%dma_start3A_42 : memref<32768xf32, #tpu.memory_space<hbm>>) target(%dma_start3A_39 : memref<32768xf32, #tpu.memory_space<vmem>>) target_semaphore(%arg11 : memref<!tpu.dma_semaphore, #tpu.memory_space<semaphore_mem>>)
    %parallel_loop3A = arith.constant 0 : i32
    %parallel_loop3A_43 = arith.constant 32768 : i32
    %parallel_loop3A_44 = arith.constant 16 : i32
    %parallel_loop3A_45 = scf.for %parallel_loop3A_499 = %parallel_loop3A to %parallel_loop3A_43 step %parallel_loop3A_44 iter_args(%parallel_loop3A_500 = %broadcast_in_dim3A_3) -> (vector<16xi32>)  : i32 {
      %parallel_loop3A_501 = arith.index_cast %parallel_loop3A_499 : i32 to index
      %parallel_loop3A_502 = tpu.vector_load %arg4[%parallel_loop3A_501] {strides = array<i32>} : memref<32784xf32, #tpu.memory_space<vmem>>, vector<16xf32>,
      %parallel_loop3A_503 = arith.constant 2.000000e+00 : f32
      %parallel_loop3A_504 = vector.broadcast %parallel_loop3A_503 : f32 to vector<16xf32>
      %parallel_loop3A_505 = arith.cmpf oge, %parallel_loop3A_502, %parallel_loop3A_504 : vector<16xf32>
      %parallel_loop3A_506 = arith.extui %parallel_loop3A_505 : vector<16xi1> to vector<16xi32>
      %parallel_loop3A_507 = arith.constant true
      %parallel_loop3A_508 = vector.broadcast %parallel_loop3A_507 : i1 to vector<16xi1>
      %parallel_loop3A_509 = tpu.scan <sum>, %parallel_loop3A_506 masked %parallel_loop3A_508 : vector<16xi32>, vector<16xi1> -> vector<16xi32>
      %parallel_loop3A_510 = arith.addi %parallel_loop3A_500, %parallel_loop3A_509 : vector<16xi32>
      %parallel_loop3A_511 = arith.subi %parallel_loop3A_510, %parallel_loop3A_506 : vector<16xi32>
      %parallel_loop3A_512 = vector.broadcast %parallel_loop3A_499 : i32 to vector<16xi32>
      %parallel_loop3A_513 = arith.addi %parallel_loop3A_512, %iota3A : vector<16xi32>
      %parallel_loop3A_514 = arith.constant 8192 : i32
      %parallel_loop3A_515 = vector.broadcast %parallel_loop3A_514 : i32 to vector<16xi32>
      %parallel_loop3A_516 = arith.cmpi slt, %parallel_loop3A_511, %parallel_loop3A_515 : vector<16xi32>
      %parallel_loop3A_517 = arith.andi %parallel_loop3A_505, %parallel_loop3A_516 : vector<16xi1>
      tpu.vector_store_idx %arg7[%parallel_loop3A_511], %parallel_loop3A_513 masked %parallel_loop3A_517 : memref<8208xi32, #tpu.memory_space<vmem>>[vector<16xi32>], vector<16xi32>, vector<16xi1>
      %parallel_loop3A_518 = tpu.all_reduce %parallel_loop3A_505 {dim = 0 : i64, kind = #tpu.reduction_kind<sum>} : vector<16xi1> -> vector<16xi32>
      %parallel_loop3A_519 = arith.addi %parallel_loop3A_500, %parallel_loop3A_518 : vector<16xi32>
      scf.yield %parallel_loop3A_519 : vector<16xi32>
    } {sc.loop_unroll_factor = 8 : i64, sc.parallel_access}
    %slice3A = vector.extract_strided_slice %parallel_loop3A_45 {offsets = [0], sizes = [1], strides = [1]} : vector<16xi32> to vector<1xi32>
    %squeeze3A = vector.extract %slice3A[0] : i32 from vector<1xi32>
    %ge3A = arith.constant 512 : i32
    %ge3A_46 = arith.cmpi sge, %squeeze3A, %ge3A : i32
    %le3A = arith.constant 8192 : i32
    %le3A_47 = arith.cmpi sle, %squeeze3A, %le3A : i32
    %and3A = arith.andi %ge3A_46, %le3A_47 : i1
    %min3A = arith.constant 8192 : i32
    %min3A_48 = arith.minsi %squeeze3A, %min3A : i32
    %swap3A_49 = arith.index_cast %min3A_48 : i32 to index
    %swap3A_50 = tpu.vector_load %arg7[%swap3A_49] {strides = array<i32>} : memref<8208xi32, #tpu.memory_space<vmem>>, vector<16xi32>,
    tpu.vector_store %arg7[%swap3A_49], %broadcast_in_dim3A_9 {strides = array<i32>} : memref<8208xi32, #tpu.memory_space<vmem>>, vector<16xi32>,
    %min3A_51 = arith.constant 8192 : i32
    %min3A_52 = arith.minsi %squeeze3A, %min3A_51 : i32
    %add3A_53 = arith.constant 15 : i32
    %add3A_54 = arith.addi %min3A_52, %add3A_53 : i32
    %jit3A = arith.constant 16 : i32
    %div3A = arith.divsi %add3A_54, %jit3A : i32
    %sign3A = arith.constant 0 : i32
    %sign3A_55 = arith.cmpi sgt, %add3A_54, %sign3A : i32
    %sign3A_56 = arith.extui %sign3A_55 : i1 to i32
    %sign3A_57 = arith.constant 0 : i32
    %sign3A_58 = arith.cmpi slt, %add3A_54, %sign3A_57 : i32
    %sign3A_59 = arith.extui %sign3A_58 : i1 to i32
    %sign3A_60 = arith.subi %sign3A_56, %sign3A_59 : i32
    %sign3A_61 = arith.constant 0 : i32
    %sign3A_62 = arith.cmpi sgt, %jit3A, %sign3A_61 : i32
    %sign3A_63 = arith.extui %sign3A_62 : i1 to i32
    %sign3A_64 = arith.constant 0 : i32
    %sign3A_65 = arith.cmpi slt, %jit3A, %sign3A_64 : i32
    %sign3A_66 = arith.extui %sign3A_65 : i1 to i32
    %sign3A_67 = arith.subi %sign3A_63, %sign3A_66 : i32
    %ne3A = arith.cmpi ne, %sign3A_60, %sign3A_67 : i32
    %rem3A = arith.remsi %add3A_54, %jit3A : i32
    %ne3A_68 = arith.constant 0 : i32
    %ne3A_69 = arith.cmpi ne, %rem3A, %ne3A_68 : i32
    %and3A_70 = arith.andi %ne3A, %ne3A_69 : i1
    %sub3A = arith.constant 1 : i32
    %sub3A_71 = arith.subi %div3A, %sub3A : i32
    %select_n3A = arith.select %and3A_70, %sub3A_71, %div3A : i32
    %parallel_loop3A_72 = arith.constant 0 : i32
    %parallel_loop3A_73 = arith.constant 272 : i32
    %parallel_loop3A_74 = arith.constant 16 : i32
    scf.for %parallel_loop3A_499 = %parallel_loop3A_72 to %parallel_loop3A_73 step %parallel_loop3A_74  : i32 {
      %parallel_loop3A_500 = arith.constant 0 : i32
      %parallel_loop3A_501 = vector.broadcast %parallel_loop3A_500 : i32 to vector<16xi32>
      %parallel_loop3A_502 = arith.index_cast %parallel_loop3A_499 : i32 to index
      %parallel_loop3A_503 = tpu.vector_load %arg10[%parallel_loop3A_502] {strides = array<i32>} : memref<272xi32, #tpu.memory_space<vmem>>, vector<16xi32>,
      tpu.vector_store %arg10[%parallel_loop3A_502], %parallel_loop3A_501 {strides = array<i32>} : memref<272xi32, #tpu.memory_space<vmem>>, vector<16xi32>,
    } {sc.loop_unroll_factor = 1 : i64, sc.parallel_access}
    %mul3A_75 = arith.constant 16 : i32
    %mul3A_76 = arith.muli %select_n3A, %mul3A_75 : i32
    %parallel_loop3A_77 = arith.constant 0 : i32
    %parallel_loop3A_78 = arith.constant 16 : i32
    scf.for %parallel_loop3A_499 = %parallel_loop3A_77 to %mul3A_76 step %parallel_loop3A_78  : i32 {
      %parallel_loop3A_500 = arith.index_cast %parallel_loop3A_499 : i32 to index
      %parallel_loop3A_501 = tpu.vector_load %arg7[%parallel_loop3A_500] {strides = array<i32>} : memref<8208xi32, #tpu.memory_space<vmem>>, vector<16xi32>,
      %parallel_loop3A_502 = tpu.vector_load_idx %arg4[%parallel_loop3A_501] : memref<32784xf32, #tpu.memory_space<vmem>>[vector<16xi32>], vector<16xf32>,
      %parallel_loop3A_503 = vector.bitcast %parallel_loop3A_502 : vector<16xf32> to vector<16xi32>
      %parallel_loop3A_504 = arith.constant 1073741824 : i32
      %parallel_loop3A_505 = vector.broadcast %parallel_loop3A_504 : i32 to vector<16xi32>
      %parallel_loop3A_506 = arith.subi %parallel_loop3A_503, %parallel_loop3A_505 : vector<16xi32>
      %parallel_loop3A_507 = arith.constant 19 : i32
      %parallel_loop3A_508 = vector.broadcast %parallel_loop3A_507 : i32 to vector<16xi32>
      %parallel_loop3A_509 = arith.shrsi %parallel_loop3A_506, %parallel_loop3A_508 : vector<16xi32>
      %parallel_loop3A_510 = arith.constant 0 : i32
      %parallel_loop3A_511 = arith.constant 16 : i32
      %parallel_loop3A_512 = vector.broadcast %parallel_loop3A_510 : i32 to vector<16xi32>
      %parallel_loop3A_513 = arith.maxsi %parallel_loop3A_512, %parallel_loop3A_509 : vector<16xi32>
      %parallel_loop3A_514 = vector.broadcast %parallel_loop3A_511 : i32 to vector<16xi32>
      %parallel_loop3A_515 = arith.minsi %parallel_loop3A_514, %parallel_loop3A_513 : vector<16xi32>
      %parallel_loop3A_516 = arith.constant 16 : i32
      %parallel_loop3A_517 = vector.broadcast %parallel_loop3A_516 : i32 to vector<16xi32>
      %parallel_loop3A_518 = arith.muli %parallel_loop3A_515, %parallel_loop3A_517 : vector<16xi32>
      %parallel_loop3A_519 = arith.addi %parallel_loop3A_518, %iota3A : vector<16xi32>
      tpu.vector_store_idx %arg10[%parallel_loop3A_519], %broadcast_in_dim3A_5 {add = true} : memref<272xi32, #tpu.memory_space<vmem>>[vector<16xi32>], vector<16xi32>,
    } {sc.loop_unroll_factor = 1 : i64, sc.parallel_access}
    %scan3A = arith.constant 0 : i32
    %scan3A_79 = arith.constant 0 : i32
    %scan3A_80 = arith.constant 0 : i32
    %scan3A_81 = arith.constant 0 : i32
    %scan3A_82 = arith.constant 0 : i32
    %scan3A_83 = arith.constant 17 : i32
    %scan3A_84 = arith.addi %scan3A_82, %scan3A_83 : i32
    %scan3A_85 = arith.constant 1 : i32
    %scan3A_86:4 = scf.for %scan3A_499 = %scan3A_82 to %scan3A_84 step %scan3A_85 iter_args(%scan3A_500 = %scan3A, %scan3A_501 = %scan3A_79, %scan3A_502 = %scan3A_80, %scan3A_503 = %scan3A_81) -> (i32, i32, i32, i32)  : i32 {
      %sub3A_504 = arith.constant 16 : i32
      %sub3A_505 = arith.subi %sub3A_504, %scan3A_499 : i32
      %mul3A_506 = arith.constant 16 : i32
      %mul3A_507 = arith.muli %sub3A_505, %mul3A_506 : i32
      %get3A = arith.index_cast %mul3A_507 : i32 to index
      %get3A_508 = tpu.vector_load %arg10[%get3A] {strides = array<i32>} : memref<272xi32, #tpu.memory_space<vmem>>, vector<16xi32>,
      %reduce_sum3A = arith.constant true
      %reduce_sum3A_509 = vector.broadcast %reduce_sum3A : i1 to vector<16xi1>
      %reduce_sum3A_510 = tpu.scan <sum>, %get3A_508 masked %reduce_sum3A_509 : vector<16xi32>, vector<16xi1> -> vector<16xi32>
      %reduce_sum3A_511 = vector.extract %reduce_sum3A_510[15] : i32 from vector<16xi32>
      %add3A_512 = arith.addi %scan3A_500, %reduce_sum3A_511 : i32
      %lt3A_513 = arith.constant 512 : i32
      %lt3A_514 = arith.cmpi slt, %scan3A_500, %lt3A_513 : i32
      %ge3A_515 = arith.constant 512 : i32
      %ge3A_516 = arith.cmpi sge, %add3A_512, %ge3A_515 : i32
      %and3A_517 = arith.andi %lt3A_514, %ge3A_516 : i1
      %select_n3A_518 = arith.select %and3A_517, %sub3A_505, %scan3A_501 : i32
      %select_n3A_519 = arith.select %and3A_517, %scan3A_500, %scan3A_502 : i32
      %select_n3A_520 = arith.select %and3A_517, %reduce_sum3A_511, %scan3A_503 : i32
      scf.yield %add3A_512, %select_n3A_518, %select_n3A_519, %select_n3A_520 : i32, i32, i32, i32
    }
    %scan3A_87 = arith.constant 17 : i32
    %lt3A = arith.constant 16 : i32
    %lt3A_88 = arith.cmpi slt, %scan3A_86#1, %lt3A : i32
    %and3A_89 = arith.andi %and3A, %lt3A_88 : i1
    %le3A_90 = arith.constant 1024 : i32
    %le3A_91 = arith.cmpi sle, %scan3A_86#3, %le3A_90 : i32
    %and3A_92 = arith.andi %and3A_89, %le3A_91 : i1
    %convert_element_type3A = arith.extui %and3A_92 : i1 to i32
    %cond3A = arith.constant 0 : i32
    %cond3A_93 = arith.cmpi ne, %convert_element_type3A, %cond3A : i32
    %cond3A_94 = scf.if %cond3A_93 -> (i32) {
      %shift_left3A = arith.constant 19 : i32
      %shift_left3A_499 = arith.shli %scan3A_86#1, %shift_left3A : i32
      %add3A_500 = arith.constant 1073741824 : i32
      %add3A_501 = arith.addi %add3A_500, %shift_left3A_499 : i32
      %mul3A_502 = arith.constant 16 : i32
      %mul3A_503 = arith.muli %select_n3A, %mul3A_502 : i32
      %parallel_loop3A_504 = arith.constant 0 : i32
      %parallel_loop3A_505 = arith.constant 16 : i32
      %parallel_loop3A_506 = scf.for %parallel_loop3A_552 = %parallel_loop3A_504 to %mul3A_503 step %parallel_loop3A_505 iter_args(%parallel_loop3A_553 = %broadcast_in_dim3A_3) -> (vector<16xi32>)  : i32 {
        %parallel_loop3A_554 = arith.index_cast %parallel_loop3A_552 : i32 to index
        %parallel_loop3A_555 = tpu.vector_load %arg7[%parallel_loop3A_554] {strides = array<i32>} : memref<8208xi32, #tpu.memory_space<vmem>>, vector<16xi32>,
        %parallel_loop3A_556 = tpu.vector_load_idx %arg4[%parallel_loop3A_555] : memref<32784xf32, #tpu.memory_space<vmem>>[vector<16xi32>], vector<16xf32>,
        %parallel_loop3A_557 = vector.bitcast %parallel_loop3A_556 : vector<16xf32> to vector<16xi32>
        %parallel_loop3A_558 = vector.broadcast %add3A_501 : i32 to vector<16xi32>
        %parallel_loop3A_559 = arith.cmpi sge, %parallel_loop3A_557, %parallel_loop3A_558 : vector<16xi32>
        %parallel_loop3A_560 = arith.constant 524288 : i32
        %parallel_loop3A_561 = arith.addi %add3A_501, %parallel_loop3A_560 : i32
        %parallel_loop3A_562 = vector.broadcast %parallel_loop3A_561 : i32 to vector<16xi32>
        %parallel_loop3A_563 = arith.cmpi slt, %parallel_loop3A_557, %parallel_loop3A_562 : vector<16xi32>
        %parallel_loop3A_564 = arith.andi %parallel_loop3A_559, %parallel_loop3A_563 : vector<16xi1>
        %parallel_loop3A_565 = arith.extui %parallel_loop3A_564 : vector<16xi1> to vector<16xi32>
        %parallel_loop3A_566 = arith.constant true
        %parallel_loop3A_567 = vector.broadcast %parallel_loop3A_566 : i1 to vector<16xi1>
        %parallel_loop3A_568 = tpu.scan <sum>, %parallel_loop3A_565 masked %parallel_loop3A_567 : vector<16xi32>, vector<16xi1> -> vector<16xi32>
        %parallel_loop3A_569 = arith.addi %parallel_loop3A_553, %parallel_loop3A_568 : vector<16xi32>
        %parallel_loop3A_570 = arith.subi %parallel_loop3A_569, %parallel_loop3A_565 : vector<16xi32>
        %parallel_loop3A_571 = arith.constant 1024 : i32
        %parallel_loop3A_572 = vector.broadcast %parallel_loop3A_571 : i32 to vector<16xi32>
        %parallel_loop3A_573 = arith.cmpi slt, %parallel_loop3A_570, %parallel_loop3A_572 : vector<16xi32>
        %parallel_loop3A_574 = arith.andi %parallel_loop3A_564, %parallel_loop3A_573 : vector<16xi1>
        tpu.vector_store_idx %arg9[%parallel_loop3A_570], %parallel_loop3A_555 masked %parallel_loop3A_574 : memref<1040xi32, #tpu.memory_space<vmem>>[vector<16xi32>], vector<16xi32>, vector<16xi1>
        %parallel_loop3A_575 = tpu.all_reduce %parallel_loop3A_564 {dim = 0 : i64, kind = #tpu.reduction_kind<sum>} : vector<16xi1> -> vector<16xi32>
        %parallel_loop3A_576 = arith.addi %parallel_loop3A_553, %parallel_loop3A_575 : vector<16xi32>
        scf.yield %parallel_loop3A_576 : vector<16xi32>
      } {sc.loop_unroll_factor = 1 : i64, sc.parallel_access}
      %slice3A_507 = vector.extract_strided_slice %parallel_loop3A_506 {offsets = [0], sizes = [1], strides = [1]} : vector<16xi32> to vector<1xi32>
      %squeeze3A_508 = vector.extract %slice3A_507[0] : i32 from vector<1xi32>
      %min3A_509 = arith.constant 1024 : i32
      %min3A_510 = arith.minsi %squeeze3A_508, %min3A_509 : i32
      %swap3A_511 = arith.index_cast %min3A_510 : i32 to index
      %swap3A_512 = tpu.vector_load %arg9[%swap3A_511] {strides = array<i32>} : memref<1040xi32, #tpu.memory_space<vmem>>, vector<16xi32>,
      tpu.vector_store %arg9[%swap3A_511], %broadcast_in_dim3A_9 {strides = array<i32>} : memref<1040xi32, #tpu.memory_space<vmem>>, vector<16xi32>,
      %add3A_513 = arith.constant 15 : i32
      %add3A_514 = arith.addi %squeeze3A_508, %add3A_513 : i32
      %jit3A_515 = arith.constant 16 : i32
      %div3A_516 = arith.divsi %add3A_514, %jit3A_515 : i32
      %sign3A_517 = arith.constant 0 : i32
      %sign3A_518 = arith.cmpi sgt, %add3A_514, %sign3A_517 : i32
      %sign3A_519 = arith.extui %sign3A_518 : i1 to i32
      %sign3A_520 = arith.constant 0 : i32
      %sign3A_521 = arith.cmpi slt, %add3A_514, %sign3A_520 : i32
      %sign3A_522 = arith.extui %sign3A_521 : i1 to i32
      %sign3A_523 = arith.subi %sign3A_519, %sign3A_522 : i32
      %sign3A_524 = arith.constant 0 : i32
      %sign3A_525 = arith.cmpi sgt, %jit3A_515, %sign3A_524 : i32
      %sign3A_526 = arith.extui %sign3A_525 : i1 to i32
      %sign3A_527 = arith.constant 0 : i32
      %sign3A_528 = arith.cmpi slt, %jit3A_515, %sign3A_527 : i32
      %sign3A_529 = arith.extui %sign3A_528 : i1 to i32
      %sign3A_530 = arith.subi %sign3A_526, %sign3A_529 : i32
      %ne3A_531 = arith.cmpi ne, %sign3A_523, %sign3A_530 : i32
      %rem3A_532 = arith.remsi %add3A_514, %jit3A_515 : i32
      %ne3A_533 = arith.constant 0 : i32
      %ne3A_534 = arith.cmpi ne, %rem3A_532, %ne3A_533 : i32
      %and3A_535 = arith.andi %ne3A_531, %ne3A_534 : i1
      %sub3A_536 = arith.constant 1 : i32
      %sub3A_537 = arith.subi %div3A_516, %sub3A_536 : i32
      %select_n3A_538 = arith.select %and3A_535, %sub3A_537, %div3A_516 : i32
      %sub3A_539 = arith.constant 512 : i32
      %sub3A_540 = arith.subi %sub3A_539, %scan3A_86#2 : i32
      %xor3A_541 = arith.constant -2147483648 : i32
      %xor3A_542 = arith.xori %add3A_501, %xor3A_541 : i32
      %broadcast_in_dim3A_543 = vector.broadcast %xor3A_542 : i32 to vector<16xi32>
      %scan3A_544 = arith.constant 13 : i32
      %scan3A_545 = arith.constant 19 : i32
      %scan3A_546 = arith.addi %scan3A_544, %scan3A_545 : i32
      %scan3A_547 = arith.constant 1 : i32
      %scan3A_548 = scf.for %scan3A_552 = %scan3A_544 to %scan3A_546 step %scan3A_547 iter_args(%scan3A_553 = %broadcast_in_dim3A_543) -> (vector<16xi32>)  : i32 {
        %sub3A_554 = arith.constant 31 : i32
        %sub3A_555 = arith.subi %sub3A_554, %scan3A_552 : i32
        %shift_left3A_556 = arith.constant 1 : i32
        %shift_left3A_557 = arith.shli %shift_left3A_556, %sub3A_555 : i32
        %or3A = vector.broadcast %shift_left3A_557 : i32 to vector<16xi32>
        %or3A_558 = arith.ori %scan3A_553, %or3A : vector<16xi32>
        %xor3A_559 = arith.constant -2147483648 : i32
        %xor3A_560 = vector.broadcast %xor3A_559 : i32 to vector<16xi32>
        %xor3A_561 = arith.xori %or3A_558, %xor3A_560 : vector<16xi32>
        %bitcast3A_562 = vector.bitcast %xor3A_561 : vector<16xi32> to vector<16xf32>
        %mul3A_563 = arith.constant 16 : i32
        %mul3A_564 = arith.muli %select_n3A_538, %mul3A_563 : i32
        %parallel_loop3A_565 = arith.constant 0 : i32
        %parallel_loop3A_566 = arith.constant 16 : i32
        %parallel_loop3A_567 = scf.for %parallel_loop3A_571 = %parallel_loop3A_565 to %mul3A_564 step %parallel_loop3A_566 iter_args(%parallel_loop3A_572 = %broadcast_in_dim3A_3) -> (vector<16xi32>)  : i32 {
          %parallel_loop3A_573 = arith.index_cast %parallel_loop3A_571 : i32 to index
          %parallel_loop3A_574 = tpu.vector_load %arg9[%parallel_loop3A_573] {strides = array<i32>} : memref<1040xi32, #tpu.memory_space<vmem>>, vector<16xi32>,
          %parallel_loop3A_575 = tpu.vector_load_idx %arg4[%parallel_loop3A_574] : memref<32784xf32, #tpu.memory_space<vmem>>[vector<16xi32>], vector<16xf32>,
          %parallel_loop3A_576 = arith.cmpf oge, %parallel_loop3A_575, %bitcast3A_562 : vector<16xf32>
          %parallel_loop3A_577 = tpu.all_reduce %parallel_loop3A_576 {dim = 0 : i64, kind = #tpu.reduction_kind<sum>} : vector<16xi1> -> vector<16xi32>
          %parallel_loop3A_578 = arith.addi %parallel_loop3A_572, %parallel_loop3A_577 : vector<16xi32>
          scf.yield %parallel_loop3A_578 : vector<16xi32>
        } {sc.loop_unroll_factor = 1 : i64, sc.parallel_access}
        %ge3A_568 = vector.broadcast %sub3A_540 : i32 to vector<16xi32>
        %ge3A_569 = arith.cmpi sge, %parallel_loop3A_567, %ge3A_568 : vector<16xi32>
        %select_n3A_570 = arith.select %ge3A_569, %or3A_558, %scan3A_553 : vector<16xi1>, vector<16xi32>
        scf.yield %select_n3A_570 : vector<16xi32>
      }
      %scan3A_549 = arith.constant 19 : i32
      %slice3A_550 = vector.extract_strided_slice %scan3A_548 {offsets = [0], sizes = [1], strides = [1]} : vector<16xi32> to vector<1xi32>
      %squeeze3A_551 = vector.extract %slice3A_550[0] : i32 from vector<1xi32>
      scf.yield %squeeze3A_551 : i32
    } else {
      %convert_element_type3A_499 = arith.extui %and3A : i1 to i32
      %cond3A_500 = arith.constant 0 : i32
      %cond3A_501 = arith.cmpi ne, %convert_element_type3A_499, %cond3A_500 : i32
      %cond3A_502 = scf.if %cond3A_501 -> (i32) {
        %broadcast_in_dim3A_503 = arith.constant -1073741824 : i32
        %broadcast_in_dim3A_504 = vector.broadcast %broadcast_in_dim3A_503 : i32 to vector<16xi32>
        %scan3A_505 = arith.constant 2 : i32
        %scan3A_506 = arith.constant 30 : i32
        %scan3A_507 = arith.addi %scan3A_505, %scan3A_506 : i32
        %scan3A_508 = arith.constant 1 : i32
        %scan3A_509 = scf.for %scan3A_513 = %scan3A_505 to %scan3A_507 step %scan3A_508 iter_args(%scan3A_514 = %broadcast_in_dim3A_504) -> (vector<16xi32>)  : i32 {
          %sub3A_515 = arith.constant 31 : i32
          %sub3A_516 = arith.subi %sub3A_515, %scan3A_513 : i32
          %shift_left3A = arith.constant 1 : i32
          %shift_left3A_517 = arith.shli %shift_left3A, %sub3A_516 : i32
          %or3A = vector.broadcast %shift_left3A_517 : i32 to vector<16xi32>
          %or3A_518 = arith.ori %scan3A_514, %or3A : vector<16xi32>
          %xor3A_519 = arith.constant -2147483648 : i32
          %xor3A_520 = vector.broadcast %xor3A_519 : i32 to vector<16xi32>
          %xor3A_521 = arith.xori %or3A_518, %xor3A_520 : vector<16xi32>
          %bitcast3A_522 = vector.bitcast %xor3A_521 : vector<16xi32> to vector<16xf32>
          %mul3A_523 = arith.constant 16 : i32
          %mul3A_524 = arith.muli %select_n3A, %mul3A_523 : i32
          %parallel_loop3A_525 = arith.constant 0 : i32
          %parallel_loop3A_526 = arith.constant 16 : i32
          %parallel_loop3A_527 = scf.for %parallel_loop3A_532 = %parallel_loop3A_525 to %mul3A_524 step %parallel_loop3A_526 iter_args(%parallel_loop3A_533 = %broadcast_in_dim3A_3) -> (vector<16xi32>)  : i32 {
            %parallel_loop3A_534 = arith.index_cast %parallel_loop3A_532 : i32 to index
            %parallel_loop3A_535 = tpu.vector_load %arg7[%parallel_loop3A_534] {strides = array<i32>} : memref<8208xi32, #tpu.memory_space<vmem>>, vector<16xi32>,
            %parallel_loop3A_536 = tpu.vector_load_idx %arg4[%parallel_loop3A_535] : memref<32784xf32, #tpu.memory_space<vmem>>[vector<16xi32>], vector<16xf32>,
            %parallel_loop3A_537 = arith.cmpf oge, %parallel_loop3A_536, %bitcast3A_522 : vector<16xf32>
            %parallel_loop3A_538 = tpu.all_reduce %parallel_loop3A_537 {dim = 0 : i64, kind = #tpu.reduction_kind<sum>} : vector<16xi1> -> vector<16xi32>
            %parallel_loop3A_539 = arith.addi %parallel_loop3A_533, %parallel_loop3A_538 : vector<16xi32>
            scf.yield %parallel_loop3A_539 : vector<16xi32>
          } {sc.loop_unroll_factor = 1 : i64, sc.parallel_access}
          %ge3A_528 = arith.constant 512 : i32
          %ge3A_529 = vector.broadcast %ge3A_528 : i32 to vector<16xi32>
          %ge3A_530 = arith.cmpi sge, %parallel_loop3A_527, %ge3A_529 : vector<16xi32>
          %select_n3A_531 = arith.select %ge3A_530, %or3A_518, %scan3A_514 : vector<16xi1>, vector<16xi32>
          scf.yield %select_n3A_531 : vector<16xi32>
        }
        %scan3A_510 = arith.constant 30 : i32
        %slice3A_511 = vector.extract_strided_slice %scan3A_509 {offsets = [0], sizes = [1], strides = [1]} : vector<16xi32> to vector<1xi32>
        %squeeze3A_512 = vector.extract %slice3A_511[0] : i32 from vector<1xi32>
        scf.yield %squeeze3A_512 : i32
      } else {
        %scan3A_503 = arith.constant 0 : i32
        %scan3A_504 = arith.constant 0 : i32
        %scan3A_505 = arith.constant 32 : i32
        %scan3A_506 = arith.addi %scan3A_504, %scan3A_505 : i32
        %scan3A_507 = arith.constant 1 : i32
        %scan3A_508 = scf.for %scan3A_510 = %scan3A_504 to %scan3A_506 step %scan3A_507 iter_args(%scan3A_511 = %scan3A_503) -> (i32)  : i32 {
          %sub3A_512 = arith.constant 31 : i32
          %sub3A_513 = arith.subi %sub3A_512, %scan3A_510 : i32
          %shift_left3A = arith.constant 1 : i32
          %shift_left3A_514 = arith.shli %shift_left3A, %sub3A_513 : i32
          %or3A = arith.ori %scan3A_511, %shift_left3A_514 : i32
          %xor3A_515 = arith.constant -2147483648 : i32
          %xor3A_516 = arith.xori %or3A, %xor3A_515 : i32
          %parallel_loop3A_517 = arith.constant 0 : i32
          %parallel_loop3A_518 = arith.constant 32768 : i32
          %parallel_loop3A_519 = arith.constant 16 : i32
          %parallel_loop3A_520 = scf.for %parallel_loop3A_527 = %parallel_loop3A_517 to %parallel_loop3A_518 step %parallel_loop3A_519 iter_args(%parallel_loop3A_528 = %broadcast_in_dim3A_3) -> (vector<16xi32>)  : i32 {
            %parallel_loop3A_529 = arith.index_cast %parallel_loop3A_527 : i32 to index
            %parallel_loop3A_530 = tpu.vector_load %arg4[%parallel_loop3A_529] {strides = array<i32>} : memref<32784xf32, #tpu.memory_space<vmem>>, vector<16xf32>,
            %parallel_loop3A_531 = vector.bitcast %parallel_loop3A_530 : vector<16xf32> to vector<16xi32>
            %parallel_loop3A_532 = arith.constant 31 : i32
            %parallel_loop3A_533 = vector.broadcast %parallel_loop3A_532 : i32 to vector<16xi32>
            %parallel_loop3A_534 = arith.shrsi %parallel_loop3A_531, %parallel_loop3A_533 : vector<16xi32>
            %parallel_loop3A_535 = arith.constant 2147483647 : i32
            %parallel_loop3A_536 = vector.broadcast %parallel_loop3A_535 : i32 to vector<16xi32>
            %parallel_loop3A_537 = arith.andi %parallel_loop3A_534, %parallel_loop3A_536 : vector<16xi32>
            %parallel_loop3A_538 = arith.xori %parallel_loop3A_531, %parallel_loop3A_537 : vector<16xi32>
            %parallel_loop3A_539 = vector.broadcast %xor3A_516 : i32 to vector<16xi32>
            %parallel_loop3A_540 = arith.cmpi sge, %parallel_loop3A_538, %parallel_loop3A_539 : vector<16xi32>
            %parallel_loop3A_541 = arith.constant 1 : i32
            %parallel_loop3A_542 = arith.constant 0 : i32
            %parallel_loop3A_543 = vector.broadcast %parallel_loop3A_541 : i32 to vector<16xi32>
            %parallel_loop3A_544 = vector.broadcast %parallel_loop3A_542 : i32 to vector<16xi32>
            %parallel_loop3A_545 = arith.select %parallel_loop3A_540, %parallel_loop3A_543, %parallel_loop3A_544 : vector<16xi1>, vector<16xi32>
            %parallel_loop3A_546 = arith.addi %parallel_loop3A_528, %parallel_loop3A_545 : vector<16xi32>
            scf.yield %parallel_loop3A_546 : vector<16xi32>
          } {sc.loop_unroll_factor = 4 : i64, sc.parallel_access}
          %reduce_sum3A = arith.constant true
          %reduce_sum3A_521 = vector.broadcast %reduce_sum3A : i1 to vector<16xi1>
          %reduce_sum3A_522 = tpu.scan <sum>, %parallel_loop3A_520 masked %reduce_sum3A_521 : vector<16xi32>, vector<16xi1> -> vector<16xi32>
          %reduce_sum3A_523 = vector.extract %reduce_sum3A_522[15] : i32 from vector<16xi32>
          %ge3A_524 = arith.constant 512 : i32
          %ge3A_525 = arith.cmpi sge, %reduce_sum3A_523, %ge3A_524 : i32
          %select_n3A_526 = arith.select %ge3A_525, %or3A, %scan3A_511 : i32
          scf.yield %select_n3A_526 : i32
        }
        %scan3A_509 = arith.constant 32 : i32
        scf.yield %scan3A_508 : i32
      }
      scf.yield %cond3A_502 : i32
    }
    %xor3A = arith.constant -2147483648 : i32
    %xor3A_95 = arith.xori %cond3A_94, %xor3A : i32
    %max3A = arith.constant 1 : i32
    %max3A_96 = arith.maxsi %xor3A_95, %max3A : i32
    %broadcast_in_dim3A_97 = vector.broadcast %max3A_96 : i32 to vector<16xi32>
    %bitcast3A = vector.bitcast %broadcast_in_dim3A_97 : vector<16xi32> to vector<16xf32>
    %parallel_loop3A_98 = arith.constant 0 : i32
    %parallel_loop3A_99 = arith.constant 32768 : i32
    %parallel_loop3A_100 = arith.constant 16 : i32
    scf.for %parallel_loop3A_499 = %parallel_loop3A_98 to %parallel_loop3A_99 step %parallel_loop3A_100  : i32 {
      %parallel_loop3A_500 = arith.index_cast %parallel_loop3A_499 : i32 to index
      %parallel_loop3A_501 = tpu.vector_load %arg6[%parallel_loop3A_500] {strides = array<i32>} : memref<32784xf32, #tpu.memory_space<vmem>>, vector<16xf32>,
      tpu.vector_store %arg6[%parallel_loop3A_500], %broadcast_in_dim3A_7 {strides = array<i32>} : memref<32784xf32, #tpu.memory_space<vmem>>, vector<16xf32>,
    } {sc.loop_unroll_factor = 8 : i64, sc.parallel_access}
    %convert_element_type3A_101 = arith.extui %and3A : i1 to i32
    %cond3A_102 = arith.constant 0 : i32
    %cond3A_103 = arith.cmpi ne, %convert_element_type3A_101, %cond3A_102 : i32
    %cond3A_104 = scf.if %cond3A_103 -> (i32) {
      %mul3A_499 = arith.constant 16 : i32
      %mul3A_500 = arith.muli %select_n3A, %mul3A_499 : i32
      %parallel_loop3A_501 = arith.constant 0 : i32
      %parallel_loop3A_502 = arith.constant 16 : i32
      scf.for %parallel_loop3A_504 = %parallel_loop3A_501 to %mul3A_500 step %parallel_loop3A_502  : i32 {
        %parallel_loop3A_505 = arith.index_cast %parallel_loop3A_504 : i32 to index
        %parallel_loop3A_506 = tpu.vector_load %arg7[%parallel_loop3A_505] {strides = array<i32>} : memref<8208xi32, #tpu.memory_space<vmem>>, vector<16xi32>,
        %parallel_loop3A_507 = tpu.vector_load_idx %arg4[%parallel_loop3A_506] : memref<32784xf32, #tpu.memory_space<vmem>>[vector<16xi32>], vector<16xf32>,
        %parallel_loop3A_508 = arith.cmpf oge, %parallel_loop3A_507, %bitcast3A : vector<16xf32>
        tpu.vector_store_idx %arg6[%parallel_loop3A_506], %parallel_loop3A_507 masked %parallel_loop3A_508 : memref<32784xf32, #tpu.memory_space<vmem>>[vector<16xi32>], vector<16xf32>, vector<16xi1>
      } {sc.loop_unroll_factor = 1 : i64, sc.parallel_access}
      %cond3A_503 = arith.constant 0 : i32
      scf.yield %cond3A_503 : i32
    } else {
      %parallel_loop3A_499 = arith.constant 0 : i32
      %parallel_loop3A_500 = arith.constant 32768 : i32
      %parallel_loop3A_501 = arith.constant 16 : i32
      scf.for %parallel_loop3A_503 = %parallel_loop3A_499 to %parallel_loop3A_500 step %parallel_loop3A_501  : i32 {
        %parallel_loop3A_504 = arith.index_cast %parallel_loop3A_503 : i32 to index
        %parallel_loop3A_505 = tpu.vector_load %arg4[%parallel_loop3A_504] {strides = array<i32>} : memref<32784xf32, #tpu.memory_space<vmem>>, vector<16xf32>,
        %parallel_loop3A_506 = arith.cmpf oge, %parallel_loop3A_505, %bitcast3A : vector<16xf32>
        %parallel_loop3A_507 = arith.constant 0.000000e+00 : f32
        %parallel_loop3A_508 = vector.broadcast %parallel_loop3A_507 : f32 to vector<16xf32>
        %parallel_loop3A_509 = arith.select %parallel_loop3A_506, %parallel_loop3A_505, %parallel_loop3A_508 : vector<16xi1>, vector<16xf32>
        %parallel_loop3A_510 = arith.index_cast %parallel_loop3A_503 : i32 to index
        %parallel_loop3A_511 = tpu.vector_load %arg6[%parallel_loop3A_510] {strides = array<i32>} : memref<32784xf32, #tpu.memory_space<vmem>>, vector<16xf32>,
        tpu.vector_store %arg6[%parallel_loop3A_510], %parallel_loop3A_509 {strides = array<i32>} : memref<32784xf32, #tpu.memory_space<vmem>>, vector<16xf32>,
      } {sc.loop_unroll_factor = 8 : i64, sc.parallel_access}
      %cond3A_502 = arith.constant 0 : i32
      scf.yield %cond3A_502 : i32
    }
    %add3A_105 = arith.constant 0 : i32
    %add3A_106 = arith.addi %mul3A_2, %add3A_105 : i32
    %dma_start3A_107 = arith.constant 0 : i32
    %dma_start3A_108 = tpu.memref_slice %arg6[%dma_start3A_107] : memref<32784xf32, #tpu.memory_space<vmem>> -> memref<32768xf32, #tpu.memory_space<vmem>>
    %dma_start3A_109 = arith.constant 0 : i32
    %dma_start3A_110 = tpu.memref_slice %arg3[%add3A_106, %dma_start3A_109] : memref<128x32768xf32, #tpu.memory_space<hbm>> -> memref<1x32768xf32, #tpu.memory_space<hbm>>
    %dma_start3A_111 = tpu.memref_squeeze %dma_start3A_110 : memref<1x32768xf32, #tpu.memory_space<hbm>> -> memref<32768xf32, #tpu.memory_space<hbm>>
    %dma_start3A_112 = arith.constant 0 : i32
    %dma_start3A_113 = tpu.memref_slice %arg3[%add3A_106, %dma_start3A_112] : memref<128x32768xf32, #tpu.memory_space<hbm>> -> memref<1x32768xf32, #tpu.memory_space<hbm>>
    %dma_start3A_114 = tpu.memref_squeeze %dma_start3A_113 : memref<1x32768xf32, #tpu.memory_space<hbm>> -> memref<32768xf32, #tpu.memory_space<hbm>>
    %dma_start3A_115 = arith.constant 0 : i32
    %dma_start3A_116 = tpu.memref_slice %arg6[%dma_start3A_115] : memref<32784xf32, #tpu.memory_space<vmem>> -> memref<32768xf32, #tpu.memory_space<vmem>>
    tpu.enqueue_dma source(%dma_start3A_116 : memref<32768xf32, #tpu.memory_space<vmem>>) target(%dma_start3A_114 : memref<32768xf32, #tpu.memory_space<hbm>>) target_semaphore(%arg12 : memref<!tpu.dma_semaphore, #tpu.memory_space<semaphore_mem>>)
    %dma_wait3A_117 = arith.constant 0 : i32
    %dma_wait3A_118 = tpu.memref_slice %arg5[%dma_wait3A_117] : memref<32784xf32, #tpu.memory_space<vmem>> -> memref<32768xf32, #tpu.memory_space<vmem>>
    %dma_wait3A_119 = arith.constant 0 : i32
    %dma_wait3A_120 = tpu.memref_slice %arg2[%add3A_32, %dma_wait3A_119] : memref<128x32768xf32, #tpu.memory_space<hbm>> -> memref<1x32768xf32, #tpu.memory_space<hbm>>
    %dma_wait3A_121 = tpu.memref_squeeze %dma_wait3A_120 : memref<1x32768xf32, #tpu.memory_space<hbm>> -> memref<32768xf32, #tpu.memory_space<hbm>>
    %dma_wait3A_122 = arith.constant 0 : i32
    %dma_wait3A_123 = tpu.memref_slice %arg5[%dma_wait3A_122] : memref<32784xf32, #tpu.memory_space<vmem>> -> memref<32768xf32, #tpu.memory_space<vmem>>
    %dma_wait3A_124 = arith.constant 0 : i32
    %dma_wait3A_125 = tpu.memref_slice %arg2[%add3A_32, %dma_wait3A_124] : memref<128x32768xf32, #tpu.memory_space<hbm>> -> memref<1x32768xf32, #tpu.memory_space<hbm>>
    %dma_wait3A_126 = tpu.memref_squeeze %dma_wait3A_125 : memref<1x32768xf32, #tpu.memory_space<hbm>> -> memref<32768xf32, #tpu.memory_space<hbm>>
    tpu.wait_dma2 semaphore(%arg11 : memref<!tpu.dma_semaphore, #tpu.memory_space<semaphore_mem>>) src(%dma_wait3A_126 : memref<32768xf32, #tpu.memory_space<hbm>>) dst(%dma_wait3A_123 : memref<32768xf32, #tpu.memory_space<vmem>>)
    %add3A_127 = arith.constant 2 : i32
    %add3A_128 = arith.addi %mul3A_2, %add3A_127 : i32
    %dma_start3A_129 = arith.constant 0 : i32
    %dma_start3A_130 = tpu.memref_slice %arg4[%dma_start3A_129] : memref<32784xf32, #tpu.memory_space<vmem>> -> memref<32768xf32, #tpu.memory_space<vmem>>
    %dma_start3A_131 = arith.constant 0 : i32
    %dma_start3A_132 = tpu.memref_slice %arg2[%add3A_128, %dma_start3A_131] : memref<128x32768xf32, #tpu.memory_space<hbm>> -> memref<1x32768xf32, #tpu.memory_space<hbm>>
    %dma_start3A_133 = tpu.memref_squeeze %dma_start3A_132 : memref<1x32768xf32, #tpu.memory_space<hbm>> -> memref<32768xf32, #tpu.memory_space<hbm>>
    %dma_start3A_134 = arith.constant 0 : i32
    %dma_start3A_135 = tpu.memref_slice %arg4[%dma_start3A_134] : memref<32784xf32, #tpu.memory_space<vmem>> -> memref<32768xf32, #tpu.memory_space<vmem>>
    %dma_start3A_136 = arith.constant 0 : i32
    %dma_start3A_137 = tpu.memref_slice %arg2[%add3A_128, %dma_start3A_136] : memref<128x32768xf32, #tpu.memory_space<hbm>> -> memref<1x32768xf32, #tpu.memory_space<hbm>>
    %dma_start3A_138 = tpu.memref_squeeze %dma_start3A_137 : memref<1x32768xf32, #tpu.memory_space<hbm>> -> memref<32768xf32, #tpu.memory_space<hbm>>
    tpu.enqueue_dma source(%dma_start3A_138 : memref<32768xf32, #tpu.memory_space<hbm>>) target(%dma_start3A_135 : memref<32768xf32, #tpu.memory_space<vmem>>) target_semaphore(%arg11 : memref<!tpu.dma_semaphore, #tpu.memory_space<semaphore_mem>>)
    %parallel_loop3A_139 = arith.constant 0 : i32
    %parallel_loop3A_140 = arith.constant 32768 : i32
    %parallel_loop3A_141 = arith.constant 16 : i32
    %parallel_loop3A_142 = scf.for %parallel_loop3A_499 = %parallel_loop3A_139 to %parallel_loop3A_140 step %parallel_loop3A_141 iter_args(%parallel_loop3A_500 = %broadcast_in_dim3A_3) -> (vector<16xi32>)  : i32 {
      %parallel_loop3A_501 = arith.index_cast %parallel_loop3A_499 : i32 to index
      %parallel_loop3A_502 = tpu.vector_load %arg5[%parallel_loop3A_501] {strides = array<i32>} : memref<32784xf32, #tpu.memory_space<vmem>>, vector<16xf32>,
      %parallel_loop3A_503 = arith.constant 2.000000e+00 : f32
      %parallel_loop3A_504 = vector.broadcast %parallel_loop3A_503 : f32 to vector<16xf32>
      %parallel_loop3A_505 = arith.cmpf oge, %parallel_loop3A_502, %parallel_loop3A_504 : vector<16xf32>
      %parallel_loop3A_506 = arith.extui %parallel_loop3A_505 : vector<16xi1> to vector<16xi32>
      %parallel_loop3A_507 = arith.constant true
      %parallel_loop3A_508 = vector.broadcast %parallel_loop3A_507 : i1 to vector<16xi1>
      %parallel_loop3A_509 = tpu.scan <sum>, %parallel_loop3A_506 masked %parallel_loop3A_508 : vector<16xi32>, vector<16xi1> -> vector<16xi32>
      %parallel_loop3A_510 = arith.addi %parallel_loop3A_500, %parallel_loop3A_509 : vector<16xi32>
      %parallel_loop3A_511 = arith.subi %parallel_loop3A_510, %parallel_loop3A_506 : vector<16xi32>
      %parallel_loop3A_512 = vector.broadcast %parallel_loop3A_499 : i32 to vector<16xi32>
      %parallel_loop3A_513 = arith.addi %parallel_loop3A_512, %iota3A : vector<16xi32>
      %parallel_loop3A_514 = arith.constant 8192 : i32
      %parallel_loop3A_515 = vector.broadcast %parallel_loop3A_514 : i32 to vector<16xi32>
      %parallel_loop3A_516 = arith.cmpi slt, %parallel_loop3A_511, %parallel_loop3A_515 : vector<16xi32>
      %parallel_loop3A_517 = arith.andi %parallel_loop3A_505, %parallel_loop3A_516 : vector<16xi1>
      tpu.vector_store_idx %arg8[%parallel_loop3A_511], %parallel_loop3A_513 masked %parallel_loop3A_517 : memref<8208xi32, #tpu.memory_space<vmem>>[vector<16xi32>], vector<16xi32>, vector<16xi1>
      %parallel_loop3A_518 = tpu.all_reduce %parallel_loop3A_505 {dim = 0 : i64, kind = #tpu.reduction_kind<sum>} : vector<16xi1> -> vector<16xi32>
      %parallel_loop3A_519 = arith.addi %parallel_loop3A_500, %parallel_loop3A_518 : vector<16xi32>
      scf.yield %parallel_loop3A_519 : vector<16xi32>
    } {sc.loop_unroll_factor = 8 : i64, sc.parallel_access}
    %slice3A_143 = vector.extract_strided_slice %parallel_loop3A_142 {offsets = [0], sizes = [1], strides = [1]} : vector<16xi32> to vector<1xi32>
    %squeeze3A_144 = vector.extract %slice3A_143[0] : i32 from vector<1xi32>
    %ge3A_145 = arith.constant 512 : i32
    %ge3A_146 = arith.cmpi sge, %squeeze3A_144, %ge3A_145 : i32
    %le3A_147 = arith.constant 8192 : i32
    %le3A_148 = arith.cmpi sle, %squeeze3A_144, %le3A_147 : i32
    %and3A_149 = arith.andi %ge3A_146, %le3A_148 : i1
    %min3A_150 = arith.constant 8192 : i32
    %min3A_151 = arith.minsi %squeeze3A_144, %min3A_150 : i32
    %swap3A_152 = arith.index_cast %min3A_151 : i32 to index
    %swap3A_153 = tpu.vector_load %arg8[%swap3A_152] {strides = array<i32>} : memref<8208xi32, #tpu.memory_space<vmem>>, vector<16xi32>,
    tpu.vector_store %arg8[%swap3A_152], %broadcast_in_dim3A_9 {strides = array<i32>} : memref<8208xi32, #tpu.memory_space<vmem>>, vector<16xi32>,
    %min3A_154 = arith.constant 8192 : i32
    %min3A_155 = arith.minsi %squeeze3A_144, %min3A_154 : i32
    %add3A_156 = arith.constant 15 : i32
    %add3A_157 = arith.addi %min3A_155, %add3A_156 : i32
    %jit3A_158 = arith.constant 16 : i32
    %div3A_159 = arith.divsi %add3A_157, %jit3A_158 : i32
    %sign3A_160 = arith.constant 0 : i32
    %sign3A_161 = arith.cmpi sgt, %add3A_157, %sign3A_160 : i32
    %sign3A_162 = arith.extui %sign3A_161 : i1 to i32
    %sign3A_163 = arith.constant 0 : i32
    %sign3A_164 = arith.cmpi slt, %add3A_157, %sign3A_163 : i32
    %sign3A_165 = arith.extui %sign3A_164 : i1 to i32
    %sign3A_166 = arith.subi %sign3A_162, %sign3A_165 : i32
    %sign3A_167 = arith.constant 0 : i32
    %sign3A_168 = arith.cmpi sgt, %jit3A_158, %sign3A_167 : i32
    %sign3A_169 = arith.extui %sign3A_168 : i1 to i32
    %sign3A_170 = arith.constant 0 : i32
    %sign3A_171 = arith.cmpi slt, %jit3A_158, %sign3A_170 : i32
    %sign3A_172 = arith.extui %sign3A_171 : i1 to i32
    %sign3A_173 = arith.subi %sign3A_169, %sign3A_172 : i32
    %ne3A_174 = arith.cmpi ne, %sign3A_166, %sign3A_173 : i32
    %rem3A_175 = arith.remsi %add3A_157, %jit3A_158 : i32
    %ne3A_176 = arith.constant 0 : i32
    %ne3A_177 = arith.cmpi ne, %rem3A_175, %ne3A_176 : i32
    %and3A_178 = arith.andi %ne3A_174, %ne3A_177 : i1
    %sub3A_179 = arith.constant 1 : i32
    %sub3A_180 = arith.subi %div3A_159, %sub3A_179 : i32
    %select_n3A_181 = arith.select %and3A_178, %sub3A_180, %div3A_159 : i32
    %parallel_loop3A_182 = arith.constant 0 : i32
    %parallel_loop3A_183 = arith.constant 272 : i32
    %parallel_loop3A_184 = arith.constant 16 : i32
    scf.for %parallel_loop3A_499 = %parallel_loop3A_182 to %parallel_loop3A_183 step %parallel_loop3A_184  : i32 {
      %parallel_loop3A_500 = arith.constant 0 : i32
      %parallel_loop3A_501 = vector.broadcast %parallel_loop3A_500 : i32 to vector<16xi32>
      %parallel_loop3A_502 = arith.index_cast %parallel_loop3A_499 : i32 to index
      %parallel_loop3A_503 = tpu.vector_load %arg10[%parallel_loop3A_502] {strides = array<i32>} : memref<272xi32, #tpu.memory_space<vmem>>, vector<16xi32>,
      tpu.vector_store %arg10[%parallel_loop3A_502], %parallel_loop3A_501 {strides = array<i32>} : memref<272xi32, #tpu.memory_space<vmem>>, vector<16xi32>,
    } {sc.loop_unroll_factor = 1 : i64, sc.parallel_access}
    %mul3A_185 = arith.constant 16 : i32
    %mul3A_186 = arith.muli %select_n3A_181, %mul3A_185 : i32
    %parallel_loop3A_187 = arith.constant 0 : i32
    %parallel_loop3A_188 = arith.constant 16 : i32
    scf.for %parallel_loop3A_499 = %parallel_loop3A_187 to %mul3A_186 step %parallel_loop3A_188  : i32 {
      %parallel_loop3A_500 = arith.index_cast %parallel_loop3A_499 : i32 to index
      %parallel_loop3A_501 = tpu.vector_load %arg8[%parallel_loop3A_500] {strides = array<i32>} : memref<8208xi32, #tpu.memory_space<vmem>>, vector<16xi32>,
      %parallel_loop3A_502 = tpu.vector_load_idx %arg5[%parallel_loop3A_501] : memref<32784xf32, #tpu.memory_space<vmem>>[vector<16xi32>], vector<16xf32>,
      %parallel_loop3A_503 = vector.bitcast %parallel_loop3A_502 : vector<16xf32> to vector<16xi32>
      %parallel_loop3A_504 = arith.constant 1073741824 : i32
      %parallel_loop3A_505 = vector.broadcast %parallel_loop3A_504 : i32 to vector<16xi32>
      %parallel_loop3A_506 = arith.subi %parallel_loop3A_503, %parallel_loop3A_505 : vector<16xi32>
      %parallel_loop3A_507 = arith.constant 19 : i32
      %parallel_loop3A_508 = vector.broadcast %parallel_loop3A_507 : i32 to vector<16xi32>
      %parallel_loop3A_509 = arith.shrsi %parallel_loop3A_506, %parallel_loop3A_508 : vector<16xi32>
      %parallel_loop3A_510 = arith.constant 0 : i32
      %parallel_loop3A_511 = arith.constant 16 : i32
      %parallel_loop3A_512 = vector.broadcast %parallel_loop3A_510 : i32 to vector<16xi32>
      %parallel_loop3A_513 = arith.maxsi %parallel_loop3A_512, %parallel_loop3A_509 : vector<16xi32>
      %parallel_loop3A_514 = vector.broadcast %parallel_loop3A_511 : i32 to vector<16xi32>
      %parallel_loop3A_515 = arith.minsi %parallel_loop3A_514, %parallel_loop3A_513 : vector<16xi32>
      %parallel_loop3A_516 = arith.constant 16 : i32
      %parallel_loop3A_517 = vector.broadcast %parallel_loop3A_516 : i32 to vector<16xi32>
      %parallel_loop3A_518 = arith.muli %parallel_loop3A_515, %parallel_loop3A_517 : vector<16xi32>
      %parallel_loop3A_519 = arith.addi %parallel_loop3A_518, %iota3A : vector<16xi32>
      tpu.vector_store_idx %arg10[%parallel_loop3A_519], %broadcast_in_dim3A_5 {add = true} : memref<272xi32, #tpu.memory_space<vmem>>[vector<16xi32>], vector<16xi32>,
    } {sc.loop_unroll_factor = 1 : i64, sc.parallel_access}
    %scan3A_189 = arith.constant 0 : i32
    %scan3A_190 = arith.constant 0 : i32
    %scan3A_191 = arith.constant 0 : i32
    %scan3A_192 = arith.constant 0 : i32
    %scan3A_193 = arith.constant 0 : i32
    %scan3A_194 = arith.constant 17 : i32
    %scan3A_195 = arith.addi %scan3A_193, %scan3A_194 : i32
    %scan3A_196 = arith.constant 1 : i32
    %scan3A_197:4 = scf.for %scan3A_499 = %scan3A_193 to %scan3A_195 step %scan3A_196 iter_args(%scan3A_500 = %scan3A_189, %scan3A_501 = %scan3A_190, %scan3A_502 = %scan3A_191, %scan3A_503 = %scan3A_192) -> (i32, i32, i32, i32)  : i32 {
      %sub3A_504 = arith.constant 16 : i32
      %sub3A_505 = arith.subi %sub3A_504, %scan3A_499 : i32
      %mul3A_506 = arith.constant 16 : i32
      %mul3A_507 = arith.muli %sub3A_505, %mul3A_506 : i32
      %get3A = arith.index_cast %mul3A_507 : i32 to index
      %get3A_508 = tpu.vector_load %arg10[%get3A] {strides = array<i32>} : memref<272xi32, #tpu.memory_space<vmem>>, vector<16xi32>,
      %reduce_sum3A = arith.constant true
      %reduce_sum3A_509 = vector.broadcast %reduce_sum3A : i1 to vector<16xi1>
      %reduce_sum3A_510 = tpu.scan <sum>, %get3A_508 masked %reduce_sum3A_509 : vector<16xi32>, vector<16xi1> -> vector<16xi32>
      %reduce_sum3A_511 = vector.extract %reduce_sum3A_510[15] : i32 from vector<16xi32>
      %add3A_512 = arith.addi %scan3A_500, %reduce_sum3A_511 : i32
      %lt3A_513 = arith.constant 512 : i32
      %lt3A_514 = arith.cmpi slt, %scan3A_500, %lt3A_513 : i32
      %ge3A_515 = arith.constant 512 : i32
      %ge3A_516 = arith.cmpi sge, %add3A_512, %ge3A_515 : i32
      %and3A_517 = arith.andi %lt3A_514, %ge3A_516 : i1
      %select_n3A_518 = arith.select %and3A_517, %sub3A_505, %scan3A_501 : i32
      %select_n3A_519 = arith.select %and3A_517, %scan3A_500, %scan3A_502 : i32
      %select_n3A_520 = arith.select %and3A_517, %reduce_sum3A_511, %scan3A_503 : i32
      scf.yield %add3A_512, %select_n3A_518, %select_n3A_519, %select_n3A_520 : i32, i32, i32, i32
    }
    %scan3A_198 = arith.constant 17 : i32
    %lt3A_199 = arith.constant 16 : i32
    %lt3A_200 = arith.cmpi slt, %scan3A_197#1, %lt3A_199 : i32
    %and3A_201 = arith.andi %and3A_149, %lt3A_200 : i1
    %le3A_202 = arith.constant 1024 : i32
    %le3A_203 = arith.cmpi sle, %scan3A_197#3, %le3A_202 : i32
    %and3A_204 = arith.andi %and3A_201, %le3A_203 : i1
    %convert_element_type3A_205 = arith.extui %and3A_204 : i1 to i32
    %cond3A_206 = arith.constant 0 : i32
    %cond3A_207 = arith.cmpi ne, %convert_element_type3A_205, %cond3A_206 : i32
    %cond3A_208 = scf.if %cond3A_207 -> (i32) {
      %shift_left3A = arith.constant 19 : i32
      %shift_left3A_499 = arith.shli %scan3A_197#1, %shift_left3A : i32
      %add3A_500 = arith.constant 1073741824 : i32
      %add3A_501 = arith.addi %add3A_500, %shift_left3A_499 : i32
      %mul3A_502 = arith.constant 16 : i32
      %mul3A_503 = arith.muli %select_n3A_181, %mul3A_502 : i32
      %parallel_loop3A_504 = arith.constant 0 : i32
      %parallel_loop3A_505 = arith.constant 16 : i32
      %parallel_loop3A_506 = scf.for %parallel_loop3A_552 = %parallel_loop3A_504 to %mul3A_503 step %parallel_loop3A_505 iter_args(%parallel_loop3A_553 = %broadcast_in_dim3A_3) -> (vector<16xi32>)  : i32 {
        %parallel_loop3A_554 = arith.index_cast %parallel_loop3A_552 : i32 to index
        %parallel_loop3A_555 = tpu.vector_load %arg8[%parallel_loop3A_554] {strides = array<i32>} : memref<8208xi32, #tpu.memory_space<vmem>>, vector<16xi32>,
        %parallel_loop3A_556 = tpu.vector_load_idx %arg5[%parallel_loop3A_555] : memref<32784xf32, #tpu.memory_space<vmem>>[vector<16xi32>], vector<16xf32>,
        %parallel_loop3A_557 = vector.bitcast %parallel_loop3A_556 : vector<16xf32> to vector<16xi32>
        %parallel_loop3A_558 = vector.broadcast %add3A_501 : i32 to vector<16xi32>
        %parallel_loop3A_559 = arith.cmpi sge, %parallel_loop3A_557, %parallel_loop3A_558 : vector<16xi32>
        %parallel_loop3A_560 = arith.constant 524288 : i32
        %parallel_loop3A_561 = arith.addi %add3A_501, %parallel_loop3A_560 : i32
        %parallel_loop3A_562 = vector.broadcast %parallel_loop3A_561 : i32 to vector<16xi32>
        %parallel_loop3A_563 = arith.cmpi slt, %parallel_loop3A_557, %parallel_loop3A_562 : vector<16xi32>
        %parallel_loop3A_564 = arith.andi %parallel_loop3A_559, %parallel_loop3A_563 : vector<16xi1>
        %parallel_loop3A_565 = arith.extui %parallel_loop3A_564 : vector<16xi1> to vector<16xi32>
        %parallel_loop3A_566 = arith.constant true
        %parallel_loop3A_567 = vector.broadcast %parallel_loop3A_566 : i1 to vector<16xi1>
        %parallel_loop3A_568 = tpu.scan <sum>, %parallel_loop3A_565 masked %parallel_loop3A_567 : vector<16xi32>, vector<16xi1> -> vector<16xi32>
        %parallel_loop3A_569 = arith.addi %parallel_loop3A_553, %parallel_loop3A_568 : vector<16xi32>
        %parallel_loop3A_570 = arith.subi %parallel_loop3A_569, %parallel_loop3A_565 : vector<16xi32>
        %parallel_loop3A_571 = arith.constant 1024 : i32
        %parallel_loop3A_572 = vector.broadcast %parallel_loop3A_571 : i32 to vector<16xi32>
        %parallel_loop3A_573 = arith.cmpi slt, %parallel_loop3A_570, %parallel_loop3A_572 : vector<16xi32>
        %parallel_loop3A_574 = arith.andi %parallel_loop3A_564, %parallel_loop3A_573 : vector<16xi1>
        tpu.vector_store_idx %arg9[%parallel_loop3A_570], %parallel_loop3A_555 masked %parallel_loop3A_574 : memref<1040xi32, #tpu.memory_space<vmem>>[vector<16xi32>], vector<16xi32>, vector<16xi1>
        %parallel_loop3A_575 = tpu.all_reduce %parallel_loop3A_564 {dim = 0 : i64, kind = #tpu.reduction_kind<sum>} : vector<16xi1> -> vector<16xi32>
        %parallel_loop3A_576 = arith.addi %parallel_loop3A_553, %parallel_loop3A_575 : vector<16xi32>
        scf.yield %parallel_loop3A_576 : vector<16xi32>
      } {sc.loop_unroll_factor = 1 : i64, sc.parallel_access}
      %slice3A_507 = vector.extract_strided_slice %parallel_loop3A_506 {offsets = [0], sizes = [1], strides = [1]} : vector<16xi32> to vector<1xi32>
      %squeeze3A_508 = vector.extract %slice3A_507[0] : i32 from vector<1xi32>
      %min3A_509 = arith.constant 1024 : i32
      %min3A_510 = arith.minsi %squeeze3A_508, %min3A_509 : i32
      %swap3A_511 = arith.index_cast %min3A_510 : i32 to index
      %swap3A_512 = tpu.vector_load %arg9[%swap3A_511] {strides = array<i32>} : memref<1040xi32, #tpu.memory_space<vmem>>, vector<16xi32>,
      tpu.vector_store %arg9[%swap3A_511], %broadcast_in_dim3A_9 {strides = array<i32>} : memref<1040xi32, #tpu.memory_space<vmem>>, vector<16xi32>,
      %add3A_513 = arith.constant 15 : i32
      %add3A_514 = arith.addi %squeeze3A_508, %add3A_513 : i32
      %jit3A_515 = arith.constant 16 : i32
      %div3A_516 = arith.divsi %add3A_514, %jit3A_515 : i32
      %sign3A_517 = arith.constant 0 : i32
      %sign3A_518 = arith.cmpi sgt, %add3A_514, %sign3A_517 : i32
      %sign3A_519 = arith.extui %sign3A_518 : i1 to i32
      %sign3A_520 = arith.constant 0 : i32
      %sign3A_521 = arith.cmpi slt, %add3A_514, %sign3A_520 : i32
      %sign3A_522 = arith.extui %sign3A_521 : i1 to i32
      %sign3A_523 = arith.subi %sign3A_519, %sign3A_522 : i32
      %sign3A_524 = arith.constant 0 : i32
      %sign3A_525 = arith.cmpi sgt, %jit3A_515, %sign3A_524 : i32
      %sign3A_526 = arith.extui %sign3A_525 : i1 to i32
      %sign3A_527 = arith.constant 0 : i32
      %sign3A_528 = arith.cmpi slt, %jit3A_515, %sign3A_527 : i32
      %sign3A_529 = arith.extui %sign3A_528 : i1 to i32
      %sign3A_530 = arith.subi %sign3A_526, %sign3A_529 : i32
      %ne3A_531 = arith.cmpi ne, %sign3A_523, %sign3A_530 : i32
      %rem3A_532 = arith.remsi %add3A_514, %jit3A_515 : i32
      %ne3A_533 = arith.constant 0 : i32
      %ne3A_534 = arith.cmpi ne, %rem3A_532, %ne3A_533 : i32
      %and3A_535 = arith.andi %ne3A_531, %ne3A_534 : i1
      %sub3A_536 = arith.constant 1 : i32
      %sub3A_537 = arith.subi %div3A_516, %sub3A_536 : i32
      %select_n3A_538 = arith.select %and3A_535, %sub3A_537, %div3A_516 : i32
      %sub3A_539 = arith.constant 512 : i32
      %sub3A_540 = arith.subi %sub3A_539, %scan3A_197#2 : i32
      %xor3A_541 = arith.constant -2147483648 : i32
      %xor3A_542 = arith.xori %add3A_501, %xor3A_541 : i32
      %broadcast_in_dim3A_543 = vector.broadcast %xor3A_542 : i32 to vector<16xi32>
      %scan3A_544 = arith.constant 13 : i32
      %scan3A_545 = arith.constant 19 : i32
      %scan3A_546 = arith.addi %scan3A_544, %scan3A_545 : i32
      %scan3A_547 = arith.constant 1 : i32
      %scan3A_548 = scf.for %scan3A_552 = %scan3A_544 to %scan3A_546 step %scan3A_547 iter_args(%scan3A_553 = %broadcast_in_dim3A_543) -> (vector<16xi32>)  : i32 {
        %sub3A_554 = arith.constant 31 : i32
        %sub3A_555 = arith.subi %sub3A_554, %scan3A_552 : i32
        %shift_left3A_556 = arith.constant 1 : i32
        %shift_left3A_557 = arith.shli %shift_left3A_556, %sub3A_555 : i32
        %or3A = vector.broadcast %shift_left3A_557 : i32 to vector<16xi32>
        %or3A_558 = arith.ori %scan3A_553, %or3A : vector<16xi32>
        %xor3A_559 = arith.constant -2147483648 : i32
        %xor3A_560 = vector.broadcast %xor3A_559 : i32 to vector<16xi32>
        %xor3A_561 = arith.xori %or3A_558, %xor3A_560 : vector<16xi32>
        %bitcast3A_562 = vector.bitcast %xor3A_561 : vector<16xi32> to vector<16xf32>
        %mul3A_563 = arith.constant 16 : i32
        %mul3A_564 = arith.muli %select_n3A_538, %mul3A_563 : i32
        %parallel_loop3A_565 = arith.constant 0 : i32
        %parallel_loop3A_566 = arith.constant 16 : i32
        %parallel_loop3A_567 = scf.for %parallel_loop3A_571 = %parallel_loop3A_565 to %mul3A_564 step %parallel_loop3A_566 iter_args(%parallel_loop3A_572 = %broadcast_in_dim3A_3) -> (vector<16xi32>)  : i32 {
          %parallel_loop3A_573 = arith.index_cast %parallel_loop3A_571 : i32 to index
          %parallel_loop3A_574 = tpu.vector_load %arg9[%parallel_loop3A_573] {strides = array<i32>} : memref<1040xi32, #tpu.memory_space<vmem>>, vector<16xi32>,
          %parallel_loop3A_575 = tpu.vector_load_idx %arg5[%parallel_loop3A_574] : memref<32784xf32, #tpu.memory_space<vmem>>[vector<16xi32>], vector<16xf32>,
          %parallel_loop3A_576 = arith.cmpf oge, %parallel_loop3A_575, %bitcast3A_562 : vector<16xf32>
          %parallel_loop3A_577 = tpu.all_reduce %parallel_loop3A_576 {dim = 0 : i64, kind = #tpu.reduction_kind<sum>} : vector<16xi1> -> vector<16xi32>
          %parallel_loop3A_578 = arith.addi %parallel_loop3A_572, %parallel_loop3A_577 : vector<16xi32>
          scf.yield %parallel_loop3A_578 : vector<16xi32>
        } {sc.loop_unroll_factor = 1 : i64, sc.parallel_access}
        %ge3A_568 = vector.broadcast %sub3A_540 : i32 to vector<16xi32>
        %ge3A_569 = arith.cmpi sge, %parallel_loop3A_567, %ge3A_568 : vector<16xi32>
        %select_n3A_570 = arith.select %ge3A_569, %or3A_558, %scan3A_553 : vector<16xi1>, vector<16xi32>
        scf.yield %select_n3A_570 : vector<16xi32>
      }
      %scan3A_549 = arith.constant 19 : i32
      %slice3A_550 = vector.extract_strided_slice %scan3A_548 {offsets = [0], sizes = [1], strides = [1]} : vector<16xi32> to vector<1xi32>
      %squeeze3A_551 = vector.extract %slice3A_550[0] : i32 from vector<1xi32>
      scf.yield %squeeze3A_551 : i32
    } else {
      %convert_element_type3A_499 = arith.extui %and3A_149 : i1 to i32
      %cond3A_500 = arith.constant 0 : i32
      %cond3A_501 = arith.cmpi ne, %convert_element_type3A_499, %cond3A_500 : i32
      %cond3A_502 = scf.if %cond3A_501 -> (i32) {
        %broadcast_in_dim3A_503 = arith.constant -1073741824 : i32
        %broadcast_in_dim3A_504 = vector.broadcast %broadcast_in_dim3A_503 : i32 to vector<16xi32>
        %scan3A_505 = arith.constant 2 : i32
        %scan3A_506 = arith.constant 30 : i32
        %scan3A_507 = arith.addi %scan3A_505, %scan3A_506 : i32
        %scan3A_508 = arith.constant 1 : i32
        %scan3A_509 = scf.for %scan3A_513 = %scan3A_505 to %scan3A_507 step %scan3A_508 iter_args(%scan3A_514 = %broadcast_in_dim3A_504) -> (vector<16xi32>)  : i32 {
          %sub3A_515 = arith.constant 31 : i32
          %sub3A_516 = arith.subi %sub3A_515, %scan3A_513 : i32
          %shift_left3A = arith.constant 1 : i32
          %shift_left3A_517 = arith.shli %shift_left3A, %sub3A_516 : i32
          %or3A = vector.broadcast %shift_left3A_517 : i32 to vector<16xi32>
          %or3A_518 = arith.ori %scan3A_514, %or3A : vector<16xi32>
          %xor3A_519 = arith.constant -2147483648 : i32
          %xor3A_520 = vector.broadcast %xor3A_519 : i32 to vector<16xi32>
          %xor3A_521 = arith.xori %or3A_518, %xor3A_520 : vector<16xi32>
          %bitcast3A_522 = vector.bitcast %xor3A_521 : vector<16xi32> to vector<16xf32>
          %mul3A_523 = arith.constant 16 : i32
          %mul3A_524 = arith.muli %select_n3A_181, %mul3A_523 : i32
          %parallel_loop3A_525 = arith.constant 0 : i32
          %parallel_loop3A_526 = arith.constant 16 : i32
          %parallel_loop3A_527 = scf.for %parallel_loop3A_532 = %parallel_loop3A_525 to %mul3A_524 step %parallel_loop3A_526 iter_args(%parallel_loop3A_533 = %broadcast_in_dim3A_3) -> (vector<16xi32>)  : i32 {
            %parallel_loop3A_534 = arith.index_cast %parallel_loop3A_532 : i32 to index
            %parallel_loop3A_535 = tpu.vector_load %arg8[%parallel_loop3A_534] {strides = array<i32>} : memref<8208xi32, #tpu.memory_space<vmem>>, vector<16xi32>,
            %parallel_loop3A_536 = tpu.vector_load_idx %arg5[%parallel_loop3A_535] : memref<32784xf32, #tpu.memory_space<vmem>>[vector<16xi32>], vector<16xf32>,
            %parallel_loop3A_537 = arith.cmpf oge, %parallel_loop3A_536, %bitcast3A_522 : vector<16xf32>
            %parallel_loop3A_538 = tpu.all_reduce %parallel_loop3A_537 {dim = 0 : i64, kind = #tpu.reduction_kind<sum>} : vector<16xi1> -> vector<16xi32>
            %parallel_loop3A_539 = arith.addi %parallel_loop3A_533, %parallel_loop3A_538 : vector<16xi32>
            scf.yield %parallel_loop3A_539 : vector<16xi32>
          } {sc.loop_unroll_factor = 1 : i64, sc.parallel_access}
          %ge3A_528 = arith.constant 512 : i32
          %ge3A_529 = vector.broadcast %ge3A_528 : i32 to vector<16xi32>
          %ge3A_530 = arith.cmpi sge, %parallel_loop3A_527, %ge3A_529 : vector<16xi32>
          %select_n3A_531 = arith.select %ge3A_530, %or3A_518, %scan3A_514 : vector<16xi1>, vector<16xi32>
          scf.yield %select_n3A_531 : vector<16xi32>
        }
        %scan3A_510 = arith.constant 30 : i32
        %slice3A_511 = vector.extract_strided_slice %scan3A_509 {offsets = [0], sizes = [1], strides = [1]} : vector<16xi32> to vector<1xi32>
        %squeeze3A_512 = vector.extract %slice3A_511[0] : i32 from vector<1xi32>
        scf.yield %squeeze3A_512 : i32
      } else {
        %scan3A_503 = arith.constant 0 : i32
        %scan3A_504 = arith.constant 0 : i32
        %scan3A_505 = arith.constant 32 : i32
        %scan3A_506 = arith.addi %scan3A_504, %scan3A_505 : i32
        %scan3A_507 = arith.constant 1 : i32
        %scan3A_508 = scf.for %scan3A_510 = %scan3A_504 to %scan3A_506 step %scan3A_507 iter_args(%scan3A_511 = %scan3A_503) -> (i32)  : i32 {
          %sub3A_512 = arith.constant 31 : i32
          %sub3A_513 = arith.subi %sub3A_512, %scan3A_510 : i32
          %shift_left3A = arith.constant 1 : i32
          %shift_left3A_514 = arith.shli %shift_left3A, %sub3A_513 : i32
          %or3A = arith.ori %scan3A_511, %shift_left3A_514 : i32
          %xor3A_515 = arith.constant -2147483648 : i32
          %xor3A_516 = arith.xori %or3A, %xor3A_515 : i32
          %parallel_loop3A_517 = arith.constant 0 : i32
          %parallel_loop3A_518 = arith.constant 32768 : i32
          %parallel_loop3A_519 = arith.constant 16 : i32
          %parallel_loop3A_520 = scf.for %parallel_loop3A_527 = %parallel_loop3A_517 to %parallel_loop3A_518 step %parallel_loop3A_519 iter_args(%parallel_loop3A_528 = %broadcast_in_dim3A_3) -> (vector<16xi32>)  : i32 {
            %parallel_loop3A_529 = arith.index_cast %parallel_loop3A_527 : i32 to index
            %parallel_loop3A_530 = tpu.vector_load %arg5[%parallel_loop3A_529] {strides = array<i32>} : memref<32784xf32, #tpu.memory_space<vmem>>, vector<16xf32>,
            %parallel_loop3A_531 = vector.bitcast %parallel_loop3A_530 : vector<16xf32> to vector<16xi32>
            %parallel_loop3A_532 = arith.constant 31 : i32
            %parallel_loop3A_533 = vector.broadcast %parallel_loop3A_532 : i32 to vector<16xi32>
            %parallel_loop3A_534 = arith.shrsi %parallel_loop3A_531, %parallel_loop3A_533 : vector<16xi32>
            %parallel_loop3A_535 = arith.constant 2147483647 : i32
            %parallel_loop3A_536 = vector.broadcast %parallel_loop3A_535 : i32 to vector<16xi32>
            %parallel_loop3A_537 = arith.andi %parallel_loop3A_534, %parallel_loop3A_536 : vector<16xi32>
            %parallel_loop3A_538 = arith.xori %parallel_loop3A_531, %parallel_loop3A_537 : vector<16xi32>
            %parallel_loop3A_539 = vector.broadcast %xor3A_516 : i32 to vector<16xi32>
            %parallel_loop3A_540 = arith.cmpi sge, %parallel_loop3A_538, %parallel_loop3A_539 : vector<16xi32>
            %parallel_loop3A_541 = arith.constant 1 : i32
            %parallel_loop3A_542 = arith.constant 0 : i32
            %parallel_loop3A_543 = vector.broadcast %parallel_loop3A_541 : i32 to vector<16xi32>
            %parallel_loop3A_544 = vector.broadcast %parallel_loop3A_542 : i32 to vector<16xi32>
            %parallel_loop3A_545 = arith.select %parallel_loop3A_540, %parallel_loop3A_543, %parallel_loop3A_544 : vector<16xi1>, vector<16xi32>
            %parallel_loop3A_546 = arith.addi %parallel_loop3A_528, %parallel_loop3A_545 : vector<16xi32>
            scf.yield %parallel_loop3A_546 : vector<16xi32>
          } {sc.loop_unroll_factor = 4 : i64, sc.parallel_access}
          %reduce_sum3A = arith.constant true
          %reduce_sum3A_521 = vector.broadcast %reduce_sum3A : i1 to vector<16xi1>
          %reduce_sum3A_522 = tpu.scan <sum>, %parallel_loop3A_520 masked %reduce_sum3A_521 : vector<16xi32>, vector<16xi1> -> vector<16xi32>
          %reduce_sum3A_523 = vector.extract %reduce_sum3A_522[15] : i32 from vector<16xi32>
          %ge3A_524 = arith.constant 512 : i32
          %ge3A_525 = arith.cmpi sge, %reduce_sum3A_523, %ge3A_524 : i32
          %select_n3A_526 = arith.select %ge3A_525, %or3A, %scan3A_511 : i32
          scf.yield %select_n3A_526 : i32
        }
        %scan3A_509 = arith.constant 32 : i32
        scf.yield %scan3A_508 : i32
      }
      scf.yield %cond3A_502 : i32
    }
    %xor3A_209 = arith.constant -2147483648 : i32
    %xor3A_210 = arith.xori %cond3A_208, %xor3A_209 : i32
    %max3A_211 = arith.constant 1 : i32
    %max3A_212 = arith.maxsi %xor3A_210, %max3A_211 : i32
    %broadcast_in_dim3A_213 = vector.broadcast %max3A_212 : i32 to vector<16xi32>
    %bitcast3A_214 = vector.bitcast %broadcast_in_dim3A_213 : vector<16xi32> to vector<16xf32>
    %dma_wait3A_215 = arith.constant 0 : i32
    %dma_wait3A_216 = tpu.memref_slice %arg6[%dma_wait3A_215] : memref<32784xf32, #tpu.memory_space<vmem>> -> memref<32768xf32, #tpu.memory_space<vmem>>
    %dma_wait3A_217 = arith.constant 0 : i32
    %dma_wait3A_218 = tpu.memref_slice %arg3[%add3A_106, %dma_wait3A_217] : memref<128x32768xf32, #tpu.memory_space<hbm>> -> memref<1x32768xf32, #tpu.memory_space<hbm>>
    %dma_wait3A_219 = tpu.memref_squeeze %dma_wait3A_218 : memref<1x32768xf32, #tpu.memory_space<hbm>> -> memref<32768xf32, #tpu.memory_space<hbm>>
    %dma_wait3A_220 = arith.constant 0 : i32
    %dma_wait3A_221 = tpu.memref_slice %arg3[%add3A_106, %dma_wait3A_220] : memref<128x32768xf32, #tpu.memory_space<hbm>> -> memref<1x32768xf32, #tpu.memory_space<hbm>>
    %dma_wait3A_222 = tpu.memref_squeeze %dma_wait3A_221 : memref<1x32768xf32, #tpu.memory_space<hbm>> -> memref<32768xf32, #tpu.memory_space<hbm>>
    %dma_wait3A_223 = arith.constant 0 : i32
    %dma_wait3A_224 = tpu.memref_slice %arg6[%dma_wait3A_223] : memref<32784xf32, #tpu.memory_space<vmem>> -> memref<32768xf32, #tpu.memory_space<vmem>>
    tpu.wait_dma2 semaphore(%arg12 : memref<!tpu.dma_semaphore, #tpu.memory_space<semaphore_mem>>) src(%dma_wait3A_224 : memref<32768xf32, #tpu.memory_space<vmem>>) dst(%dma_wait3A_222 : memref<32768xf32, #tpu.memory_space<hbm>>)
    %convert_element_type3A_225 = arith.extui %and3A : i1 to i32
    %cond3A_226 = arith.constant 0 : i32
    %cond3A_227 = arith.cmpi ne, %convert_element_type3A_225, %cond3A_226 : i32
    %cond3A_228 = scf.if %cond3A_227 -> (i32) {
      %mul3A_499 = arith.constant 16 : i32
      %mul3A_500 = arith.muli %select_n3A, %mul3A_499 : i32
      %parallel_loop3A_501 = arith.constant 0 : i32
      %parallel_loop3A_502 = arith.constant 16 : i32
      scf.for %parallel_loop3A_504 = %parallel_loop3A_501 to %mul3A_500 step %parallel_loop3A_502  : i32 {
        %parallel_loop3A_505 = arith.index_cast %parallel_loop3A_504 : i32 to index
        %parallel_loop3A_506 = tpu.vector_load %arg7[%parallel_loop3A_505] {strides = array<i32>} : memref<8208xi32, #tpu.memory_space<vmem>>, vector<16xi32>,
        tpu.vector_store_idx %arg6[%parallel_loop3A_506], %broadcast_in_dim3A_7 : memref<32784xf32, #tpu.memory_space<vmem>>[vector<16xi32>], vector<16xf32>,
      } {sc.loop_unroll_factor = 1 : i64, sc.parallel_access}
      %cond3A_503 = arith.constant 0 : i32
      scf.yield %cond3A_503 : i32
    } else {
      %parallel_loop3A_499 = arith.constant 0 : i32
      %parallel_loop3A_500 = arith.constant 32768 : i32
      %parallel_loop3A_501 = arith.constant 16 : i32
      scf.for %parallel_loop3A_503 = %parallel_loop3A_499 to %parallel_loop3A_500 step %parallel_loop3A_501  : i32 {
        %parallel_loop3A_504 = arith.index_cast %parallel_loop3A_503 : i32 to index
        %parallel_loop3A_505 = tpu.vector_load %arg6[%parallel_loop3A_504] {strides = array<i32>} : memref<32784xf32, #tpu.memory_space<vmem>>, vector<16xf32>,
        tpu.vector_store %arg6[%parallel_loop3A_504], %broadcast_in_dim3A_7 {strides = array<i32>} : memref<32784xf32, #tpu.memory_space<vmem>>, vector<16xf32>,
      } {sc.loop_unroll_factor = 8 : i64, sc.parallel_access}
      %cond3A_502 = arith.constant 0 : i32
      scf.yield %cond3A_502 : i32
    }
    %convert_element_type3A_229 = arith.extui %and3A_149 : i1 to i32
    %cond3A_230 = arith.constant 0 : i32
    %cond3A_231 = arith.cmpi ne, %convert_element_type3A_229, %cond3A_230 : i32
    %cond3A_232 = scf.if %cond3A_231 -> (i32) {
      %mul3A_499 = arith.constant 16 : i32
      %mul3A_500 = arith.muli %select_n3A_181, %mul3A_499 : i32
      %parallel_loop3A_501 = arith.constant 0 : i32
      %parallel_loop3A_502 = arith.constant 16 : i32
      scf.for %parallel_loop3A_504 = %parallel_loop3A_501 to %mul3A_500 step %parallel_loop3A_502  : i32 {
        %parallel_loop3A_505 = arith.index_cast %parallel_loop3A_504 : i32 to index
        %parallel_loop3A_506 = tpu.vector_load %arg8[%parallel_loop3A_505] {strides = array<i32>} : memref<8208xi32, #tpu.memory_space<vmem>>, vector<16xi32>,
        %parallel_loop3A_507 = tpu.vector_load_idx %arg5[%parallel_loop3A_506] : memref<32784xf32, #tpu.memory_space<vmem>>[vector<16xi32>], vector<16xf32>,
        %parallel_loop3A_508 = arith.cmpf oge, %parallel_loop3A_507, %bitcast3A_214 : vector<16xf32>
        tpu.vector_store_idx %arg6[%parallel_loop3A_506], %parallel_loop3A_507 masked %parallel_loop3A_508 : memref<32784xf32, #tpu.memory_space<vmem>>[vector<16xi32>], vector<16xf32>, vector<16xi1>
      } {sc.loop_unroll_factor = 1 : i64, sc.parallel_access}
      %cond3A_503 = arith.constant 0 : i32
      scf.yield %cond3A_503 : i32
    } else {
      %parallel_loop3A_499 = arith.constant 0 : i32
      %parallel_loop3A_500 = arith.constant 32768 : i32
      %parallel_loop3A_501 = arith.constant 16 : i32
      scf.for %parallel_loop3A_503 = %parallel_loop3A_499 to %parallel_loop3A_500 step %parallel_loop3A_501  : i32 {
        %parallel_loop3A_504 = arith.index_cast %parallel_loop3A_503 : i32 to index
        %parallel_loop3A_505 = tpu.vector_load %arg5[%parallel_loop3A_504] {strides = array<i32>} : memref<32784xf32, #tpu.memory_space<vmem>>, vector<16xf32>,
        %parallel_loop3A_506 = arith.cmpf oge, %parallel_loop3A_505, %bitcast3A_214 : vector<16xf32>
        %parallel_loop3A_507 = arith.constant 0.000000e+00 : f32
        %parallel_loop3A_508 = vector.broadcast %parallel_loop3A_507 : f32 to vector<16xf32>
        %parallel_loop3A_509 = arith.select %parallel_loop3A_506, %parallel_loop3A_505, %parallel_loop3A_508 : vector<16xi1>, vector<16xf32>
        %parallel_loop3A_510 = arith.index_cast %parallel_loop3A_503 : i32 to index
        %parallel_loop3A_511 = tpu.vector_load %arg6[%parallel_loop3A_510] {strides = array<i32>} : memref<32784xf32, #tpu.memory_space<vmem>>, vector<16xf32>,
        tpu.vector_store %arg6[%parallel_loop3A_510], %parallel_loop3A_509 {strides = array<i32>} : memref<32784xf32, #tpu.memory_space<vmem>>, vector<16xf32>,
      } {sc.loop_unroll_factor = 8 : i64, sc.parallel_access}
      %cond3A_502 = arith.constant 0 : i32
      scf.yield %cond3A_502 : i32
    }
    %add3A_233 = arith.constant 1 : i32
    %add3A_234 = arith.addi %mul3A_2, %add3A_233 : i32
    %dma_start3A_235 = arith.constant 0 : i32
    %dma_start3A_236 = tpu.memref_slice %arg6[%dma_start3A_235] : memref<32784xf32, #tpu.memory_space<vmem>> -> memref<32768xf32, #tpu.memory_space<vmem>>
    %dma_start3A_237 = arith.constant 0 : i32
    %dma_start3A_238 = tpu.memref_slice %arg3[%add3A_234, %dma_start3A_237] : memref<128x32768xf32, #tpu.memory_space<hbm>> -> memref<1x32768xf32, #tpu.memory_space<hbm>>
    %dma_start3A_239 = tpu.memref_squeeze %dma_start3A_238 : memref<1x32768xf32, #tpu.memory_space<hbm>> -> memref<32768xf32, #tpu.memory_space<hbm>>
    %dma_start3A_240 = arith.constant 0 : i32
    %dma_start3A_241 = tpu.memref_slice %arg3[%add3A_234, %dma_start3A_240] : memref<128x32768xf32, #tpu.memory_space<hbm>> -> memref<1x32768xf32, #tpu.memory_space<hbm>>
    %dma_start3A_242 = tpu.memref_squeeze %dma_start3A_241 : memref<1x32768xf32, #tpu.memory_space<hbm>> -> memref<32768xf32, #tpu.memory_space<hbm>>
    %dma_start3A_243 = arith.constant 0 : i32
    %dma_start3A_244 = tpu.memref_slice %arg6[%dma_start3A_243] : memref<32784xf32, #tpu.memory_space<vmem>> -> memref<32768xf32, #tpu.memory_space<vmem>>
    tpu.enqueue_dma source(%dma_start3A_244 : memref<32768xf32, #tpu.memory_space<vmem>>) target(%dma_start3A_242 : memref<32768xf32, #tpu.memory_space<hbm>>) target_semaphore(%arg12 : memref<!tpu.dma_semaphore, #tpu.memory_space<semaphore_mem>>)
    %dma_wait3A_245 = arith.constant 0 : i32
    %dma_wait3A_246 = tpu.memref_slice %arg4[%dma_wait3A_245] : memref<32784xf32, #tpu.memory_space<vmem>> -> memref<32768xf32, #tpu.memory_space<vmem>>
    %dma_wait3A_247 = arith.constant 0 : i32
    %dma_wait3A_248 = tpu.memref_slice %arg2[%add3A_128, %dma_wait3A_247] : memref<128x32768xf32, #tpu.memory_space<hbm>> -> memref<1x32768xf32, #tpu.memory_space<hbm>>
    %dma_wait3A_249 = tpu.memref_squeeze %dma_wait3A_248 : memref<1x32768xf32, #tpu.memory_space<hbm>> -> memref<32768xf32, #tpu.memory_space<hbm>>
    %dma_wait3A_250 = arith.constant 0 : i32
    %dma_wait3A_251 = tpu.memref_slice %arg4[%dma_wait3A_250] : memref<32784xf32, #tpu.memory_space<vmem>> -> memref<32768xf32, #tpu.memory_space<vmem>>
    %dma_wait3A_252 = arith.constant 0 : i32
    %dma_wait3A_253 = tpu.memref_slice %arg2[%add3A_128, %dma_wait3A_252] : memref<128x32768xf32, #tpu.memory_space<hbm>> -> memref<1x32768xf32, #tpu.memory_space<hbm>>
    %dma_wait3A_254 = tpu.memref_squeeze %dma_wait3A_253 : memref<1x32768xf32, #tpu.memory_space<hbm>> -> memref<32768xf32, #tpu.memory_space<hbm>>
    tpu.wait_dma2 semaphore(%arg11 : memref<!tpu.dma_semaphore, #tpu.memory_space<semaphore_mem>>) src(%dma_wait3A_254 : memref<32768xf32, #tpu.memory_space<hbm>>) dst(%dma_wait3A_251 : memref<32768xf32, #tpu.memory_space<vmem>>)
    %add3A_255 = arith.constant 3 : i32
    %add3A_256 = arith.addi %mul3A_2, %add3A_255 : i32
    %dma_start3A_257 = arith.constant 0 : i32
    %dma_start3A_258 = tpu.memref_slice %arg5[%dma_start3A_257] : memref<32784xf32, #tpu.memory_space<vmem>> -> memref<32768xf32, #tpu.memory_space<vmem>>
    %dma_start3A_259 = arith.constant 0 : i32
    %dma_start3A_260 = tpu.memref_slice %arg2[%add3A_256, %dma_start3A_259] : memref<128x32768xf32, #tpu.memory_space<hbm>> -> memref<1x32768xf32, #tpu.memory_space<hbm>>
    %dma_start3A_261 = tpu.memref_squeeze %dma_start3A_260 : memref<1x32768xf32, #tpu.memory_space<hbm>> -> memref<32768xf32, #tpu.memory_space<hbm>>
    %dma_start3A_262 = arith.constant 0 : i32
    %dma_start3A_263 = tpu.memref_slice %arg5[%dma_start3A_262] : memref<32784xf32, #tpu.memory_space<vmem>> -> memref<32768xf32, #tpu.memory_space<vmem>>
    %dma_start3A_264 = arith.constant 0 : i32
    %dma_start3A_265 = tpu.memref_slice %arg2[%add3A_256, %dma_start3A_264] : memref<128x32768xf32, #tpu.memory_space<hbm>> -> memref<1x32768xf32, #tpu.memory_space<hbm>>
    %dma_start3A_266 = tpu.memref_squeeze %dma_start3A_265 : memref<1x32768xf32, #tpu.memory_space<hbm>> -> memref<32768xf32, #tpu.memory_space<hbm>>
    tpu.enqueue_dma source(%dma_start3A_266 : memref<32768xf32, #tpu.memory_space<hbm>>) target(%dma_start3A_263 : memref<32768xf32, #tpu.memory_space<vmem>>) target_semaphore(%arg11 : memref<!tpu.dma_semaphore, #tpu.memory_space<semaphore_mem>>)
    %parallel_loop3A_267 = arith.constant 0 : i32
    %parallel_loop3A_268 = arith.constant 32768 : i32
    %parallel_loop3A_269 = arith.constant 16 : i32
    %parallel_loop3A_270 = scf.for %parallel_loop3A_499 = %parallel_loop3A_267 to %parallel_loop3A_268 step %parallel_loop3A_269 iter_args(%parallel_loop3A_500 = %broadcast_in_dim3A_3) -> (vector<16xi32>)  : i32 {
      %parallel_loop3A_501 = arith.index_cast %parallel_loop3A_499 : i32 to index
      %parallel_loop3A_502 = tpu.vector_load %arg4[%parallel_loop3A_501] {strides = array<i32>} : memref<32784xf32, #tpu.memory_space<vmem>>, vector<16xf32>,
      %parallel_loop3A_503 = arith.constant 2.000000e+00 : f32
      %parallel_loop3A_504 = vector.broadcast %parallel_loop3A_503 : f32 to vector<16xf32>
      %parallel_loop3A_505 = arith.cmpf oge, %parallel_loop3A_502, %parallel_loop3A_504 : vector<16xf32>
      %parallel_loop3A_506 = arith.extui %parallel_loop3A_505 : vector<16xi1> to vector<16xi32>
      %parallel_loop3A_507 = arith.constant true
      %parallel_loop3A_508 = vector.broadcast %parallel_loop3A_507 : i1 to vector<16xi1>
      %parallel_loop3A_509 = tpu.scan <sum>, %parallel_loop3A_506 masked %parallel_loop3A_508 : vector<16xi32>, vector<16xi1> -> vector<16xi32>
      %parallel_loop3A_510 = arith.addi %parallel_loop3A_500, %parallel_loop3A_509 : vector<16xi32>
      %parallel_loop3A_511 = arith.subi %parallel_loop3A_510, %parallel_loop3A_506 : vector<16xi32>
      %parallel_loop3A_512 = vector.broadcast %parallel_loop3A_499 : i32 to vector<16xi32>
      %parallel_loop3A_513 = arith.addi %parallel_loop3A_512, %iota3A : vector<16xi32>
      %parallel_loop3A_514 = arith.constant 8192 : i32
      %parallel_loop3A_515 = vector.broadcast %parallel_loop3A_514 : i32 to vector<16xi32>
      %parallel_loop3A_516 = arith.cmpi slt, %parallel_loop3A_511, %parallel_loop3A_515 : vector<16xi32>
      %parallel_loop3A_517 = arith.andi %parallel_loop3A_505, %parallel_loop3A_516 : vector<16xi1>
      tpu.vector_store_idx %arg7[%parallel_loop3A_511], %parallel_loop3A_513 masked %parallel_loop3A_517 : memref<8208xi32, #tpu.memory_space<vmem>>[vector<16xi32>], vector<16xi32>, vector<16xi1>
      %parallel_loop3A_518 = tpu.all_reduce %parallel_loop3A_505 {dim = 0 : i64, kind = #tpu.reduction_kind<sum>} : vector<16xi1> -> vector<16xi32>
      %parallel_loop3A_519 = arith.addi %parallel_loop3A_500, %parallel_loop3A_518 : vector<16xi32>
      scf.yield %parallel_loop3A_519 : vector<16xi32>
    } {sc.loop_unroll_factor = 8 : i64, sc.parallel_access}
    %slice3A_271 = vector.extract_strided_slice %parallel_loop3A_270 {offsets = [0], sizes = [1], strides = [1]} : vector<16xi32> to vector<1xi32>
    %squeeze3A_272 = vector.extract %slice3A_271[0] : i32 from vector<1xi32>
    %ge3A_273 = arith.constant 512 : i32
    %ge3A_274 = arith.cmpi sge, %squeeze3A_272, %ge3A_273 : i32
    %le3A_275 = arith.constant 8192 : i32
    %le3A_276 = arith.cmpi sle, %squeeze3A_272, %le3A_275 : i32
    %and3A_277 = arith.andi %ge3A_274, %le3A_276 : i1
    %min3A_278 = arith.constant 8192 : i32
    %min3A_279 = arith.minsi %squeeze3A_272, %min3A_278 : i32
    %swap3A_280 = arith.index_cast %min3A_279 : i32 to index
    %swap3A_281 = tpu.vector_load %arg7[%swap3A_280] {strides = array<i32>} : memref<8208xi32, #tpu.memory_space<vmem>>, vector<16xi32>,
    tpu.vector_store %arg7[%swap3A_280], %broadcast_in_dim3A_9 {strides = array<i32>} : memref<8208xi32, #tpu.memory_space<vmem>>, vector<16xi32>,
    %min3A_282 = arith.constant 8192 : i32
    %min3A_283 = arith.minsi %squeeze3A_272, %min3A_282 : i32
    %add3A_284 = arith.constant 15 : i32
    %add3A_285 = arith.addi %min3A_283, %add3A_284 : i32
    %jit3A_286 = arith.constant 16 : i32
    %div3A_287 = arith.divsi %add3A_285, %jit3A_286 : i32
    %sign3A_288 = arith.constant 0 : i32
    %sign3A_289 = arith.cmpi sgt, %add3A_285, %sign3A_288 : i32
    %sign3A_290 = arith.extui %sign3A_289 : i1 to i32
    %sign3A_291 = arith.constant 0 : i32
    %sign3A_292 = arith.cmpi slt, %add3A_285, %sign3A_291 : i32
    %sign3A_293 = arith.extui %sign3A_292 : i1 to i32
    %sign3A_294 = arith.subi %sign3A_290, %sign3A_293 : i32
    %sign3A_295 = arith.constant 0 : i32
    %sign3A_296 = arith.cmpi sgt, %jit3A_286, %sign3A_295 : i32
    %sign3A_297 = arith.extui %sign3A_296 : i1 to i32
    %sign3A_298 = arith.constant 0 : i32
    %sign3A_299 = arith.cmpi slt, %jit3A_286, %sign3A_298 : i32
    %sign3A_300 = arith.extui %sign3A_299 : i1 to i32
    %sign3A_301 = arith.subi %sign3A_297, %sign3A_300 : i32
    %ne3A_302 = arith.cmpi ne, %sign3A_294, %sign3A_301 : i32
    %rem3A_303 = arith.remsi %add3A_285, %jit3A_286 : i32
    %ne3A_304 = arith.constant 0 : i32
    %ne3A_305 = arith.cmpi ne, %rem3A_303, %ne3A_304 : i32
    %and3A_306 = arith.andi %ne3A_302, %ne3A_305 : i1
    %sub3A_307 = arith.constant 1 : i32
    %sub3A_308 = arith.subi %div3A_287, %sub3A_307 : i32
    %select_n3A_309 = arith.select %and3A_306, %sub3A_308, %div3A_287 : i32
    %parallel_loop3A_310 = arith.constant 0 : i32
    %parallel_loop3A_311 = arith.constant 272 : i32
    %parallel_loop3A_312 = arith.constant 16 : i32
    scf.for %parallel_loop3A_499 = %parallel_loop3A_310 to %parallel_loop3A_311 step %parallel_loop3A_312  : i32 {
      %parallel_loop3A_500 = arith.constant 0 : i32
      %parallel_loop3A_501 = vector.broadcast %parallel_loop3A_500 : i32 to vector<16xi32>
      %parallel_loop3A_502 = arith.index_cast %parallel_loop3A_499 : i32 to index
      %parallel_loop3A_503 = tpu.vector_load %arg10[%parallel_loop3A_502] {strides = array<i32>} : memref<272xi32, #tpu.memory_space<vmem>>, vector<16xi32>,
      tpu.vector_store %arg10[%parallel_loop3A_502], %parallel_loop3A_501 {strides = array<i32>} : memref<272xi32, #tpu.memory_space<vmem>>, vector<16xi32>,
    } {sc.loop_unroll_factor = 1 : i64, sc.parallel_access}
    %mul3A_313 = arith.constant 16 : i32
    %mul3A_314 = arith.muli %select_n3A_309, %mul3A_313 : i32
    %parallel_loop3A_315 = arith.constant 0 : i32
    %parallel_loop3A_316 = arith.constant 16 : i32
    scf.for %parallel_loop3A_499 = %parallel_loop3A_315 to %mul3A_314 step %parallel_loop3A_316  : i32 {
      %parallel_loop3A_500 = arith.index_cast %parallel_loop3A_499 : i32 to index
      %parallel_loop3A_501 = tpu.vector_load %arg7[%parallel_loop3A_500] {strides = array<i32>} : memref<8208xi32, #tpu.memory_space<vmem>>, vector<16xi32>,
      %parallel_loop3A_502 = tpu.vector_load_idx %arg4[%parallel_loop3A_501] : memref<32784xf32, #tpu.memory_space<vmem>>[vector<16xi32>], vector<16xf32>,
      %parallel_loop3A_503 = vector.bitcast %parallel_loop3A_502 : vector<16xf32> to vector<16xi32>
      %parallel_loop3A_504 = arith.constant 1073741824 : i32
      %parallel_loop3A_505 = vector.broadcast %parallel_loop3A_504 : i32 to vector<16xi32>
      %parallel_loop3A_506 = arith.subi %parallel_loop3A_503, %parallel_loop3A_505 : vector<16xi32>
      %parallel_loop3A_507 = arith.constant 19 : i32
      %parallel_loop3A_508 = vector.broadcast %parallel_loop3A_507 : i32 to vector<16xi32>
      %parallel_loop3A_509 = arith.shrsi %parallel_loop3A_506, %parallel_loop3A_508 : vector<16xi32>
      %parallel_loop3A_510 = arith.constant 0 : i32
      %parallel_loop3A_511 = arith.constant 16 : i32
      %parallel_loop3A_512 = vector.broadcast %parallel_loop3A_510 : i32 to vector<16xi32>
      %parallel_loop3A_513 = arith.maxsi %parallel_loop3A_512, %parallel_loop3A_509 : vector<16xi32>
      %parallel_loop3A_514 = vector.broadcast %parallel_loop3A_511 : i32 to vector<16xi32>
      %parallel_loop3A_515 = arith.minsi %parallel_loop3A_514, %parallel_loop3A_513 : vector<16xi32>
      %parallel_loop3A_516 = arith.constant 16 : i32
      %parallel_loop3A_517 = vector.broadcast %parallel_loop3A_516 : i32 to vector<16xi32>
      %parallel_loop3A_518 = arith.muli %parallel_loop3A_515, %parallel_loop3A_517 : vector<16xi32>
      %parallel_loop3A_519 = arith.addi %parallel_loop3A_518, %iota3A : vector<16xi32>
      tpu.vector_store_idx %arg10[%parallel_loop3A_519], %broadcast_in_dim3A_5 {add = true} : memref<272xi32, #tpu.memory_space<vmem>>[vector<16xi32>], vector<16xi32>,
    } {sc.loop_unroll_factor = 1 : i64, sc.parallel_access}
    %scan3A_317 = arith.constant 0 : i32
    %scan3A_318 = arith.constant 0 : i32
    %scan3A_319 = arith.constant 0 : i32
    %scan3A_320 = arith.constant 0 : i32
    %scan3A_321 = arith.constant 0 : i32
    %scan3A_322 = arith.constant 17 : i32
    %scan3A_323 = arith.addi %scan3A_321, %scan3A_322 : i32
    %scan3A_324 = arith.constant 1 : i32
    %scan3A_325:4 = scf.for %scan3A_499 = %scan3A_321 to %scan3A_323 step %scan3A_324 iter_args(%scan3A_500 = %scan3A_317, %scan3A_501 = %scan3A_318, %scan3A_502 = %scan3A_319, %scan3A_503 = %scan3A_320) -> (i32, i32, i32, i32)  : i32 {
      %sub3A_504 = arith.constant 16 : i32
      %sub3A_505 = arith.subi %sub3A_504, %scan3A_499 : i32
      %mul3A_506 = arith.constant 16 : i32
      %mul3A_507 = arith.muli %sub3A_505, %mul3A_506 : i32
      %get3A = arith.index_cast %mul3A_507 : i32 to index
      %get3A_508 = tpu.vector_load %arg10[%get3A] {strides = array<i32>} : memref<272xi32, #tpu.memory_space<vmem>>, vector<16xi32>,
      %reduce_sum3A = arith.constant true
      %reduce_sum3A_509 = vector.broadcast %reduce_sum3A : i1 to vector<16xi1>
      %reduce_sum3A_510 = tpu.scan <sum>, %get3A_508 masked %reduce_sum3A_509 : vector<16xi32>, vector<16xi1> -> vector<16xi32>
      %reduce_sum3A_511 = vector.extract %reduce_sum3A_510[15] : i32 from vector<16xi32>
      %add3A_512 = arith.addi %scan3A_500, %reduce_sum3A_511 : i32
      %lt3A_513 = arith.constant 512 : i32
      %lt3A_514 = arith.cmpi slt, %scan3A_500, %lt3A_513 : i32
      %ge3A_515 = arith.constant 512 : i32
      %ge3A_516 = arith.cmpi sge, %add3A_512, %ge3A_515 : i32
      %and3A_517 = arith.andi %lt3A_514, %ge3A_516 : i1
      %select_n3A_518 = arith.select %and3A_517, %sub3A_505, %scan3A_501 : i32
      %select_n3A_519 = arith.select %and3A_517, %scan3A_500, %scan3A_502 : i32
      %select_n3A_520 = arith.select %and3A_517, %reduce_sum3A_511, %scan3A_503 : i32
      scf.yield %add3A_512, %select_n3A_518, %select_n3A_519, %select_n3A_520 : i32, i32, i32, i32
    }
    %scan3A_326 = arith.constant 17 : i32
    %lt3A_327 = arith.constant 16 : i32
    %lt3A_328 = arith.cmpi slt, %scan3A_325#1, %lt3A_327 : i32
    %and3A_329 = arith.andi %and3A_277, %lt3A_328 : i1
    %le3A_330 = arith.constant 1024 : i32
    %le3A_331 = arith.cmpi sle, %scan3A_325#3, %le3A_330 : i32
    %and3A_332 = arith.andi %and3A_329, %le3A_331 : i1
    %convert_element_type3A_333 = arith.extui %and3A_332 : i1 to i32
    %cond3A_334 = arith.constant 0 : i32
    %cond3A_335 = arith.cmpi ne, %convert_element_type3A_333, %cond3A_334 : i32
    %cond3A_336 = scf.if %cond3A_335 -> (i32) {
      %shift_left3A = arith.constant 19 : i32
      %shift_left3A_499 = arith.shli %scan3A_325#1, %shift_left3A : i32
      %add3A_500 = arith.constant 1073741824 : i32
      %add3A_501 = arith.addi %add3A_500, %shift_left3A_499 : i32
      %mul3A_502 = arith.constant 16 : i32
      %mul3A_503 = arith.muli %select_n3A_309, %mul3A_502 : i32
      %parallel_loop3A_504 = arith.constant 0 : i32
      %parallel_loop3A_505 = arith.constant 16 : i32
      %parallel_loop3A_506 = scf.for %parallel_loop3A_552 = %parallel_loop3A_504 to %mul3A_503 step %parallel_loop3A_505 iter_args(%parallel_loop3A_553 = %broadcast_in_dim3A_3) -> (vector<16xi32>)  : i32 {
        %parallel_loop3A_554 = arith.index_cast %parallel_loop3A_552 : i32 to index
        %parallel_loop3A_555 = tpu.vector_load %arg7[%parallel_loop3A_554] {strides = array<i32>} : memref<8208xi32, #tpu.memory_space<vmem>>, vector<16xi32>,
        %parallel_loop3A_556 = tpu.vector_load_idx %arg4[%parallel_loop3A_555] : memref<32784xf32, #tpu.memory_space<vmem>>[vector<16xi32>], vector<16xf32>,
        %parallel_loop3A_557 = vector.bitcast %parallel_loop3A_556 : vector<16xf32> to vector<16xi32>
        %parallel_loop3A_558 = vector.broadcast %add3A_501 : i32 to vector<16xi32>
        %parallel_loop3A_559 = arith.cmpi sge, %parallel_loop3A_557, %parallel_loop3A_558 : vector<16xi32>
        %parallel_loop3A_560 = arith.constant 524288 : i32
        %parallel_loop3A_561 = arith.addi %add3A_501, %parallel_loop3A_560 : i32
        %parallel_loop3A_562 = vector.broadcast %parallel_loop3A_561 : i32 to vector<16xi32>
        %parallel_loop3A_563 = arith.cmpi slt, %parallel_loop3A_557, %parallel_loop3A_562 : vector<16xi32>
        %parallel_loop3A_564 = arith.andi %parallel_loop3A_559, %parallel_loop3A_563 : vector<16xi1>
        %parallel_loop3A_565 = arith.extui %parallel_loop3A_564 : vector<16xi1> to vector<16xi32>
        %parallel_loop3A_566 = arith.constant true
        %parallel_loop3A_567 = vector.broadcast %parallel_loop3A_566 : i1 to vector<16xi1>
        %parallel_loop3A_568 = tpu.scan <sum>, %parallel_loop3A_565 masked %parallel_loop3A_567 : vector<16xi32>, vector<16xi1> -> vector<16xi32>
        %parallel_loop3A_569 = arith.addi %parallel_loop3A_553, %parallel_loop3A_568 : vector<16xi32>
        %parallel_loop3A_570 = arith.subi %parallel_loop3A_569, %parallel_loop3A_565 : vector<16xi32>
        %parallel_loop3A_571 = arith.constant 1024 : i32
        %parallel_loop3A_572 = vector.broadcast %parallel_loop3A_571 : i32 to vector<16xi32>
        %parallel_loop3A_573 = arith.cmpi slt, %parallel_loop3A_570, %parallel_loop3A_572 : vector<16xi32>
        %parallel_loop3A_574 = arith.andi %parallel_loop3A_564, %parallel_loop3A_573 : vector<16xi1>
        tpu.vector_store_idx %arg9[%parallel_loop3A_570], %parallel_loop3A_555 masked %parallel_loop3A_574 : memref<1040xi32, #tpu.memory_space<vmem>>[vector<16xi32>], vector<16xi32>, vector<16xi1>
        %parallel_loop3A_575 = tpu.all_reduce %parallel_loop3A_564 {dim = 0 : i64, kind = #tpu.reduction_kind<sum>} : vector<16xi1> -> vector<16xi32>
        %parallel_loop3A_576 = arith.addi %parallel_loop3A_553, %parallel_loop3A_575 : vector<16xi32>
        scf.yield %parallel_loop3A_576 : vector<16xi32>
      } {sc.loop_unroll_factor = 1 : i64, sc.parallel_access}
      %slice3A_507 = vector.extract_strided_slice %parallel_loop3A_506 {offsets = [0], sizes = [1], strides = [1]} : vector<16xi32> to vector<1xi32>
      %squeeze3A_508 = vector.extract %slice3A_507[0] : i32 from vector<1xi32>
      %min3A_509 = arith.constant 1024 : i32
      %min3A_510 = arith.minsi %squeeze3A_508, %min3A_509 : i32
      %swap3A_511 = arith.index_cast %min3A_510 : i32 to index
      %swap3A_512 = tpu.vector_load %arg9[%swap3A_511] {strides = array<i32>} : memref<1040xi32, #tpu.memory_space<vmem>>, vector<16xi32>,
      tpu.vector_store %arg9[%swap3A_511], %broadcast_in_dim3A_9 {strides = array<i32>} : memref<1040xi32, #tpu.memory_space<vmem>>, vector<16xi32>,
      %add3A_513 = arith.constant 15 : i32
      %add3A_514 = arith.addi %squeeze3A_508, %add3A_513 : i32
      %jit3A_515 = arith.constant 16 : i32
      %div3A_516 = arith.divsi %add3A_514, %jit3A_515 : i32
      %sign3A_517 = arith.constant 0 : i32
      %sign3A_518 = arith.cmpi sgt, %add3A_514, %sign3A_517 : i32
      %sign3A_519 = arith.extui %sign3A_518 : i1 to i32
      %sign3A_520 = arith.constant 0 : i32
      %sign3A_521 = arith.cmpi slt, %add3A_514, %sign3A_520 : i32
      %sign3A_522 = arith.extui %sign3A_521 : i1 to i32
      %sign3A_523 = arith.subi %sign3A_519, %sign3A_522 : i32
      %sign3A_524 = arith.constant 0 : i32
      %sign3A_525 = arith.cmpi sgt, %jit3A_515, %sign3A_524 : i32
      %sign3A_526 = arith.extui %sign3A_525 : i1 to i32
      %sign3A_527 = arith.constant 0 : i32
      %sign3A_528 = arith.cmpi slt, %jit3A_515, %sign3A_527 : i32
      %sign3A_529 = arith.extui %sign3A_528 : i1 to i32
      %sign3A_530 = arith.subi %sign3A_526, %sign3A_529 : i32
      %ne3A_531 = arith.cmpi ne, %sign3A_523, %sign3A_530 : i32
      %rem3A_532 = arith.remsi %add3A_514, %jit3A_515 : i32
      %ne3A_533 = arith.constant 0 : i32
      %ne3A_534 = arith.cmpi ne, %rem3A_532, %ne3A_533 : i32
      %and3A_535 = arith.andi %ne3A_531, %ne3A_534 : i1
      %sub3A_536 = arith.constant 1 : i32
      %sub3A_537 = arith.subi %div3A_516, %sub3A_536 : i32
      %select_n3A_538 = arith.select %and3A_535, %sub3A_537, %div3A_516 : i32
      %sub3A_539 = arith.constant 512 : i32
      %sub3A_540 = arith.subi %sub3A_539, %scan3A_325#2 : i32
      %xor3A_541 = arith.constant -2147483648 : i32
      %xor3A_542 = arith.xori %add3A_501, %xor3A_541 : i32
      %broadcast_in_dim3A_543 = vector.broadcast %xor3A_542 : i32 to vector<16xi32>
      %scan3A_544 = arith.constant 13 : i32
      %scan3A_545 = arith.constant 19 : i32
      %scan3A_546 = arith.addi %scan3A_544, %scan3A_545 : i32
      %scan3A_547 = arith.constant 1 : i32
      %scan3A_548 = scf.for %scan3A_552 = %scan3A_544 to %scan3A_546 step %scan3A_547 iter_args(%scan3A_553 = %broadcast_in_dim3A_543) -> (vector<16xi32>)  : i32 {
        %sub3A_554 = arith.constant 31 : i32
        %sub3A_555 = arith.subi %sub3A_554, %scan3A_552 : i32
        %shift_left3A_556 = arith.constant 1 : i32
        %shift_left3A_557 = arith.shli %shift_left3A_556, %sub3A_555 : i32
        %or3A = vector.broadcast %shift_left3A_557 : i32 to vector<16xi32>
        %or3A_558 = arith.ori %scan3A_553, %or3A : vector<16xi32>
        %xor3A_559 = arith.constant -2147483648 : i32
        %xor3A_560 = vector.broadcast %xor3A_559 : i32 to vector<16xi32>
        %xor3A_561 = arith.xori %or3A_558, %xor3A_560 : vector<16xi32>
        %bitcast3A_562 = vector.bitcast %xor3A_561 : vector<16xi32> to vector<16xf32>
        %mul3A_563 = arith.constant 16 : i32
        %mul3A_564 = arith.muli %select_n3A_538, %mul3A_563 : i32
        %parallel_loop3A_565 = arith.constant 0 : i32
        %parallel_loop3A_566 = arith.constant 16 : i32
        %parallel_loop3A_567 = scf.for %parallel_loop3A_571 = %parallel_loop3A_565 to %mul3A_564 step %parallel_loop3A_566 iter_args(%parallel_loop3A_572 = %broadcast_in_dim3A_3) -> (vector<16xi32>)  : i32 {
          %parallel_loop3A_573 = arith.index_cast %parallel_loop3A_571 : i32 to index
          %parallel_loop3A_574 = tpu.vector_load %arg9[%parallel_loop3A_573] {strides = array<i32>} : memref<1040xi32, #tpu.memory_space<vmem>>, vector<16xi32>,
          %parallel_loop3A_575 = tpu.vector_load_idx %arg4[%parallel_loop3A_574] : memref<32784xf32, #tpu.memory_space<vmem>>[vector<16xi32>], vector<16xf32>,
          %parallel_loop3A_576 = arith.cmpf oge, %parallel_loop3A_575, %bitcast3A_562 : vector<16xf32>
          %parallel_loop3A_577 = tpu.all_reduce %parallel_loop3A_576 {dim = 0 : i64, kind = #tpu.reduction_kind<sum>} : vector<16xi1> -> vector<16xi32>
          %parallel_loop3A_578 = arith.addi %parallel_loop3A_572, %parallel_loop3A_577 : vector<16xi32>
          scf.yield %parallel_loop3A_578 : vector<16xi32>
        } {sc.loop_unroll_factor = 1 : i64, sc.parallel_access}
        %ge3A_568 = vector.broadcast %sub3A_540 : i32 to vector<16xi32>
        %ge3A_569 = arith.cmpi sge, %parallel_loop3A_567, %ge3A_568 : vector<16xi32>
        %select_n3A_570 = arith.select %ge3A_569, %or3A_558, %scan3A_553 : vector<16xi1>, vector<16xi32>
        scf.yield %select_n3A_570 : vector<16xi32>
      }
      %scan3A_549 = arith.constant 19 : i32
      %slice3A_550 = vector.extract_strided_slice %scan3A_548 {offsets = [0], sizes = [1], strides = [1]} : vector<16xi32> to vector<1xi32>
      %squeeze3A_551 = vector.extract %slice3A_550[0] : i32 from vector<1xi32>
      scf.yield %squeeze3A_551 : i32
    } else {
      %convert_element_type3A_499 = arith.extui %and3A_277 : i1 to i32
      %cond3A_500 = arith.constant 0 : i32
      %cond3A_501 = arith.cmpi ne, %convert_element_type3A_499, %cond3A_500 : i32
      %cond3A_502 = scf.if %cond3A_501 -> (i32) {
        %broadcast_in_dim3A_503 = arith.constant -1073741824 : i32
        %broadcast_in_dim3A_504 = vector.broadcast %broadcast_in_dim3A_503 : i32 to vector<16xi32>
        %scan3A_505 = arith.constant 2 : i32
        %scan3A_506 = arith.constant 30 : i32
        %scan3A_507 = arith.addi %scan3A_505, %scan3A_506 : i32
        %scan3A_508 = arith.constant 1 : i32
        %scan3A_509 = scf.for %scan3A_513 = %scan3A_505 to %scan3A_507 step %scan3A_508 iter_args(%scan3A_514 = %broadcast_in_dim3A_504) -> (vector<16xi32>)  : i32 {
          %sub3A_515 = arith.constant 31 : i32
          %sub3A_516 = arith.subi %sub3A_515, %scan3A_513 : i32
          %shift_left3A = arith.constant 1 : i32
          %shift_left3A_517 = arith.shli %shift_left3A, %sub3A_516 : i32
          %or3A = vector.broadcast %shift_left3A_517 : i32 to vector<16xi32>
          %or3A_518 = arith.ori %scan3A_514, %or3A : vector<16xi32>
          %xor3A_519 = arith.constant -2147483648 : i32
          %xor3A_520 = vector.broadcast %xor3A_519 : i32 to vector<16xi32>
          %xor3A_521 = arith.xori %or3A_518, %xor3A_520 : vector<16xi32>
          %bitcast3A_522 = vector.bitcast %xor3A_521 : vector<16xi32> to vector<16xf32>
          %mul3A_523 = arith.constant 16 : i32
          %mul3A_524 = arith.muli %select_n3A_309, %mul3A_523 : i32
          %parallel_loop3A_525 = arith.constant 0 : i32
          %parallel_loop3A_526 = arith.constant 16 : i32
          %parallel_loop3A_527 = scf.for %parallel_loop3A_532 = %parallel_loop3A_525 to %mul3A_524 step %parallel_loop3A_526 iter_args(%parallel_loop3A_533 = %broadcast_in_dim3A_3) -> (vector<16xi32>)  : i32 {
            %parallel_loop3A_534 = arith.index_cast %parallel_loop3A_532 : i32 to index
            %parallel_loop3A_535 = tpu.vector_load %arg7[%parallel_loop3A_534] {strides = array<i32>} : memref<8208xi32, #tpu.memory_space<vmem>>, vector<16xi32>,
            %parallel_loop3A_536 = tpu.vector_load_idx %arg4[%parallel_loop3A_535] : memref<32784xf32, #tpu.memory_space<vmem>>[vector<16xi32>], vector<16xf32>,
            %parallel_loop3A_537 = arith.cmpf oge, %parallel_loop3A_536, %bitcast3A_522 : vector<16xf32>
            %parallel_loop3A_538 = tpu.all_reduce %parallel_loop3A_537 {dim = 0 : i64, kind = #tpu.reduction_kind<sum>} : vector<16xi1> -> vector<16xi32>
            %parallel_loop3A_539 = arith.addi %parallel_loop3A_533, %parallel_loop3A_538 : vector<16xi32>
            scf.yield %parallel_loop3A_539 : vector<16xi32>
          } {sc.loop_unroll_factor = 1 : i64, sc.parallel_access}
          %ge3A_528 = arith.constant 512 : i32
          %ge3A_529 = vector.broadcast %ge3A_528 : i32 to vector<16xi32>
          %ge3A_530 = arith.cmpi sge, %parallel_loop3A_527, %ge3A_529 : vector<16xi32>
          %select_n3A_531 = arith.select %ge3A_530, %or3A_518, %scan3A_514 : vector<16xi1>, vector<16xi32>
          scf.yield %select_n3A_531 : vector<16xi32>
        }
        %scan3A_510 = arith.constant 30 : i32
        %slice3A_511 = vector.extract_strided_slice %scan3A_509 {offsets = [0], sizes = [1], strides = [1]} : vector<16xi32> to vector<1xi32>
        %squeeze3A_512 = vector.extract %slice3A_511[0] : i32 from vector<1xi32>
        scf.yield %squeeze3A_512 : i32
      } else {
        %scan3A_503 = arith.constant 0 : i32
        %scan3A_504 = arith.constant 0 : i32
        %scan3A_505 = arith.constant 32 : i32
        %scan3A_506 = arith.addi %scan3A_504, %scan3A_505 : i32
        %scan3A_507 = arith.constant 1 : i32
        %scan3A_508 = scf.for %scan3A_510 = %scan3A_504 to %scan3A_506 step %scan3A_507 iter_args(%scan3A_511 = %scan3A_503) -> (i32)  : i32 {
          %sub3A_512 = arith.constant 31 : i32
          %sub3A_513 = arith.subi %sub3A_512, %scan3A_510 : i32
          %shift_left3A = arith.constant 1 : i32
          %shift_left3A_514 = arith.shli %shift_left3A, %sub3A_513 : i32
          %or3A = arith.ori %scan3A_511, %shift_left3A_514 : i32
          %xor3A_515 = arith.constant -2147483648 : i32
          %xor3A_516 = arith.xori %or3A, %xor3A_515 : i32
          %parallel_loop3A_517 = arith.constant 0 : i32
          %parallel_loop3A_518 = arith.constant 32768 : i32
          %parallel_loop3A_519 = arith.constant 16 : i32
          %parallel_loop3A_520 = scf.for %parallel_loop3A_527 = %parallel_loop3A_517 to %parallel_loop3A_518 step %parallel_loop3A_519 iter_args(%parallel_loop3A_528 = %broadcast_in_dim3A_3) -> (vector<16xi32>)  : i32 {
            %parallel_loop3A_529 = arith.index_cast %parallel_loop3A_527 : i32 to index
            %parallel_loop3A_530 = tpu.vector_load %arg4[%parallel_loop3A_529] {strides = array<i32>} : memref<32784xf32, #tpu.memory_space<vmem>>, vector<16xf32>,
            %parallel_loop3A_531 = vector.bitcast %parallel_loop3A_530 : vector<16xf32> to vector<16xi32>
            %parallel_loop3A_532 = arith.constant 31 : i32
            %parallel_loop3A_533 = vector.broadcast %parallel_loop3A_532 : i32 to vector<16xi32>
            %parallel_loop3A_534 = arith.shrsi %parallel_loop3A_531, %parallel_loop3A_533 : vector<16xi32>
            %parallel_loop3A_535 = arith.constant 2147483647 : i32
            %parallel_loop3A_536 = vector.broadcast %parallel_loop3A_535 : i32 to vector<16xi32>
            %parallel_loop3A_537 = arith.andi %parallel_loop3A_534, %parallel_loop3A_536 : vector<16xi32>
            %parallel_loop3A_538 = arith.xori %parallel_loop3A_531, %parallel_loop3A_537 : vector<16xi32>
            %parallel_loop3A_539 = vector.broadcast %xor3A_516 : i32 to vector<16xi32>
            %parallel_loop3A_540 = arith.cmpi sge, %parallel_loop3A_538, %parallel_loop3A_539 : vector<16xi32>
            %parallel_loop3A_541 = arith.constant 1 : i32
            %parallel_loop3A_542 = arith.constant 0 : i32
            %parallel_loop3A_543 = vector.broadcast %parallel_loop3A_541 : i32 to vector<16xi32>
            %parallel_loop3A_544 = vector.broadcast %parallel_loop3A_542 : i32 to vector<16xi32>
            %parallel_loop3A_545 = arith.select %parallel_loop3A_540, %parallel_loop3A_543, %parallel_loop3A_544 : vector<16xi1>, vector<16xi32>
            %parallel_loop3A_546 = arith.addi %parallel_loop3A_528, %parallel_loop3A_545 : vector<16xi32>
            scf.yield %parallel_loop3A_546 : vector<16xi32>
          } {sc.loop_unroll_factor = 4 : i64, sc.parallel_access}
          %reduce_sum3A = arith.constant true
          %reduce_sum3A_521 = vector.broadcast %reduce_sum3A : i1 to vector<16xi1>
          %reduce_sum3A_522 = tpu.scan <sum>, %parallel_loop3A_520 masked %reduce_sum3A_521 : vector<16xi32>, vector<16xi1> -> vector<16xi32>
          %reduce_sum3A_523 = vector.extract %reduce_sum3A_522[15] : i32 from vector<16xi32>
          %ge3A_524 = arith.constant 512 : i32
          %ge3A_525 = arith.cmpi sge, %reduce_sum3A_523, %ge3A_524 : i32
          %select_n3A_526 = arith.select %ge3A_525, %or3A, %scan3A_511 : i32
          scf.yield %select_n3A_526 : i32
        }
        %scan3A_509 = arith.constant 32 : i32
        scf.yield %scan3A_508 : i32
      }
      scf.yield %cond3A_502 : i32
    }
    %xor3A_337 = arith.constant -2147483648 : i32
    %xor3A_338 = arith.xori %cond3A_336, %xor3A_337 : i32
    %max3A_339 = arith.constant 1 : i32
    %max3A_340 = arith.maxsi %xor3A_338, %max3A_339 : i32
    %broadcast_in_dim3A_341 = vector.broadcast %max3A_340 : i32 to vector<16xi32>
    %bitcast3A_342 = vector.bitcast %broadcast_in_dim3A_341 : vector<16xi32> to vector<16xf32>
    %dma_wait3A_343 = arith.constant 0 : i32
    %dma_wait3A_344 = tpu.memref_slice %arg6[%dma_wait3A_343] : memref<32784xf32, #tpu.memory_space<vmem>> -> memref<32768xf32, #tpu.memory_space<vmem>>
    %dma_wait3A_345 = arith.constant 0 : i32
    %dma_wait3A_346 = tpu.memref_slice %arg3[%add3A_234, %dma_wait3A_345] : memref<128x32768xf32, #tpu.memory_space<hbm>> -> memref<1x32768xf32, #tpu.memory_space<hbm>>
    %dma_wait3A_347 = tpu.memref_squeeze %dma_wait3A_346 : memref<1x32768xf32, #tpu.memory_space<hbm>> -> memref<32768xf32, #tpu.memory_space<hbm>>
    %dma_wait3A_348 = arith.constant 0 : i32
    %dma_wait3A_349 = tpu.memref_slice %arg3[%add3A_234, %dma_wait3A_348] : memref<128x32768xf32, #tpu.memory_space<hbm>> -> memref<1x32768xf32, #tpu.memory_space<hbm>>
    %dma_wait3A_350 = tpu.memref_squeeze %dma_wait3A_349 : memref<1x32768xf32, #tpu.memory_space<hbm>> -> memref<32768xf32, #tpu.memory_space<hbm>>
    %dma_wait3A_351 = arith.constant 0 : i32
    %dma_wait3A_352 = tpu.memref_slice %arg6[%dma_wait3A_351] : memref<32784xf32, #tpu.memory_space<vmem>> -> memref<32768xf32, #tpu.memory_space<vmem>>
    tpu.wait_dma2 semaphore(%arg12 : memref<!tpu.dma_semaphore, #tpu.memory_space<semaphore_mem>>) src(%dma_wait3A_352 : memref<32768xf32, #tpu.memory_space<vmem>>) dst(%dma_wait3A_350 : memref<32768xf32, #tpu.memory_space<hbm>>)
    %convert_element_type3A_353 = arith.extui %and3A_149 : i1 to i32
    %cond3A_354 = arith.constant 0 : i32
    %cond3A_355 = arith.cmpi ne, %convert_element_type3A_353, %cond3A_354 : i32
    %cond3A_356 = scf.if %cond3A_355 -> (i32) {
      %mul3A_499 = arith.constant 16 : i32
      %mul3A_500 = arith.muli %select_n3A_181, %mul3A_499 : i32
      %parallel_loop3A_501 = arith.constant 0 : i32
      %parallel_loop3A_502 = arith.constant 16 : i32
      scf.for %parallel_loop3A_504 = %parallel_loop3A_501 to %mul3A_500 step %parallel_loop3A_502  : i32 {
        %parallel_loop3A_505 = arith.index_cast %parallel_loop3A_504 : i32 to index
        %parallel_loop3A_506 = tpu.vector_load %arg8[%parallel_loop3A_505] {strides = array<i32>} : memref<8208xi32, #tpu.memory_space<vmem>>, vector<16xi32>,
        tpu.vector_store_idx %arg6[%parallel_loop3A_506], %broadcast_in_dim3A_7 : memref<32784xf32, #tpu.memory_space<vmem>>[vector<16xi32>], vector<16xf32>,
      } {sc.loop_unroll_factor = 1 : i64, sc.parallel_access}
      %cond3A_503 = arith.constant 0 : i32
      scf.yield %cond3A_503 : i32
    } else {
      %parallel_loop3A_499 = arith.constant 0 : i32
      %parallel_loop3A_500 = arith.constant 32768 : i32
      %parallel_loop3A_501 = arith.constant 16 : i32
      scf.for %parallel_loop3A_503 = %parallel_loop3A_499 to %parallel_loop3A_500 step %parallel_loop3A_501  : i32 {
        %parallel_loop3A_504 = arith.index_cast %parallel_loop3A_503 : i32 to index
        %parallel_loop3A_505 = tpu.vector_load %arg6[%parallel_loop3A_504] {strides = array<i32>} : memref<32784xf32, #tpu.memory_space<vmem>>, vector<16xf32>,
        tpu.vector_store %arg6[%parallel_loop3A_504], %broadcast_in_dim3A_7 {strides = array<i32>} : memref<32784xf32, #tpu.memory_space<vmem>>, vector<16xf32>,
      } {sc.loop_unroll_factor = 8 : i64, sc.parallel_access}
      %cond3A_502 = arith.constant 0 : i32
      scf.yield %cond3A_502 : i32
    }
    %convert_element_type3A_357 = arith.extui %and3A_277 : i1 to i32
    %cond3A_358 = arith.constant 0 : i32
    %cond3A_359 = arith.cmpi ne, %convert_element_type3A_357, %cond3A_358 : i32
    %cond3A_360 = scf.if %cond3A_359 -> (i32) {
      %mul3A_499 = arith.constant 16 : i32
      %mul3A_500 = arith.muli %select_n3A_309, %mul3A_499 : i32
      %parallel_loop3A_501 = arith.constant 0 : i32
      %parallel_loop3A_502 = arith.constant 16 : i32
      scf.for %parallel_loop3A_504 = %parallel_loop3A_501 to %mul3A_500 step %parallel_loop3A_502  : i32 {
        %parallel_loop3A_505 = arith.index_cast %parallel_loop3A_504 : i32 to index
        %parallel_loop3A_506 = tpu.vector_load %arg7[%parallel_loop3A_505] {strides = array<i32>} : memref<8208xi32, #tpu.memory_space<vmem>>, vector<16xi32>,
        %parallel_loop3A_507 = tpu.vector_load_idx %arg4[%parallel_loop3A_506] : memref<32784xf32, #tpu.memory_space<vmem>>[vector<16xi32>], vector<16xf32>,
        %parallel_loop3A_508 = arith.cmpf oge, %parallel_loop3A_507, %bitcast3A_342 : vector<16xf32>
        tpu.vector_store_idx %arg6[%parallel_loop3A_506], %parallel_loop3A_507 masked %parallel_loop3A_508 : memref<32784xf32, #tpu.memory_space<vmem>>[vector<16xi32>], vector<16xf32>, vector<16xi1>
      } {sc.loop_unroll_factor = 1 : i64, sc.parallel_access}
      %cond3A_503 = arith.constant 0 : i32
      scf.yield %cond3A_503 : i32
    } else {
      %parallel_loop3A_499 = arith.constant 0 : i32
      %parallel_loop3A_500 = arith.constant 32768 : i32
      %parallel_loop3A_501 = arith.constant 16 : i32
      scf.for %parallel_loop3A_503 = %parallel_loop3A_499 to %parallel_loop3A_500 step %parallel_loop3A_501  : i32 {
        %parallel_loop3A_504 = arith.index_cast %parallel_loop3A_503 : i32 to index
        %parallel_loop3A_505 = tpu.vector_load %arg4[%parallel_loop3A_504] {strides = array<i32>} : memref<32784xf32, #tpu.memory_space<vmem>>, vector<16xf32>,
        %parallel_loop3A_506 = arith.cmpf oge, %parallel_loop3A_505, %bitcast3A_342 : vector<16xf32>
        %parallel_loop3A_507 = arith.constant 0.000000e+00 : f32
        %parallel_loop3A_508 = vector.broadcast %parallel_loop3A_507 : f32 to vector<16xf32>
        %parallel_loop3A_509 = arith.select %parallel_loop3A_506, %parallel_loop3A_505, %parallel_loop3A_508 : vector<16xi1>, vector<16xf32>
        %parallel_loop3A_510 = arith.index_cast %parallel_loop3A_503 : i32 to index
        %parallel_loop3A_511 = tpu.vector_load %arg6[%parallel_loop3A_510] {strides = array<i32>} : memref<32784xf32, #tpu.memory_space<vmem>>, vector<16xf32>,
        tpu.vector_store %arg6[%parallel_loop3A_510], %parallel_loop3A_509 {strides = array<i32>} : memref<32784xf32, #tpu.memory_space<vmem>>, vector<16xf32>,
      } {sc.loop_unroll_factor = 8 : i64, sc.parallel_access}
      %cond3A_502 = arith.constant 0 : i32
      scf.yield %cond3A_502 : i32
    }
    %add3A_361 = arith.constant 2 : i32
    %add3A_362 = arith.addi %mul3A_2, %add3A_361 : i32
    %dma_start3A_363 = arith.constant 0 : i32
    %dma_start3A_364 = tpu.memref_slice %arg6[%dma_start3A_363] : memref<32784xf32, #tpu.memory_space<vmem>> -> memref<32768xf32, #tpu.memory_space<vmem>>
    %dma_start3A_365 = arith.constant 0 : i32
    %dma_start3A_366 = tpu.memref_slice %arg3[%add3A_362, %dma_start3A_365] : memref<128x32768xf32, #tpu.memory_space<hbm>> -> memref<1x32768xf32, #tpu.memory_space<hbm>>
    %dma_start3A_367 = tpu.memref_squeeze %dma_start3A_366 : memref<1x32768xf32, #tpu.memory_space<hbm>> -> memref<32768xf32, #tpu.memory_space<hbm>>
    %dma_start3A_368 = arith.constant 0 : i32
    %dma_start3A_369 = tpu.memref_slice %arg3[%add3A_362, %dma_start3A_368] : memref<128x32768xf32, #tpu.memory_space<hbm>> -> memref<1x32768xf32, #tpu.memory_space<hbm>>
    %dma_start3A_370 = tpu.memref_squeeze %dma_start3A_369 : memref<1x32768xf32, #tpu.memory_space<hbm>> -> memref<32768xf32, #tpu.memory_space<hbm>>
    %dma_start3A_371 = arith.constant 0 : i32
    %dma_start3A_372 = tpu.memref_slice %arg6[%dma_start3A_371] : memref<32784xf32, #tpu.memory_space<vmem>> -> memref<32768xf32, #tpu.memory_space<vmem>>
    tpu.enqueue_dma source(%dma_start3A_372 : memref<32768xf32, #tpu.memory_space<vmem>>) target(%dma_start3A_370 : memref<32768xf32, #tpu.memory_space<hbm>>) target_semaphore(%arg12 : memref<!tpu.dma_semaphore, #tpu.memory_space<semaphore_mem>>)
    %dma_wait3A_373 = arith.constant 0 : i32
    %dma_wait3A_374 = tpu.memref_slice %arg5[%dma_wait3A_373] : memref<32784xf32, #tpu.memory_space<vmem>> -> memref<32768xf32, #tpu.memory_space<vmem>>
    %dma_wait3A_375 = arith.constant 0 : i32
    %dma_wait3A_376 = tpu.memref_slice %arg2[%add3A_256, %dma_wait3A_375] : memref<128x32768xf32, #tpu.memory_space<hbm>> -> memref<1x32768xf32, #tpu.memory_space<hbm>>
    %dma_wait3A_377 = tpu.memref_squeeze %dma_wait3A_376 : memref<1x32768xf32, #tpu.memory_space<hbm>> -> memref<32768xf32, #tpu.memory_space<hbm>>
    %dma_wait3A_378 = arith.constant 0 : i32
    %dma_wait3A_379 = tpu.memref_slice %arg5[%dma_wait3A_378] : memref<32784xf32, #tpu.memory_space<vmem>> -> memref<32768xf32, #tpu.memory_space<vmem>>
    %dma_wait3A_380 = arith.constant 0 : i32
    %dma_wait3A_381 = tpu.memref_slice %arg2[%add3A_256, %dma_wait3A_380] : memref<128x32768xf32, #tpu.memory_space<hbm>> -> memref<1x32768xf32, #tpu.memory_space<hbm>>
    %dma_wait3A_382 = tpu.memref_squeeze %dma_wait3A_381 : memref<1x32768xf32, #tpu.memory_space<hbm>> -> memref<32768xf32, #tpu.memory_space<hbm>>
    tpu.wait_dma2 semaphore(%arg11 : memref<!tpu.dma_semaphore, #tpu.memory_space<semaphore_mem>>) src(%dma_wait3A_382 : memref<32768xf32, #tpu.memory_space<hbm>>) dst(%dma_wait3A_379 : memref<32768xf32, #tpu.memory_space<vmem>>)
    %parallel_loop3A_383 = arith.constant 0 : i32
    %parallel_loop3A_384 = arith.constant 32768 : i32
    %parallel_loop3A_385 = arith.constant 16 : i32
    %parallel_loop3A_386 = scf.for %parallel_loop3A_499 = %parallel_loop3A_383 to %parallel_loop3A_384 step %parallel_loop3A_385 iter_args(%parallel_loop3A_500 = %broadcast_in_dim3A_3) -> (vector<16xi32>)  : i32 {
      %parallel_loop3A_501 = arith.index_cast %parallel_loop3A_499 : i32 to index
      %parallel_loop3A_502 = tpu.vector_load %arg5[%parallel_loop3A_501] {strides = array<i32>} : memref<32784xf32, #tpu.memory_space<vmem>>, vector<16xf32>,
      %parallel_loop3A_503 = arith.constant 2.000000e+00 : f32
      %parallel_loop3A_504 = vector.broadcast %parallel_loop3A_503 : f32 to vector<16xf32>
      %parallel_loop3A_505 = arith.cmpf oge, %parallel_loop3A_502, %parallel_loop3A_504 : vector<16xf32>
      %parallel_loop3A_506 = arith.extui %parallel_loop3A_505 : vector<16xi1> to vector<16xi32>
      %parallel_loop3A_507 = arith.constant true
      %parallel_loop3A_508 = vector.broadcast %parallel_loop3A_507 : i1 to vector<16xi1>
      %parallel_loop3A_509 = tpu.scan <sum>, %parallel_loop3A_506 masked %parallel_loop3A_508 : vector<16xi32>, vector<16xi1> -> vector<16xi32>
      %parallel_loop3A_510 = arith.addi %parallel_loop3A_500, %parallel_loop3A_509 : vector<16xi32>
      %parallel_loop3A_511 = arith.subi %parallel_loop3A_510, %parallel_loop3A_506 : vector<16xi32>
      %parallel_loop3A_512 = vector.broadcast %parallel_loop3A_499 : i32 to vector<16xi32>
      %parallel_loop3A_513 = arith.addi %parallel_loop3A_512, %iota3A : vector<16xi32>
      %parallel_loop3A_514 = arith.constant 8192 : i32
      %parallel_loop3A_515 = vector.broadcast %parallel_loop3A_514 : i32 to vector<16xi32>
      %parallel_loop3A_516 = arith.cmpi slt, %parallel_loop3A_511, %parallel_loop3A_515 : vector<16xi32>
      %parallel_loop3A_517 = arith.andi %parallel_loop3A_505, %parallel_loop3A_516 : vector<16xi1>
      tpu.vector_store_idx %arg8[%parallel_loop3A_511], %parallel_loop3A_513 masked %parallel_loop3A_517 : memref<8208xi32, #tpu.memory_space<vmem>>[vector<16xi32>], vector<16xi32>, vector<16xi1>
      %parallel_loop3A_518 = tpu.all_reduce %parallel_loop3A_505 {dim = 0 : i64, kind = #tpu.reduction_kind<sum>} : vector<16xi1> -> vector<16xi32>
      %parallel_loop3A_519 = arith.addi %parallel_loop3A_500, %parallel_loop3A_518 : vector<16xi32>
      scf.yield %parallel_loop3A_519 : vector<16xi32>
    } {sc.loop_unroll_factor = 8 : i64, sc.parallel_access}
    %slice3A_387 = vector.extract_strided_slice %parallel_loop3A_386 {offsets = [0], sizes = [1], strides = [1]} : vector<16xi32> to vector<1xi32>
    %squeeze3A_388 = vector.extract %slice3A_387[0] : i32 from vector<1xi32>
    %ge3A_389 = arith.constant 512 : i32
    %ge3A_390 = arith.cmpi sge, %squeeze3A_388, %ge3A_389 : i32
    %le3A_391 = arith.constant 8192 : i32
    %le3A_392 = arith.cmpi sle, %squeeze3A_388, %le3A_391 : i32
    %and3A_393 = arith.andi %ge3A_390, %le3A_392 : i1
    %min3A_394 = arith.constant 8192 : i32
    %min3A_395 = arith.minsi %squeeze3A_388, %min3A_394 : i32
    %swap3A_396 = arith.index_cast %min3A_395 : i32 to index
    %swap3A_397 = tpu.vector_load %arg8[%swap3A_396] {strides = array<i32>} : memref<8208xi32, #tpu.memory_space<vmem>>, vector<16xi32>,
    tpu.vector_store %arg8[%swap3A_396], %broadcast_in_dim3A_9 {strides = array<i32>} : memref<8208xi32, #tpu.memory_space<vmem>>, vector<16xi32>,
    %min3A_398 = arith.constant 8192 : i32
    %min3A_399 = arith.minsi %squeeze3A_388, %min3A_398 : i32
    %add3A_400 = arith.constant 15 : i32
    %add3A_401 = arith.addi %min3A_399, %add3A_400 : i32
    %jit3A_402 = arith.constant 16 : i32
    %div3A_403 = arith.divsi %add3A_401, %jit3A_402 : i32
    %sign3A_404 = arith.constant 0 : i32
    %sign3A_405 = arith.cmpi sgt, %add3A_401, %sign3A_404 : i32
    %sign3A_406 = arith.extui %sign3A_405 : i1 to i32
    %sign3A_407 = arith.constant 0 : i32
    %sign3A_408 = arith.cmpi slt, %add3A_401, %sign3A_407 : i32
    %sign3A_409 = arith.extui %sign3A_408 : i1 to i32
    %sign3A_410 = arith.subi %sign3A_406, %sign3A_409 : i32
    %sign3A_411 = arith.constant 0 : i32
    %sign3A_412 = arith.cmpi sgt, %jit3A_402, %sign3A_411 : i32
    %sign3A_413 = arith.extui %sign3A_412 : i1 to i32
    %sign3A_414 = arith.constant 0 : i32
    %sign3A_415 = arith.cmpi slt, %jit3A_402, %sign3A_414 : i32
    %sign3A_416 = arith.extui %sign3A_415 : i1 to i32
    %sign3A_417 = arith.subi %sign3A_413, %sign3A_416 : i32
    %ne3A_418 = arith.cmpi ne, %sign3A_410, %sign3A_417 : i32
    %rem3A_419 = arith.remsi %add3A_401, %jit3A_402 : i32
    %ne3A_420 = arith.constant 0 : i32
    %ne3A_421 = arith.cmpi ne, %rem3A_419, %ne3A_420 : i32
    %and3A_422 = arith.andi %ne3A_418, %ne3A_421 : i1
    %sub3A_423 = arith.constant 1 : i32
    %sub3A_424 = arith.subi %div3A_403, %sub3A_423 : i32
    %select_n3A_425 = arith.select %and3A_422, %sub3A_424, %div3A_403 : i32
    %parallel_loop3A_426 = arith.constant 0 : i32
    %parallel_loop3A_427 = arith.constant 272 : i32
    %parallel_loop3A_428 = arith.constant 16 : i32
    scf.for %parallel_loop3A_499 = %parallel_loop3A_426 to %parallel_loop3A_427 step %parallel_loop3A_428  : i32 {
      %parallel_loop3A_500 = arith.constant 0 : i32
      %parallel_loop3A_501 = vector.broadcast %parallel_loop3A_500 : i32 to vector<16xi32>
      %parallel_loop3A_502 = arith.index_cast %parallel_loop3A_499 : i32 to index
      %parallel_loop3A_503 = tpu.vector_load %arg10[%parallel_loop3A_502] {strides = array<i32>} : memref<272xi32, #tpu.memory_space<vmem>>, vector<16xi32>,
      tpu.vector_store %arg10[%parallel_loop3A_502], %parallel_loop3A_501 {strides = array<i32>} : memref<272xi32, #tpu.memory_space<vmem>>, vector<16xi32>,
    } {sc.loop_unroll_factor = 1 : i64, sc.parallel_access}
    %mul3A_429 = arith.constant 16 : i32
    %mul3A_430 = arith.muli %select_n3A_425, %mul3A_429 : i32
    %parallel_loop3A_431 = arith.constant 0 : i32
    %parallel_loop3A_432 = arith.constant 16 : i32
    scf.for %parallel_loop3A_499 = %parallel_loop3A_431 to %mul3A_430 step %parallel_loop3A_432  : i32 {
      %parallel_loop3A_500 = arith.index_cast %parallel_loop3A_499 : i32 to index
      %parallel_loop3A_501 = tpu.vector_load %arg8[%parallel_loop3A_500] {strides = array<i32>} : memref<8208xi32, #tpu.memory_space<vmem>>, vector<16xi32>,
      %parallel_loop3A_502 = tpu.vector_load_idx %arg5[%parallel_loop3A_501] : memref<32784xf32, #tpu.memory_space<vmem>>[vector<16xi32>], vector<16xf32>,
      %parallel_loop3A_503 = vector.bitcast %parallel_loop3A_502 : vector<16xf32> to vector<16xi32>
      %parallel_loop3A_504 = arith.constant 1073741824 : i32
      %parallel_loop3A_505 = vector.broadcast %parallel_loop3A_504 : i32 to vector<16xi32>
      %parallel_loop3A_506 = arith.subi %parallel_loop3A_503, %parallel_loop3A_505 : vector<16xi32>
      %parallel_loop3A_507 = arith.constant 19 : i32
      %parallel_loop3A_508 = vector.broadcast %parallel_loop3A_507 : i32 to vector<16xi32>
      %parallel_loop3A_509 = arith.shrsi %parallel_loop3A_506, %parallel_loop3A_508 : vector<16xi32>
      %parallel_loop3A_510 = arith.constant 0 : i32
      %parallel_loop3A_511 = arith.constant 16 : i32
      %parallel_loop3A_512 = vector.broadcast %parallel_loop3A_510 : i32 to vector<16xi32>
      %parallel_loop3A_513 = arith.maxsi %parallel_loop3A_512, %parallel_loop3A_509 : vector<16xi32>
      %parallel_loop3A_514 = vector.broadcast %parallel_loop3A_511 : i32 to vector<16xi32>
      %parallel_loop3A_515 = arith.minsi %parallel_loop3A_514, %parallel_loop3A_513 : vector<16xi32>
      %parallel_loop3A_516 = arith.constant 16 : i32
      %parallel_loop3A_517 = vector.broadcast %parallel_loop3A_516 : i32 to vector<16xi32>
      %parallel_loop3A_518 = arith.muli %parallel_loop3A_515, %parallel_loop3A_517 : vector<16xi32>
      %parallel_loop3A_519 = arith.addi %parallel_loop3A_518, %iota3A : vector<16xi32>
      tpu.vector_store_idx %arg10[%parallel_loop3A_519], %broadcast_in_dim3A_5 {add = true} : memref<272xi32, #tpu.memory_space<vmem>>[vector<16xi32>], vector<16xi32>,
    } {sc.loop_unroll_factor = 1 : i64, sc.parallel_access}
    %scan3A_433 = arith.constant 0 : i32
    %scan3A_434 = arith.constant 0 : i32
    %scan3A_435 = arith.constant 0 : i32
    %scan3A_436 = arith.constant 0 : i32
    %scan3A_437 = arith.constant 0 : i32
    %scan3A_438 = arith.constant 17 : i32
    %scan3A_439 = arith.addi %scan3A_437, %scan3A_438 : i32
    %scan3A_440 = arith.constant 1 : i32
    %scan3A_441:4 = scf.for %scan3A_499 = %scan3A_437 to %scan3A_439 step %scan3A_440 iter_args(%scan3A_500 = %scan3A_433, %scan3A_501 = %scan3A_434, %scan3A_502 = %scan3A_435, %scan3A_503 = %scan3A_436) -> (i32, i32, i32, i32)  : i32 {
      %sub3A_504 = arith.constant 16 : i32
      %sub3A_505 = arith.subi %sub3A_504, %scan3A_499 : i32
      %mul3A_506 = arith.constant 16 : i32
      %mul3A_507 = arith.muli %sub3A_505, %mul3A_506 : i32
      %get3A = arith.index_cast %mul3A_507 : i32 to index
      %get3A_508 = tpu.vector_load %arg10[%get3A] {strides = array<i32>} : memref<272xi32, #tpu.memory_space<vmem>>, vector<16xi32>,
      %reduce_sum3A = arith.constant true
      %reduce_sum3A_509 = vector.broadcast %reduce_sum3A : i1 to vector<16xi1>
      %reduce_sum3A_510 = tpu.scan <sum>, %get3A_508 masked %reduce_sum3A_509 : vector<16xi32>, vector<16xi1> -> vector<16xi32>
      %reduce_sum3A_511 = vector.extract %reduce_sum3A_510[15] : i32 from vector<16xi32>
      %add3A_512 = arith.addi %scan3A_500, %reduce_sum3A_511 : i32
      %lt3A_513 = arith.constant 512 : i32
      %lt3A_514 = arith.cmpi slt, %scan3A_500, %lt3A_513 : i32
      %ge3A_515 = arith.constant 512 : i32
      %ge3A_516 = arith.cmpi sge, %add3A_512, %ge3A_515 : i32
      %and3A_517 = arith.andi %lt3A_514, %ge3A_516 : i1
      %select_n3A_518 = arith.select %and3A_517, %sub3A_505, %scan3A_501 : i32
      %select_n3A_519 = arith.select %and3A_517, %scan3A_500, %scan3A_502 : i32
      %select_n3A_520 = arith.select %and3A_517, %reduce_sum3A_511, %scan3A_503 : i32
      scf.yield %add3A_512, %select_n3A_518, %select_n3A_519, %select_n3A_520 : i32, i32, i32, i32
    }
    %scan3A_442 = arith.constant 17 : i32
    %lt3A_443 = arith.constant 16 : i32
    %lt3A_444 = arith.cmpi slt, %scan3A_441#1, %lt3A_443 : i32
    %and3A_445 = arith.andi %and3A_393, %lt3A_444 : i1
    %le3A_446 = arith.constant 1024 : i32
    %le3A_447 = arith.cmpi sle, %scan3A_441#3, %le3A_446 : i32
    %and3A_448 = arith.andi %and3A_445, %le3A_447 : i1
    %convert_element_type3A_449 = arith.extui %and3A_448 : i1 to i32
    %cond3A_450 = arith.constant 0 : i32
    %cond3A_451 = arith.cmpi ne, %convert_element_type3A_449, %cond3A_450 : i32
    %cond3A_452 = scf.if %cond3A_451 -> (i32) {
      %shift_left3A = arith.constant 19 : i32
      %shift_left3A_499 = arith.shli %scan3A_441#1, %shift_left3A : i32
      %add3A_500 = arith.constant 1073741824 : i32
      %add3A_501 = arith.addi %add3A_500, %shift_left3A_499 : i32
      %mul3A_502 = arith.constant 16 : i32
      %mul3A_503 = arith.muli %select_n3A_425, %mul3A_502 : i32
      %parallel_loop3A_504 = arith.constant 0 : i32
      %parallel_loop3A_505 = arith.constant 16 : i32
      %parallel_loop3A_506 = scf.for %parallel_loop3A_552 = %parallel_loop3A_504 to %mul3A_503 step %parallel_loop3A_505 iter_args(%parallel_loop3A_553 = %broadcast_in_dim3A_3) -> (vector<16xi32>)  : i32 {
        %parallel_loop3A_554 = arith.index_cast %parallel_loop3A_552 : i32 to index
        %parallel_loop3A_555 = tpu.vector_load %arg8[%parallel_loop3A_554] {strides = array<i32>} : memref<8208xi32, #tpu.memory_space<vmem>>, vector<16xi32>,
        %parallel_loop3A_556 = tpu.vector_load_idx %arg5[%parallel_loop3A_555] : memref<32784xf32, #tpu.memory_space<vmem>>[vector<16xi32>], vector<16xf32>,
        %parallel_loop3A_557 = vector.bitcast %parallel_loop3A_556 : vector<16xf32> to vector<16xi32>
        %parallel_loop3A_558 = vector.broadcast %add3A_501 : i32 to vector<16xi32>
        %parallel_loop3A_559 = arith.cmpi sge, %parallel_loop3A_557, %parallel_loop3A_558 : vector<16xi32>
        %parallel_loop3A_560 = arith.constant 524288 : i32
        %parallel_loop3A_561 = arith.addi %add3A_501, %parallel_loop3A_560 : i32
        %parallel_loop3A_562 = vector.broadcast %parallel_loop3A_561 : i32 to vector<16xi32>
        %parallel_loop3A_563 = arith.cmpi slt, %parallel_loop3A_557, %parallel_loop3A_562 : vector<16xi32>
        %parallel_loop3A_564 = arith.andi %parallel_loop3A_559, %parallel_loop3A_563 : vector<16xi1>
        %parallel_loop3A_565 = arith.extui %parallel_loop3A_564 : vector<16xi1> to vector<16xi32>
        %parallel_loop3A_566 = arith.constant true
        %parallel_loop3A_567 = vector.broadcast %parallel_loop3A_566 : i1 to vector<16xi1>
        %parallel_loop3A_568 = tpu.scan <sum>, %parallel_loop3A_565 masked %parallel_loop3A_567 : vector<16xi32>, vector<16xi1> -> vector<16xi32>
        %parallel_loop3A_569 = arith.addi %parallel_loop3A_553, %parallel_loop3A_568 : vector<16xi32>
        %parallel_loop3A_570 = arith.subi %parallel_loop3A_569, %parallel_loop3A_565 : vector<16xi32>
        %parallel_loop3A_571 = arith.constant 1024 : i32
        %parallel_loop3A_572 = vector.broadcast %parallel_loop3A_571 : i32 to vector<16xi32>
        %parallel_loop3A_573 = arith.cmpi slt, %parallel_loop3A_570, %parallel_loop3A_572 : vector<16xi32>
        %parallel_loop3A_574 = arith.andi %parallel_loop3A_564, %parallel_loop3A_573 : vector<16xi1>
        tpu.vector_store_idx %arg9[%parallel_loop3A_570], %parallel_loop3A_555 masked %parallel_loop3A_574 : memref<1040xi32, #tpu.memory_space<vmem>>[vector<16xi32>], vector<16xi32>, vector<16xi1>
        %parallel_loop3A_575 = tpu.all_reduce %parallel_loop3A_564 {dim = 0 : i64, kind = #tpu.reduction_kind<sum>} : vector<16xi1> -> vector<16xi32>
        %parallel_loop3A_576 = arith.addi %parallel_loop3A_553, %parallel_loop3A_575 : vector<16xi32>
        scf.yield %parallel_loop3A_576 : vector<16xi32>
      } {sc.loop_unroll_factor = 1 : i64, sc.parallel_access}
      %slice3A_507 = vector.extract_strided_slice %parallel_loop3A_506 {offsets = [0], sizes = [1], strides = [1]} : vector<16xi32> to vector<1xi32>
      %squeeze3A_508 = vector.extract %slice3A_507[0] : i32 from vector<1xi32>
      %min3A_509 = arith.constant 1024 : i32
      %min3A_510 = arith.minsi %squeeze3A_508, %min3A_509 : i32
      %swap3A_511 = arith.index_cast %min3A_510 : i32 to index
      %swap3A_512 = tpu.vector_load %arg9[%swap3A_511] {strides = array<i32>} : memref<1040xi32, #tpu.memory_space<vmem>>, vector<16xi32>,
      tpu.vector_store %arg9[%swap3A_511], %broadcast_in_dim3A_9 {strides = array<i32>} : memref<1040xi32, #tpu.memory_space<vmem>>, vector<16xi32>,
      %add3A_513 = arith.constant 15 : i32
      %add3A_514 = arith.addi %squeeze3A_508, %add3A_513 : i32
      %jit3A_515 = arith.constant 16 : i32
      %div3A_516 = arith.divsi %add3A_514, %jit3A_515 : i32
      %sign3A_517 = arith.constant 0 : i32
      %sign3A_518 = arith.cmpi sgt, %add3A_514, %sign3A_517 : i32
      %sign3A_519 = arith.extui %sign3A_518 : i1 to i32
      %sign3A_520 = arith.constant 0 : i32
      %sign3A_521 = arith.cmpi slt, %add3A_514, %sign3A_520 : i32
      %sign3A_522 = arith.extui %sign3A_521 : i1 to i32
      %sign3A_523 = arith.subi %sign3A_519, %sign3A_522 : i32
      %sign3A_524 = arith.constant 0 : i32
      %sign3A_525 = arith.cmpi sgt, %jit3A_515, %sign3A_524 : i32
      %sign3A_526 = arith.extui %sign3A_525 : i1 to i32
      %sign3A_527 = arith.constant 0 : i32
      %sign3A_528 = arith.cmpi slt, %jit3A_515, %sign3A_527 : i32
      %sign3A_529 = arith.extui %sign3A_528 : i1 to i32
      %sign3A_530 = arith.subi %sign3A_526, %sign3A_529 : i32
      %ne3A_531 = arith.cmpi ne, %sign3A_523, %sign3A_530 : i32
      %rem3A_532 = arith.remsi %add3A_514, %jit3A_515 : i32
      %ne3A_533 = arith.constant 0 : i32
      %ne3A_534 = arith.cmpi ne, %rem3A_532, %ne3A_533 : i32
      %and3A_535 = arith.andi %ne3A_531, %ne3A_534 : i1
      %sub3A_536 = arith.constant 1 : i32
      %sub3A_537 = arith.subi %div3A_516, %sub3A_536 : i32
      %select_n3A_538 = arith.select %and3A_535, %sub3A_537, %div3A_516 : i32
      %sub3A_539 = arith.constant 512 : i32
      %sub3A_540 = arith.subi %sub3A_539, %scan3A_441#2 : i32
      %xor3A_541 = arith.constant -2147483648 : i32
      %xor3A_542 = arith.xori %add3A_501, %xor3A_541 : i32
      %broadcast_in_dim3A_543 = vector.broadcast %xor3A_542 : i32 to vector<16xi32>
      %scan3A_544 = arith.constant 13 : i32
      %scan3A_545 = arith.constant 19 : i32
      %scan3A_546 = arith.addi %scan3A_544, %scan3A_545 : i32
      %scan3A_547 = arith.constant 1 : i32
      %scan3A_548 = scf.for %scan3A_552 = %scan3A_544 to %scan3A_546 step %scan3A_547 iter_args(%scan3A_553 = %broadcast_in_dim3A_543) -> (vector<16xi32>)  : i32 {
        %sub3A_554 = arith.constant 31 : i32
        %sub3A_555 = arith.subi %sub3A_554, %scan3A_552 : i32
        %shift_left3A_556 = arith.constant 1 : i32
        %shift_left3A_557 = arith.shli %shift_left3A_556, %sub3A_555 : i32
        %or3A = vector.broadcast %shift_left3A_557 : i32 to vector<16xi32>
        %or3A_558 = arith.ori %scan3A_553, %or3A : vector<16xi32>
        %xor3A_559 = arith.constant -2147483648 : i32
        %xor3A_560 = vector.broadcast %xor3A_559 : i32 to vector<16xi32>
        %xor3A_561 = arith.xori %or3A_558, %xor3A_560 : vector<16xi32>
        %bitcast3A_562 = vector.bitcast %xor3A_561 : vector<16xi32> to vector<16xf32>
        %mul3A_563 = arith.constant 16 : i32
        %mul3A_564 = arith.muli %select_n3A_538, %mul3A_563 : i32
        %parallel_loop3A_565 = arith.constant 0 : i32
        %parallel_loop3A_566 = arith.constant 16 : i32
        %parallel_loop3A_567 = scf.for %parallel_loop3A_571 = %parallel_loop3A_565 to %mul3A_564 step %parallel_loop3A_566 iter_args(%parallel_loop3A_572 = %broadcast_in_dim3A_3) -> (vector<16xi32>)  : i32 {
          %parallel_loop3A_573 = arith.index_cast %parallel_loop3A_571 : i32 to index
          %parallel_loop3A_574 = tpu.vector_load %arg9[%parallel_loop3A_573] {strides = array<i32>} : memref<1040xi32, #tpu.memory_space<vmem>>, vector<16xi32>,
          %parallel_loop3A_575 = tpu.vector_load_idx %arg5[%parallel_loop3A_574] : memref<32784xf32, #tpu.memory_space<vmem>>[vector<16xi32>], vector<16xf32>,
          %parallel_loop3A_576 = arith.cmpf oge, %parallel_loop3A_575, %bitcast3A_562 : vector<16xf32>
          %parallel_loop3A_577 = tpu.all_reduce %parallel_loop3A_576 {dim = 0 : i64, kind = #tpu.reduction_kind<sum>} : vector<16xi1> -> vector<16xi32>
          %parallel_loop3A_578 = arith.addi %parallel_loop3A_572, %parallel_loop3A_577 : vector<16xi32>
          scf.yield %parallel_loop3A_578 : vector<16xi32>
        } {sc.loop_unroll_factor = 1 : i64, sc.parallel_access}
        %ge3A_568 = vector.broadcast %sub3A_540 : i32 to vector<16xi32>
        %ge3A_569 = arith.cmpi sge, %parallel_loop3A_567, %ge3A_568 : vector<16xi32>
        %select_n3A_570 = arith.select %ge3A_569, %or3A_558, %scan3A_553 : vector<16xi1>, vector<16xi32>
        scf.yield %select_n3A_570 : vector<16xi32>
      }
      %scan3A_549 = arith.constant 19 : i32
      %slice3A_550 = vector.extract_strided_slice %scan3A_548 {offsets = [0], sizes = [1], strides = [1]} : vector<16xi32> to vector<1xi32>
      %squeeze3A_551 = vector.extract %slice3A_550[0] : i32 from vector<1xi32>
      scf.yield %squeeze3A_551 : i32
    } else {
      %convert_element_type3A_499 = arith.extui %and3A_393 : i1 to i32
      %cond3A_500 = arith.constant 0 : i32
      %cond3A_501 = arith.cmpi ne, %convert_element_type3A_499, %cond3A_500 : i32
      %cond3A_502 = scf.if %cond3A_501 -> (i32) {
        %broadcast_in_dim3A_503 = arith.constant -1073741824 : i32
        %broadcast_in_dim3A_504 = vector.broadcast %broadcast_in_dim3A_503 : i32 to vector<16xi32>
        %scan3A_505 = arith.constant 2 : i32
        %scan3A_506 = arith.constant 30 : i32
        %scan3A_507 = arith.addi %scan3A_505, %scan3A_506 : i32
        %scan3A_508 = arith.constant 1 : i32
        %scan3A_509 = scf.for %scan3A_513 = %scan3A_505 to %scan3A_507 step %scan3A_508 iter_args(%scan3A_514 = %broadcast_in_dim3A_504) -> (vector<16xi32>)  : i32 {
          %sub3A_515 = arith.constant 31 : i32
          %sub3A_516 = arith.subi %sub3A_515, %scan3A_513 : i32
          %shift_left3A = arith.constant 1 : i32
          %shift_left3A_517 = arith.shli %shift_left3A, %sub3A_516 : i32
          %or3A = vector.broadcast %shift_left3A_517 : i32 to vector<16xi32>
          %or3A_518 = arith.ori %scan3A_514, %or3A : vector<16xi32>
          %xor3A_519 = arith.constant -2147483648 : i32
          %xor3A_520 = vector.broadcast %xor3A_519 : i32 to vector<16xi32>
          %xor3A_521 = arith.xori %or3A_518, %xor3A_520 : vector<16xi32>
          %bitcast3A_522 = vector.bitcast %xor3A_521 : vector<16xi32> to vector<16xf32>
          %mul3A_523 = arith.constant 16 : i32
          %mul3A_524 = arith.muli %select_n3A_425, %mul3A_523 : i32
          %parallel_loop3A_525 = arith.constant 0 : i32
          %parallel_loop3A_526 = arith.constant 16 : i32
          %parallel_loop3A_527 = scf.for %parallel_loop3A_532 = %parallel_loop3A_525 to %mul3A_524 step %parallel_loop3A_526 iter_args(%parallel_loop3A_533 = %broadcast_in_dim3A_3) -> (vector<16xi32>)  : i32 {
            %parallel_loop3A_534 = arith.index_cast %parallel_loop3A_532 : i32 to index
            %parallel_loop3A_535 = tpu.vector_load %arg8[%parallel_loop3A_534] {strides = array<i32>} : memref<8208xi32, #tpu.memory_space<vmem>>, vector<16xi32>,
            %parallel_loop3A_536 = tpu.vector_load_idx %arg5[%parallel_loop3A_535] : memref<32784xf32, #tpu.memory_space<vmem>>[vector<16xi32>], vector<16xf32>,
            %parallel_loop3A_537 = arith.cmpf oge, %parallel_loop3A_536, %bitcast3A_522 : vector<16xf32>
            %parallel_loop3A_538 = tpu.all_reduce %parallel_loop3A_537 {dim = 0 : i64, kind = #tpu.reduction_kind<sum>} : vector<16xi1> -> vector<16xi32>
            %parallel_loop3A_539 = arith.addi %parallel_loop3A_533, %parallel_loop3A_538 : vector<16xi32>
            scf.yield %parallel_loop3A_539 : vector<16xi32>
          } {sc.loop_unroll_factor = 1 : i64, sc.parallel_access}
          %ge3A_528 = arith.constant 512 : i32
          %ge3A_529 = vector.broadcast %ge3A_528 : i32 to vector<16xi32>
          %ge3A_530 = arith.cmpi sge, %parallel_loop3A_527, %ge3A_529 : vector<16xi32>
          %select_n3A_531 = arith.select %ge3A_530, %or3A_518, %scan3A_514 : vector<16xi1>, vector<16xi32>
          scf.yield %select_n3A_531 : vector<16xi32>
        }
        %scan3A_510 = arith.constant 30 : i32
        %slice3A_511 = vector.extract_strided_slice %scan3A_509 {offsets = [0], sizes = [1], strides = [1]} : vector<16xi32> to vector<1xi32>
        %squeeze3A_512 = vector.extract %slice3A_511[0] : i32 from vector<1xi32>
        scf.yield %squeeze3A_512 : i32
      } else {
        %scan3A_503 = arith.constant 0 : i32
        %scan3A_504 = arith.constant 0 : i32
        %scan3A_505 = arith.constant 32 : i32
        %scan3A_506 = arith.addi %scan3A_504, %scan3A_505 : i32
        %scan3A_507 = arith.constant 1 : i32
        %scan3A_508 = scf.for %scan3A_510 = %scan3A_504 to %scan3A_506 step %scan3A_507 iter_args(%scan3A_511 = %scan3A_503) -> (i32)  : i32 {
          %sub3A_512 = arith.constant 31 : i32
          %sub3A_513 = arith.subi %sub3A_512, %scan3A_510 : i32
          %shift_left3A = arith.constant 1 : i32
          %shift_left3A_514 = arith.shli %shift_left3A, %sub3A_513 : i32
          %or3A = arith.ori %scan3A_511, %shift_left3A_514 : i32
          %xor3A_515 = arith.constant -2147483648 : i32
          %xor3A_516 = arith.xori %or3A, %xor3A_515 : i32
          %parallel_loop3A_517 = arith.constant 0 : i32
          %parallel_loop3A_518 = arith.constant 32768 : i32
          %parallel_loop3A_519 = arith.constant 16 : i32
          %parallel_loop3A_520 = scf.for %parallel_loop3A_527 = %parallel_loop3A_517 to %parallel_loop3A_518 step %parallel_loop3A_519 iter_args(%parallel_loop3A_528 = %broadcast_in_dim3A_3) -> (vector<16xi32>)  : i32 {
            %parallel_loop3A_529 = arith.index_cast %parallel_loop3A_527 : i32 to index
            %parallel_loop3A_530 = tpu.vector_load %arg5[%parallel_loop3A_529] {strides = array<i32>} : memref<32784xf32, #tpu.memory_space<vmem>>, vector<16xf32>,
            %parallel_loop3A_531 = vector.bitcast %parallel_loop3A_530 : vector<16xf32> to vector<16xi32>
            %parallel_loop3A_532 = arith.constant 31 : i32
            %parallel_loop3A_533 = vector.broadcast %parallel_loop3A_532 : i32 to vector<16xi32>
            %parallel_loop3A_534 = arith.shrsi %parallel_loop3A_531, %parallel_loop3A_533 : vector<16xi32>
            %parallel_loop3A_535 = arith.constant 2147483647 : i32
            %parallel_loop3A_536 = vector.broadcast %parallel_loop3A_535 : i32 to vector<16xi32>
            %parallel_loop3A_537 = arith.andi %parallel_loop3A_534, %parallel_loop3A_536 : vector<16xi32>
            %parallel_loop3A_538 = arith.xori %parallel_loop3A_531, %parallel_loop3A_537 : vector<16xi32>
            %parallel_loop3A_539 = vector.broadcast %xor3A_516 : i32 to vector<16xi32>
            %parallel_loop3A_540 = arith.cmpi sge, %parallel_loop3A_538, %parallel_loop3A_539 : vector<16xi32>
            %parallel_loop3A_541 = arith.constant 1 : i32
            %parallel_loop3A_542 = arith.constant 0 : i32
            %parallel_loop3A_543 = vector.broadcast %parallel_loop3A_541 : i32 to vector<16xi32>
            %parallel_loop3A_544 = vector.broadcast %parallel_loop3A_542 : i32 to vector<16xi32>
            %parallel_loop3A_545 = arith.select %parallel_loop3A_540, %parallel_loop3A_543, %parallel_loop3A_544 : vector<16xi1>, vector<16xi32>
            %parallel_loop3A_546 = arith.addi %parallel_loop3A_528, %parallel_loop3A_545 : vector<16xi32>
            scf.yield %parallel_loop3A_546 : vector<16xi32>
          } {sc.loop_unroll_factor = 4 : i64, sc.parallel_access}
          %reduce_sum3A = arith.constant true
          %reduce_sum3A_521 = vector.broadcast %reduce_sum3A : i1 to vector<16xi1>
          %reduce_sum3A_522 = tpu.scan <sum>, %parallel_loop3A_520 masked %reduce_sum3A_521 : vector<16xi32>, vector<16xi1> -> vector<16xi32>
          %reduce_sum3A_523 = vector.extract %reduce_sum3A_522[15] : i32 from vector<16xi32>
          %ge3A_524 = arith.constant 512 : i32
          %ge3A_525 = arith.cmpi sge, %reduce_sum3A_523, %ge3A_524 : i32
          %select_n3A_526 = arith.select %ge3A_525, %or3A, %scan3A_511 : i32
          scf.yield %select_n3A_526 : i32
        }
        %scan3A_509 = arith.constant 32 : i32
        scf.yield %scan3A_508 : i32
      }
      scf.yield %cond3A_502 : i32
    }
    %xor3A_453 = arith.constant -2147483648 : i32
    %xor3A_454 = arith.xori %cond3A_452, %xor3A_453 : i32
    %max3A_455 = arith.constant 1 : i32
    %max3A_456 = arith.maxsi %xor3A_454, %max3A_455 : i32
    %broadcast_in_dim3A_457 = vector.broadcast %max3A_456 : i32 to vector<16xi32>
    %bitcast3A_458 = vector.bitcast %broadcast_in_dim3A_457 : vector<16xi32> to vector<16xf32>
    %dma_wait3A_459 = arith.constant 0 : i32
    %dma_wait3A_460 = tpu.memref_slice %arg6[%dma_wait3A_459] : memref<32784xf32, #tpu.memory_space<vmem>> -> memref<32768xf32, #tpu.memory_space<vmem>>
    %dma_wait3A_461 = arith.constant 0 : i32
    %dma_wait3A_462 = tpu.memref_slice %arg3[%add3A_362, %dma_wait3A_461] : memref<128x32768xf32, #tpu.memory_space<hbm>> -> memref<1x32768xf32, #tpu.memory_space<hbm>>
    %dma_wait3A_463 = tpu.memref_squeeze %dma_wait3A_462 : memref<1x32768xf32, #tpu.memory_space<hbm>> -> memref<32768xf32, #tpu.memory_space<hbm>>
    %dma_wait3A_464 = arith.constant 0 : i32
    %dma_wait3A_465 = tpu.memref_slice %arg3[%add3A_362, %dma_wait3A_464] : memref<128x32768xf32, #tpu.memory_space<hbm>> -> memref<1x32768xf32, #tpu.memory_space<hbm>>
    %dma_wait3A_466 = tpu.memref_squeeze %dma_wait3A_465 : memref<1x32768xf32, #tpu.memory_space<hbm>> -> memref<32768xf32, #tpu.memory_space<hbm>>
    %dma_wait3A_467 = arith.constant 0 : i32
    %dma_wait3A_468 = tpu.memref_slice %arg6[%dma_wait3A_467] : memref<32784xf32, #tpu.memory_space<vmem>> -> memref<32768xf32, #tpu.memory_space<vmem>>
    tpu.wait_dma2 semaphore(%arg12 : memref<!tpu.dma_semaphore, #tpu.memory_space<semaphore_mem>>) src(%dma_wait3A_468 : memref<32768xf32, #tpu.memory_space<vmem>>) dst(%dma_wait3A_466 : memref<32768xf32, #tpu.memory_space<hbm>>)
    %convert_element_type3A_469 = arith.extui %and3A_277 : i1 to i32
    %cond3A_470 = arith.constant 0 : i32
    %cond3A_471 = arith.cmpi ne, %convert_element_type3A_469, %cond3A_470 : i32
    %cond3A_472 = scf.if %cond3A_471 -> (i32) {
      %mul3A_499 = arith.constant 16 : i32
      %mul3A_500 = arith.muli %select_n3A_309, %mul3A_499 : i32
      %parallel_loop3A_501 = arith.constant 0 : i32
      %parallel_loop3A_502 = arith.constant 16 : i32
      scf.for %parallel_loop3A_504 = %parallel_loop3A_501 to %mul3A_500 step %parallel_loop3A_502  : i32 {
        %parallel_loop3A_505 = arith.index_cast %parallel_loop3A_504 : i32 to index
        %parallel_loop3A_506 = tpu.vector_load %arg7[%parallel_loop3A_505] {strides = array<i32>} : memref<8208xi32, #tpu.memory_space<vmem>>, vector<16xi32>,
        tpu.vector_store_idx %arg6[%parallel_loop3A_506], %broadcast_in_dim3A_7 : memref<32784xf32, #tpu.memory_space<vmem>>[vector<16xi32>], vector<16xf32>,
      } {sc.loop_unroll_factor = 1 : i64, sc.parallel_access}
      %cond3A_503 = arith.constant 0 : i32
      scf.yield %cond3A_503 : i32
    } else {
      %parallel_loop3A_499 = arith.constant 0 : i32
      %parallel_loop3A_500 = arith.constant 32768 : i32
      %parallel_loop3A_501 = arith.constant 16 : i32
      scf.for %parallel_loop3A_503 = %parallel_loop3A_499 to %parallel_loop3A_500 step %parallel_loop3A_501  : i32 {
        %parallel_loop3A_504 = arith.index_cast %parallel_loop3A_503 : i32 to index
        %parallel_loop3A_505 = tpu.vector_load %arg6[%parallel_loop3A_504] {strides = array<i32>} : memref<32784xf32, #tpu.memory_space<vmem>>, vector<16xf32>,
        tpu.vector_store %arg6[%parallel_loop3A_504], %broadcast_in_dim3A_7 {strides = array<i32>} : memref<32784xf32, #tpu.memory_space<vmem>>, vector<16xf32>,
      } {sc.loop_unroll_factor = 8 : i64, sc.parallel_access}
      %cond3A_502 = arith.constant 0 : i32
      scf.yield %cond3A_502 : i32
    }
    %convert_element_type3A_473 = arith.extui %and3A_393 : i1 to i32
    %cond3A_474 = arith.constant 0 : i32
    %cond3A_475 = arith.cmpi ne, %convert_element_type3A_473, %cond3A_474 : i32
    %cond3A_476 = scf.if %cond3A_475 -> (i32) {
      %mul3A_499 = arith.constant 16 : i32
      %mul3A_500 = arith.muli %select_n3A_425, %mul3A_499 : i32
      %parallel_loop3A_501 = arith.constant 0 : i32
      %parallel_loop3A_502 = arith.constant 16 : i32
      scf.for %parallel_loop3A_504 = %parallel_loop3A_501 to %mul3A_500 step %parallel_loop3A_502  : i32 {
        %parallel_loop3A_505 = arith.index_cast %parallel_loop3A_504 : i32 to index
        %parallel_loop3A_506 = tpu.vector_load %arg8[%parallel_loop3A_505] {strides = array<i32>} : memref<8208xi32, #tpu.memory_space<vmem>>, vector<16xi32>,
        %parallel_loop3A_507 = tpu.vector_load_idx %arg5[%parallel_loop3A_506] : memref<32784xf32, #tpu.memory_space<vmem>>[vector<16xi32>], vector<16xf32>,
        %parallel_loop3A_508 = arith.cmpf oge, %parallel_loop3A_507, %bitcast3A_458 : vector<16xf32>
        tpu.vector_store_idx %arg6[%parallel_loop3A_506], %parallel_loop3A_507 masked %parallel_loop3A_508 : memref<32784xf32, #tpu.memory_space<vmem>>[vector<16xi32>], vector<16xf32>, vector<16xi1>
      } {sc.loop_unroll_factor = 1 : i64, sc.parallel_access}
      %cond3A_503 = arith.constant 0 : i32
      scf.yield %cond3A_503 : i32
    } else {
      %parallel_loop3A_499 = arith.constant 0 : i32
      %parallel_loop3A_500 = arith.constant 32768 : i32
      %parallel_loop3A_501 = arith.constant 16 : i32
      scf.for %parallel_loop3A_503 = %parallel_loop3A_499 to %parallel_loop3A_500 step %parallel_loop3A_501  : i32 {
        %parallel_loop3A_504 = arith.index_cast %parallel_loop3A_503 : i32 to index
        %parallel_loop3A_505 = tpu.vector_load %arg5[%parallel_loop3A_504] {strides = array<i32>} : memref<32784xf32, #tpu.memory_space<vmem>>, vector<16xf32>,
        %parallel_loop3A_506 = arith.cmpf oge, %parallel_loop3A_505, %bitcast3A_458 : vector<16xf32>
        %parallel_loop3A_507 = arith.constant 0.000000e+00 : f32
        %parallel_loop3A_508 = vector.broadcast %parallel_loop3A_507 : f32 to vector<16xf32>
        %parallel_loop3A_509 = arith.select %parallel_loop3A_506, %parallel_loop3A_505, %parallel_loop3A_508 : vector<16xi1>, vector<16xf32>
        %parallel_loop3A_510 = arith.index_cast %parallel_loop3A_503 : i32 to index
        %parallel_loop3A_511 = tpu.vector_load %arg6[%parallel_loop3A_510] {strides = array<i32>} : memref<32784xf32, #tpu.memory_space<vmem>>, vector<16xf32>,
        tpu.vector_store %arg6[%parallel_loop3A_510], %parallel_loop3A_509 {strides = array<i32>} : memref<32784xf32, #tpu.memory_space<vmem>>, vector<16xf32>,
      } {sc.loop_unroll_factor = 8 : i64, sc.parallel_access}
      %cond3A_502 = arith.constant 0 : i32
      scf.yield %cond3A_502 : i32
    }
    %add3A_477 = arith.constant 3 : i32
    %add3A_478 = arith.addi %mul3A_2, %add3A_477 : i32
    %dma_start3A_479 = arith.constant 0 : i32
    %dma_start3A_480 = tpu.memref_slice %arg6[%dma_start3A_479] : memref<32784xf32, #tpu.memory_space<vmem>> -> memref<32768xf32, #tpu.memory_space<vmem>>
    %dma_start3A_481 = arith.constant 0 : i32
    %dma_start3A_482 = tpu.memref_slice %arg3[%add3A_478, %dma_start3A_481] : memref<128x32768xf32, #tpu.memory_space<hbm>> -> memref<1x32768xf32, #tpu.memory_space<hbm>>
    %dma_start3A_483 = tpu.memref_squeeze %dma_start3A_482 : memref<1x32768xf32, #tpu.memory_space<hbm>> -> memref<32768xf32, #tpu.memory_space<hbm>>
    %dma_start3A_484 = arith.constant 0 : i32
    %dma_start3A_485 = tpu.memref_slice %arg3[%add3A_478, %dma_start3A_484] : memref<128x32768xf32, #tpu.memory_space<hbm>> -> memref<1x32768xf32, #tpu.memory_space<hbm>>
    %dma_start3A_486 = tpu.memref_squeeze %dma_start3A_485 : memref<1x32768xf32, #tpu.memory_space<hbm>> -> memref<32768xf32, #tpu.memory_space<hbm>>
    %dma_start3A_487 = arith.constant 0 : i32
    %dma_start3A_488 = tpu.memref_slice %arg6[%dma_start3A_487] : memref<32784xf32, #tpu.memory_space<vmem>> -> memref<32768xf32, #tpu.memory_space<vmem>>
    tpu.enqueue_dma source(%dma_start3A_488 : memref<32768xf32, #tpu.memory_space<vmem>>) target(%dma_start3A_486 : memref<32768xf32, #tpu.memory_space<hbm>>) target_semaphore(%arg12 : memref<!tpu.dma_semaphore, #tpu.memory_space<semaphore_mem>>)
    %dma_wait3A_489 = arith.constant 0 : i32
    %dma_wait3A_490 = tpu.memref_slice %arg6[%dma_wait3A_489] : memref<32784xf32, #tpu.memory_space<vmem>> -> memref<32768xf32, #tpu.memory_space<vmem>>
    %dma_wait3A_491 = arith.constant 0 : i32
    %dma_wait3A_492 = tpu.memref_slice %arg3[%add3A_478, %dma_wait3A_491] : memref<128x32768xf32, #tpu.memory_space<hbm>> -> memref<1x32768xf32, #tpu.memory_space<hbm>>
    %dma_wait3A_493 = tpu.memref_squeeze %dma_wait3A_492 : memref<1x32768xf32, #tpu.memory_space<hbm>> -> memref<32768xf32, #tpu.memory_space<hbm>>
    %dma_wait3A_494 = arith.constant 0 : i32
    %dma_wait3A_495 = tpu.memref_slice %arg3[%add3A_478, %dma_wait3A_494] : memref<128x32768xf32, #tpu.memory_space<hbm>> -> memref<1x32768xf32, #tpu.memory_space<hbm>>
    %dma_wait3A_496 = tpu.memref_squeeze %dma_wait3A_495 : memref<1x32768xf32, #tpu.memory_space<hbm>> -> memref<32768xf32, #tpu.memory_space<hbm>>
    %dma_wait3A_497 = arith.constant 0 : i32
    %dma_wait3A_498 = tpu.memref_slice %arg6[%dma_wait3A_497] : memref<32784xf32, #tpu.memory_space<vmem>> -> memref<32768xf32, #tpu.memory_space<vmem>>
    tpu.wait_dma2 semaphore(%arg12 : memref<!tpu.dma_semaphore, #tpu.memory_space<semaphore_mem>>) src(%dma_wait3A_498 : memref<32768xf32, #tpu.memory_space<vmem>>) dst(%dma_wait3A_496 : memref<32768xf32, #tpu.memory_space<hbm>>)
    return
  }
}

</mosaic_0001>

<sc_bundles>
// kernel: kernel.3.cloned.1.call-start
scs
__scs_entry_jumppad:
0x0: {  	(pc) =	sbr.rel $0x88, $3  }
0x1: {  	(tag) =	ssettag $0x0;
	lr =	simm.s32 $0x1  }
0x2: {  	[smem:$0x3FA0] =	sst lr;
	_ =	strace $0xD0000000  }
0x3: {  	_ = 	snop  }
0x4: {  	_ = 	snop  }
0x5: {  	_ = 	snop  }
0x6: {  	_ = 	snop  }
0x7: {  	_ = 	snop  }
__scs_overlays_trampoline_lowered:
0x8: {  	[smem:$0x3FAF] =	sst s0  }
0x9: {  	[smem:$0x3FB0] =	sst s1  }
0xa: {  	[smem:$0x3FB1] =	sst s2  }
0xb: {  	[smem:$0x3FB2] =	sst s3  }
0xc: {  	[smem:$0x3FB3] =	sst s4  }
0xd: {  	[smem:$0x3FB4] =	sst s5  }
0xe: {  	[smem:$0x3FB5] =	sst s6  }
0xf: {  	[smem:$0x3FB6] =	sst s7  }
0x10: {  	[smem:$0x3FB7] =	sst s8  }
0x11: {  	[smem:$0x3FB8] =	sst s9;
	s0 =	simm.s32 @!p0 $0x0  }
0x12: {  	s1 =	sld [smem:$0x3F9E];
	s0 =	simm.s32 @p0 $0x1  }
0x13: {  	[smem:$0x3FB9] =	sst s0;
	s0 =	simm.s32 @!p1 $0x0  }
0x14: {  	s2 =	sld [smem:$0x3F9D];
	s0 =	simm.s32 @p1 $0x1  }
0x15: {  	[smem:$0x3FBA] =	sst s0;
	s0 =	simm.s32 @!p2 $0x0  }
0x16: {  	s3 =	sld [smem:$0x3FDB];
	s0 =	simm.s32 @p2 $0x1  }
0x17: {  	s4 =	simm.s32 $0x1BF5;
	[smem:$0x3FBC] =	sst s0  }
0x18: {  	s0 =	sld [smem:$0x3F9F];
	_ =	swait.ge [sflag:s4], $0x0  }
0x19: {  	s7 =	sld [smem:$0x3FA0]  }
0x1a: {  	s8 =	sadd.s32 $0xFFFFE003, lr  }
0x1b: {  	s9 =	sadd.s32 $0xFFFFFEF7, lr;
	s5 =	simm.s32 $0xFFFFFFFF;
	p2 =	slt.u32 s8, $0xFFFFF086  }
0x1c: {  	p1 =	slt.u32 s9, $0xF7A;
	s5 =	simm.s32 @!p2 $0x0  }
0x1d: {  	s5 =	simm.s32 @p1 $0x1;
	p0 =	seq.s32 s7, s2  }
0x1e: {  	s7 =	smul.u32 @!p0 $0xF7A, s2;
	p2 =	seq.s32 @!p0 s5, $0x0  }
0x1f: {  	s9 =	smul.u32 $0xF7A, s1;
	s8 =	simm.s32 @!p0 $0x1BF5;
	p2 =	por !p2, p0  }
0x20: {  	[sflag:s8] =	ssyncset.s32 @!p0 $0xFFFFF086;
	s6 =	sadd.s32 @!p0 s3, s7;
	s7 =	simm.s32 @!p0 $0x108  }
0x21: {  	s3 =	sadd.s32 s3, s9;
	s6 =	sadd.s32 @!p0 $0x88, s6;
	s7 =	simm.s32 @p2 $0x1082  }
0x22: {  	[simem:s7], [sflag:s8] =	dma.local @!p0 [hbm:s6], $0xF7A  }
0x23: {  	s9 =	sor.u32 $0xD0000000, s2;
	s6 =	simm.s32 $0x108;
	_ =	swait.ge @!p0 [sflag:s8], $0x0  }
0x24: {  	s3 =	sadd.s32 $0x88, s3;
	s6 =	simm.s32 @!p1 $0x1082;
	[sflag:s4] =	ssyncset.s32 $0xFFFFF086  }
0x25: {  	[simem:s6], [sflag:s4] =	dma.local [hbm:s3], $0xF7A  }
0x26: {  	[smem:$0x3FA0] =	sst s1;
	(tag) =	ssettag s2;
	_ =	strace s9  }
0x27: {  	s1 =	sld [smem:$0x3FB0]  }
0x28: {  	s2 =	sld [smem:$0x3FB1]  }
0x29: {  	s4 =	sld [smem:$0x3FB3]  }
0x2a: {  	p0 =	seq.s32 s5, $0x0;
	s5 =	sld [smem:$0x3FB4]  }
0x2b: {  	s6 =	sld [smem:$0x3FB5]  }
0x2c: {  	s7 =	sld [smem:$0x3FB6]  }
0x2d: {  	s3 =	simm.s32 $0x108;
	s8 =	sld [smem:$0x3FB7]  }
0x2e: {  	s3 =	simm.s32 @!p0 $0x1082;
	s9 =	sld [smem:$0x3FB8]  }
0x2f: {  	lr =	sadd.s32 s0, s3;
	s0 =	sld [smem:$0x3FAF]  }
0x30: {  	s3 =	sld [smem:$0x3FB2]  }
0x31: {  	[smem:$0x3FBB] =	sst s10  }
0x32: {  	s10 =	sld [smem:$0x3FB9];
	_ =	sdelay $0x3  }
0x33: {  	p0 =	seq.s32 s10, $0x1;
	s10 =	sld [smem:$0x3FBB];
	_ =	sdelay $0x3  }
0x34: {  	[smem:$0x3FBB] =	sst s10  }
0x35: {  	s10 =	sld [smem:$0x3FBA];
	_ =	sdelay $0x3  }
0x36: {  	p1 =	seq.s32 s10, $0x1;
	s10 =	sld [smem:$0x3FBB];
	_ =	sdelay $0x3  }
0x37: {  	[smem:$0x3FBB] =	sst s10  }
0x38: {  	s10 =	sld [smem:$0x3FBC]  }
0x39: {  	_ = 	snop;
	(pc) =	sbr.ind lr, $3  }
0x3a: {  	_ = 	snop  }
0x3b: {  	_ = 	snop  }
0x3c: {  	p2 =	seq.s32 s10, $0x1;
	s10 =	sld [smem:$0x3FBB]  }
0x3d: {  	_ =	shalt  }
0x3e: {  	_ =	shalt  }
0x3f: {  	_ =	shalt  }
0x40: {  	_ =	shalt  }
0x41: {  	_ =	shalt  }
0x42: {  	_ =	shalt  }
0x43: {  	_ =	shalt  }
0x44: {  	_ =	shalt  }
0x45: {  	_ =	shalt  }
0x46: {  	_ =	shalt  }
0x47: {  	_ =	shalt  }
0x48: {  	_ =	shalt  }
0x49: {  	_ =	shalt  }
0x4a: {  	_ =	shalt  }
0x4b: {  	_ =	shalt  }
0x4c: {  	_ =	shalt  }
0x4d: {  	_ =	shalt  }
0x4e: {  	_ =	shalt  }
0x4f: {  	_ =	shalt  }
0x50: {  	_ =	shalt  }
0x51: {  	_ =	shalt  }
0x52: {  	_ =	shalt  }
0x53: {  	_ =	shalt  }
0x54: {  	_ =	shalt  }
0x55: {  	_ =	shalt  }
0x56: {  	_ =	shalt  }
0x57: {  	_ =	shalt  }
0x58: {  	_ =	shalt  }
0x59: {  	_ =	shalt  }
0x5a: {  	_ =	shalt  }
0x5b: {  	_ =	shalt  }
0x5c: {  	_ =	shalt  }
0x5d: {  	_ =	shalt  }
0x5e: {  	_ =	shalt  }
0x5f: {  	_ =	shalt  }
0x60: {  	_ =	shalt  }
0x61: {  	_ =	shalt  }
0x62: {  	_ =	shalt  }
0x63: {  	_ =	shalt  }
0x64: {  	_ =	shalt  }
0x65: {  	_ =	shalt  }
0x66: {  	_ =	shalt  }
0x67: {  	_ =	shalt  }
0x68: {  	_ =	shalt  }
0x69: {  	_ =	shalt  }
0x6a: {  	_ =	shalt  }
0x6b: {  	_ =	shalt  }
0x6c: {  	_ =	shalt  }
0x6d: {  	_ =	shalt  }
0x6e: {  	_ =	shalt  }
0x6f: {  	_ =	shalt  }
0x70: {  	_ =	shalt  }
0x71: {  	_ =	shalt  }
0x72: {  	_ =	shalt  }
0x73: {  	_ =	shalt  }
0x74: {  	_ =	shalt  }
0x75: {  	_ =	shalt  }
0x76: {  	_ =	shalt  }
0x77: {  	_ =	shalt  }
0x78: {  	_ =	shalt  }
0x79: {  	_ =	shalt  }
0x7a: {  	_ =	shalt  }
0x7b: {  	_ =	shalt  }
0x7c: {  	_ =	shalt  }
0x7d: {  	_ =	shalt  }
0x7e: {  	_ =	shalt  }
0x7f: {  	_ =	shalt  }
0x80: {  	_ =	shalt  }
0x81: {  	_ =	shalt  }
0x82: {  	_ =	shalt  }
0x83: {  	_ =	shalt  }
0x84: {  	_ =	shalt  }
0x85: {  	_ =	shalt  }
0x86: {  	_ =	shalt  }
0x87: {  	_ =	shalt  }
.Lfunc_end0:
.L_simem_size_0:
called_computation_lowered:
.L_overlay_start_0:
0x88: {  	s2 =	sld [smem:$0x3FD9]  }
0x89: {  	s3 =	sld [smem:$0x3FFE];
	_ =	sdelay $0x1  }
0x8a: {  	s1 =	srdreg.scid  }
0x8b: {  	s0 =	sand.u32 $0x1, s1  }
0x8c: {  	s18 =	sshll.u32 s0, $0xA;
	s2 =	sadd.s32 s3, s2  }
0x8d: {  	s2 =	sadd.s32 s2, s18  }
0x8e: {  	[smem:$0x3FC7] =	sst s2  }
0x8f: {  	_ = 	snop  }
0x90: {  	s2 =	sld [smem:$0x3FC9]  }
0x91: {  	s19 =	sld [smem:$0x3FD0];
	(tm) =	ssettm $0x1  }
0x92: {  	s4 =	sld [smem:$0x3FFB];
	_ =	sdelay $0x3  }
0x93: {  	_ =	strace s4  }
0x94: {  	s4 =	sld [smem:$0x3FFC];
	_ =	sdelay $0x3  }
0x95: {  	_ =	strace s4  }
0x96: {  	s4 =	sld [smem:$0x3FFD];
	_ =	sdelay $0x3  }
0x97: {  	_ =	strace s4  }
0x98: {  	_ =	strace $0x8FFFFFFF  }
0x99: {  	s20 =	sld [smem:$0x3FDB];
	_ =	sdelay $0x1  }
0x9a: {  	s5 =	simm.s32 $_scs_section_size  }
0x9b: {  	s6 =	simm.s32 $_size__tile_overlayer_lowered;
	s7 =	simm.s32 $_tile_overlayer_lowered  }
0x9c: {  	s23 =	simm.s32 $0x1BFF;
	s22 =	sshll.u32 s7, $0x1;
	s4 =	sadd.s32 s5, s20  }
0x9d: {  	s8 =	simm.s32 $0x0;
	s21 =	sshll.u32 s6, $0x1;
	s6 =	sadd.s32 s22, s4  }
0x9e: {  	[timem:s8], [sflag:s23] =	dma.local [hbm:s6], s21  }
0x9f: {  	_ =	swait.ge [sflag:s23], s21  }
0xa0: {  	s5 =	ssub.s32 $0x0, s21;
	[sflag:s23] =	ssyncset.done $0x0  }
0xa1: {  	[sflag:s23] =	ssyncadd.s32 s5;
	_ =	sdelay $0x1  }
0xa2: {  	s24 =	simm.s32 $0x1B8B  }
0xa3: {  	_ =	swait.ge [sflag:s24], $0x1  }
0xa4: {  	[sflag:s24] =	ssyncset.done $0x0  }
0xa5: {  	s25 =	simm.s32 $0x1B8E;
	[sflag:s24] =	ssyncadd.s32 $0xFFFFFFFF  }
0xa6: {  	s26 =	simm.s32 $execute0_lowered;
	[smem:$0x3FD2] =	sst s25  }
0xa7: {  	s5 =	sshll.u32 s26, $0x1;
	_ =	strace $0x80000046;
	[dreg:$0x1] =	wrdreg $0xFFFFFFFF  }
0xa8: {  	s28 =	simm.s32 $_size_execute0_lowered;
	s4 =	sadd.s32 s4, s5;
	[dreg:$0x0] =	wrdreg $0x0  }
0xa9: {  	s5 =	sshll.u32 s28, $0x1;
	[dreg:$0x2] =	wrdreg s4  }
0xaa: {  	[dreg:$0x3] =	wrdreg s5  }
0xab: {  	[dreg:$0x4] =	wrdreg $0xC0  }
0xac: {  	_ =	task [dreg:s8], $0x5FFFF  }
0xad: {  	[dreg:$0x1] =	wrdreg $0xFFFFFFFF  }
0xae: {  	[dreg:$0x0] =	wrdreg $0x60  }
0xaf: {  	[dreg:$0x2] =	wrdreg s2  }
0xb0: {  	[dreg:$0x3] =	wrdreg s19  }
0xb1: {  	[dreg:$0x4] =	wrdreg $0x9  }
0xb2: {  	_ =	task.clear_ibuf [dreg:s8], $0x5FFFF;
	_ =	strace $0x90000046  }
0xb3: {  	s29 =	simm.s32 $0x9;
	_ =	strace $0x80000048  }
0xb4: {  	_ =	swait.ge [sflag:s29], $0x1  }
0xb5: {  	[sflag:s29] =	ssyncadd.s32 $0xFFFFFFFF  }
0xb6: {  	_ =	strace $0x90000048  }
0xb7: {  	_ =	sfence  }
0xb8: {  	s30 =	sld [smem:$0x0];
	_ =	sdelay $0x2  }
0xb9: {  	s31 =	sshll.u32 s1, $0xD;
	s1 =	sshrl.u32 s1, $0x2  }
0xba: {  	s3 =	sand.u32 $0x4000, s31;
	s1 =	sadd.s32 s1, s30  }
0xbb: {  	s0 =	sor.u32 s3, s0;
	s1 =	sshll.u32 s1, $0x11  }
0xbc: {  	s0 =	sor.u32 s1, s0  }
0xbd: {  	s0 =	sadd.s32 $0x8F2B, s0  }
0xbe: {  	[sflag:s0] =	ssyncadd.remote.s32 $0x1  }
0xbf: {  	_ =	sfence.sel $0xFFFF  }
0xc0: {  	[dreg:$0x0] =	wrdreg $0xFFFFFFFF;
	(pc) =	sbr.abs _section_cstart, $3  }
0xc1: {  	[dreg:$0x1] =	wrdreg $0xFFFFFFFF  }
0xc2: {  	_ =	task.clear_ibuf [dreg:s8], $0x2FFFF;
	_ =	strace $0x9FFFFFFF  }
0xc3: {  	(tm) =	ssettm $0x7FFFFFFF  }
tec
execute0_lowered:
.L_overlay_start_1:
0x0: {  	(tag) =	ssettag $0x1  }
0x1: {  	s0 =	rddreg [dreg:$0x0]  }
0x2: {  	s1 =	rddreg [dreg:$0x1]  }
0x3: {  	s2 =	srdreg.scid;
	s4 =	stileid.u32;
	s14 =	simm.s32 $0x80  }
0x4: {  	s15 =	simm.s32 $0x8080;
	s16 =	simm.s32 $0x18180;
	s17 =	simm.s32 $0x1C700  }
0x5: {  	s18 =	simm.s32 $0x1C280;
	s19 =	simm.s32 $0x80000000;
	s3 =	sand.u32 $0x1, s2  }
0x6: {  	s2 =	simm.s32 $0x0;
	s4 =	sshll.u32 s4, $0xF;
	s5 =	sshll.u32 s3, $0x6  }
0x7: {  	s20 =	simm.s32 $0x10100;
	[smem:$0x7FF] =	sst s2;
	s4 =	sor.u32 s5, s4  }
0x8: {  	s21 =	simm.s32 $0x1A200;
	_ =	strace $0x80000047;
	s24 =	sadd.s32 s0, s4  }
0x9: {  	s6 =	sor.u32 $0x10, s4;
	s26 =	sadd.s32 s1, s4;
	[dreg:$0x3] =	wrdreg s24  }
0xa: {  	s28 =	sor.u32 $0x20, s4;
	s25 =	sadd.s32 s0, s6;
	[dreg:$0x5] =	wrdreg s26  }
0xb: {  	s3 =	ssub.s32 $0x2, s3;
	s7 =	sadd.s32 s0, s28;
	[dreg:$0x4] =	wrdreg s25  }
0xc: {  	s4 =	sor.u32 $0x30, s4;
	s6 =	sadd.s32 s1, s6;
	[dreg:$0x6] =	wrdreg s7  }
.Ltmp0:
0xd: {  	s0 =	sadd.s32 s0, s4;
	[dreg:$0x7] =	wrdreg s6;
	(pc) =	sbr.rel .LBB2_1-.Ltmp0, $4  }
0xe: {  	s23 =	sshrl.u32 s3, $0x1;
	s29 =	sadd.s32 s1, s28;
	[dreg:$0x8] =	wrdreg s0  }
0xf: {  	s3 =	ssub.s32 s3, s23;
	s30 =	sadd.s32 s1, s4;
	[dreg:$0x9] =	wrdreg s29  }
0x10: {  	v0 =	vimm.f32 $0.0e+00;
	v1 =	vimm.s32 $0x0;
	s22 =	simm.s32 $0x2;
	s31 =	smax.u32 s3, $0x1;
	[dreg:$0xa] =	wrdreg s30  }
0x11: {  	v2 =	vlaneseq.u32;
	v3 =	vimm.s32 $0x8000;
	v4 =	vimm.s32 $0x1;
	s23 =	simm.s32 $0x0;
	s4 =	simm.s32 $0x400;
	[dreg:$0xb] =	wrdreg s31  }
.LBB2_257:
0x12: {  	_ = 	snop  }
.LBB2_262:
0x13: {  	vm1 =	vge.f32 v7, v5;
	_ =	sdelay $0x4  }
0x14: {  	[tilespmem:v11+s20+$0x0] =	vst.idx.msk @p0 vm0, v10  }
0x15: {  	[tilespmem:v6+s20+$0x0] =	vst.idx.msk vm1, v7  }
.LBB2_263:
0x16: {  	s0 =	rddreg [dreg:$0xa]  }
0x17: {  	[hbm4b:s0+s14] =	stream.strided.scatter [tilespmem:s20], [sflag:$0x2], $0x8000, s4, s14, $0x38;
	[tilespmem:$0x1C880] =	vst v63  }
0x18: {  	_ =	swait.ge [sflag:s22], $0x8000  }
0x19: {  	s23 =	sadd.s32 $0x1, s23;
	s31 =	rddreg [dreg:$0xb]  }
0x1a: {  	p0 =	sne.s32 s23, s31  }
.Ltmp1:
0x1b: {  	_ = 	snop;
	(pc) =	sbr.rel @!p0 .LBB2_264-.Ltmp1, $3  }
0x1c: {  	_ =	sdelay $0x1  }
0x1d: {  	[sflag:s22] =	ssyncset.done $0x0  }
0x1e: {  	[sflag:s22] =	ssyncadd.s32 $0xFFFF8000  }
.LBB2_1:
0x1f: {  	[tilespmem:$0x8000] =	vst v0  }
0x20: {  	[tilespmem:$0x10080] =	vst v0;
	s0 =	rddreg [dreg:$0x3];
	s11 =	simm.s32 $0x1  }
0x21: {  	[tilespmem:s2], [sflag:$0x1] =	stream.strided.gather [hbm4b:s0+s14], $0x8000, s4, s14, $0x38;
	[tilespmem:$0x1C880] =	vst v63  }
0x22: {  	_ =	swait.ge [sflag:s11], $0x8000  }
0x23: {  	[sflag:s11] =	ssyncset.done $0x0  }
0x24: {  	s13 =	simm.s32 $0x40;
	s12 =	rddreg [dreg:$0x4];
	[sflag:s11] =	ssyncadd.s32 $0xFFFF8000  }
0x25: {  	[tilespmem:s15], [sflag:$0x1] =	stream.strided.gather [hbm4b:s12+s14], $0x8000, s4, s14, $0x38;
	[tilespmem:$0x1C880] =	vst v63  }
0x26: {  	v5 =	vld [tilespmem:s13+$0xFFFFFFC0]  }
0x27: {  	v6 =	vld [tilespmem:s13+$0xFFFFFFD0]  }
0x28: {  	v7 =	vld [tilespmem:s13+$0xFFFFFFE0]  }
0x29: {  	v8 =	vld [tilespmem:s13+$0xFFFFFFF0]  }
0x2a: {  	v9 =	vld [tilespmem:s13+$0x0];
	_ =	sdelay $0x1  }
0x2b: {  	s29 =	simm.s32 $0x40  }
0x2c: {  	v24 =	vor.u32 s29, v2  }
0x2d: {  	vm3 =	vge.f32 v5, $2.000000000e+00;
	v5 =	vld [tilespmem:s13+$0x10];
	vm0 =	vge.f32 v6, $2.000000000e+00;
	vm1 =	vge.f32 v7, $2.000000000e+00  }
0x2e: {  	v6 =	vld [tilespmem:s13+$0x20];
	vm4 =	vge.f32 v8, $2.000000000e+00;
	vm2 =	vge.f32 v9, $2.000000000e+00;
	v10 =	vmpcnt.ones.xlane vm3  }
0x2f: {  	v11 =	vsel vm3, $0x1, v1;
	v12 =	vmpcnt.ones.xlane vm0;
	v13 =	vmpcnt.ones.xlane vm1  }
0x30: {  	v14 =	vsel vm4, $0x1, v1;
	v15 =	vsel vm2, $0x1, v1;
	v10 =	vadd.s32 v1, v10  }
0x31: {  	v17 =	vsel vm0, $0xFFFFFFFF, v1;
	v18 =	vsel vm1, $0xFFFFFFFF, v1;
	v8 =	vadd.s32 v10, v12  }
0x32: {  	v7 =	vld [tilespmem:s13+$0x30];
	v19 =	vsel vm4, $0xFFFFFFFF, v1;
	v12 =	vmpcnt.ones.xlane vm4;
	v9 =	vadd.s32 v8, v13  }
0x33: {  	v13 =	vmpcnt.ones.xlane vm2;
	vm5 =	vge.f32 v5, $2.000000000e+00;
	vm6 =	vge.f32 v6, $2.000000000e+00  }
0x34: {  	(xrf0) =	vadd.scan.msk.s32 $0xffff, v11;
	v6 =	vsel vm0, $0x1, v1;
	v5 =	vadd.s32 v9, v12;
	v12 =	vmpcnt.ones.xlane vm5  }
0x35: {  	(xrf0) =	vadd.scan.msk.s32 $0xffff, v6;
	v6 =	vsel vm1, $0x1, v1;
	v11 =	vadd.s32 v5, v13;
	v13 =	vmpcnt.ones.xlane vm6  }
0x36: {  	v20 =	vsel vm2, $0xFFFFFFFF, v1;
	v10 =	vadd.s32 v17, v10;
	(xrf0) =	vadd.scan.msk.s32 $0xffff, v6;
	v12 =	vadd.s32 v11, v12  }
0x37: {  	vm7 =	vge.f32 v7, $2.000000000e+00;
	(xrf0) =	vadd.scan.msk.s32 $0xffff, v14;
	v6 =	vadd.s32 v12, v13;
	v13 =	vsel vm5, $0x1, v1  }
0x38: {  	v8 =	vadd.s32 v18, v8;
	v7 =	vmpcnt.ones.xlane vm7;
	v16 =	vsel vm6, $0x1, v1;
	(xrf0) =	vadd.scan.msk.s32 $0xffff, v15  }
0x39: {  	v21 =	vsel vm5, $0xFFFFFFFF, v1;
	v22 =	vsel vm6, $0xFFFFFFFF, v1;
	v15 =	vsel vm7, $0x1, v1;
	(xrf0) =	vadd.scan.msk.s32 $0xffff, v13  }
0x3a: {  	s24 =	simm.s32 $0x10;
	v23 =	vsel vm7, $0xFFFFFFFF, v1;
	v9 =	vadd.s32 v19, v9;
	v19 =	vor.u32 s2, v2;
	v13, _, _ =	vpop (xrf0);
	(xrf0) =	vadd.scan.msk.s32 $0xffff, v16  }
0x3b: {  	s1 =	simm.s32 $0x20;
	v5 =	vadd.s32 v20, v5;
	v20 =	vor.u32 s24, v2;
	v14 =	vsel vm3, $0xFFFFFFFF, v1;
	v16, _, _ =	vpop (xrf0);
	(xrf0) =	vadd.scan.msk.s32 $0xffff, v15  }
0x3c: {  	v11 =	vadd.s32 v21, v11;
	v21 =	vor.u32 s1, v2;
	v12 =	vadd.s32 v22, v12;
	v15, _, _ =	vpop (xrf0)  }
0x3d: {  	s25 =	simm.s32 $0x30;
	v14 =	vadd.s32 v14, v1;
	v7 =	vadd.s32 v6, v7;
	v6 =	vadd.s32 v23, v6;
	v17, _, _ =	vpop (xrf0)  }
0x3e: {  	s26 =	simm.s32 $0xC0;
	v23 =	vor.u32 s25, v2;
	v13 =	vadd.s32 v13, v14;
	v14 =	vadd.s32 v16, v10;
	v10, _, _ =	vpop (xrf0)  }
0x3f: {  	v18 =	vld [tilespmem:s26+$0xFFFFFFF0];
	vm8 =	vlt.s32 v13, $0x2000;
	v8 =	vadd.s32 v15, v8;
	v15 =	vadd.s32 v17, v9;
	v9, _, _ =	vpop (xrf0)  }
0x40: {  	vm9 =	vlt.s32 v14, $0x2000;
	vm15 =	vmand vm3, vm8;
	v16 =	vadd.s32 v10, v5;
	v10, _, _ =	vpop (xrf0)  }
0x41: {  	v22 =	vld [tilespmem:s26+$0x0];
	vm10 =	vlt.s32 v8, $0x2000;
	v5 =	vadd.s32 v9, v11;
	v9 =	vadd.s32 v10, v12;
	v10, _, _ =	vpop (xrf0)  }
0x42: {  	vm8 =	vmand vm0, vm9;
	vm3 =	vlt.s32 v9, $0x2000;
	v11 =	vadd.s32 v10, v6;
	v10 =	vld [tilespmem:s26+$0xFFFFFFC0]  }
0x43: {  	vm12 =	vlt.s32 v15, $0x2000;
	vm1 =	vmand vm1, vm10;
	v12 =	vld [tilespmem:s26+$0xFFFFFFD0];
	vm3 =	vmand vm6, vm3  }
0x44: {  	v17 =	vld [tilespmem:s26+$0xFFFFFFE0];
	vm13 =	vlt.s32 v16, $0x2000;
	vm9 =	vmand vm4, vm12;
	vm4 =	vge.f32 v18, $2.000000000e+00  }
0x45: {  	s3 =	simm.s32 $0x50;
	s31 =	simm.s32 $0x70;
	vm14 =	vlt.s32 v5, $0x2000;
	vm10 =	vmand vm2, vm13;
	vm0 =	vlt.s32 v11, $0x2000  }
0x46: {  	v27 =	vld [tilespmem:s26+$0x20];
	v6 =	vor.u32 s3, v2;
	[tilespmem:v13+s16+$0x0] =	vst.idx.msk vm15, v19;
	v13 =	vor.u32 s31, v2;
	vm6 =	vmand vm7, vm0  }
0x47: {  	s30 =	simm.s32 $0x60;
	v25 =	vld [tilespmem:s26+$0x10];
	vm0 =	vmand vm5, vm14;
	vm5 =	vge.f32 v22, $2.000000000e+00;
	vm11 =	vge.f32 v10, $2.000000000e+00  }
0x48: {  	[tilespmem:v14+s16+$0x0] =	vst.idx.msk vm8, v20;
	vm2 =	vge.f32 v12, $2.000000000e+00;
	v10 =	vor.u32 s30, v2;
	v26 =	vmpcnt.ones.xlane vm11  }
0x49: {  	v12 =	vmpcnt.ones.xlane vm2;
	v19 =	vsel vm11, $0x1, v1;
	[tilespmem:v9+s16+$0x0] =	vst.idx.msk vm3, v10;
	vm3 =	vge.f32 v17, $2.000000000e+00;
	v17 =	vld [tilespmem:s26+$0x30]  }
0x4a: {  	v10 =	vsel vm2, $0x1, v1;
	(xrf0) =	vadd.scan.msk.s32 $0xffff, v19;
	v9 =	vadd.s32 v7, v26;
	v19 =	vmpcnt.ones.xlane vm3  }
0x4b: {  	vm8 =	vge.f32 v27, $2.000000000e+00;
	(xrf0) =	vadd.scan.msk.s32 $0xffff, v10;
	v10 =	vadd.s32 v9, v12;
	v12 =	vmpcnt.ones.xlane vm4  }
0x4c: {  	[tilespmem:v11+s16+$0x0] =	vst.idx.msk vm6, v13;
	v13 =	vmpcnt.ones.xlane vm5;
	vm6 =	vge.f32 v25, $2.000000000e+00;
	v11 =	vadd.s32 v10, v19  }
0x4d: {  	v22 =	vsel vm4, $0xFFFFFFFF, v1;
	v14 =	vmpcnt.ones.xlane vm6;
	v12 =	vadd.s32 v11, v12  }
0x4e: {  	[tilespmem:v8+s16+$0x0] =	vst.idx.msk vm1, v21;
	v8 =	vmpcnt.ones.xlane vm8;
	v13 =	vadd.s32 v12, v13;
	vm7 =	vge.f32 v17, $2.000000000e+00  }
0x4f: {  	[tilespmem:v15+s16+$0x0] =	vst.idx.msk vm9, v23;
	v18 =	vsel vm3, $0x1, v1;
	v15 =	vadd.s32 v13, v14;
	v14 =	vmpcnt.ones.xlane vm7  }
0x50: {  	v21 =	vsel vm5, $0x1, v1;
	[tilespmem:v16+s16+$0x0] =	vst.idx.msk vm10, v24;
	v16 =	vsel vm4, $0x1, v1;
	(xrf0) =	vadd.scan.msk.s32 $0xffff, v18  }
0x51: {  	v27 =	vsel vm8, $0x1, v1;
	v23 =	vsel vm5, $0xFFFFFFFF, v1;
	v25 =	vsel vm8, $0xFFFFFFFF, v1;
	(xrf0) =	vadd.scan.msk.s32 $0xffff, v16  }
0x52: {  	v24 =	vsel vm6, $0x1, v1;
	v18 =	vsel vm11, $0xFFFFFFFF, v1;
	(xrf0) =	vadd.scan.msk.s32 $0xffff, v21;
	v17 =	vadd.s32 v15, v8  }
0x53: {  	v19 =	vsel vm2, $0xFFFFFFFF, v1;
	v21 =	vsel vm3, $0xFFFFFFFF, v1;
	v8 =	vadd.s32 v17, v14;
	v14, _, _ =	vpop (xrf0);
	(xrf0) =	vadd.scan.msk.s32 $0xffff, v24  }
0x54: {  	s28 =	simm.s32 $0x180;
	s24 =	simm.s32 $0x100;
	s25 =	simm.s32 $0x80;
	v20 =	vsel vm7, $0x1, v1;
	v26 =	vsel vm7, $0xFFFFFFFF, v1;
	v24 =	vsel vm6, $0xFFFFFFFF, v1;
	v16, _, _ =	vpop (xrf0);
	(xrf0) =	vadd.scan.msk.s32 $0xffff, v27  }
.LBB2_2:
0x55: {  	p0 =	slt.u32 s28, $0x7F80;
	v13 =	vadd.s32 v24, v13;
	v15 =	vadd.s32 v25, v15;
	v17 =	vadd.s32 v26, v17;
	(xrf0) =	vadd.scan.msk.s32 $0xffff, v20  }
0x56: {  	v21 =	vadd.s32 v21, v10;
	v11 =	vadd.s32 v22, v11;
	v12 =	vadd.s32 v23, v12;
	v20, _, _ =	vpop (xrf0)  }
0x57: {  	v22 =	vadd.s32 v18, v7;
	v9 =	vadd.s32 v19, v9;
	v18 =	vadd.s32 v20, v21;
	v10, _, _ =	vpop (xrf0)  }
0x58: {  	v14 =	vadd.s32 v14, v22;
	v16 =	vadd.s32 v16, v9;
	v19 =	vadd.s32 v10, v11;
	v7, _, _ =	vpop (xrf0)  }
0x59: {  	vm9 =	vlt.s32 v14, $0x2000;
	vm10 =	vlt.s32 v16, $0x2000;
	v20 =	vadd.s32 v7, v12;
	v7, _, _ =	vpop (xrf0);
	[tilespmem:v5+s16+$0x0] =	vst.idx.msk vm0, v6  }
0x5a: {  	vm0 =	vlt.s32 v18, $0x2000;
	vm14 =	vlt.s32 v19, $0x2000;
	v5 =	vadd.s32 v7, v13;
	v6, _, _ =	vpop (xrf0)  }
0x5b: {  	vm15 =	vlt.s32 v20, $0x2000;
	vm1 =	vlt.s32 v5, $0x2000;
	v9 =	vadd.s32 v6, v15;
	v6, _, _ =	vpop (xrf0)  }
0x5c: {  	s26 =	sadd.s32 $0x80, s26;
	vm13 =	vmand vm11, vm9;
	v7 =	vmovc v8;
	vm11 =	vlt.s32 v9, $0x2000;
	v11 =	vadd.s32 v6, v17  }
0x5d: {  	vm9 =	vmand vm2, vm10;
	v10 =	vld [tilespmem:s26+$0xFFFFFFC0];
	vm8 =	vmand vm8, vm11;
	vm2 =	vlt.s32 v11, $0x2000  }
0x5e: {  	vm12 =	vmand vm3, vm0;
	vm14 =	vmand vm4, vm14;
	v12 =	vld [tilespmem:s26+$0xFFFFFFD0];
	vm7 =	vmand vm7, vm2  }
0x5f: {  	s0 =	sadd.s32 $0x10, s25;
	s1 =	sadd.s32 $0x20, s25;
	vm10 =	vmand vm5, vm15;
	vm0 =	vmand vm6, vm1;
	v13 =	vld [tilespmem:s26+$0xFFFFFFE0]  }
0x60: {  	s3 =	sadd.s32 $0x50, s25;
	v22 =	vor.u32 s1, v2;
	s1 =	sadd.s32 $0x40, s25;
	v21 =	vor.u32 s0, v2;
	s0 =	sadd.s32 $0x30, s25;
	v17 =	vor.u32 s25, v2;
	v15 =	vld [tilespmem:s26+$0xFFFFFFF0]  }
0x61: {  	v25 =	vor.u32 s1, v2;
	s1 =	sadd.s32 $0x70, s25;
	v24 =	vor.u32 s0, v2;
	s0 =	sadd.s32 $0x60, s25;
	v6 =	vor.u32 s3, v2;
	s25 =	smov.u32 s24;
	v23 =	vld [tilespmem:s26+$0x0]  }
0x62: {  	s24 =	smov.u32 s28;
	vm11 =	vge.f32 v10, $2.000000000e+00;
	v26 =	vld [tilespmem:s26+$0x10];
	[tilespmem:v14+s16+$0x0] =	vst.idx.msk vm13, v17;
	v10 =	vor.u32 s0, v2;
	v14 =	vor.u32 s1, v2  }
0x63: {  	v17 =	vsel vm11, $0x1, v1;
	v27 =	vmpcnt.ones.xlane vm11;
	vm2 =	vge.f32 v12, $2.000000000e+00;
	v28 =	vld [tilespmem:s26+$0x20];
	[tilespmem:v9+s16+$0x0] =	vst.idx.msk vm8, v10  }
0x64: {  	v10 =	vsel vm2, $0x1, v1;
	v12 =	vmpcnt.ones.xlane vm2;
	vm3 =	vge.f32 v13, $2.000000000e+00;
	v29 =	vld [tilespmem:s26+$0x30];
	(xrf0) =	vadd.scan.msk.s32 $0xffff, v17  }
0x65: {  	v9 =	vadd.s32 v8, v27;
	v8 =	vmpcnt.ones.xlane vm3;
	vm4 =	vge.f32 v15, $2.000000000e+00;
	(xrf0) =	vadd.scan.msk.s32 $0xffff, v10  }
0x66: {  	v10 =	vadd.s32 v9, v12;
	v12 =	vmpcnt.ones.xlane vm4;
	vm5 =	vge.f32 v23, $2.000000000e+00;
	[tilespmem:v11+s16+$0x0] =	vst.idx.msk vm7, v14  }
0x67: {  	v11 =	vadd.s32 v10, v8;
	v8 =	vmpcnt.ones.xlane vm5;
	vm6 =	vge.f32 v26, $2.000000000e+00;
	[tilespmem:v16+s16+$0x0] =	vst.idx.msk vm9, v21  }
0x68: {  	v12 =	vadd.s32 v11, v12;
	v23 =	vmpcnt.ones.xlane vm6;
	vm8 =	vge.f32 v28, $2.000000000e+00;
	[tilespmem:v18+s16+$0x0] =	vst.idx.msk vm12, v22  }
0x69: {  	v13 =	vadd.s32 v12, v8;
	v8 =	vmpcnt.ones.xlane vm8;
	vm7 =	vge.f32 v29, $2.000000000e+00;
	[tilespmem:v19+s16+$0x0] =	vst.idx.msk vm14, v24  }
0x6a: {  	v18 =	vsel vm3, $0x1, v1;
	v15 =	vadd.s32 v13, v23;
	v19 =	vmpcnt.ones.xlane vm7;
	v14, _, _ =	vpop (xrf0);
	[tilespmem:v20+s16+$0x0] =	vst.idx.msk vm10, v25  }
.Ltmp2:
0x6b: {  	v21 =	vsel vm5, $0x1, v1;
	v20 =	vsel vm4, $0x1, v1;
	v17 =	vadd.s32 v15, v8;
	v16, _, _ =	vpop (xrf0);
	(xrf0) =	vadd.scan.msk.s32 $0xffff, v18;
	(pc) =	sbr.rel @p0 .LBB2_2-.Ltmp2, $4  }
0x6c: {  	v24 =	vsel vm6, $0x1, v1;
	v27 =	vsel vm8, $0x1, v1;
	v8 =	vadd.s32 v17, v19;
	(xrf0) =	vadd.scan.msk.s32 $0xffff, v20  }
0x6d: {  	v18 =	vsel vm11, $0xFFFFFFFF, v1;
	v19 =	vsel vm2, $0xFFFFFFFF, v1;
	v20 =	vsel vm7, $0x1, v1;
	(xrf0) =	vadd.scan.msk.s32 $0xffff, v21  }
0x6e: {  	v22 =	vsel vm4, $0xFFFFFFFF, v1;
	v23 =	vsel vm5, $0xFFFFFFFF, v1;
	v21 =	vsel vm3, $0xFFFFFFFF, v1;
	(xrf0) =	vadd.scan.msk.s32 $0xffff, v24  }
0x6f: {  	s28 =	sadd.s32 $0x80, s28;
	v25 =	vsel vm8, $0xFFFFFFFF, v1;
	v26 =	vsel vm7, $0xFFFFFFFF, v1;
	v24 =	vsel vm6, $0xFFFFFFFF, v1;
	(xrf0) =	vadd.scan.msk.s32 $0xffff, v27  }
0x70: {  	v13 =	vadd.s32 v24, v13;
	v15 =	vadd.s32 v25, v15;
	v17 =	vadd.s32 v26, v17  }
0x71: {  	v10 =	vadd.s32 v21, v10;
	v11 =	vadd.s32 v22, v11;
	v12 =	vadd.s32 v23, v12  }
0x72: {  	(xrf0) =	vadd.scan.msk.s32 $0xffff, v20;
	v18 =	vadd.s32 v18, v7;
	v9 =	vadd.s32 v19, v9;
	s1 =	sadd.s32 $0x10, s25;
	v46 =	vimm.s32 $0x0;
	v35, _, _ =	vpop (xrf0)  }
0x73: {  	s3 =	sadd.s32 $0x20, s25;
	v14 =	vadd.s32 v14, v18;
	v16 =	vadd.s32 v16, v9;
	v20 =	vor.u32 s1, v2;
	v36, _, _ =	vpop (xrf0)  }
0x74: {  	s0 =	sadd.s32 $0x80, s26;
	v22 =	vor.u32 s3, v2;
	v7 =	vadd.s32 v35, v10;
	vm1 =	vlt.s32 v14, $0x2000;
	v37, _, _ =	vpop (xrf0)  }
0x75: {  	v38 =	vld [tilespmem:s0+$0xFFFFFFC0];
	vm9 =	vlt.s32 v16, $0x2000;
	v9 =	vadd.s32 v36, v11;
	vm10 =	vlt.s32 v7, $0x2000;
	v39, _, _ =	vpop (xrf0)  }
0x76: {  	v42 =	vld [tilespmem:s0+$0xFFFFFFD0];
	vm12 =	vmand vm11, vm1;
	vm9 =	vmand vm2, vm9;
	v10 =	vadd.s32 v37, v12;
	v40, _, _ =	vpop (xrf0)  }
0x77: {  	s8 =	sadd.s32 $0x30, s25;
	v43 =	vld [tilespmem:s0+$0xFFFFFFE0];
	vm13 =	vlt.s32 v9, $0x2000;
	v11 =	vadd.s32 v39, v13;
	v12 =	vadd.s32 v40, v15  }
0x78: {  	vm14 =	vlt.s32 v10, $0x2000;
	v39 =	vor.u32 s8, v2;
	v41, _, _ =	vpop (xrf0);
	vm1 =	vlt.s32 v12, $0x2000  }
0x79: {  	vm15 =	vlt.s32 v11, $0x2000;
	v13 =	vadd.s32 v41, v17;
	vm11 =	vmand vm8, vm1  }
0x7a: {  	v44 =	vld [tilespmem:s0+$0xFFFFFFF0];
	vm1 =	vge.f32 v38, $2.000000000e+00;
	vm2 =	vlt.s32 v13, $0x2000;
	vm8 =	vmand vm3, vm10  }
0x7b: {  	vm3 =	vmand vm4, vm13;
	vm10 =	vmand vm6, vm15;
	vm6 =	vge.f32 v42, $2.000000000e+00  }
0x7c: {  	vm4 =	vge.f32 v43, $2.000000000e+00;
	v45 =	vsel vm1, $0x1, v1;
	vm13 =	vmand vm7, vm2  }
0x7d: {  	vm2 =	vmand vm5, vm14;
	v19 =	vsel vm10, $0xFFFFFFFF, v46;
	v49 =	vmpcnt.ones.xlane vm1  }
0x7e: {  	v15 =	vsel vm6, $0x1, v1;
	v50 =	vmpcnt.ones.xlane vm6;
	v52 =	vmpcnt.ones.xlane vm4;
	[tilespmem:$0x1FFF0] =	vst v19  }
0x7f: {  	vm5 =	vge.f32 v44, $2.000000000e+00;
	v27 =	vsel vm1, $0xFFFFFFFF, v1;
	v60 =	vsel vm4, $0x1, v1;
	v47 =	vld [tilespmem:s0+$0x0]  }
0x80: {  	v30 =	vsel vm4, $0xFFFFFFFF, v1;
	(xrf0) =	vadd.scan.msk.s32 $0xffff, v45;
	v19 =	vor.u32 s25, v2;
	v54 =	vmpcnt.ones.xlane vm5;
	v48 =	vld [tilespmem:s0+$0x10]  }
0x81: {  	v57 =	vadd.s32 v27, v8;
	v62 =	vsel vm5, $0x1, v1;
	v51 =	vadd.s32 v8, v49;
	v53 =	vld [tilespmem:s0+$0x20];
	[tilespmem:v5+s16+$0x0] =	vst.idx.msk vm0, v6  }
0x82: {  	v43 =	vsel vm5, $0xFFFFFFFF, v1;
	(xrf0) =	vadd.scan.msk.s32 $0xffff, v15;
	[tilespmem:v14+s16+$0x0] =	vst.idx.msk vm12, v19;
	v25 =	vadd.s32 v51, v50  }
0x83: {  	s10 =	sadd.s32 $0x70, s25;
	v6 =	vsel vm6, $0xFFFFFFFF, v1;
	[tilespmem:v16+s16+$0x0] =	vst.idx.msk vm9, v20;
	(xrf0) =	vadd.scan.msk.s32 $0xffff, v60;
	v55 =	vadd.s32 v25, v52  }
0x84: {  	s11 =	sadd.s32 $0x40, s25;
	v28 =	vld [tilespmem:s0+$0x30];
	v6 =	vadd.s32 v6, v51;
	v51 =	vor.u32 s10, v2;
	(xrf0) =	vadd.scan.msk.s32 $0xffff, v62;
	v59 =	vadd.s32 v55, v54  }
0x85: {  	v54 =	vor.u32 s11, v2;
	[tilespmem:v7+s16+$0x0] =	vst.idx.msk vm8, v22;
	vm7 =	vge.f32 v47, $2.000000000e+00;
	vm10 =	vge.f32 v48, $2.000000000e+00  }
0x86: {  	[tilespmem:v9+s16+$0x0] =	vst.idx.msk vm3, v39;
	v56, _, _ =	vpop (xrf0);
	vm15 =	vge.f32 v53, $2.000000000e+00;
	v58 =	vmpcnt.ones.xlane vm7;
	v33 =	vsel vm7, $0x1, v1  }
0x87: {  	v8 =	vadd.s32 v56, v57;
	v61 =	vmpcnt.ones.xlane vm10;
	v35 =	vsel vm10, $0x1, v1;
	(xrf0) =	vadd.scan.msk.s32 $0xffff, v33  }
0x88: {  	v34 =	vmpcnt.ones.xlane vm15;
	v38 =	vsel vm15, $0x1, v1;
	vm14 =	vlt.s32 v8, $0x2000;
	(xrf0) =	vadd.scan.msk.s32 $0xffff, v35  }
0x89: {  	vm14 =	vmand vm1, vm14;
	v63 =	vadd.s32 v59, v58;
	vm1 =	vge.f32 v28, $2.000000000e+00;
	(xrf0) =	vadd.scan.msk.s32 $0xffff, v38  }
0x8a: {  	s9 =	sadd.s32 $0x60, s25;
	[tilespmem:v13+s16+$0x0] =	vst.idx.msk vm13, v51;
	v40, _, _ =	vpop (xrf0);
	v36 =	vadd.s32 v63, v61;
	v37 =	vmpcnt.ones.xlane vm1;
	v29 =	vsel vm1, $0x1, v1  }
0x8b: {  	s28 =	sadd.s32 $0x20, s24;
	[tilespmem:v10+s16+$0x0] =	vst.idx.msk vm2, v54;
	v48 =	vor.u32 s9, v2;
	v42, _, _ =	vpop (xrf0);
	v26 =	vadd.s32 v36, v34;
	(xrf0) =	vadd.scan.msk.s32 $0xffff, v29  }
0x8c: {  	v25 =	vadd.s32 v30, v25;
	v62 =	vor.u32 s28, v2;
	[tilespmem:v12+s16+$0x0] =	vst.idx.msk vm11, v48;
	v44, _, _ =	vpop (xrf0);
	v24 =	vadd.s32 v26, v37  }
0x8d: {  	v5 =	vadd.s32 v43, v55;
	v45 =	vsel vm7, $0xFFFFFFFF, v1;
	v10 =	vld [tilespmem:$0x1FFF0];
	(v2sf) =	vpush v24, $0x0;
	v46, _, _ =	vpop (xrf0)  }
0x8e: {  	v31 =	vsel vm10, $0xFFFFFFFF, v1;
	v41 =	vsel vm15, $0xFFFFFFFF, v1;
	v15 =	vadd.s32 v45, v59;
	v47, _, _ =	vpop (xrf0)  }
0x8f: {  	v6 =	vadd.s32 v40, v6;
	v49 =	vadd.s32 v42, v25;
	v23 =	vadd.s32 v41, v36;
	v50, _, _ =	vpop (xrf0)  }
0x90: {  	v32 =	vsel vm1, $0xFFFFFFFF, v1;
	vm9 =	vlt.s32 v49, $0x2000;
	v52 =	vadd.s32 v50, v23  }
0x91: {  	vm3 =	vmand vm4, vm9;
	v26 =	vadd.s32 v32, v26;
	v53, _, _ =	vpop (xrf0);
	vm12 =	vlt.s32 v52, $0x2000  }
0x92: {  	v55 =	vadd.s32 v53, v26;
	vm0 =	vmand vm15, vm12;
	vm12 =	vnez.u8 v10  }
0x93: {  	v58 =	vor.u32 s24, v2;
	v18 =	vadd.s32 v31, v63;
	vm13 =	vlt.s32 v55, $0x2000  }
0x94: {  	v5 =	vadd.s32 v44, v5;
	vm15 =	vlt.s32 v6, $0x2000;
	vm1 =	vmand vm1, vm13  }
0x95: {  	vm11 =	vlt.s32 v5, $0x2000;
	v7 =	vadd.s32 v46, v15;
	vm6 =	vmand vm6, vm15  }
0x96: {  	s12 =	sadd.s32 $0x50, s25;
	vm2 =	vmand vm5, vm11;
	[tilespmem:v8+s16+$0x0] =	vst.idx.msk vm14, v58;
	v57 =	vadd.s32 v47, v18;
	vm13 =	vlt.s32 v7, $0x2000  }
0x97: {  	s13 =	sadd.s32 $0x60, s24;
	v56 =	vor.u32 s12, v2;
	[tilespmem:v49+s16+$0x0] =	vst.idx.msk vm3, v62;
	vm15 =	vlt.s32 v57, $0x2000;
	vm4 =	vmand vm7, vm13  }
0x98: {  	s25 =	sadd.s32 $0x70, s24;
	v59 =	vor.u32 s13, v2;
	vm5 =	vmand vm10, vm15;
	[tilespmem:v11+s16+$0x0] =	vst.idx.msk vm12, v56  }
0x99: {  	s26 =	sadd.s32 $0x10, s24;
	v60 =	vor.u32 s25, v2;
	[tilespmem:v52+s16+$0x0] =	vst.idx.msk vm0, v59  }
0x9a: {  	s29 =	sadd.s32 $0x30, s24;
	v61 =	vor.u32 s26, v2;
	[tilespmem:v55+s16+$0x0] =	vst.idx.msk vm1, v60  }
0x9b: {  	s30 =	sadd.s32 $0x40, s24;
	[tilespmem:v6+s16+$0x0] =	vst.idx.msk vm6, v61;
	v6 =	vor.u32 s29, v2  }
0x9c: {  	s31 =	sadd.s32 $0x50, s24;
	v63 =	vor.u32 s30, v2;
	[tilespmem:v5+s16+$0x0] =	vst.idx.msk vm2, v6;
	s24 =	spop (v2sf)  }
0x9d: {  	v5 =	vor.u32 s31, v2;
	[tilespmem:v7+s16+$0x0] =	vst.idx.msk vm4, v63;
	p0 =	slt.s32 s24, $0x2000;
	s0 =	smov.u32 s24  }
0x9e: {  	[tilespmem:v57+s16+$0x0] =	vst.idx.msk vm5, v5;
	s0 =	simm.s32 @!p0 $0x2000  }
0x9f: {  	s1 =	simm.s32 $0x1C700;
	[tilespmem:s0+$0x18180] =	vst v3  }
0xa0: {  	s3 =	simm.s32 $0x0;
	[tilespmem:s1+$0x0] =	vst v1  }
.LBB2_4:
0xa1: {  	s3 =	sadd.s32 $0x10, s3  }
0xa2: {  	p0 =	slt.u32 s3, $0x100  }
.Ltmp3:
0xa3: {  	_ = 	snop;
	(pc) =	sbr.rel @p0 .LBB2_4-.Ltmp3, $3  }
0xa4: {  	_ =	sdelay $0x1  }
0xa5: {  	s1 =	sadd.s32 $0x10, s1  }
0xa6: {  	[tilespmem:s1+$0x0] =	vst v1  }
0xa7: {  	s0 =	sadd.s32 $0xF, s0  }
0xa8: {  	s1 =	sand.u32 $0xF, s0  }
0xa9: {  	p0 =	slt.s32 s24, $0xFFFFFFF2;
	s3 =	sshra.s32 s0, $0x1F;
	p1 =	sne.s32 s1, $0x0  }
0xaa: {  	s31 =	sshrl.u32 s3, $0x1C;
	p0 =	por !p0, !p1  }
0xab: {  	s1 =	simm.s32 $0x1;
	s0 =	sadd.s32 s31, s0;
	p0 =	por !p0, !p0  }
0xac: {  	s0 =	sshra.s32 s0, $0x4;
	s1 =	simm.s32 @!p0 $0x0  }
0xad: {  	s26 =	ssub.s32 s0, s1  }
0xae: {  	p0 =	sgt.s32 s26, $0x0  }
.Ltmp4:
0xaf: {  	_ = 	snop;
	(pc) =	sbr.rel @!p0 .LBB2_6-.Ltmp4, $2  }
0xb0: {  	_ =	sdelay $0x2  }
0xb1: {  	s25 =	sshll.u32 s26, $0x4  }
0xb2: {  	s0 =	simm.s32 $0x18180  }
0xb3: {  	v5 =	vld [tilespmem:s0+$0x0];
	_ =	sdelay $0x2  }
0xb4: {  	p1 =	sgt.s32 s25, $0x10  }
.Ltmp5:
0xb5: {  	_ = 	snop;
	(pc) =	sbr.rel @!p1 .LBB2_17-.Ltmp5, $2  }
0xb6: {  	_ =	sdelay $0x2  }
0xb7: {  	p0 =	por $0x0, $0x0;
	s0 =	simm.s32 $0x18190;
	v5 =	vld.idx.msk [tilespmem:v5+s2+$0x0], $0xffff  }
0xb8: {  	v6 =	vld [tilespmem:s0+$0x0];
	_ =	sdelay $0x2  }
0xb9: {  	p1 =	sgt.s32 s25, $0x20  }
.Ltmp6:
0xba: {  	_ = 	snop;
	(pc) =	sbr.rel @!p1 .LBB2_20-.Ltmp6, $4  }
0xbb: {  	v5 =	vadd.s32 $0xC0000000, v5  }
0xbc: {  	v7 =	vshra.s32 v5, $0x13  }
0xbd: {  	vm0 =	vgt.s32 v7, $0x0  }
0xbe: {  	s0 =	simm.s32 $0x20;
	s1 =	simm.s32 $0x181A0;
	p0 =	por $0x1, $0x1;
	v5 =	vld.idx.msk [tilespmem:v6+s2+$0x0], $0xffff;
	v6 =	vnsel vm0, $0x0, v7  }
.LBB2_19:
0xbf: {  	v7 =	vld [tilespmem:s1+$0x0];
	s0 =	sadd.s32 $0x10, s0;
	v6 =	vmin.u32 v6, $0x10  }
0xc0: {  	p1 =	slt.s32 s0, s25;
	v6 =	vshll.u32 v6, $0x4  }
0xc1: {  	v6 =	vor.u32 v2, v6;
	_ =	sdelay $0x1  }
.Ltmp7:
0xc2: {  	(pc) =	sbr.rel @p1 .LBB2_19-.Ltmp7, $4  }
0xc3: {  	v5 =	vadd.s32 $0xC0000000, v5  }
0xc4: {  	v8 =	vshra.s32 v5, $0x13  }
0xc5: {  	vm0 =	vgt.s32 v8, $0x0;
	[tilespmem:v6+s17+$0x0] =	vst.idx.add.s32.msk $0xffff, v4  }
0xc6: {  	s1 =	sadd.s32 $0x10, s1;
	v6 =	vnsel vm0, $0x0, v8;
	v5 =	vld.idx.msk [tilespmem:v7+s2+$0x0], $0xffff  }
.LBB2_20:
0xc7: {  	_ =	sdelay $0x3  }
0xc8: {  	v5 =	vadd.s32 $0xC0000000, v5  }
0xc9: {  	v5 =	vshra.s32 v5, $0x13  }
0xca: {  	vm0 =	vgt.s32 v5, $0x0  }
0xcb: {  	v6 =	vmin.u32 @p0 v6, $0x10;
	v5 =	vnsel vm0, $0x0, v5  }
0xcc: {  	v6 =	vshll.u32 @p0 v6, $0x4;
	v5 =	vmin.u32 v5, $0x10  }
0xcd: {  	v6 =	vor.u32 @p0 v2, v6;
	v5 =	vshll.u32 v5, $0x4  }
0xce: {  	v5 =	vor.u32 v2, v5;
	_ =	sdelay $0x3  }
0xcf: {  	[tilespmem:v6+s17+$0x0] =	vst.idx.add.s32.msk @p0 $0xffff, v4  }
0xd0: {  	[tilespmem:v5+s17+$0x0] =	vst.idx.add.s32.msk $0xffff, v4  }
.LBB2_6:
0xd1: {  	s0 =	simm.s32 $0x1C800  }
0xd2: {  	v5 =	vld [tilespmem:s0+$0x0];
	_ =	sdelay $0x4  }
0xd3: {  	(xrf0) =	vadd.scan.msk.s32 $0xffff, v5;
	_ =	sdelay $0x5  }
0xd4: {  	v5, _, _ =	vpop (xrf0)  }
0xd5: {  	(v2sf) =	vpush v5, $0xF;
	_ =	sdelay $0x1  }
0xd6: {  	s11 =	simm.s32 $0x1C7F0  }
0xd7: {  	v5 =	vld [tilespmem:s11+$0x0]  }
0xd8: {  	s12 =	simm.s32 $0x1C7E0  }
0xd9: {  	v6 =	vld [tilespmem:s12+$0x0];
	_ =	sdelay $0x2  }
0xda: {  	(xrf0) =	vadd.scan.msk.s32 $0xffff, v5;
	_ =	sdelay $0x1  }
0xdb: {  	(xrf0) =	vadd.scan.msk.s32 $0xffff, v6;
	_ =	sdelay $0x2  }
0xdc: {  	s13 =	simm.s32 $0x1C7D0  }
0xdd: {  	v7 =	vld [tilespmem:s13+$0x0];
	v6, _, _ =	vpop (xrf0)  }
0xde: {  	s7 =	spop (v2sf);
	(v2sf) =	vpush v6, $0xF  }
0xdf: {  	v6, _, _ =	vpop (xrf0)  }
0xe0: {  	(v2sf) =	vpush v6, $0xF;
	_ =	sdelay $0x1  }
0xe1: {  	s29 =	sadd.s32 $0xFFFFFE00, s24;
	s24 =	simm.s32 $0x1C7C0;
	(xrf0) =	vadd.scan.msk.s32 $0xffff, v7  }
0xe2: {  	v5 =	vld [tilespmem:s24+$0x0]  }
0xe3: {  	s28 =	simm.s32 $0x0;
	s4 =	simm.s32 $0x10  }
0xe4: {  	s6 =	simm.s32 $0xF;
	s3 =	simm.s32 $0xE;
	s31 =	simm.s32 $0xC  }
0xe5: {  	s8 =	simm.s32 $0xB;
	s9 =	simm.s32 $0x1C7B0;
	p1 =	por $0x1, $0x1  }
0xe6: {  	s5 =	simm.s32 $0x0;
	s1 =	simm.s32 $0x0;
	s30 =	sadd.s32 $0x0, s7  }
0xe7: {  	s0 =	simm.s32 $0xD;
	s24 =	simm.s32 $0x0;
	(xrf0) =	vadd.scan.msk.s32 $0xffff, v5;
	v5, _, _ =	vpop (xrf0);
	p2 =	sgt.s32 s30, $0x1FF  }
.LBB2_7:
0xe8: {  	p0 =	sne.s32 s8, $0x0;
	p1 =	por !p1, !p2;
	s10 =	smov.u32 s31  }
0xe9: {  	v6 =	vld [tilespmem:s9+$0x0];
	(v2sf) =	vpush v5, $0xF;
	s31 =	smov.u32 s8;
	s8 =	sadd.s32 $0xFFFFFFFF, s8;
	s11 =	smov.u32 s5  }
.Ltmp8:
0xea: {  	s5 =	smov.u32 s30;
	p1 =	por !p1, !p1;
	(pc) =	sbr.rel @p0 .LBB2_7-.Ltmp8, $4  }
0xeb: {  	s28 =	smov.u32 @p1 s4;
	s1 =	smov.u32 @p1 s7;
	s4 =	smov.u32 s6  }
0xec: {  	s24 =	smov.u32 @p1 s11;
	s6 =	smov.u32 s3;
	s7 =	spop (v2sf)  }
0xed: {  	s3 =	smov.u32 s0;
	s0 =	smov.u32 s10;
	s30 =	sadd.s32 s30, s7  }
0xee: {  	s9 =	sadd.s32 $0xFFFFFFF0, s9;
	p1 =	slt.s32 s5, $0x200;
	(xrf0) =	vadd.scan.msk.s32 $0xffff, v6;
	v5, _, _ =	vpop (xrf0);
	p2 =	sgt.s32 s30, $0x1FF  }
0xef: {  	_ =	sdelay $0x4  }
0xf0: {  	(v2sf) =	vpush v5, $0xF;
	v5, _, _ =	vpop (xrf0)  }
0xf1: {  	(v2sf) =	vpush v5, $0xF;
	_ =	sdelay $0x6  }
0xf2: {  	p0 =	por !p1, !p2  }
0xf3: {  	s8 =	spop (v2sf);
	p0 =	por !p0, !p0  }
0xf4: {  	s28 =	smov.u32 @p0 s4;
	s4 =	sadd.s32 s30, s8  }
0xf5: {  	p3 =	slt.s32 s30, $0x200;
	p4 =	sgt.s32 s4, $0x1FF  }
0xf6: {  	p1 =	por !p3, !p4  }
0xf7: {  	s1 =	smov.u32 @p0 s7;
	p2 =	por !p1, !p1;
	s9 =	spop (v2sf)  }
0xf8: {  	p5 =	slt.s32 s4, $0x200;
	s28 =	smov.u32 @p2 s6;
	s10 =	sadd.s32 s4, s9  }
0xf9: {  	p3 =	sgt.s32 s10, $0x1FF;
	p6 =	slt.s32 s10, $0x200;
	s11 =	spop (v2sf)  }
0xfa: {  	p1 =	por !p5, !p3;
	s12 =	sadd.s32 s10, s11;
	s13 =	spop (v2sf)  }
0xfb: {  	p1 =	por !p1, !p1;
	p5 =	sgt.s32 s12, $0x1FF;
	s7 =	sadd.s32 s12, s13  }
0xfc: {  	p3 =	por !p6, !p5;
	p6 =	slt.s32 s12, $0x200;
	p4 =	sgt.s32 s7, $0x1FF  }
0xfd: {  	s28 =	smov.u32 @p1 s3;
	p3 =	por !p3, !p3;
	p4 =	por !p6, !p4  }
0xfe: {  	s1 =	smov.u32 @p2 s8;
	s28 =	smov.u32 @p3 s0;
	p4 =	por !p4, !p4  }
0xff: {  	s1 =	smov.u32 @p1 s9;
	p5 =	sgt.u32 s29, $0x1E00;
	s28 =	smov.u32 @p4 s31  }
0x100: {  	s24 =	smov.u32 @p0 s5;
	s1 =	smov.u32 @p3 s11;
	p0 =	sgt.u32 @!p5 s28, $0xF  }
0x101: {  	s24 =	smov.u32 @p2 s30;
	s1 =	smov.u32 @p4 s13;
	p0 =	por p5, p0  }
0x102: {  	s24 =	smov.u32 @p1 s4;
	p1 =	sgt.s32 @!p0 s1, $0x400  }
0x103: {  	p0 =	por p0, p1  }
.Ltmp9:
0x104: {  	_ = 	snop;
	(pc) =	sbr.rel @p0 .LBB2_37-.Ltmp9, $4  }
0x105: {  	_ = 	snop  }
0x106: {  	s0 =	simm.s32 @!p5 $0x0  }
0x107: {  	s24 =	smov.u32 @p3 s10;
	s0 =	simm.s32 @p5 $0x1  }
0x108: {  	p3 =	slt.s32 s26, $0x1;
	[smem:$0x7FD] =	sst s0;
	s24 =	smov.u32 @p4 s12  }
.Ltmp10:
0x109: {  	(pc) =	sbr.rel @p3 .LBB2_10-.Ltmp10, $2  }
0x10a: {  	_ =	sdelay $0x2  }
0x10b: {  	s26 =	sshll.u32 s28, $0x13  }
0x10c: {  	p1 =	sgt.s32 s25, $0x10  }
.Ltmp11:
0x10d: {  	_ = 	snop;
	(pc) =	sbr.rel @!p1 .LBB2_22-.Ltmp11, $4  }
0x10e: {  	_ = 	snop  }
0x10f: {  	s0 =	sor.u32 $0x40000000, s26;
	s1 =	sadd.s32 $0x40080000, s26  }
0x110: {  	s31 =	simm.s32 $0x18180;
	p0 =	por $0x0, $0x0;
	p2 =	por $0x0, $0x0  }
0x111: {  	v5 =	vimm.s32 $0x0;
	p4 =	por $0x0, $0x0;
	p5 =	por $0x0, $0x0;
	s5 =	simm.s32 $0x400;
	v7 =	vmov s0;
	v8 =	vmov s1;
	v9 =	vld [tilespmem:s31+$0x0]  }
0x112: {  	p1 =	sgt.s32 s25, $0x20  }
.Ltmp12:
0x113: {  	_ = 	snop;
	(pc) =	sbr.rel @!p1 .LBB2_24-.Ltmp12, $3  }
0x114: {  	_ =	sdelay $0x1  }
0x115: {  	s0 =	simm.s32 $0x18190  }
0x116: {  	p0 =	por $0x1, $0x1;
	v10 =	vld [tilespmem:s0+$0x0]  }
0x117: {  	_ =	sdelay $0x3  }
0x118: {  	v6 =	vld.idx.msk [tilespmem:v9+s2+$0x0], $0xffff;
	_ =	sdelay $0x2  }
0x119: {  	p1 =	sgt.s32 s25, $0x30  }
.Ltmp13:
0x11a: {  	s0 =	simm.s32 $0x181A0;
	(pc) =	sbr.rel @!p1 .LBB2_26-.Ltmp13, $2  }
0x11b: {  	vm0 =	vle.s32 v7, v6;
	vm1 =	vgt.s32 v8, v6;
	v6 =	vld [tilespmem:s0+$0x0];
	_ =	sdelay $0x2  }
0x11c: {  	p2 =	por $0x1, $0x1;
	vm3 =	vmand vm0, vm1  }
0x11d: {  	_ =	sdelay $0x1  }
0x11e: {  	s0 =	simm.s32 $0x181B0  }
0x11f: {  	v11 =	vsel vm3, $0x1, v1;
	v21 =	vld [tilespmem:s0+$0x0]  }
0x120: {  	v12 =	vld.idx.msk [tilespmem:v10+s2+$0x0], $0xffff;
	(xrf0) =	vadd.scan.msk.s32 $0xffff, v11  }
0x121: {  	p1 =	sgt.s32 s25, $0x40  }
.Ltmp14:
0x122: {  	_ = 	snop;
	(pc) =	sbr.rel @!p1 .LBB2_28-.Ltmp14, $4  }
0x123: {  	_ = 	snop  }
0x124: {  	vm1 =	vmmov vm3  }
0x125: {  	v11 =	vsel vm1, $0xFFFFFFFF, v1;
	vm0 =	vle.s32 v7, v12;
	vm2 =	vgt.s32 v8, v12  }
0x126: {  	p4 =	por $0x1, $0x1;
	v14 =	vadd.s32 v11, v5;
	vm2 =	vmand vm0, vm2;
	v16, _, _ =	vpop (xrf0)  }
0x127: {  	_ =	sdelay $0x1  }
0x128: {  	v11 =	vsel vm2, $0x1, v1  }
0x129: {  	(xrf0) =	vadd.scan.msk.s32 $0xffff, v11;
	v11 =	vadd.s32 v16, v14  }
0x12a: {  	v12 =	vld.idx.msk [tilespmem:v6+s2+$0x0], $0xffff;
	vm0 =	vlt.s32 v11, $0x400  }
0x12b: {  	p1 =	sgt.s32 s25, $0x50;
	vm0 =	vmand vm1, vm0  }
.Ltmp15:
0x12c: {  	v13 =	vmpcnt.ones.xlane vm1;
	s0 =	simm.s32 $0x181C0;
	(pc) =	sbr.rel @!p1 .LBB2_30-.Ltmp15, $4  }
0x12d: {  	vm4 =	vmmov vm2;
	v22 =	vld [tilespmem:s0+$0x0]  }
0x12e: {  	v15 =	vsel vm4, $0xFFFFFFFF, v1;
	v18 =	vadd.s32 v5, v13  }
0x12f: {  	v19 =	vadd.s32 v15, v18;
	vm3 =	vle.s32 v7, v12;
	vm5 =	vgt.s32 v8, v12  }
0x130: {  	s1 =	simm.s32 $0x50;
	p5 =	por $0x1, $0x1;
	v13 =	vmov v10;
	v12 =	vmov v9;
	vm3 =	vmand vm3, vm5;
	v20, _, _ =	vpop (xrf0)  }
.LBB2_31:
0x131: {  	s1 =	sadd.s32 $0x10, s1;
	s0 =	sadd.s32 $0x10, s0;
	v15 =	vld.idx.msk [tilespmem:v21+s2+$0x0], $0xffff;
	v17 =	vsel vm3, $0x1, v1;
	[tilespmem:v11+s18+$0x0] =	vst.idx.msk vm0, v12;
	v11 =	vadd.s32 v20, v19;
	v12 =	vmov v13  }
0x132: {  	v13 =	vmovc v6;
	v6 =	vmov v21;
	v21 =	vmov v22;
	p6 =	slt.s32 s1, s25;
	(xrf0) =	vadd.scan.msk.s32 $0xffff, v17;
	vm0 =	vlt.s32 v11, $0x400;
	v22 =	vld [tilespmem:s0+$0x0]  }
0x133: {  	vm0 =	vmand vm4, vm0  }
.Ltmp16:
0x134: {  	(pc) =	sbr.rel @p6 .LBB2_31-.Ltmp16, $4  }
0x135: {  	v17 =	vmpcnt.ones.xlane vm4;
	vm4 =	vmmov vm3  }
0x136: {  	v19 =	vsel vm4, $0xFFFFFFFF, v1  }
0x137: {  	v18 =	vadd.s32 v18, v17;
	vm3 =	vle.s32 v7, v15;
	vm5 =	vgt.s32 v8, v15  }
0x138: {  	v19 =	vadd.s32 v19, v18;
	vm3 =	vmand vm3, vm5;
	v20, _, _ =	vpop (xrf0)  }
0x139: {  	v17 =	vmov v6;
	v15 =	vmov v21;
	v6 =	vmov v22  }
.LBB2_33:
0x13a: {  	_ =	sdelay $0x3  }
0x13b: {  	v21 =	vld.idx.msk @p0 [tilespmem:v15+s2+$0x0], $0xffff;
	_ =	sdelay $0x1  }
0x13c: {  	v22 =	vsel @p2 vm3, $0x1, v1;
	v19 =	vadd.s32 @p4 v20, v19;
	v59 =	vld.idx.msk [tilespmem:v6+s2+$0x0], $0xffff;
	vm3 =	vmmov @p2 vm3  }
0x13d: {  	(xrf0) =	vadd.scan.msk.s32 @p2 $0xffff, v22;
	vm5 =	vlt.s32 @p4 v19, $0x400;
	v22 =	vmpcnt.ones.xlane @p4 vm4;
	vm1 =	vmmov @p2 vm3  }
0x13e: {  	vm4 =	vmand @p4 vm4, vm5;
	v20 =	vmpcnt.ones.xlane @p2 vm1  }
0x13f: {  	v18 =	vadd.s32 @p4 v18, v22;
	vm6 =	vle.s32 @p0 v7, v21;
	vm7 =	vgt.s32 @p0 v8, v21  }
0x140: {  	v18 =	vpsel p4, v18, v5;
	v21 =	vsel @p2 vm3, $0xFFFFFFFF, v1;
	vm5 =	vmand @p0 vm6, vm7  }
0x141: {  	vm3 =	vle.s32 v7, v59;
	vm14 =	vgt.s32 v8, v59;
	vm2 =	vmmov @p0 vm5  }
0x142: {  	v7 =	vadd.s32 @p2 v21, v18;
	vm5 =	vmand vm3, vm14;
	v22 =	vsel @p0 vm2, $0x1, v1  }
0x143: {  	v8, _, _ =	vpop @p2 (xrf0);
	v7 =	vpsel p2, v7, v14;
	v60 =	vsel vm5, $0x1, v1;
	(xrf0) =	vadd.scan.msk.s32 @p0 $0xffff, v22  }
0x144: {  	v8 =	vpsel p2, v8, v16;
	vm2 =	vmmov @p0 vm2;
	v16 =	vadd.s32 @p2 v18, v20;
	(xrf0) =	vadd.scan.msk.s32 $0xffff, v60  }
0x145: {  	v14 =	vsel @p0 vm2, $0xFFFFFFFF, v1;
	v16 =	vpsel p2, v16, v5;
	vm2 =	vmmov @p0 vm2  }
0x146: {  	v7 =	vadd.s32 @p2 v8, v7;
	v8 =	vadd.s32 @p0 v14, v16;
	v14 =	vmpcnt.ones.xlane @p0 vm2  }
0x147: {  	v19 =	vpsel p4, v19, v0  }
0x148: {  	vm3 =	vmmov @p4 vm4;
	vm5 =	vmmov vm5;
	v14 =	vadd.s32 @p0 v16, v14  }
0x149: {  	v61 =	vsel vm5, $0xFFFFFFFF, v1;
	vm4 =	vlt.s32 @p2 v7, $0x400;
	v5 =	vpsel p0, v14, v5;
	v18, _, _ =	vpop @p0 (xrf0)  }
0x14a: {  	v8 =	vpsel p0, v8, v0;
	v14 =	vadd.s32 v61, v5;
	v18 =	vpsel p0, v18, v0;
	v62, _, _ =	vpop (xrf0)  }
0x14b: {  	vm1 =	vmand @p2 vm1, vm4;
	v8 =	vadd.s32 @p0 v18, v8;
	v14 =	vadd.s32 v62, v14  }
0x14c: {  	vm1 =	vmmov @p2 vm1;
	vm4 =	vlt.s32 @p0 v8, $0x400;
	vm15 =	vlt.s32 v14, $0x400  }
0x14d: {  	v7 =	vpsel p2, v7, v0;
	vm2 =	vmand @p0 vm2, vm4;
	vm4 =	vmand vm5, vm15  }
0x14e: {  	vm2 =	vmmov @p0 vm2  }
0x14f: {  	v16 =	vmov @p2 v17;
	v8 =	vpsel p0, v8, v0  }
.Ltmp17:
0x150: {  	[tilespmem:v11+s18+$0x0] =	vst.idx.msk @p5 vm0, v12;
	v11 =	vpsel p4, v13, v0;
	v9 =	vpsel p2, v16, v9;
	(pc) =	sbr.rel .LBB2_11-.Ltmp17, $4  }
0x151: {  	v10 =	vpsel p0, v15, v10;
	[tilespmem:v19+s18+$0x0] =	vst.idx.msk @p4 vm3, v11;
	v9 =	vpsel p2, v9, v0  }
0x152: {  	v10 =	vpsel p0, v10, v0;
	v63 =	vmpcnt.ones.xlane vm5;
	[tilespmem:v7+s18+$0x0] =	vst.idx.msk @p2 vm1, v9  }
0x153: {  	v7 =	vpsel p0, v10, v0;
	[tilespmem:v14+s18+$0x0] =	vst.idx.msk vm4, v6  }
0x154: {  	v5 =	vadd.s32 v5, v63;
	[tilespmem:v8+s18+$0x0] =	vst.idx.msk @p0 vm2, v7  }
.LBB2_10:
0x155: {  	v5 =	vimm.s32 $0x0;
	s5 =	simm.s32 $0x400  }
.LBB2_11:
0x156: {  	(v2sf) =	vpush v5, $0x0;
	_ =	sdelay $0xe  }
0x157: {  	s1 =	spop (v2sf)  }
0x158: {  	s0 =	sadd.s32 $0xF, s1  }
0x159: {  	s3 =	sand.u32 $0xF, s0;
	s30 =	sshra.s32 s0, $0x1F  }
0x15a: {  	p1 =	slt.s32 s0, $0x1;
	p0 =	sne.s32 s3, $0x0;
	s3 =	sshrl.u32 s30, $0x1C  }
0x15b: {  	p0 =	por !p1, !p0;
	s0 =	sadd.s32 s3, s0  }
.Ltmp18:
0x15c: {  	s3 =	simm.s32 $0x1;
	p0 =	por !p0, !p0;
	(pc) =	sbr.rel .LBB2_12-.Ltmp18, $4  }
0x15d: {  	s0 =	sshrl.u32 s0, $0x4;
	s3 =	simm.s32 @!p0 $0x0  }
0x15e: {  	s31 =	ssub.s32 $0x200, s24;
	p1 =	slt.s32 s1, $0x400;
	s0 =	ssub.s32 s0, s3  }
0x15f: {  	s4 =	sor.u32 $0xC0000000, s26;
	s1 =	simm.s32 @!p1 $0x400;
	s0 =	sshll.u32 s0, $0x4  }
0x160: {  	v5 =	vmov s4;
	v6 =	vmov s31;
	[tilespmem:s1+$0x1C280] =	vst v3;
	s1 =	simm.s32 $0xD;
	p0 =	slt.s32 s0, $0x1  }
.LBB2_13:
0x161: {  	v8 =	vimm.s32 $0x0  }
.LBB2_14:
0x162: {  	s1 =	sadd.s32 $0x1, s1  }
0x163: {  	p1 =	seq.s32 s1, $0x20  }
.Ltmp19:
0x164: {  	_ = 	snop;
	(pc) =	sbr.rel @p1 .LBB2_15-.Ltmp19, $3  }
0x165: {  	_ =	sdelay $0x1  }
0x166: {  	vm0 =	vlt.s32 v8, v6  }
0x167: {  	v5 =	vsel vm0, v5, v7  }
.LBB2_12:
.Ltmp20:
0x168: {  	(pc) =	sbr.rel @p0 .LBB2_13-.Ltmp20, $3  }
0x169: {  	_ =	sdelay $0x1  }
0x16a: {  	s3 =	sshrl.u32 s19, s1  }
0x16b: {  	v7 =	vor.u32 s3, v5  }
0x16c: {  	s3 =	simm.s32 $0x1C280  }
0x16d: {  	v10 =	vld [tilespmem:s3+$0x0];
	_ =	sdelay $0x2  }
0x16e: {  	p1 =	sgt.s32 s0, $0x10  }
.Ltmp21:
0x16f: {  	_ = 	snop;
	(pc) =	sbr.rel @!p1 .LBB2_36-.Ltmp21, $2  }
0x170: {  	_ =	sdelay $0x2  }
0x171: {  	v9 =	vxor.u32 $0x80000000, v7;
	v8 =	vimm.s32 $0x0;
	s4 =	simm.s32 $0x1C290;
	s3 =	simm.s32 $0x10;
	v10 =	vld.idx.msk [tilespmem:v10+s2+$0x0], $0xffff  }
.LBB2_35:
0x172: {  	v11 =	vld [tilespmem:s4+$0x0];
	s3 =	sadd.s32 $0x10, s3  }
0x173: {  	p1 =	slt.s32 s3, s0;
	_ =	sdelay $0x2  }
.Ltmp22:
0x174: {  	(pc) =	sbr.rel @p1 .LBB2_35-.Ltmp22, $3  }
0x175: {  	vm0 =	vge.f32 v10, v9  }
0x176: {  	v12 =	vmpcnt.ones.xlane vm0;
	_ =	sdelay $0x1  }
0x177: {  	s4 =	sadd.s32 $0x10, s4;
	v8 =	vadd.s32 v8, v12;
	v10 =	vld.idx.msk [tilespmem:v11+s2+$0x0], $0xffff  }
.LBB2_36:
0x178: {  	_ =	sdelay $0x2  }
.Ltmp23:
0x179: {  	_ = 	snop;
	(pc) =	sbr.rel .LBB2_14-.Ltmp23, $3  }
0x17a: {  	vm0 =	vge.f32 v10, v9  }
0x17b: {  	v9 =	vmpcnt.ones.xlane vm0;
	_ =	sdelay $0x1  }
0x17c: {  	v8 =	vadd.s32 v8, v9  }
.LBB2_15:
0x17d: {  	(v2sf) =	vpush v5, $0x0;
	_ =	sdelay $0xe  }
0x17e: {  	s24 =	spop (v2sf)  }
.LBB2_48:
0x17f: {  	s0 =	simm.s32 $0x10140  }
0x180: {  	[tilespmem:s0+$0xFFFFFFC0] =	vst v0  }
0x181: {  	[tilespmem:s0+$0x30] =	vst v0  }
0x182: {  	[tilespmem:s0+$0x20] =	vst v0  }
0x183: {  	[tilespmem:s0+$0x10] =	vst v0  }
0x184: {  	[tilespmem:s0+$0x0] =	vst v0  }
0x185: {  	[tilespmem:s0+$0xFFFFFFF0] =	vst v0  }
0x186: {  	s1 =	simm.s32 $0x0;
	[tilespmem:s0+$0xFFFFFFE0] =	vst v0  }
.LBB2_49:
0x187: {  	s1 =	sadd.s32 $0x80, s1;
	[tilespmem:s0+$0xFFFFFFD0] =	vst v0;
	s0 =	sadd.s32 $0x80, s0  }
0x188: {  	[tilespmem:s0+$0xFFFFFFC0] =	vst v0;
	p0 =	slt.u32 s1, $0x7F80  }
0x189: {  	[tilespmem:s0+$0x30] =	vst v0  }
.Ltmp24:
0x18a: {  	[tilespmem:s0+$0x20] =	vst v0;
	(pc) =	sbr.rel @p0 .LBB2_49-.Ltmp24, $4  }
0x18b: {  	[tilespmem:s0+$0x10] =	vst v0  }
0x18c: {  	[tilespmem:s0+$0x0] =	vst v0  }
0x18d: {  	[tilespmem:s0+$0xFFFFFFF0] =	vst v0  }
0x18e: {  	[tilespmem:s0+$0xFFFFFFE0] =	vst v0  }
0x18f: {  	[tilespmem:s0+$0xFFFFFFD0] =	vst v0  }
0x190: {  	s0 =	sld [smem:$0x7FD]  }
0x191: {  	s1 =	sxor.u32 $0x80000000, s24  }
0x192: {  	p0 =	sgt.s32 s1, $0x1  }
0x193: {  	s1 =	simm.s32 @!p0 $0x1;
	p0 =	seq.s32 s0, $0x1  }
.Ltmp25:
0x194: {  	_ = 	snop;
	(pc) =	sbr.rel @p0 .LBB2_51-.Ltmp25, $3  }
0x195: {  	_ = 	snop  }
0x196: {  	v5 =	vmov s1  }
0x197: {  	v5 =	vbroadcast v5, $0x0;
	_ =	sdelay $0x1  }
.Ltmp26:
0x198: {  	(pc) =	sbr.rel @p3 .LBB2_62-.Ltmp26, $1  }
0x199: {  	_ =	sdelay $0x3  }
0x19a: {  	s0 =	simm.s32 $0x18180  }
0x19b: {  	v6 =	vld [tilespmem:s0+$0x0];
	_ =	sdelay $0x4  }
0x19c: {  	p1 =	sgt.s32 s25, $0x10  }
.Ltmp27:
0x19d: {  	_ = 	snop;
	(pc) =	sbr.rel @!p1 .LBB2_56-.Ltmp27, $3  }
0x19e: {  	_ = 	snop  }
0x19f: {  	v7 =	vld.idx.msk [tilespmem:v6+s2+$0x0], $0xffff;
	_ =	sdelay $0x1  }
0x1a0: {  	p0 =	por $0x0, $0x0;
	s0 =	simm.s32 $0x18190  }
0x1a1: {  	v8 =	vld [tilespmem:s0+$0x0];
	_ =	sdelay $0x2  }
0x1a2: {  	p1 =	sgt.s32 s25, $0x20  }
.Ltmp28:
0x1a3: {  	_ = 	snop;
	(pc) =	sbr.rel @!p1 .LBB2_58-.Ltmp28, $2  }
0x1a4: {  	vm0 =	vge.f32 v7, v5;
	_ =	sdelay $0x2  }
0x1a5: {  	s0 =	simm.s32 $0x20;
	s1 =	simm.s32 $0x181A0;
	p0 =	por $0x1, $0x1;
	v9 =	vld.idx.msk [tilespmem:v8+s2+$0x0], $0xffff  }
.LBB2_59:
0x1a6: {  	v10 =	vld [tilespmem:s1+$0x0];
	s0 =	sadd.s32 $0x10, s0  }
0x1a7: {  	p1 =	slt.s32 s0, s25  }
0x1a8: {  	[tilespmem:v6+s20+$0x0] =	vst.idx.msk vm0, v7;
	v6 =	vmov v8;
	_ =	sdelay $0x1  }
.Ltmp29:
0x1a9: {  	(pc) =	sbr.rel @p1 .LBB2_59-.Ltmp29, $2  }
0x1aa: {  	vm0 =	vge.f32 v9, v5;
	v7 =	vmov v9;
	v8 =	vmov v10;
	_ =	sdelay $0x2  }
0x1ab: {  	s1 =	sadd.s32 $0x10, s1;
	v9 =	vld.idx.msk [tilespmem:v10+s2+$0x0], $0xffff  }
0x1ac: {  	_ =	sdelay $0x3  }
0x1ad: {  	v10 =	vmovc v7;
	v11 =	vmov v6;
	v6 =	vmov v8;
	v7 =	vmov v9  }
.LBB2_61:
0x1ae: {  	vm1 =	vge.f32 v7, v5;
	_ =	sdelay $0x1  }
.Ltmp30:
0x1af: {  	_ = 	snop;
	(pc) =	sbr.rel .LBB2_62-.Ltmp30, $3  }
0x1b0: {  	_ =	sdelay $0x1  }
0x1b1: {  	[tilespmem:v11+s20+$0x0] =	vst.idx.msk @p0 vm0, v10  }
0x1b2: {  	[tilespmem:v6+s20+$0x0] =	vst.idx.msk vm1, v7  }
.LBB2_51:
0x1b3: {  	s3 =	simm.s32 $0x40  }
0x1b4: {  	v9 =	vld [tilespmem:s3+$0x30]  }
0x1b5: {  	v12 =	vld [tilespmem:s3+$0xFFFFFFD0]  }
0x1b6: {  	v11 =	vld [tilespmem:s3+$0xFFFFFFE0]  }
0x1b7: {  	v10 =	vld [tilespmem:s3+$0xFFFFFFF0]  }
0x1b8: {  	v8 =	vld [tilespmem:s3+$0x0]  }
0x1b9: {  	v7 =	vld [tilespmem:s3+$0x10];
	vm0 =	vge.f32 v9, v5  }
0x1ba: {  	s0 =	simm.s32 $0x10140;
	v6 =	vld [tilespmem:s3+$0x20];
	vm1 =	vge.f32 v12, v5;
	v13 =	vnsel vm0, $0x0, v9  }
0x1bb: {  	s1 =	simm.s32 $0x0;
	v9 =	vld [tilespmem:s3+$0xFFFFFFC0];
	v12 =	vnsel vm1, $0x0, v12;
	vm0 =	vge.f32 v11, v5;
	s3 =	simm.s32 $0xC0;
	[tilespmem:s0+$0x30] =	vst v13  }
.LBB2_52:
0x1bc: {  	v13 =	vld [tilespmem:s3+$0x30];
	s1 =	sadd.s32 $0x80, s1;
	[tilespmem:s0+$0xFFFFFFD0] =	vst v12;
	v11 =	vnsel vm0, $0x0, v11;
	vm0 =	vge.f32 v10, v5  }
0x1bd: {  	v12 =	vld [tilespmem:s3+$0xFFFFFFD0];
	p0 =	slt.u32 s1, $0x7F80;
	[tilespmem:s0+$0xFFFFFFE0] =	vst v11;
	v10 =	vnsel vm0, $0x0, v10;
	vm0 =	vge.f32 v8, v5  }
0x1be: {  	v11 =	vld [tilespmem:s3+$0xFFFFFFE0];
	[tilespmem:s0+$0xFFFFFFF0] =	vst v10;
	v8 =	vnsel vm0, $0x0, v8;
	vm0 =	vge.f32 v7, v5  }
.Ltmp31:
0x1bf: {  	v10 =	vld [tilespmem:s3+$0xFFFFFFF0];
	[tilespmem:s0+$0x0] =	vst v8;
	v7 =	vnsel vm0, $0x0, v7;
	vm0 =	vge.f32 v6, v5;
	(pc) =	sbr.rel @p0 .LBB2_52-.Ltmp31, $4  }
0x1c0: {  	v8 =	vld [tilespmem:s3+$0x0];
	vm1 =	vge.f32 v9, v5;
	[tilespmem:s0+$0x10] =	vst v7;
	v6 =	vnsel vm0, $0x0, v6  }
0x1c1: {  	v7 =	vld [tilespmem:s3+$0x10];
	vm0 =	vge.f32 v13, v5;
	v9 =	vnsel vm1, $0x0, v9;
	[tilespmem:s0+$0x20] =	vst v6  }
0x1c2: {  	vm1 =	vge.f32 v12, v5;
	v6 =	vld [tilespmem:s3+$0x20];
	v13 =	vnsel vm0, $0x0, v13;
	[tilespmem:s0+$0xFFFFFFC0] =	vst v9;
	s0 =	sadd.s32 $0x80, s0  }
0x1c3: {  	v9 =	vld [tilespmem:s3+$0xFFFFFFC0];
	v12 =	vnsel vm1, $0x0, v12;
	vm0 =	vge.f32 v11, v5;
	[tilespmem:s0+$0x30] =	vst v13;
	s3 =	sadd.s32 $0x80, s3  }
0x1c4: {  	[tilespmem:s0+$0xFFFFFFD0] =	vst v12;
	v11 =	vnsel vm0, $0x0, v11;
	vm12 =	vge.f32 v10, v5  }
0x1c5: {  	[tilespmem:s0+$0xFFFFFFE0] =	vst v11;
	v10 =	vnsel vm12, $0x0, v10;
	vm13 =	vge.f32 v8, v5  }
0x1c6: {  	[tilespmem:s0+$0xFFFFFFF0] =	vst v10;
	v8 =	vnsel vm13, $0x0, v8;
	vm14 =	vge.f32 v7, v5  }
0x1c7: {  	[tilespmem:s0+$0x0] =	vst v8;
	v7 =	vnsel vm14, $0x0, v7;
	vm15 =	vge.f32 v6, v5  }
0x1c8: {  	vm1 =	vge.f32 v9, v5;
	[tilespmem:s0+$0x10] =	vst v7;
	v5 =	vnsel vm15, $0x0, v6  }
0x1c9: {  	v6 =	vnsel vm1, $0x0, v9;
	[tilespmem:s0+$0x20] =	vst v5  }
0x1ca: {  	[tilespmem:s0+$0xFFFFFFC0] =	vst v6  }
.LBB2_62:
0x1cb: {  	s0 =	rddreg [dreg:$0x5];
	s11 =	simm.s32 $0x1  }
0x1cc: {  	[hbm4b:s0+s14] =	stream.strided.scatter [tilespmem:s20], [sflag:$0x2], $0x8000, s5, s14, $0x38;
	[tilespmem:$0x1C880] =	vst v63  }
0x1cd: {  	_ =	swait.ge [sflag:s11], $0x8000  }
0x1ce: {  	s24 =	simm.s32 $0x0;
	[sflag:s11] =	ssyncset.done $0x0  }
0x1cf: {  	s13 =	simm.s32 $0x80C0;
	s12 =	rddreg [dreg:$0x6];
	[sflag:s11] =	ssyncadd.s32 $0xFFFF8000  }
0x1d0: {  	[tilespmem:s24], [sflag:$0x1] =	stream.strided.gather [hbm4b:s12+s14], $0x8000, s5, s14, $0x38;
	[tilespmem:$0x1C880] =	vst v63  }
0x1d1: {  	v5 =	vld [tilespmem:s13+$0xFFFFFFC0]  }
0x1d2: {  	v6 =	vld [tilespmem:s13+$0xFFFFFFD0]  }
0x1d3: {  	v7 =	vld [tilespmem:s13+$0xFFFFFFE0]  }
0x1d4: {  	v8 =	vld [tilespmem:s13+$0xFFFFFFF0]  }
0x1d5: {  	v9 =	vld [tilespmem:s13+$0x0];
	_ =	sdelay $0x3  }
0x1d6: {  	v10 =	vimm.s32 $0x0;
	vm2 =	vge.f32 v5, $2.000000000e+00;
	vm0 =	vge.f32 v6, $2.000000000e+00  }
0x1d7: {  	v5 =	vld [tilespmem:s13+$0x10];
	vm1 =	vge.f32 v7, $2.000000000e+00;
	vm4 =	vge.f32 v8, $2.000000000e+00;
	vm3 =	vge.f32 v9, $2.000000000e+00  }
0x1d8: {  	v6 =	vld [tilespmem:s13+$0x20];
	v11 =	vmpcnt.ones.xlane vm2;
	v12 =	vsel vm2, $0x1, v1;
	v13 =	vmpcnt.ones.xlane vm0  }
0x1d9: {  	v7 =	vld [tilespmem:s13+$0x30];
	v14 =	vmpcnt.ones.xlane vm1;
	v15 =	vsel vm4, $0x1, v1;
	v16 =	vsel vm3, $0x1, v1  }
0x1da: {  	v18 =	vsel vm0, $0xFFFFFFFF, v1;
	v19 =	vsel vm1, $0xFFFFFFFF, v1;
	v11 =	vadd.s32 v10, v11  }
0x1db: {  	v20 =	vsel vm4, $0xFFFFFFFF, v1;
	v21 =	vsel vm3, $0xFFFFFFFF, v1;
	v8 =	vadd.s32 v11, v13  }
0x1dc: {  	v13 =	vmpcnt.ones.xlane vm4;
	v11 =	vadd.s32 v18, v11;
	v9 =	vadd.s32 v8, v14  }
0x1dd: {  	v14 =	vmpcnt.ones.xlane vm3;
	vm5 =	vge.f32 v5, $2.000000000e+00;
	vm6 =	vge.f32 v6, $2.000000000e+00  }
0x1de: {  	v6 =	vsel vm0, $0x1, v1;
	vm7 =	vge.f32 v7, $2.000000000e+00;
	v8 =	vadd.s32 v19, v8  }
0x1df: {  	(xrf0) =	vadd.scan.msk.s32 $0xffff, v12;
	v19 =	vor.u32 s24, v2;
	v5 =	vadd.s32 v9, v13;
	v13 =	vmpcnt.ones.xlane vm5  }
0x1e0: {  	(xrf0) =	vadd.scan.msk.s32 $0xffff, v6;
	v6 =	vsel vm1, $0x1, v1;
	v12 =	vadd.s32 v5, v14;
	v14 =	vmpcnt.ones.xlane vm6  }
0x1e1: {  	v7 =	vmpcnt.ones.xlane vm7;
	v17 =	vsel vm6, $0x1, v1;
	(xrf0) =	vadd.scan.msk.s32 $0xffff, v6;
	v13 =	vadd.s32 v12, v13  }
0x1e2: {  	v22 =	vsel vm5, $0xFFFFFFFF, v1;
	(xrf0) =	vadd.scan.msk.s32 $0xffff, v15;
	v6 =	vadd.s32 v13, v14;
	v14 =	vsel vm5, $0x1, v1  }
0x1e3: {  	s14 =	simm.s32 $0x10;
	v23 =	vsel vm6, $0xFFFFFFFF, v1;
	v24 =	vsel vm7, $0xFFFFFFFF, v1;
	v9 =	vadd.s32 v20, v9;
	(xrf0) =	vadd.scan.msk.s32 $0xffff, v16  }
0x1e4: {  	s1 =	simm.s32 $0x20;
	v20 =	vor.u32 s14, v2;
	v5 =	vadd.s32 v21, v5;
	v16 =	vsel vm7, $0x1, v1;
	(xrf0) =	vadd.scan.msk.s32 $0xffff, v14  }
0x1e5: {  	s24 =	simm.s32 $0x30;
	v21 =	vor.u32 s1, v2;
	v15 =	vsel vm2, $0xFFFFFFFF, v1;
	v12 =	vadd.s32 v22, v12;
	v14, _, _ =	vpop (xrf0);
	(xrf0) =	vadd.scan.msk.s32 $0xffff, v17  }
0x1e6: {  	v13 =	vadd.s32 v23, v13;
	v10 =	vadd.s32 v15, v10;
	v23 =	vor.u32 s24, v2;
	v17, _, _ =	vpop (xrf0)  }
0x1e7: {  	s28 =	simm.s32 $0x8140;
	s26 =	simm.s32 $0x40;
	v7 =	vadd.s32 v6, v7;
	v6 =	vadd.s32 v24, v6;
	(xrf0) =	vadd.scan.msk.s32 $0xffff, v16;
	v10 =	vadd.s32 v14, v10;
	v16, _, _ =	vpop (xrf0)  }
0x1e8: {  	v18 =	vld [tilespmem:s28+$0xFFFFFFF0];
	v24 =	vor.u32 s26, v2;
	v14 =	vadd.s32 v17, v11;
	vm8 =	vlt.s32 v10, $0x2000;
	v15, _, _ =	vpop (xrf0)  }
0x1e9: {  	v8 =	vadd.s32 v16, v8;
	vm9 =	vlt.s32 v14, $0x2000;
	vm2 =	vmand vm2, vm8;
	v11, _, _ =	vpop (xrf0)  }
0x1ea: {  	v17 =	vld [tilespmem:s28+$0xFFFFFFE0];
	v15 =	vadd.s32 v15, v9;
	vm10 =	vlt.s32 v8, $0x2000;
	vm8 =	vmand vm0, vm9;
	v9, _, _ =	vpop (xrf0)  }
0x1eb: {  	v16 =	vadd.s32 v11, v5;
	vm13 =	vlt.s32 v15, $0x2000;
	vm1 =	vmand vm1, vm10;
	v11, _, _ =	vpop (xrf0)  }
0x1ec: {  	v5 =	vadd.s32 v9, v12;
	vm14 =	vlt.s32 v16, $0x2000;
	v12 =	vld [tilespmem:s28+$0xFFFFFFC0];
	v9 =	vadd.s32 v11, v13  }
0x1ed: {  	vm9 =	vmand vm4, vm13;
	vm4 =	vge.f32 v18, $2.000000000e+00;
	v11, _, _ =	vpop (xrf0);
	v13 =	vld [tilespmem:s28+$0xFFFFFFD0];
	vm11 =	vlt.s32 v9, $0x2000  }
0x1ee: {  	v22 =	vld [tilespmem:s28+$0x0];
	vm15 =	vlt.s32 v5, $0x2000;
	v11 =	vadd.s32 v11, v6;
	vm12 =	vmand vm6, vm11  }
0x1ef: {  	s3 =	simm.s32 $0x50;
	vm10 =	vmand vm3, vm14;
	vm3 =	vge.f32 v17, $2.000000000e+00;
	vm0 =	vlt.s32 v11, $0x2000  }
0x1f0: {  	s30 =	simm.s32 $0x60;
	s31 =	simm.s32 $0x70;
	v18 =	vmpcnt.ones.xlane vm4;
	v6 =	vor.u32 s3, v2;
	vm6 =	vmand vm7, vm0  }
0x1f1: {  	[tilespmem:v10+s21+$0x0] =	vst.idx.msk vm2, v19;
	v10 =	vor.u32 s30, v2;
	v19 =	vor.u32 s31, v2;
	vm11 =	vge.f32 v12, $2.000000000e+00;
	v12 =	vld [tilespmem:s28+$0x10]  }
0x1f2: {  	v17 =	vld [tilespmem:s28+$0x30];
	v25 =	vsel vm11, $0x1, v1;
	v26 =	vmpcnt.ones.xlane vm11;
	vm2 =	vge.f32 v13, $2.000000000e+00  }
0x1f3: {  	vm0 =	vmand vm5, vm15;
	vm5 =	vge.f32 v22, $2.000000000e+00;
	v13 =	vld [tilespmem:s28+$0x20];
	v27 =	vmpcnt.ones.xlane vm2;
	(xrf0) =	vadd.scan.msk.s32 $0xffff, v25  }
0x1f4: {  	v25 =	vmpcnt.ones.xlane vm3;
	[tilespmem:v9+s21+$0x0] =	vst.idx.msk vm12, v10;
	v10 =	vsel vm2, $0x1, v1;
	v9 =	vadd.s32 v7, v26  }
0x1f5: {  	[tilespmem:v14+s21+$0x0] =	vst.idx.msk vm8, v20;
	v22 =	vsel vm4, $0xFFFFFFFF, v1;
	(xrf0) =	vadd.scan.msk.s32 $0xffff, v10;
	v10 =	vadd.s32 v9, v27  }
0x1f6: {  	[tilespmem:v11+s21+$0x0] =	vst.idx.msk vm6, v19;
	v19 =	vmpcnt.ones.xlane vm5;
	vm6 =	vge.f32 v12, $2.000000000e+00;
	v11 =	vadd.s32 v10, v25  }
0x1f7: {  	[tilespmem:v8+s21+$0x0] =	vst.idx.msk vm1, v21;
	v21 =	vsel vm5, $0x1, v1;
	v14 =	vmpcnt.ones.xlane vm6;
	v12 =	vadd.s32 v11, v18  }
0x1f8: {  	vm7 =	vge.f32 v17, $2.000000000e+00;
	vm8 =	vge.f32 v13, $2.000000000e+00;
	v13 =	vadd.s32 v12, v19  }
0x1f9: {  	[tilespmem:v15+s21+$0x0] =	vst.idx.msk vm9, v23;
	v18 =	vsel vm3, $0x1, v1;
	v15 =	vadd.s32 v13, v14;
	v14 =	vmpcnt.ones.xlane vm7  }
0x1fa: {  	[tilespmem:v16+s21+$0x0] =	vst.idx.msk vm10, v24;
	v16 =	vsel vm4, $0x1, v1;
	v8 =	vmpcnt.ones.xlane vm8;
	(xrf0) =	vadd.scan.msk.s32 $0xffff, v18  }
0x1fb: {  	v23 =	vsel vm5, $0xFFFFFFFF, v1;
	v20 =	vsel vm7, $0x1, v1;
	v26 =	vsel vm7, $0xFFFFFFFF, v1;
	(xrf0) =	vadd.scan.msk.s32 $0xffff, v16  }
0x1fc: {  	v24 =	vsel vm6, $0x1, v1;
	v27 =	vsel vm8, $0x1, v1;
	v17 =	vadd.s32 v15, v8;
	(xrf0) =	vadd.scan.msk.s32 $0xffff, v21  }
0x1fd: {  	v25 =	vsel vm8, $0xFFFFFFFF, v1;
	v18 =	vsel vm11, $0xFFFFFFFF, v1;
	v8 =	vadd.s32 v17, v14;
	v14, _, _ =	vpop (xrf0);
	(xrf0) =	vadd.scan.msk.s32 $0xffff, v24  }
0x1fe: {  	s29 =	simm.s32 $0x180;
	s24 =	simm.s32 $0x100;
	s26 =	simm.s32 $0x80;
	v19 =	vsel vm2, $0xFFFFFFFF, v1;
	v21 =	vsel vm3, $0xFFFFFFFF, v1;
	v24 =	vsel vm6, $0xFFFFFFFF, v1;
	v16, _, _ =	vpop (xrf0);
	(xrf0) =	vadd.scan.msk.s32 $0xffff, v27  }
.LBB2_63:
0x1ff: {  	p0 =	slt.u32 s29, $0x7F80;
	v13 =	vadd.s32 v24, v13;
	v15 =	vadd.s32 v25, v15;
	v17 =	vadd.s32 v26, v17;
	(xrf0) =	vadd.scan.msk.s32 $0xffff, v20  }
0x200: {  	v21 =	vadd.s32 v21, v10;
	v11 =	vadd.s32 v22, v11;
	v12 =	vadd.s32 v23, v12;
	v20, _, _ =	vpop (xrf0)  }
0x201: {  	v22 =	vadd.s32 v18, v7;
	v9 =	vadd.s32 v19, v9;
	v18 =	vadd.s32 v20, v21;
	v10, _, _ =	vpop (xrf0)  }
0x202: {  	v14 =	vadd.s32 v14, v22;
	v16 =	vadd.s32 v16, v9;
	v19 =	vadd.s32 v10, v11;
	v7, _, _ =	vpop (xrf0)  }
0x203: {  	vm9 =	vlt.s32 v14, $0x2000;
	vm10 =	vlt.s32 v16, $0x2000;
	v20 =	vadd.s32 v7, v12;
	v7, _, _ =	vpop (xrf0);
	[tilespmem:v5+s21+$0x0] =	vst.idx.msk vm0, v6  }
0x204: {  	vm0 =	vlt.s32 v18, $0x2000;
	vm14 =	vlt.s32 v19, $0x2000;
	v5 =	vadd.s32 v7, v13;
	v6, _, _ =	vpop (xrf0)  }
0x205: {  	vm15 =	vlt.s32 v20, $0x2000;
	vm1 =	vlt.s32 v5, $0x2000;
	v9 =	vadd.s32 v6, v15;
	v6, _, _ =	vpop (xrf0)  }
0x206: {  	s28 =	sadd.s32 $0x80, s28;
	vm13 =	vmand vm11, vm9;
	v7 =	vmovc v8;
	vm11 =	vlt.s32 v9, $0x2000;
	v11 =	vadd.s32 v6, v17  }
0x207: {  	vm9 =	vmand vm2, vm10;
	v10 =	vld [tilespmem:s28+$0xFFFFFFC0];
	vm8 =	vmand vm8, vm11;
	vm2 =	vlt.s32 v11, $0x2000  }
0x208: {  	vm12 =	vmand vm3, vm0;
	vm14 =	vmand vm4, vm14;
	v12 =	vld [tilespmem:s28+$0xFFFFFFD0];
	vm7 =	vmand vm7, vm2  }
0x209: {  	s0 =	sadd.s32 $0x10, s26;
	s1 =	sadd.s32 $0x20, s26;
	vm10 =	vmand vm5, vm15;
	vm0 =	vmand vm6, vm1;
	v13 =	vld [tilespmem:s28+$0xFFFFFFE0]  }
0x20a: {  	s3 =	sadd.s32 $0x50, s26;
	v22 =	vor.u32 s1, v2;
	s1 =	sadd.s32 $0x40, s26;
	v21 =	vor.u32 s0, v2;
	s0 =	sadd.s32 $0x30, s26;
	v17 =	vor.u32 s26, v2;
	v15 =	vld [tilespmem:s28+$0xFFFFFFF0]  }
0x20b: {  	v25 =	vor.u32 s1, v2;
	s1 =	sadd.s32 $0x70, s26;
	v24 =	vor.u32 s0, v2;
	s0 =	sadd.s32 $0x60, s26;
	v6 =	vor.u32 s3, v2;
	s26 =	smov.u32 s24;
	v23 =	vld [tilespmem:s28+$0x0]  }
0x20c: {  	s24 =	smov.u32 s29;
	vm11 =	vge.f32 v10, $2.000000000e+00;
	v26 =	vld [tilespmem:s28+$0x10];
	[tilespmem:v14+s21+$0x0] =	vst.idx.msk vm13, v17;
	v10 =	vor.u32 s0, v2;
	v14 =	vor.u32 s1, v2  }
0x20d: {  	v17 =	vsel vm11, $0x1, v1;
	v27 =	vmpcnt.ones.xlane vm11;
	vm2 =	vge.f32 v12, $2.000000000e+00;
	v28 =	vld [tilespmem:s28+$0x20];
	[tilespmem:v9+s21+$0x0] =	vst.idx.msk vm8, v10  }
0x20e: {  	v10 =	vsel vm2, $0x1, v1;
	v12 =	vmpcnt.ones.xlane vm2;
	vm3 =	vge.f32 v13, $2.000000000e+00;
	v29 =	vld [tilespmem:s28+$0x30];
	(xrf0) =	vadd.scan.msk.s32 $0xffff, v17  }
0x20f: {  	v9 =	vadd.s32 v8, v27;
	v8 =	vmpcnt.ones.xlane vm3;
	vm4 =	vge.f32 v15, $2.000000000e+00;
	(xrf0) =	vadd.scan.msk.s32 $0xffff, v10  }
0x210: {  	v10 =	vadd.s32 v9, v12;
	v12 =	vmpcnt.ones.xlane vm4;
	vm5 =	vge.f32 v23, $2.000000000e+00;
	[tilespmem:v11+s21+$0x0] =	vst.idx.msk vm7, v14  }
0x211: {  	v11 =	vadd.s32 v10, v8;
	v8 =	vmpcnt.ones.xlane vm5;
	vm6 =	vge.f32 v26, $2.000000000e+00;
	[tilespmem:v16+s21+$0x0] =	vst.idx.msk vm9, v21  }
0x212: {  	v12 =	vadd.s32 v11, v12;
	v23 =	vmpcnt.ones.xlane vm6;
	vm8 =	vge.f32 v28, $2.000000000e+00;
	[tilespmem:v18+s21+$0x0] =	vst.idx.msk vm12, v22  }
0x213: {  	v13 =	vadd.s32 v12, v8;
	v8 =	vmpcnt.ones.xlane vm8;
	vm7 =	vge.f32 v29, $2.000000000e+00;
	[tilespmem:v19+s21+$0x0] =	vst.idx.msk vm14, v24  }
0x214: {  	v18 =	vsel vm3, $0x1, v1;
	v15 =	vadd.s32 v13, v23;
	v19 =	vmpcnt.ones.xlane vm7;
	v14, _, _ =	vpop (xrf0);
	[tilespmem:v20+s21+$0x0] =	vst.idx.msk vm10, v25  }
.Ltmp32:
0x215: {  	v21 =	vsel vm5, $0x1, v1;
	v20 =	vsel vm4, $0x1, v1;
	v17 =	vadd.s32 v15, v8;
	v16, _, _ =	vpop (xrf0);
	(xrf0) =	vadd.scan.msk.s32 $0xffff, v18;
	(pc) =	sbr.rel @p0 .LBB2_63-.Ltmp32, $4  }
0x216: {  	v24 =	vsel vm6, $0x1, v1;
	v27 =	vsel vm8, $0x1, v1;
	v8 =	vadd.s32 v17, v19;
	(xrf0) =	vadd.scan.msk.s32 $0xffff, v20  }
0x217: {  	v18 =	vsel vm11, $0xFFFFFFFF, v1;
	v19 =	vsel vm2, $0xFFFFFFFF, v1;
	v20 =	vsel vm7, $0x1, v1;
	(xrf0) =	vadd.scan.msk.s32 $0xffff, v21  }
0x218: {  	v22 =	vsel vm4, $0xFFFFFFFF, v1;
	v23 =	vsel vm5, $0xFFFFFFFF, v1;
	v21 =	vsel vm3, $0xFFFFFFFF, v1;
	(xrf0) =	vadd.scan.msk.s32 $0xffff, v24  }
0x219: {  	s29 =	sadd.s32 $0x80, s29;
	v25 =	vsel vm8, $0xFFFFFFFF, v1;
	v26 =	vsel vm7, $0xFFFFFFFF, v1;
	v24 =	vsel vm6, $0xFFFFFFFF, v1;
	(xrf0) =	vadd.scan.msk.s32 $0xffff, v27  }
0x21a: {  	v13 =	vadd.s32 v24, v13;
	v15 =	vadd.s32 v25, v15;
	v17 =	vadd.s32 v26, v17  }
0x21b: {  	v10 =	vadd.s32 v21, v10;
	v11 =	vadd.s32 v22, v11;
	v12 =	vadd.s32 v23, v12  }
0x21c: {  	(xrf0) =	vadd.scan.msk.s32 $0xffff, v20;
	v18 =	vadd.s32 v18, v7;
	v9 =	vadd.s32 v19, v9;
	s1 =	sadd.s32 $0x10, s26;
	v46 =	vimm.s32 $0x0;
	v35, _, _ =	vpop (xrf0)  }
0x21d: {  	s3 =	sadd.s32 $0x20, s26;
	v14 =	vadd.s32 v14, v18;
	v16 =	vadd.s32 v16, v9;
	v20 =	vor.u32 s1, v2;
	v36, _, _ =	vpop (xrf0)  }
0x21e: {  	s0 =	sadd.s32 $0x80, s28;
	v22 =	vor.u32 s3, v2;
	v7 =	vadd.s32 v35, v10;
	vm1 =	vlt.s32 v14, $0x2000;
	v37, _, _ =	vpop (xrf0)  }
0x21f: {  	v38 =	vld [tilespmem:s0+$0xFFFFFFC0];
	vm9 =	vlt.s32 v16, $0x2000;
	v9 =	vadd.s32 v36, v11;
	vm10 =	vlt.s32 v7, $0x2000;
	v39, _, _ =	vpop (xrf0)  }
0x220: {  	v42 =	vld [tilespmem:s0+$0xFFFFFFD0];
	vm12 =	vmand vm11, vm1;
	vm9 =	vmand vm2, vm9;
	v10 =	vadd.s32 v37, v12;
	v40, _, _ =	vpop (xrf0)  }
0x221: {  	s8 =	sadd.s32 $0x30, s26;
	v43 =	vld [tilespmem:s0+$0xFFFFFFE0];
	vm13 =	vlt.s32 v9, $0x2000;
	v11 =	vadd.s32 v39, v13;
	v12 =	vadd.s32 v40, v15  }
0x222: {  	vm14 =	vlt.s32 v10, $0x2000;
	v39 =	vor.u32 s8, v2;
	v41, _, _ =	vpop (xrf0);
	vm1 =	vlt.s32 v12, $0x2000  }
0x223: {  	vm15 =	vlt.s32 v11, $0x2000;
	v13 =	vadd.s32 v41, v17;
	vm11 =	vmand vm8, vm1  }
0x224: {  	v44 =	vld [tilespmem:s0+$0xFFFFFFF0];
	vm1 =	vge.f32 v38, $2.000000000e+00;
	vm2 =	vlt.s32 v13, $0x2000;
	vm8 =	vmand vm3, vm10  }
0x225: {  	vm3 =	vmand vm4, vm13;
	vm10 =	vmand vm6, vm15;
	vm6 =	vge.f32 v42, $2.000000000e+00  }
0x226: {  	vm4 =	vge.f32 v43, $2.000000000e+00;
	v45 =	vsel vm1, $0x1, v1;
	vm13 =	vmand vm7, vm2  }
0x227: {  	vm2 =	vmand vm5, vm14;
	v19 =	vsel vm10, $0xFFFFFFFF, v46;
	v49 =	vmpcnt.ones.xlane vm1  }
0x228: {  	v15 =	vsel vm6, $0x1, v1;
	v50 =	vmpcnt.ones.xlane vm6;
	v52 =	vmpcnt.ones.xlane vm4;
	[tilespmem:$0x1FFE0] =	vst v19  }
0x229: {  	vm5 =	vge.f32 v44, $2.000000000e+00;
	v27 =	vsel vm1, $0xFFFFFFFF, v1;
	v60 =	vsel vm4, $0x1, v1;
	v47 =	vld [tilespmem:s0+$0x0]  }
0x22a: {  	v30 =	vsel vm4, $0xFFFFFFFF, v1;
	(xrf0) =	vadd.scan.msk.s32 $0xffff, v45;
	v19 =	vor.u32 s26, v2;
	v54 =	vmpcnt.ones.xlane vm5;
	v48 =	vld [tilespmem:s0+$0x10]  }
0x22b: {  	v57 =	vadd.s32 v27, v8;
	v62 =	vsel vm5, $0x1, v1;
	v51 =	vadd.s32 v8, v49;
	v53 =	vld [tilespmem:s0+$0x20];
	[tilespmem:v5+s21+$0x0] =	vst.idx.msk vm0, v6  }
0x22c: {  	v43 =	vsel vm5, $0xFFFFFFFF, v1;
	(xrf0) =	vadd.scan.msk.s32 $0xffff, v15;
	[tilespmem:v14+s21+$0x0] =	vst.idx.msk vm12, v19;
	v25 =	vadd.s32 v51, v50  }
0x22d: {  	s10 =	sadd.s32 $0x70, s26;
	v6 =	vsel vm6, $0xFFFFFFFF, v1;
	[tilespmem:v16+s21+$0x0] =	vst.idx.msk vm9, v20;
	(xrf0) =	vadd.scan.msk.s32 $0xffff, v60;
	v55 =	vadd.s32 v25, v52  }
0x22e: {  	s11 =	sadd.s32 $0x40, s26;
	v28 =	vld [tilespmem:s0+$0x30];
	v6 =	vadd.s32 v6, v51;
	v51 =	vor.u32 s10, v2;
	(xrf0) =	vadd.scan.msk.s32 $0xffff, v62;
	v59 =	vadd.s32 v55, v54  }
0x22f: {  	v54 =	vor.u32 s11, v2;
	[tilespmem:v7+s21+$0x0] =	vst.idx.msk vm8, v22;
	vm7 =	vge.f32 v47, $2.000000000e+00;
	vm10 =	vge.f32 v48, $2.000000000e+00  }
0x230: {  	[tilespmem:v9+s21+$0x0] =	vst.idx.msk vm3, v39;
	v56, _, _ =	vpop (xrf0);
	vm15 =	vge.f32 v53, $2.000000000e+00;
	v58 =	vmpcnt.ones.xlane vm7;
	v33 =	vsel vm7, $0x1, v1  }
0x231: {  	v8 =	vadd.s32 v56, v57;
	v61 =	vmpcnt.ones.xlane vm10;
	v35 =	vsel vm10, $0x1, v1;
	(xrf0) =	vadd.scan.msk.s32 $0xffff, v33  }
0x232: {  	v34 =	vmpcnt.ones.xlane vm15;
	v38 =	vsel vm15, $0x1, v1;
	vm14 =	vlt.s32 v8, $0x2000;
	(xrf0) =	vadd.scan.msk.s32 $0xffff, v35  }
0x233: {  	vm14 =	vmand vm1, vm14;
	v63 =	vadd.s32 v59, v58;
	vm1 =	vge.f32 v28, $2.000000000e+00;
	(xrf0) =	vadd.scan.msk.s32 $0xffff, v38  }
0x234: {  	s9 =	sadd.s32 $0x60, s26;
	[tilespmem:v13+s21+$0x0] =	vst.idx.msk vm13, v51;
	v40, _, _ =	vpop (xrf0);
	v36 =	vadd.s32 v63, v61;
	v37 =	vmpcnt.ones.xlane vm1;
	v29 =	vsel vm1, $0x1, v1  }
0x235: {  	s28 =	sadd.s32 $0x20, s24;
	[tilespmem:v10+s21+$0x0] =	vst.idx.msk vm2, v54;
	v48 =	vor.u32 s9, v2;
	v42, _, _ =	vpop (xrf0);
	v26 =	vadd.s32 v36, v34;
	(xrf0) =	vadd.scan.msk.s32 $0xffff, v29  }
0x236: {  	v25 =	vadd.s32 v30, v25;
	v62 =	vor.u32 s28, v2;
	[tilespmem:v12+s21+$0x0] =	vst.idx.msk vm11, v48;
	v44, _, _ =	vpop (xrf0);
	v24 =	vadd.s32 v26, v37  }
0x237: {  	v5 =	vadd.s32 v43, v55;
	v45 =	vsel vm7, $0xFFFFFFFF, v1;
	v10 =	vld [tilespmem:$0x1FFE0];
	(v2sf) =	vpush v24, $0x0;
	v46, _, _ =	vpop (xrf0)  }
0x238: {  	v31 =	vsel vm10, $0xFFFFFFFF, v1;
	v41 =	vsel vm15, $0xFFFFFFFF, v1;
	v15 =	vadd.s32 v45, v59;
	v47, _, _ =	vpop (xrf0)  }
0x239: {  	v6 =	vadd.s32 v40, v6;
	v49 =	vadd.s32 v42, v25;
	v23 =	vadd.s32 v41, v36;
	v50, _, _ =	vpop (xrf0)  }
0x23a: {  	v32 =	vsel vm1, $0xFFFFFFFF, v1;
	vm9 =	vlt.s32 v49, $0x2000;
	v52 =	vadd.s32 v50, v23  }
0x23b: {  	vm3 =	vmand vm4, vm9;
	v26 =	vadd.s32 v32, v26;
	v53, _, _ =	vpop (xrf0);
	vm12 =	vlt.s32 v52, $0x2000  }
0x23c: {  	v55 =	vadd.s32 v53, v26;
	vm0 =	vmand vm15, vm12;
	vm12 =	vnez.u8 v10  }
0x23d: {  	v58 =	vor.u32 s24, v2;
	v18 =	vadd.s32 v31, v63;
	vm13 =	vlt.s32 v55, $0x2000  }
0x23e: {  	v5 =	vadd.s32 v44, v5;
	vm15 =	vlt.s32 v6, $0x2000;
	vm1 =	vmand vm1, vm13  }
0x23f: {  	vm11 =	vlt.s32 v5, $0x2000;
	v7 =	vadd.s32 v46, v15;
	vm6 =	vmand vm6, vm15  }
0x240: {  	s12 =	sadd.s32 $0x50, s26;
	vm2 =	vmand vm5, vm11;
	[tilespmem:v8+s21+$0x0] =	vst.idx.msk vm14, v58;
	v57 =	vadd.s32 v47, v18;
	vm13 =	vlt.s32 v7, $0x2000  }
0x241: {  	s13 =	sadd.s32 $0x60, s24;
	v56 =	vor.u32 s12, v2;
	[tilespmem:v49+s21+$0x0] =	vst.idx.msk vm3, v62;
	vm15 =	vlt.s32 v57, $0x2000;
	vm4 =	vmand vm7, vm13  }
0x242: {  	s14 =	sadd.s32 $0x70, s24;
	v59 =	vor.u32 s13, v2;
	vm5 =	vmand vm10, vm15;
	[tilespmem:v11+s21+$0x0] =	vst.idx.msk vm12, v56  }
0x243: {  	s26 =	sadd.s32 $0x10, s24;
	v60 =	vor.u32 s14, v2;
	[tilespmem:v52+s21+$0x0] =	vst.idx.msk vm0, v59  }
0x244: {  	s29 =	sadd.s32 $0x30, s24;
	v61 =	vor.u32 s26, v2;
	[tilespmem:v55+s21+$0x0] =	vst.idx.msk vm1, v60  }
0x245: {  	s30 =	sadd.s32 $0x40, s24;
	[tilespmem:v6+s21+$0x0] =	vst.idx.msk vm6, v61;
	v6 =	vor.u32 s29, v2  }
0x246: {  	s31 =	sadd.s32 $0x50, s24;
	v63 =	vor.u32 s30, v2;
	[tilespmem:v5+s21+$0x0] =	vst.idx.msk vm2, v6;
	s26 =	spop (v2sf)  }
0x247: {  	v5 =	vor.u32 s31, v2;
	[tilespmem:v7+s21+$0x0] =	vst.idx.msk vm4, v63;
	p0 =	slt.s32 s26, $0x2000;
	s0 =	smov.u32 s26  }
0x248: {  	[tilespmem:v57+s21+$0x0] =	vst.idx.msk vm5, v5;
	s0 =	simm.s32 @!p0 $0x2000  }
0x249: {  	s1 =	simm.s32 $0x1C700;
	[tilespmem:s0+$0x1A200] =	vst v3  }
0x24a: {  	s3 =	simm.s32 $0x0;
	[tilespmem:s1+$0x0] =	vst v1  }
.LBB2_65:
0x24b: {  	s3 =	sadd.s32 $0x10, s3  }
0x24c: {  	p0 =	slt.u32 s3, $0x100  }
.Ltmp33:
0x24d: {  	_ = 	snop;
	(pc) =	sbr.rel @p0 .LBB2_65-.Ltmp33, $3  }
0x24e: {  	_ =	sdelay $0x1  }
0x24f: {  	s1 =	sadd.s32 $0x10, s1  }
0x250: {  	[tilespmem:s1+$0x0] =	vst v1  }
0x251: {  	s0 =	sadd.s32 $0xF, s0  }
0x252: {  	s1 =	sand.u32 $0xF, s0  }
0x253: {  	p0 =	slt.s32 s26, $0xFFFFFFF2;
	s3 =	sshra.s32 s0, $0x1F;
	p1 =	sne.s32 s1, $0x0  }
0x254: {  	s31 =	sshrl.u32 s3, $0x1C;
	p0 =	por !p0, !p1  }
0x255: {  	s1 =	simm.s32 $0x1;
	s0 =	sadd.s32 s31, s0;
	p0 =	por !p0, !p0  }
0x256: {  	s0 =	sshra.s32 s0, $0x4;
	s1 =	simm.s32 @!p0 $0x0  }
0x257: {  	s28 =	ssub.s32 s0, s1  }
0x258: {  	p0 =	sgt.s32 s28, $0x0  }
.Ltmp34:
0x259: {  	_ = 	snop;
	(pc) =	sbr.rel @!p0 .LBB2_67-.Ltmp34, $2  }
0x25a: {  	_ =	sdelay $0x2  }
0x25b: {  	s24 =	sshll.u32 s28, $0x4  }
0x25c: {  	s0 =	simm.s32 $0x1A200  }
0x25d: {  	v5 =	vld [tilespmem:s0+$0x0];
	_ =	sdelay $0x2  }
0x25e: {  	p1 =	sgt.s32 s24, $0x10  }
.Ltmp35:
0x25f: {  	_ = 	snop;
	(pc) =	sbr.rel @!p1 .LBB2_78-.Ltmp35, $2  }
0x260: {  	_ =	sdelay $0x2  }
0x261: {  	p0 =	por $0x0, $0x0;
	s0 =	simm.s32 $0x1A210;
	v5 =	vld.idx.msk [tilespmem:v5+s15+$0x0], $0xffff  }
0x262: {  	v6 =	vld [tilespmem:s0+$0x0];
	_ =	sdelay $0x2  }
0x263: {  	p1 =	sgt.s32 s24, $0x20  }
.Ltmp36:
0x264: {  	_ = 	snop;
	(pc) =	sbr.rel @!p1 .LBB2_81-.Ltmp36, $4  }
0x265: {  	v5 =	vadd.s32 $0xC0000000, v5  }
0x266: {  	v7 =	vshra.s32 v5, $0x13  }
0x267: {  	vm0 =	vgt.s32 v7, $0x0  }
0x268: {  	s0 =	simm.s32 $0x20;
	s1 =	simm.s32 $0x1A220;
	p0 =	por $0x1, $0x1;
	v5 =	vld.idx.msk [tilespmem:v6+s15+$0x0], $0xffff;
	v6 =	vnsel vm0, $0x0, v7  }
.LBB2_80:
0x269: {  	v7 =	vld [tilespmem:s1+$0x0];
	s0 =	sadd.s32 $0x10, s0;
	v6 =	vmin.u32 v6, $0x10  }
0x26a: {  	p1 =	slt.s32 s0, s24;
	v6 =	vshll.u32 v6, $0x4  }
0x26b: {  	v6 =	vor.u32 v2, v6;
	_ =	sdelay $0x1  }
.Ltmp37:
0x26c: {  	(pc) =	sbr.rel @p1 .LBB2_80-.Ltmp37, $4  }
0x26d: {  	v5 =	vadd.s32 $0xC0000000, v5  }
0x26e: {  	v8 =	vshra.s32 v5, $0x13  }
0x26f: {  	vm0 =	vgt.s32 v8, $0x0;
	[tilespmem:v6+s17+$0x0] =	vst.idx.add.s32.msk $0xffff, v4  }
0x270: {  	s1 =	sadd.s32 $0x10, s1;
	v6 =	vnsel vm0, $0x0, v8;
	v5 =	vld.idx.msk [tilespmem:v7+s15+$0x0], $0xffff  }
.LBB2_81:
0x271: {  	_ =	sdelay $0x3  }
0x272: {  	v5 =	vadd.s32 $0xC0000000, v5  }
0x273: {  	v5 =	vshra.s32 v5, $0x13  }
0x274: {  	vm0 =	vgt.s32 v5, $0x0  }
0x275: {  	v6 =	vmin.u32 @p0 v6, $0x10;
	v5 =	vnsel vm0, $0x0, v5  }
0x276: {  	v6 =	vshll.u32 @p0 v6, $0x4;
	v5 =	vmin.u32 v5, $0x10  }
0x277: {  	v6 =	vor.u32 @p0 v2, v6;
	v5 =	vshll.u32 v5, $0x4  }
0x278: {  	v5 =	vor.u32 v2, v5;
	_ =	sdelay $0x3  }
0x279: {  	[tilespmem:v6+s17+$0x0] =	vst.idx.add.s32.msk @p0 $0xffff, v4  }
0x27a: {  	[tilespmem:v5+s17+$0x0] =	vst.idx.add.s32.msk $0xffff, v4  }
.LBB2_67:
0x27b: {  	s0 =	simm.s32 $0x1C800  }
0x27c: {  	v5 =	vld [tilespmem:s0+$0x0];
	_ =	sdelay $0x4  }
0x27d: {  	(xrf0) =	vadd.scan.msk.s32 $0xffff, v5;
	_ =	sdelay $0x5  }
0x27e: {  	v5, _, _ =	vpop (xrf0)  }
0x27f: {  	(v2sf) =	vpush v5, $0xF;
	_ =	sdelay $0x1  }
0x280: {  	s12 =	simm.s32 $0x1C7F0  }
0x281: {  	v5 =	vld [tilespmem:s12+$0x0]  }
0x282: {  	s13 =	simm.s32 $0x1C7E0  }
0x283: {  	v6 =	vld [tilespmem:s13+$0x0];
	_ =	sdelay $0x2  }
0x284: {  	(xrf0) =	vadd.scan.msk.s32 $0xffff, v5;
	_ =	sdelay $0x1  }
0x285: {  	(xrf0) =	vadd.scan.msk.s32 $0xffff, v6;
	_ =	sdelay $0x2  }
0x286: {  	s14 =	simm.s32 $0x1C7D0  }
0x287: {  	v7 =	vld [tilespmem:s14+$0x0];
	v6, _, _ =	vpop (xrf0)  }
0x288: {  	s8 =	spop (v2sf);
	(v2sf) =	vpush v6, $0xF  }
0x289: {  	v6, _, _ =	vpop (xrf0)  }
0x28a: {  	(v2sf) =	vpush v6, $0xF;
	_ =	sdelay $0x1  }
0x28b: {  	s30 =	sadd.s32 $0xFFFFFE00, s26;
	s26 =	simm.s32 $0x1C7C0;
	(xrf0) =	vadd.scan.msk.s32 $0xffff, v7  }
0x28c: {  	v5 =	vld [tilespmem:s26+$0x0]  }
0x28d: {  	s29 =	simm.s32 $0x0;
	s5 =	simm.s32 $0x10  }
0x28e: {  	s7 =	simm.s32 $0xF;
	s4 =	simm.s32 $0xE;
	s1 =	simm.s32 $0xD  }
0x28f: {  	s9 =	simm.s32 $0xB;
	s10 =	simm.s32 $0x1C7B0;
	p2 =	por $0x1, $0x1  }
0x290: {  	s6 =	simm.s32 $0x0;
	s3 =	simm.s32 $0x0;
	s31 =	sadd.s32 $0x0, s8  }
0x291: {  	s0 =	simm.s32 $0xC;
	s26 =	simm.s32 $0x0;
	(xrf0) =	vadd.scan.msk.s32 $0xffff, v5;
	v5, _, _ =	vpop (xrf0);
	p1 =	sgt.s32 s31, $0x1FF  }
.LBB2_68:
0x292: {  	p0 =	sne.s32 s9, $0x0;
	p1 =	por !p2, !p1;
	s11 =	smov.u32 s0  }
0x293: {  	v6 =	vld [tilespmem:s10+$0x0];
	(v2sf) =	vpush v5, $0xF;
	s0 =	smov.u32 s9;
	s9 =	sadd.s32 $0xFFFFFFFF, s9;
	s12 =	smov.u32 s6  }
.Ltmp38:
0x294: {  	s6 =	smov.u32 s31;
	p1 =	por !p1, !p1;
	(pc) =	sbr.rel @p0 .LBB2_68-.Ltmp38, $4  }
0x295: {  	s29 =	smov.u32 @p1 s5;
	s3 =	smov.u32 @p1 s8;
	s5 =	smov.u32 s7  }
0x296: {  	s26 =	smov.u32 @p1 s12;
	s7 =	smov.u32 s4;
	s8 =	spop (v2sf)  }
0x297: {  	s4 =	smov.u32 s1;
	s1 =	smov.u32 s11;
	s31 =	sadd.s32 s31, s8  }
0x298: {  	s10 =	sadd.s32 $0xFFFFFFF0, s10;
	p2 =	slt.s32 s6, $0x200;
	(xrf0) =	vadd.scan.msk.s32 $0xffff, v6;
	v5, _, _ =	vpop (xrf0);
	p1 =	sgt.s32 s31, $0x1FF  }
0x299: {  	_ =	sdelay $0x4  }
0x29a: {  	(v2sf) =	vpush v5, $0xF;
	v5, _, _ =	vpop (xrf0)  }
0x29b: {  	(v2sf) =	vpush v5, $0xF;
	_ =	sdelay $0x7  }
0x29c: {  	p0 =	por !p2, !p1  }
0x29d: {  	s9 =	spop (v2sf);
	p0 =	por !p0, !p0  }
0x29e: {  	s29 =	smov.u32 @p0 s5;
	s5 =	sadd.s32 s31, s9  }
0x29f: {  	p4 =	slt.s32 s31, $0x200;
	p5 =	sgt.s32 s5, $0x1FF;
	s10 =	spop (v2sf)  }
0x2a0: {  	s3 =	smov.u32 @p0 s8;
	p1 =	por !p4, !p5;
	s11 =	sadd.s32 s5, s10  }
0x2a1: {  	p6 =	slt.s32 s5, $0x200;
	p2 =	por !p1, !p1;
	p4 =	sgt.s32 s11, $0x1FF  }
0x2a2: {  	s29 =	smov.u32 @p2 s7;
	p1 =	por !p6, !p4;
	s12 =	spop (v2sf)  }
0x2a3: {  	p4 =	slt.s32 s11, $0x200;
	s13 =	sadd.s32 s11, s12;
	s14 =	spop (v2sf)  }
0x2a4: {  	p1 =	por !p1, !p1;
	p6 =	sgt.s32 s13, $0x1FF;
	s8 =	sadd.s32 s13, s14  }
0x2a5: {  	p4 =	por !p4, !p6;
	p6 =	slt.s32 s13, $0x200;
	p5 =	sgt.s32 s8, $0x1FF  }
0x2a6: {  	s29 =	smov.u32 @p1 s4;
	p4 =	por !p4, !p4;
	p5 =	por !p6, !p5  }
0x2a7: {  	s3 =	smov.u32 @p2 s9;
	s29 =	smov.u32 @p4 s1;
	p5 =	por !p5, !p5  }
0x2a8: {  	s3 =	smov.u32 @p1 s10;
	p6 =	sgt.u32 s30, $0x1E00;
	s29 =	smov.u32 @p5 s0  }
0x2a9: {  	s26 =	smov.u32 @p0 s6;
	s3 =	smov.u32 @p4 s12;
	p0 =	sgt.u32 @!p6 s29, $0xF  }
0x2aa: {  	s26 =	smov.u32 @p2 s31;
	s3 =	smov.u32 @p5 s14;
	p0 =	por p6, p0  }
0x2ab: {  	s26 =	smov.u32 @p1 s5;
	p1 =	sgt.s32 @!p0 s3, $0x400  }
0x2ac: {  	p0 =	por p0, p1  }
.Ltmp39:
0x2ad: {  	_ = 	snop;
	(pc) =	sbr.rel @p0 .LBB2_98-.Ltmp39, $4  }
0x2ae: {  	_ = 	snop  }
0x2af: {  	s0 =	simm.s32 @!p6 $0x0  }
0x2b0: {  	s26 =	smov.u32 @p4 s11;
	s0 =	simm.s32 @p6 $0x1  }
0x2b1: {  	p2 =	slt.s32 s28, $0x1;
	s26 =	smov.u32 @p5 s13;
	[smem:$0x7FC] =	sst s0  }
.Ltmp40:
0x2b2: {  	(pc) =	sbr.rel @p2 .LBB2_71-.Ltmp40, $2  }
0x2b3: {  	_ =	sdelay $0x2  }
0x2b4: {  	s28 =	sshll.u32 s29, $0x13  }
0x2b5: {  	p1 =	sgt.s32 s24, $0x10  }
.Ltmp41:
0x2b6: {  	_ = 	snop;
	(pc) =	sbr.rel @!p1 .LBB2_83-.Ltmp41, $4  }
0x2b7: {  	_ = 	snop  }
0x2b8: {  	s0 =	sor.u32 $0x40000000, s28;
	s1 =	sadd.s32 $0x40080000, s28  }
0x2b9: {  	s31 =	simm.s32 $0x1A200;
	s5 =	simm.s32 $0x80;
	p4 =	por $0x0, $0x0  }
0x2ba: {  	v5 =	vimm.s32 $0x0;
	p5 =	por $0x0, $0x0;
	p6 =	por $0x0, $0x0;
	p0 =	por $0x0, $0x0;
	v7 =	vmov s0;
	v8 =	vmov s1;
	v9 =	vld [tilespmem:s31+$0x0]  }
0x2bb: {  	p1 =	sgt.s32 s24, $0x20  }
.Ltmp42:
0x2bc: {  	_ = 	snop;
	(pc) =	sbr.rel @!p1 .LBB2_85-.Ltmp42, $3  }
0x2bd: {  	_ =	sdelay $0x1  }
0x2be: {  	s0 =	simm.s32 $0x1A210  }
0x2bf: {  	p4 =	por $0x1, $0x1;
	v10 =	vld [tilespmem:s0+$0x0]  }
0x2c0: {  	_ =	sdelay $0x3  }
0x2c1: {  	v6 =	vld.idx.msk [tilespmem:v9+s15+$0x0], $0xffff;
	_ =	sdelay $0x2  }
0x2c2: {  	p1 =	sgt.s32 s24, $0x30  }
.Ltmp43:
0x2c3: {  	s0 =	simm.s32 $0x1A220;
	(pc) =	sbr.rel @!p1 .LBB2_87-.Ltmp43, $2  }
0x2c4: {  	vm0 =	vle.s32 v7, v6;
	vm1 =	vgt.s32 v8, v6;
	v6 =	vld [tilespmem:s0+$0x0];
	_ =	sdelay $0x2  }
0x2c5: {  	p5 =	por $0x1, $0x1;
	vm3 =	vmand vm0, vm1  }
0x2c6: {  	_ =	sdelay $0x1  }
0x2c7: {  	s0 =	simm.s32 $0x1A230  }
0x2c8: {  	v11 =	vsel vm3, $0x1, v1;
	v21 =	vld [tilespmem:s0+$0x0]  }
0x2c9: {  	v12 =	vld.idx.msk [tilespmem:v10+s15+$0x0], $0xffff;
	(xrf0) =	vadd.scan.msk.s32 $0xffff, v11  }
0x2ca: {  	p1 =	sgt.s32 s24, $0x40  }
.Ltmp44:
0x2cb: {  	_ = 	snop;
	(pc) =	sbr.rel @!p1 .LBB2_89-.Ltmp44, $4  }
0x2cc: {  	_ = 	snop  }
0x2cd: {  	vm1 =	vmmov vm3  }
0x2ce: {  	v11 =	vsel vm1, $0xFFFFFFFF, v1;
	vm0 =	vle.s32 v7, v12;
	vm2 =	vgt.s32 v8, v12  }
0x2cf: {  	p6 =	por $0x1, $0x1;
	v14 =	vadd.s32 v11, v5;
	vm2 =	vmand vm0, vm2;
	v16, _, _ =	vpop (xrf0)  }
0x2d0: {  	_ =	sdelay $0x1  }
0x2d1: {  	v11 =	vsel vm2, $0x1, v1  }
0x2d2: {  	(xrf0) =	vadd.scan.msk.s32 $0xffff, v11;
	v11 =	vadd.s32 v16, v14  }
0x2d3: {  	v12 =	vld.idx.msk [tilespmem:v6+s15+$0x0], $0xffff;
	vm0 =	vlt.s32 v11, $0x400  }
0x2d4: {  	p1 =	sgt.s32 s24, $0x50;
	vm0 =	vmand vm1, vm0  }
.Ltmp45:
0x2d5: {  	v13 =	vmpcnt.ones.xlane vm1;
	s0 =	simm.s32 $0x1A240;
	(pc) =	sbr.rel @!p1 .LBB2_91-.Ltmp45, $4  }
0x2d6: {  	vm4 =	vmmov vm2;
	v22 =	vld [tilespmem:s0+$0x0]  }
0x2d7: {  	v15 =	vsel vm4, $0xFFFFFFFF, v1;
	v18 =	vadd.s32 v5, v13  }
0x2d8: {  	v19 =	vadd.s32 v15, v18;
	vm3 =	vle.s32 v7, v12;
	vm5 =	vgt.s32 v8, v12  }
0x2d9: {  	s1 =	simm.s32 $0x50;
	p0 =	por $0x1, $0x1;
	v13 =	vmov v10;
	v12 =	vmov v9;
	vm3 =	vmand vm3, vm5;
	v20, _, _ =	vpop (xrf0)  }
.LBB2_92:
0x2da: {  	s1 =	sadd.s32 $0x10, s1;
	s0 =	sadd.s32 $0x10, s0;
	v15 =	vld.idx.msk [tilespmem:v21+s15+$0x0], $0xffff;
	v17 =	vsel vm3, $0x1, v1;
	[tilespmem:v11+s18+$0x0] =	vst.idx.msk vm0, v12;
	v11 =	vadd.s32 v20, v19;
	v12 =	vmov v13  }
0x2db: {  	v13 =	vmovc v6;
	v6 =	vmov v21;
	v21 =	vmov v22;
	p1 =	slt.s32 s1, s24;
	(xrf0) =	vadd.scan.msk.s32 $0xffff, v17;
	vm0 =	vlt.s32 v11, $0x400;
	v22 =	vld [tilespmem:s0+$0x0]  }
0x2dc: {  	vm0 =	vmand vm4, vm0  }
.Ltmp46:
0x2dd: {  	(pc) =	sbr.rel @p1 .LBB2_92-.Ltmp46, $4  }
0x2de: {  	v17 =	vmpcnt.ones.xlane vm4;
	vm4 =	vmmov vm3  }
0x2df: {  	v19 =	vsel vm4, $0xFFFFFFFF, v1  }
0x2e0: {  	v18 =	vadd.s32 v18, v17;
	vm3 =	vle.s32 v7, v15;
	vm5 =	vgt.s32 v8, v15  }
0x2e1: {  	v19 =	vadd.s32 v19, v18;
	vm3 =	vmand vm3, vm5;
	v20, _, _ =	vpop (xrf0)  }
0x2e2: {  	v17 =	vmov v6;
	v15 =	vmov v21;
	v6 =	vmov v22  }
.LBB2_94:
0x2e3: {  	_ =	sdelay $0x3  }
0x2e4: {  	v21 =	vld.idx.msk @p4 [tilespmem:v15+s15+$0x0], $0xffff;
	_ =	sdelay $0x1  }
0x2e5: {  	v22 =	vsel @p5 vm3, $0x1, v1;
	v19 =	vadd.s32 @p6 v20, v19;
	v59 =	vld.idx.msk [tilespmem:v6+s15+$0x0], $0xffff;
	vm3 =	vmmov @p5 vm3  }
0x2e6: {  	(xrf0) =	vadd.scan.msk.s32 @p5 $0xffff, v22;
	vm5 =	vlt.s32 @p6 v19, $0x400;
	v22 =	vmpcnt.ones.xlane @p6 vm4;
	vm1 =	vmmov @p5 vm3  }
0x2e7: {  	vm4 =	vmand @p6 vm4, vm5;
	v20 =	vmpcnt.ones.xlane @p5 vm1  }
0x2e8: {  	v18 =	vadd.s32 @p6 v18, v22;
	vm6 =	vle.s32 @p4 v7, v21;
	vm7 =	vgt.s32 @p4 v8, v21  }
0x2e9: {  	v18 =	vpsel p6, v18, v5;
	v21 =	vsel @p5 vm3, $0xFFFFFFFF, v1;
	vm5 =	vmand @p4 vm6, vm7  }
0x2ea: {  	vm3 =	vle.s32 v7, v59;
	vm14 =	vgt.s32 v8, v59;
	vm2 =	vmmov @p4 vm5  }
0x2eb: {  	v7 =	vadd.s32 @p5 v21, v18;
	vm5 =	vmand vm3, vm14;
	v22 =	vsel @p4 vm2, $0x1, v1  }
0x2ec: {  	v8, _, _ =	vpop @p5 (xrf0);
	v7 =	vpsel p5, v7, v14;
	v60 =	vsel vm5, $0x1, v1;
	(xrf0) =	vadd.scan.msk.s32 @p4 $0xffff, v22  }
0x2ed: {  	v8 =	vpsel p5, v8, v16;
	vm2 =	vmmov @p4 vm2;
	v16 =	vadd.s32 @p5 v18, v20;
	(xrf0) =	vadd.scan.msk.s32 $0xffff, v60  }
0x2ee: {  	v14 =	vsel @p4 vm2, $0xFFFFFFFF, v1;
	v16 =	vpsel p5, v16, v5;
	vm2 =	vmmov @p4 vm2  }
0x2ef: {  	v7 =	vadd.s32 @p5 v8, v7;
	v8 =	vadd.s32 @p4 v14, v16;
	v14 =	vmpcnt.ones.xlane @p4 vm2  }
0x2f0: {  	v19 =	vpsel p6, v19, v0  }
0x2f1: {  	vm3 =	vmmov @p6 vm4;
	vm5 =	vmmov vm5;
	v14 =	vadd.s32 @p4 v16, v14  }
0x2f2: {  	v61 =	vsel vm5, $0xFFFFFFFF, v1;
	vm4 =	vlt.s32 @p5 v7, $0x400;
	v5 =	vpsel p4, v14, v5;
	v18, _, _ =	vpop @p4 (xrf0)  }
0x2f3: {  	v8 =	vpsel p4, v8, v0;
	v14 =	vadd.s32 v61, v5;
	v18 =	vpsel p4, v18, v0;
	v62, _, _ =	vpop (xrf0)  }
0x2f4: {  	vm1 =	vmand @p5 vm1, vm4;
	v8 =	vadd.s32 @p4 v18, v8;
	v14 =	vadd.s32 v62, v14  }
0x2f5: {  	vm1 =	vmmov @p5 vm1;
	vm4 =	vlt.s32 @p4 v8, $0x400;
	vm15 =	vlt.s32 v14, $0x400  }
0x2f6: {  	v7 =	vpsel p5, v7, v0;
	vm2 =	vmand @p4 vm2, vm4;
	vm4 =	vmand vm5, vm15  }
0x2f7: {  	vm2 =	vmmov @p4 vm2  }
0x2f8: {  	v16 =	vmov @p5 v17;
	v8 =	vpsel p4, v8, v0  }
.Ltmp47:
0x2f9: {  	[tilespmem:v11+s18+$0x0] =	vst.idx.msk @p0 vm0, v12;
	v11 =	vpsel p6, v13, v0;
	v9 =	vpsel p5, v16, v9;
	(pc) =	sbr.rel .LBB2_72-.Ltmp47, $4  }
0x2fa: {  	v10 =	vpsel p4, v15, v10;
	[tilespmem:v19+s18+$0x0] =	vst.idx.msk @p6 vm3, v11;
	v9 =	vpsel p5, v9, v0  }
0x2fb: {  	v10 =	vpsel p4, v10, v0;
	v63 =	vmpcnt.ones.xlane vm5;
	[tilespmem:v7+s18+$0x0] =	vst.idx.msk @p5 vm1, v9  }
0x2fc: {  	v7 =	vpsel p4, v10, v0;
	[tilespmem:v14+s18+$0x0] =	vst.idx.msk vm4, v6  }
0x2fd: {  	v5 =	vadd.s32 v5, v63;
	[tilespmem:v8+s18+$0x0] =	vst.idx.msk @p4 vm2, v7  }
.LBB2_71:
0x2fe: {  	v5 =	vimm.s32 $0x0;
	s5 =	simm.s32 $0x80  }
.LBB2_72:
0x2ff: {  	(v2sf) =	vpush v5, $0x0;
	_ =	sdelay $0xe  }
0x300: {  	s1 =	spop (v2sf)  }
0x301: {  	s0 =	sadd.s32 $0xF, s1  }
0x302: {  	s3 =	sand.u32 $0xF, s0;
	s30 =	sshra.s32 s0, $0x1F  }
0x303: {  	p1 =	slt.s32 s0, $0x1;
	p0 =	sne.s32 s3, $0x0;
	s3 =	sshrl.u32 s30, $0x1C  }
0x304: {  	p0 =	por !p1, !p0;
	s0 =	sadd.s32 s3, s0  }
.Ltmp48:
0x305: {  	s3 =	simm.s32 $0x1;
	p0 =	por !p0, !p0;
	(pc) =	sbr.rel .LBB2_73-.Ltmp48, $4  }
0x306: {  	s0 =	sshrl.u32 s0, $0x4;
	s3 =	simm.s32 @!p0 $0x0  }
0x307: {  	s31 =	ssub.s32 $0x200, s26;
	p1 =	slt.s32 s1, $0x400;
	s0 =	ssub.s32 s0, s3  }
0x308: {  	s4 =	sor.u32 $0xC0000000, s28;
	s1 =	simm.s32 @!p1 $0x400;
	s0 =	sshll.u32 s0, $0x4  }
0x309: {  	v5 =	vmov s4;
	v6 =	vmov s31;
	[tilespmem:s1+$0x1C280] =	vst v3;
	s1 =	simm.s32 $0xD;
	p0 =	slt.s32 s0, $0x1  }
.LBB2_74:
0x30a: {  	v8 =	vimm.s32 $0x0  }
.LBB2_75:
0x30b: {  	s1 =	sadd.s32 $0x1, s1  }
0x30c: {  	p1 =	seq.s32 s1, $0x20  }
.Ltmp49:
0x30d: {  	_ = 	snop;
	(pc) =	sbr.rel @p1 .LBB2_76-.Ltmp49, $3  }
0x30e: {  	_ =	sdelay $0x1  }
0x30f: {  	vm0 =	vlt.s32 v8, v6  }
0x310: {  	v5 =	vsel vm0, v5, v7  }
.LBB2_73:
.Ltmp50:
0x311: {  	(pc) =	sbr.rel @p0 .LBB2_74-.Ltmp50, $3  }
0x312: {  	_ =	sdelay $0x1  }
0x313: {  	s3 =	sshrl.u32 s19, s1  }
0x314: {  	v7 =	vor.u32 s3, v5  }
0x315: {  	s3 =	simm.s32 $0x1C280  }
0x316: {  	v10 =	vld [tilespmem:s3+$0x0];
	_ =	sdelay $0x2  }
0x317: {  	p1 =	sgt.s32 s0, $0x10  }
.Ltmp51:
0x318: {  	_ = 	snop;
	(pc) =	sbr.rel @!p1 .LBB2_97-.Ltmp51, $2  }
0x319: {  	_ =	sdelay $0x2  }
0x31a: {  	v9 =	vxor.u32 $0x80000000, v7;
	v8 =	vimm.s32 $0x0;
	s4 =	simm.s32 $0x1C290;
	s3 =	simm.s32 $0x10;
	v10 =	vld.idx.msk [tilespmem:v10+s15+$0x0], $0xffff  }
.LBB2_96:
0x31b: {  	v11 =	vld [tilespmem:s4+$0x0];
	s3 =	sadd.s32 $0x10, s3  }
0x31c: {  	p1 =	slt.s32 s3, s0;
	_ =	sdelay $0x2  }
.Ltmp52:
0x31d: {  	(pc) =	sbr.rel @p1 .LBB2_96-.Ltmp52, $3  }
0x31e: {  	vm0 =	vge.f32 v10, v9  }
0x31f: {  	v12 =	vmpcnt.ones.xlane vm0;
	_ =	sdelay $0x1  }
0x320: {  	s4 =	sadd.s32 $0x10, s4;
	v8 =	vadd.s32 v8, v12;
	v10 =	vld.idx.msk [tilespmem:v11+s15+$0x0], $0xffff  }
.LBB2_97:
0x321: {  	_ =	sdelay $0x2  }
.Ltmp53:
0x322: {  	_ = 	snop;
	(pc) =	sbr.rel .LBB2_75-.Ltmp53, $3  }
0x323: {  	vm0 =	vge.f32 v10, v9  }
0x324: {  	v9 =	vmpcnt.ones.xlane vm0;
	_ =	sdelay $0x1  }
0x325: {  	v8 =	vadd.s32 v8, v9  }
.LBB2_76:
0x326: {  	(v2sf) =	vpush v5, $0x0;
	_ =	sdelay $0xe  }
0x327: {  	s26 =	spop (v2sf)  }
.LBB2_109:
0x328: {  	_ =	swait.ge [sflag:s22], $0x8000  }
0x329: {  	s0 =	sld [smem:$0x7FD];
	_ =	sdelay $0x2  }
0x32a: {  	p0 =	seq.s32 s0, $0x1  }
.Ltmp54:
0x32b: {  	_ = 	snop;
	(pc) =	sbr.rel @p0 .LBB2_110-.Ltmp54, $3  }
0x32c: {  	_ =	sdelay $0x1  }
0x32d: {  	[sflag:s22] =	ssyncset.done $0x0  }
0x32e: {  	[sflag:s22] =	ssyncadd.s32 $0xFFFF8000  }
.Ltmp55:
0x32f: {  	(pc) =	sbr.rel @p3 .LBB2_117-.Ltmp55, $2  }
0x330: {  	_ =	sdelay $0x2  }
0x331: {  	s4 =	simm.s32 $0x400  }
0x332: {  	s0 =	simm.s32 $0x18180  }
0x333: {  	v5 =	vld [tilespmem:s0+$0x0];
	_ =	sdelay $0x1  }
0x334: {  	p0 =	sgt.s32 s25, $0x10  }
.Ltmp56:
0x335: {  	_ = 	snop;
	(pc) =	sbr.rel @!p0 .LBB2_116-.Ltmp56, $2  }
0x336: {  	_ =	sdelay $0x2  }
0x337: {  	s1 =	simm.s32 $0x18190;
	s0 =	simm.s32 $0x10  }
.LBB2_115:
0x338: {  	s0 =	sadd.s32 $0x10, s0;
	[tilespmem:v5+s20+$0x0] =	vst.idx.msk $0xffff, v0;
	v5 =	vld [tilespmem:s1+$0x0]  }
0x339: {  	p0 =	slt.s32 s0, s25;
	_ =	sdelay $0x1  }
.Ltmp57:
0x33a: {  	(pc) =	sbr.rel @p0 .LBB2_115-.Ltmp57, $2  }
0x33b: {  	_ =	sdelay $0x2  }
0x33c: {  	s1 =	sadd.s32 $0x10, s1  }
.LBB2_116:
.Ltmp58:
0x33d: {  	_ = 	snop;
	(pc) =	sbr.rel .LBB2_117-.Ltmp58, $2  }
0x33e: {  	_ =	sdelay $0x2  }
0x33f: {  	[tilespmem:v5+s20+$0x0] =	vst.idx.msk $0xffff, v0  }
.LBB2_110:
0x340: {  	s0 =	simm.s32 $0x10140  }
0x341: {  	[tilespmem:s0+$0xFFFFFFC0] =	vst v0  }
0x342: {  	[tilespmem:s0+$0x30] =	vst v0  }
0x343: {  	[tilespmem:s0+$0x20] =	vst v0  }
0x344: {  	[tilespmem:s0+$0x10] =	vst v0  }
0x345: {  	[tilespmem:s0+$0x0] =	vst v0  }
0x346: {  	[tilespmem:s0+$0xFFFFFFF0] =	vst v0  }
0x347: {  	s4 =	simm.s32 $0x400;
	s1 =	simm.s32 $0x0;
	[tilespmem:s0+$0xFFFFFFE0] =	vst v0  }
.LBB2_111:
0x348: {  	s1 =	sadd.s32 $0x80, s1;
	[tilespmem:s0+$0xFFFFFFD0] =	vst v0;
	s0 =	sadd.s32 $0x80, s0  }
0x349: {  	[tilespmem:s0+$0xFFFFFFC0] =	vst v0;
	p0 =	slt.u32 s1, $0x7F80  }
0x34a: {  	[tilespmem:s0+$0x30] =	vst v0  }
.Ltmp59:
0x34b: {  	[tilespmem:s0+$0x20] =	vst v0;
	(pc) =	sbr.rel @p0 .LBB2_111-.Ltmp59, $4  }
0x34c: {  	[tilespmem:s0+$0x10] =	vst v0  }
0x34d: {  	[tilespmem:s0+$0x0] =	vst v0  }
0x34e: {  	[tilespmem:s0+$0xFFFFFFF0] =	vst v0  }
0x34f: {  	[tilespmem:s0+$0xFFFFFFE0] =	vst v0  }
0x350: {  	[tilespmem:s0+$0xFFFFFFD0] =	vst v0  }
.LBB2_117:
0x351: {  	s31 =	sld [smem:$0x7FC]  }
0x352: {  	s0 =	sxor.u32 $0x80000000, s26  }
0x353: {  	p0 =	sgt.s32 s0, $0x1  }
0x354: {  	s0 =	simm.s32 @!p0 $0x1;
	p0 =	seq.s32 s31, $0x1  }
.Ltmp60:
0x355: {  	_ = 	snop;
	(pc) =	sbr.rel @p0 .LBB2_118-.Ltmp60, $3  }
0x356: {  	_ = 	snop  }
0x357: {  	v5 =	vmov s0  }
0x358: {  	v5 =	vbroadcast v5, $0x0;
	_ =	sdelay $0x1  }
.Ltmp61:
0x359: {  	(pc) =	sbr.rel @p2 .LBB2_129-.Ltmp61, $1  }
0x35a: {  	_ =	sdelay $0x3  }
0x35b: {  	s0 =	simm.s32 $0x1A200  }
0x35c: {  	v6 =	vld [tilespmem:s0+$0x0];
	_ =	sdelay $0x4  }
0x35d: {  	p1 =	sgt.s32 s24, $0x10  }
.Ltmp62:
0x35e: {  	_ = 	snop;
	(pc) =	sbr.rel @!p1 .LBB2_123-.Ltmp62, $3  }
0x35f: {  	_ = 	snop  }
0x360: {  	v7 =	vld.idx.msk [tilespmem:v6+s15+$0x0], $0xffff;
	_ =	sdelay $0x1  }
0x361: {  	p0 =	por $0x0, $0x0;
	s0 =	simm.s32 $0x1A210  }
0x362: {  	v8 =	vld [tilespmem:s0+$0x0];
	_ =	sdelay $0x2  }
0x363: {  	p1 =	sgt.s32 s24, $0x20  }
.Ltmp63:
0x364: {  	_ = 	snop;
	(pc) =	sbr.rel @!p1 .LBB2_125-.Ltmp63, $2  }
0x365: {  	vm0 =	vge.f32 v7, v5;
	_ =	sdelay $0x2  }
0x366: {  	s0 =	simm.s32 $0x20;
	s1 =	simm.s32 $0x1A220;
	p0 =	por $0x1, $0x1;
	v9 =	vld.idx.msk [tilespmem:v8+s15+$0x0], $0xffff  }
.LBB2_126:
0x367: {  	v10 =	vld [tilespmem:s1+$0x0];
	s0 =	sadd.s32 $0x10, s0  }
0x368: {  	p1 =	slt.s32 s0, s24  }
0x369: {  	[tilespmem:v6+s20+$0x0] =	vst.idx.msk vm0, v7;
	v6 =	vmov v8;
	_ =	sdelay $0x1  }
.Ltmp64:
0x36a: {  	(pc) =	sbr.rel @p1 .LBB2_126-.Ltmp64, $2  }
0x36b: {  	vm0 =	vge.f32 v9, v5;
	v7 =	vmov v9;
	v8 =	vmov v10;
	_ =	sdelay $0x2  }
0x36c: {  	s1 =	sadd.s32 $0x10, s1;
	v9 =	vld.idx.msk [tilespmem:v10+s15+$0x0], $0xffff  }
0x36d: {  	_ =	sdelay $0x3  }
0x36e: {  	v10 =	vmovc v7;
	v11 =	vmov v6;
	v6 =	vmov v8;
	v7 =	vmov v9  }
.LBB2_128:
0x36f: {  	vm1 =	vge.f32 v7, v5;
	_ =	sdelay $0x1  }
.Ltmp65:
0x370: {  	_ = 	snop;
	(pc) =	sbr.rel .LBB2_129-.Ltmp65, $3  }
0x371: {  	_ =	sdelay $0x1  }
0x372: {  	[tilespmem:v11+s20+$0x0] =	vst.idx.msk @p0 vm0, v10  }
0x373: {  	[tilespmem:v6+s20+$0x0] =	vst.idx.msk vm1, v7  }
.LBB2_118:
0x374: {  	s3 =	simm.s32 $0x80C0  }
0x375: {  	v9 =	vld [tilespmem:s3+$0x30]  }
0x376: {  	v12 =	vld [tilespmem:s3+$0xFFFFFFD0]  }
0x377: {  	v11 =	vld [tilespmem:s3+$0xFFFFFFE0]  }
0x378: {  	v10 =	vld [tilespmem:s3+$0xFFFFFFF0]  }
0x379: {  	v8 =	vld [tilespmem:s3+$0x0]  }
0x37a: {  	v7 =	vld [tilespmem:s3+$0x10];
	vm0 =	vge.f32 v9, v5  }
0x37b: {  	s0 =	simm.s32 $0x10140;
	v6 =	vld [tilespmem:s3+$0x20];
	vm1 =	vge.f32 v12, v5;
	v13 =	vnsel vm0, $0x0, v9  }
0x37c: {  	s1 =	simm.s32 $0x0;
	v9 =	vld [tilespmem:s3+$0xFFFFFFC0];
	v12 =	vnsel vm1, $0x0, v12;
	vm0 =	vge.f32 v11, v5;
	s3 =	simm.s32 $0x8140;
	[tilespmem:s0+$0x30] =	vst v13  }
.LBB2_119:
0x37d: {  	v13 =	vld [tilespmem:s3+$0x30];
	s1 =	sadd.s32 $0x80, s1;
	[tilespmem:s0+$0xFFFFFFD0] =	vst v12;
	v11 =	vnsel vm0, $0x0, v11;
	vm0 =	vge.f32 v10, v5  }
0x37e: {  	v12 =	vld [tilespmem:s3+$0xFFFFFFD0];
	p0 =	slt.u32 s1, $0x7F80;
	[tilespmem:s0+$0xFFFFFFE0] =	vst v11;
	v10 =	vnsel vm0, $0x0, v10;
	vm0 =	vge.f32 v8, v5  }
0x37f: {  	v11 =	vld [tilespmem:s3+$0xFFFFFFE0];
	[tilespmem:s0+$0xFFFFFFF0] =	vst v10;
	v8 =	vnsel vm0, $0x0, v8;
	vm0 =	vge.f32 v7, v5  }
.Ltmp66:
0x380: {  	v10 =	vld [tilespmem:s3+$0xFFFFFFF0];
	[tilespmem:s0+$0x0] =	vst v8;
	v7 =	vnsel vm0, $0x0, v7;
	vm0 =	vge.f32 v6, v5;
	(pc) =	sbr.rel @p0 .LBB2_119-.Ltmp66, $4  }
0x381: {  	v8 =	vld [tilespmem:s3+$0x0];
	vm1 =	vge.f32 v9, v5;
	[tilespmem:s0+$0x10] =	vst v7;
	v6 =	vnsel vm0, $0x0, v6  }
0x382: {  	v7 =	vld [tilespmem:s3+$0x10];
	vm0 =	vge.f32 v13, v5;
	v9 =	vnsel vm1, $0x0, v9;
	[tilespmem:s0+$0x20] =	vst v6  }
0x383: {  	vm1 =	vge.f32 v12, v5;
	v6 =	vld [tilespmem:s3+$0x20];
	v13 =	vnsel vm0, $0x0, v13;
	[tilespmem:s0+$0xFFFFFFC0] =	vst v9;
	s0 =	sadd.s32 $0x80, s0  }
0x384: {  	v9 =	vld [tilespmem:s3+$0xFFFFFFC0];
	v12 =	vnsel vm1, $0x0, v12;
	vm0 =	vge.f32 v11, v5;
	[tilespmem:s0+$0x30] =	vst v13;
	s3 =	sadd.s32 $0x80, s3  }
0x385: {  	[tilespmem:s0+$0xFFFFFFD0] =	vst v12;
	v11 =	vnsel vm0, $0x0, v11;
	vm12 =	vge.f32 v10, v5  }
0x386: {  	[tilespmem:s0+$0xFFFFFFE0] =	vst v11;
	v10 =	vnsel vm12, $0x0, v10;
	vm13 =	vge.f32 v8, v5  }
0x387: {  	[tilespmem:s0+$0xFFFFFFF0] =	vst v10;
	v8 =	vnsel vm13, $0x0, v8;
	vm14 =	vge.f32 v7, v5  }
0x388: {  	[tilespmem:s0+$0x0] =	vst v8;
	v7 =	vnsel vm14, $0x0, v7;
	vm15 =	vge.f32 v6, v5  }
0x389: {  	vm1 =	vge.f32 v9, v5;
	[tilespmem:s0+$0x10] =	vst v7;
	v5 =	vnsel vm15, $0x0, v6  }
0x38a: {  	v6 =	vnsel vm1, $0x0, v9;
	[tilespmem:s0+$0x20] =	vst v5  }
0x38b: {  	[tilespmem:s0+$0xFFFFFFC0] =	vst v6  }
.LBB2_129:
0x38c: {  	s0 =	rddreg [dreg:$0x7];
	s10 =	simm.s32 $0x1  }
0x38d: {  	[hbm4b:s0+s5] =	stream.strided.scatter [tilespmem:s20], [sflag:$0x2], $0x8000, s4, s5, $0x38;
	[tilespmem:$0x1C880] =	vst v63  }
0x38e: {  	_ =	swait.ge [sflag:s10], $0x8000  }
0x38f: {  	[sflag:s10] =	ssyncset.done $0x0  }
0x390: {  	s12 =	simm.s32 $0x40;
	s11 =	rddreg [dreg:$0x8];
	[sflag:s10] =	ssyncadd.s32 $0xFFFF8000  }
0x391: {  	[tilespmem:s15], [sflag:$0x1] =	stream.strided.gather [hbm4b:s11+s5], $0x8000, s4, s5, $0x38;
	[tilespmem:$0x1C880] =	vst v63  }
0x392: {  	v5 =	vld [tilespmem:s12+$0xFFFFFFC0]  }
0x393: {  	v6 =	vld [tilespmem:s12+$0xFFFFFFD0]  }
0x394: {  	v7 =	vld [tilespmem:s12+$0xFFFFFFE0]  }
0x395: {  	v8 =	vld [tilespmem:s12+$0xFFFFFFF0]  }
0x396: {  	v9 =	vld [tilespmem:s12+$0x0];
	_ =	sdelay $0x3  }
0x397: {  	v10 =	vimm.s32 $0x0;
	vm3 =	vge.f32 v5, $2.000000000e+00;
	vm0 =	vge.f32 v6, $2.000000000e+00  }
0x398: {  	v5 =	vld [tilespmem:s12+$0x10];
	vm1 =	vge.f32 v7, $2.000000000e+00;
	vm5 =	vge.f32 v8, $2.000000000e+00;
	vm2 =	vge.f32 v9, $2.000000000e+00  }
0x399: {  	v6 =	vld [tilespmem:s12+$0x20];
	v11 =	vmpcnt.ones.xlane vm3;
	v12 =	vsel vm3, $0x1, v1;
	v13 =	vmpcnt.ones.xlane vm0  }
0x39a: {  	v14 =	vmpcnt.ones.xlane vm1;
	v15 =	vsel vm5, $0x1, v1;
	v16 =	vsel vm2, $0x1, v1  }
0x39b: {  	v18 =	vsel vm0, $0xFFFFFFFF, v1;
	v19 =	vsel vm1, $0xFFFFFFFF, v1;
	v11 =	vadd.s32 v10, v11  }
0x39c: {  	v7 =	vld [tilespmem:s12+$0x30];
	v20 =	vsel vm5, $0xFFFFFFFF, v1;
	v21 =	vsel vm2, $0xFFFFFFFF, v1;
	v8 =	vadd.s32 v11, v13  }
0x39d: {  	v13 =	vmpcnt.ones.xlane vm5;
	v11 =	vadd.s32 v18, v11;
	v9 =	vadd.s32 v8, v14  }
0x39e: {  	v14 =	vmpcnt.ones.xlane vm2;
	vm4 =	vge.f32 v5, $2.000000000e+00;
	vm6 =	vge.f32 v6, $2.000000000e+00  }
0x39f: {  	(xrf0) =	vadd.scan.msk.s32 $0xffff, v12;
	v6 =	vsel vm0, $0x1, v1;
	v5 =	vadd.s32 v9, v13;
	v13 =	vmpcnt.ones.xlane vm4  }
0x3a0: {  	(xrf0) =	vadd.scan.msk.s32 $0xffff, v6;
	v6 =	vsel vm1, $0x1, v1;
	v12 =	vadd.s32 v5, v14;
	v14 =	vmpcnt.ones.xlane vm6  }
0x3a1: {  	s13 =	simm.s32 $0x0;
	vm7 =	vge.f32 v7, $2.000000000e+00;
	v8 =	vadd.s32 v19, v8;
	(xrf0) =	vadd.scan.msk.s32 $0xffff, v6;
	v13 =	vadd.s32 v12, v13  }
0x3a2: {  	v19 =	vor.u32 s13, v2;
	(xrf0) =	vadd.scan.msk.s32 $0xffff, v15;
	v6 =	vadd.s32 v13, v14;
	v14 =	vsel vm4, $0x1, v1  }
0x3a3: {  	v7 =	vmpcnt.ones.xlane vm7;
	v17 =	vsel vm6, $0x1, v1;
	v22 =	vsel vm4, $0xFFFFFFFF, v1;
	(xrf0) =	vadd.scan.msk.s32 $0xffff, v16  }
0x3a4: {  	s1 =	simm.s32 $0x10;
	v23 =	vsel vm6, $0xFFFFFFFF, v1;
	v24 =	vsel vm7, $0xFFFFFFFF, v1;
	v16 =	vsel vm7, $0x1, v1;
	(xrf0) =	vadd.scan.msk.s32 $0xffff, v14  }
0x3a5: {  	s3 =	simm.s32 $0x20;
	v9 =	vadd.s32 v20, v9;
	v20 =	vor.u32 s1, v2;
	v15 =	vsel vm3, $0xFFFFFFFF, v1;
	v14, _, _ =	vpop (xrf0);
	(xrf0) =	vadd.scan.msk.s32 $0xffff, v17  }
0x3a6: {  	s14 =	simm.s32 $0x30;
	v5 =	vadd.s32 v21, v5;
	v21 =	vor.u32 s3, v2;
	v12 =	vadd.s32 v22, v12;
	v17, _, _ =	vpop (xrf0)  }
0x3a7: {  	v13 =	vadd.s32 v23, v13;
	v10 =	vadd.s32 v15, v10;
	v23 =	vor.u32 s14, v2;
	(xrf0) =	vadd.scan.msk.s32 $0xffff, v16;
	v16, _, _ =	vpop (xrf0)  }
0x3a8: {  	s25 =	simm.s32 $0x40;
	v7 =	vadd.s32 v6, v7;
	v6 =	vadd.s32 v24, v6;
	v10 =	vadd.s32 v14, v10;
	v15, _, _ =	vpop (xrf0)  }
0x3a9: {  	s28 =	simm.s32 $0xC0;
	v24 =	vor.u32 s25, v2;
	v14 =	vadd.s32 v17, v11;
	vm8 =	vlt.s32 v10, $0x2000;
	v11, _, _ =	vpop (xrf0)  }
0x3aa: {  	v22 =	vld [tilespmem:s28+$0x0];
	v8 =	vadd.s32 v16, v8;
	vm9 =	vlt.s32 v14, $0x2000;
	v15 =	vadd.s32 v15, v9;
	v9, _, _ =	vpop (xrf0)  }
0x3ab: {  	vm12 =	vmand vm3, vm8;
	vm10 =	vlt.s32 v8, $0x2000;
	v16 =	vadd.s32 v11, v5;
	v11, _, _ =	vpop (xrf0)  }
0x3ac: {  	v18 =	vld [tilespmem:s28+$0xFFFFFFF0];
	vm8 =	vmand vm0, vm9;
	v5 =	vadd.s32 v9, v12;
	v9 =	vadd.s32 v11, v13  }
0x3ad: {  	vm13 =	vlt.s32 v15, $0x2000;
	vm1 =	vmand vm1, vm10;
	v12 =	vld [tilespmem:s28+$0xFFFFFFC0];
	vm3 =	vlt.s32 v9, $0x2000  }
0x3ae: {  	vm14 =	vlt.s32 v16, $0x2000;
	vm9 =	vmand vm5, vm13;
	v11, _, _ =	vpop (xrf0);
	v13 =	vld [tilespmem:s28+$0xFFFFFFD0];
	vm3 =	vmand vm6, vm3  }
0x3af: {  	s26 =	simm.s32 $0x50;
	v17 =	vld [tilespmem:s28+$0xFFFFFFE0];
	vm5 =	vge.f32 v22, $2.000000000e+00;
	vm15 =	vlt.s32 v5, $0x2000;
	v11 =	vadd.s32 v11, v6  }
0x3b0: {  	s30 =	simm.s32 $0x60;
	s31 =	simm.s32 $0x70;
	vm10 =	vmand vm2, vm14;
	v6 =	vor.u32 s26, v2;
	vm0 =	vlt.s32 v11, $0x2000  }
0x3b1: {  	[tilespmem:v10+s16+$0x0] =	vst.idx.msk vm12, v19;
	v10 =	vor.u32 s30, v2;
	v19 =	vor.u32 s31, v2;
	vm6 =	vmand vm7, vm0  }
0x3b2: {  	vm0 =	vmand vm4, vm15;
	vm4 =	vge.f32 v18, $2.000000000e+00;
	vm11 =	vge.f32 v12, $2.000000000e+00;
	v12 =	vld [tilespmem:s28+$0x10]  }
0x3b3: {  	v18 =	vmpcnt.ones.xlane vm4;
	v26 =	vmpcnt.ones.xlane vm11;
	vm2 =	vge.f32 v13, $2.000000000e+00;
	v13 =	vld [tilespmem:s28+$0x20]  }
0x3b4: {  	v25 =	vsel vm11, $0x1, v1;
	v27 =	vmpcnt.ones.xlane vm2;
	[tilespmem:v9+s16+$0x0] =	vst.idx.msk vm3, v10;
	vm3 =	vge.f32 v17, $2.000000000e+00;
	v17 =	vld [tilespmem:s28+$0x30]  }
0x3b5: {  	(xrf0) =	vadd.scan.msk.s32 $0xffff, v25;
	v10 =	vsel vm2, $0x1, v1;
	v9 =	vadd.s32 v7, v26;
	v25 =	vmpcnt.ones.xlane vm3  }
0x3b6: {  	[tilespmem:v8+s16+$0x0] =	vst.idx.msk vm1, v21;
	v21 =	vsel vm5, $0x1, v1;
	(xrf0) =	vadd.scan.msk.s32 $0xffff, v10;
	v10 =	vadd.s32 v9, v27  }
0x3b7: {  	[tilespmem:v11+s16+$0x0] =	vst.idx.msk vm6, v19;
	v19 =	vmpcnt.ones.xlane vm5;
	vm6 =	vge.f32 v12, $2.000000000e+00;
	v11 =	vadd.s32 v10, v25  }
0x3b8: {  	[tilespmem:v14+s16+$0x0] =	vst.idx.msk vm8, v20;
	v22 =	vsel vm4, $0xFFFFFFFF, v1;
	v14 =	vmpcnt.ones.xlane vm6;
	v12 =	vadd.s32 v11, v18  }
0x3b9: {  	vm8 =	vge.f32 v13, $2.000000000e+00;
	v13 =	vadd.s32 v12, v19;
	vm7 =	vge.f32 v17, $2.000000000e+00  }
0x3ba: {  	[tilespmem:v15+s16+$0x0] =	vst.idx.msk vm9, v23;
	v18 =	vsel vm3, $0x1, v1;
	v15 =	vadd.s32 v13, v14;
	v14 =	vmpcnt.ones.xlane vm7  }
0x3bb: {  	[tilespmem:v16+s16+$0x0] =	vst.idx.msk vm10, v24;
	v16 =	vsel vm4, $0x1, v1;
	v8 =	vmpcnt.ones.xlane vm8;
	(xrf0) =	vadd.scan.msk.s32 $0xffff, v18  }
0x3bc: {  	v23 =	vsel vm5, $0xFFFFFFFF, v1;
	v24 =	vsel vm6, $0x1, v1;
	v27 =	vsel vm8, $0x1, v1;
	(xrf0) =	vadd.scan.msk.s32 $0xffff, v16  }
0x3bd: {  	v25 =	vsel vm8, $0xFFFFFFFF, v1;
	v18 =	vsel vm11, $0xFFFFFFFF, v1;
	v17 =	vadd.s32 v15, v8;
	(xrf0) =	vadd.scan.msk.s32 $0xffff, v21  }
0x3be: {  	v19 =	vsel vm2, $0xFFFFFFFF, v1;
	v20 =	vsel vm7, $0x1, v1;
	v8 =	vadd.s32 v17, v14;
	v14, _, _ =	vpop (xrf0);
	(xrf0) =	vadd.scan.msk.s32 $0xffff, v24  }
0x3bf: {  	s29 =	simm.s32 $0x180;
	s25 =	simm.s32 $0x100;
	s26 =	simm.s32 $0x80;
	v26 =	vsel vm7, $0xFFFFFFFF, v1;
	v21 =	vsel vm3, $0xFFFFFFFF, v1;
	v24 =	vsel vm6, $0xFFFFFFFF, v1;
	v16, _, _ =	vpop (xrf0);
	(xrf0) =	vadd.scan.msk.s32 $0xffff, v27  }
.LBB2_130:
0x3c0: {  	p0 =	slt.u32 s29, $0x7F80;
	v13 =	vadd.s32 v24, v13;
	v15 =	vadd.s32 v25, v15;
	v17 =	vadd.s32 v26, v17;
	(xrf0) =	vadd.scan.msk.s32 $0xffff, v20  }
0x3c1: {  	v21 =	vadd.s32 v21, v10;
	v11 =	vadd.s32 v22, v11;
	v12 =	vadd.s32 v23, v12;
	v20, _, _ =	vpop (xrf0)  }
0x3c2: {  	v22 =	vadd.s32 v18, v7;
	v9 =	vadd.s32 v19, v9;
	v18 =	vadd.s32 v20, v21;
	v10, _, _ =	vpop (xrf0)  }
0x3c3: {  	v14 =	vadd.s32 v14, v22;
	v16 =	vadd.s32 v16, v9;
	v19 =	vadd.s32 v10, v11;
	v7, _, _ =	vpop (xrf0)  }
0x3c4: {  	vm9 =	vlt.s32 v14, $0x2000;
	vm10 =	vlt.s32 v16, $0x2000;
	v20 =	vadd.s32 v7, v12;
	v7, _, _ =	vpop (xrf0);
	[tilespmem:v5+s16+$0x0] =	vst.idx.msk vm0, v6  }
0x3c5: {  	vm0 =	vlt.s32 v18, $0x2000;
	vm14 =	vlt.s32 v19, $0x2000;
	v5 =	vadd.s32 v7, v13;
	v6, _, _ =	vpop (xrf0)  }
0x3c6: {  	vm15 =	vlt.s32 v20, $0x2000;
	vm1 =	vlt.s32 v5, $0x2000;
	v9 =	vadd.s32 v6, v15;
	v6, _, _ =	vpop (xrf0)  }
0x3c7: {  	s28 =	sadd.s32 $0x80, s28;
	vm13 =	vmand vm11, vm9;
	v7 =	vmovc v8;
	vm11 =	vlt.s32 v9, $0x2000;
	v11 =	vadd.s32 v6, v17  }
0x3c8: {  	vm9 =	vmand vm2, vm10;
	v10 =	vld [tilespmem:s28+$0xFFFFFFC0];
	vm8 =	vmand vm8, vm11;
	vm2 =	vlt.s32 v11, $0x2000  }
0x3c9: {  	vm12 =	vmand vm3, vm0;
	vm14 =	vmand vm4, vm14;
	v12 =	vld [tilespmem:s28+$0xFFFFFFD0];
	vm7 =	vmand vm7, vm2  }
0x3ca: {  	s0 =	sadd.s32 $0x10, s26;
	s1 =	sadd.s32 $0x20, s26;
	vm10 =	vmand vm5, vm15;
	vm0 =	vmand vm6, vm1;
	v13 =	vld [tilespmem:s28+$0xFFFFFFE0]  }
0x3cb: {  	s3 =	sadd.s32 $0x50, s26;
	v22 =	vor.u32 s1, v2;
	s1 =	sadd.s32 $0x40, s26;
	v21 =	vor.u32 s0, v2;
	s0 =	sadd.s32 $0x30, s26;
	v17 =	vor.u32 s26, v2;
	v15 =	vld [tilespmem:s28+$0xFFFFFFF0]  }
0x3cc: {  	v25 =	vor.u32 s1, v2;
	s1 =	sadd.s32 $0x70, s26;
	v24 =	vor.u32 s0, v2;
	s0 =	sadd.s32 $0x60, s26;
	v6 =	vor.u32 s3, v2;
	s26 =	smov.u32 s25;
	v23 =	vld [tilespmem:s28+$0x0]  }
0x3cd: {  	s25 =	smov.u32 s29;
	vm11 =	vge.f32 v10, $2.000000000e+00;
	v26 =	vld [tilespmem:s28+$0x10];
	[tilespmem:v14+s16+$0x0] =	vst.idx.msk vm13, v17;
	v10 =	vor.u32 s0, v2;
	v14 =	vor.u32 s1, v2  }
0x3ce: {  	v17 =	vsel vm11, $0x1, v1;
	v27 =	vmpcnt.ones.xlane vm11;
	vm2 =	vge.f32 v12, $2.000000000e+00;
	v28 =	vld [tilespmem:s28+$0x20];
	[tilespmem:v9+s16+$0x0] =	vst.idx.msk vm8, v10  }
0x3cf: {  	v10 =	vsel vm2, $0x1, v1;
	v12 =	vmpcnt.ones.xlane vm2;
	vm3 =	vge.f32 v13, $2.000000000e+00;
	v29 =	vld [tilespmem:s28+$0x30];
	(xrf0) =	vadd.scan.msk.s32 $0xffff, v17  }
0x3d0: {  	v9 =	vadd.s32 v8, v27;
	v8 =	vmpcnt.ones.xlane vm3;
	vm4 =	vge.f32 v15, $2.000000000e+00;
	(xrf0) =	vadd.scan.msk.s32 $0xffff, v10  }
0x3d1: {  	v10 =	vadd.s32 v9, v12;
	v12 =	vmpcnt.ones.xlane vm4;
	vm5 =	vge.f32 v23, $2.000000000e+00;
	[tilespmem:v11+s16+$0x0] =	vst.idx.msk vm7, v14  }
0x3d2: {  	v11 =	vadd.s32 v10, v8;
	v8 =	vmpcnt.ones.xlane vm5;
	vm6 =	vge.f32 v26, $2.000000000e+00;
	[tilespmem:v16+s16+$0x0] =	vst.idx.msk vm9, v21  }
0x3d3: {  	v12 =	vadd.s32 v11, v12;
	v23 =	vmpcnt.ones.xlane vm6;
	vm8 =	vge.f32 v28, $2.000000000e+00;
	[tilespmem:v18+s16+$0x0] =	vst.idx.msk vm12, v22  }
0x3d4: {  	v13 =	vadd.s32 v12, v8;
	v8 =	vmpcnt.ones.xlane vm8;
	vm7 =	vge.f32 v29, $2.000000000e+00;
	[tilespmem:v19+s16+$0x0] =	vst.idx.msk vm14, v24  }
0x3d5: {  	v18 =	vsel vm3, $0x1, v1;
	v15 =	vadd.s32 v13, v23;
	v19 =	vmpcnt.ones.xlane vm7;
	v14, _, _ =	vpop (xrf0);
	[tilespmem:v20+s16+$0x0] =	vst.idx.msk vm10, v25  }
.Ltmp67:
0x3d6: {  	v21 =	vsel vm5, $0x1, v1;
	v20 =	vsel vm4, $0x1, v1;
	v17 =	vadd.s32 v15, v8;
	v16, _, _ =	vpop (xrf0);
	(xrf0) =	vadd.scan.msk.s32 $0xffff, v18;
	(pc) =	sbr.rel @p0 .LBB2_130-.Ltmp67, $4  }
0x3d7: {  	v24 =	vsel vm6, $0x1, v1;
	v27 =	vsel vm8, $0x1, v1;
	v8 =	vadd.s32 v17, v19;
	(xrf0) =	vadd.scan.msk.s32 $0xffff, v20  }
0x3d8: {  	v18 =	vsel vm11, $0xFFFFFFFF, v1;
	v19 =	vsel vm2, $0xFFFFFFFF, v1;
	v20 =	vsel vm7, $0x1, v1;
	(xrf0) =	vadd.scan.msk.s32 $0xffff, v21  }
0x3d9: {  	v22 =	vsel vm4, $0xFFFFFFFF, v1;
	v23 =	vsel vm5, $0xFFFFFFFF, v1;
	v21 =	vsel vm3, $0xFFFFFFFF, v1;
	(xrf0) =	vadd.scan.msk.s32 $0xffff, v24  }
0x3da: {  	s29 =	sadd.s32 $0x80, s29;
	v25 =	vsel vm8, $0xFFFFFFFF, v1;
	v26 =	vsel vm7, $0xFFFFFFFF, v1;
	v24 =	vsel vm6, $0xFFFFFFFF, v1;
	(xrf0) =	vadd.scan.msk.s32 $0xffff, v27  }
0x3db: {  	v13 =	vadd.s32 v24, v13;
	v15 =	vadd.s32 v25, v15;
	v17 =	vadd.s32 v26, v17  }
0x3dc: {  	v10 =	vadd.s32 v21, v10;
	v11 =	vadd.s32 v22, v11;
	v12 =	vadd.s32 v23, v12  }
0x3dd: {  	(xrf0) =	vadd.scan.msk.s32 $0xffff, v20;
	v18 =	vadd.s32 v18, v7;
	v9 =	vadd.s32 v19, v9;
	s1 =	sadd.s32 $0x10, s26;
	v46 =	vimm.s32 $0x0;
	v35, _, _ =	vpop (xrf0)  }
0x3de: {  	s3 =	sadd.s32 $0x20, s26;
	v14 =	vadd.s32 v14, v18;
	v16 =	vadd.s32 v16, v9;
	v20 =	vor.u32 s1, v2;
	v36, _, _ =	vpop (xrf0)  }
0x3df: {  	s0 =	sadd.s32 $0x80, s28;
	v22 =	vor.u32 s3, v2;
	v7 =	vadd.s32 v35, v10;
	vm1 =	vlt.s32 v14, $0x2000;
	v37, _, _ =	vpop (xrf0)  }
0x3e0: {  	v38 =	vld [tilespmem:s0+$0xFFFFFFC0];
	vm9 =	vlt.s32 v16, $0x2000;
	v9 =	vadd.s32 v36, v11;
	vm10 =	vlt.s32 v7, $0x2000;
	v39, _, _ =	vpop (xrf0)  }
0x3e1: {  	v42 =	vld [tilespmem:s0+$0xFFFFFFD0];
	vm12 =	vmand vm11, vm1;
	vm9 =	vmand vm2, vm9;
	v10 =	vadd.s32 v37, v12;
	v40, _, _ =	vpop (xrf0)  }
0x3e2: {  	s8 =	sadd.s32 $0x30, s26;
	v43 =	vld [tilespmem:s0+$0xFFFFFFE0];
	vm13 =	vlt.s32 v9, $0x2000;
	v11 =	vadd.s32 v39, v13;
	v12 =	vadd.s32 v40, v15  }
0x3e3: {  	vm14 =	vlt.s32 v10, $0x2000;
	v39 =	vor.u32 s8, v2;
	v41, _, _ =	vpop (xrf0);
	vm1 =	vlt.s32 v12, $0x2000  }
0x3e4: {  	vm15 =	vlt.s32 v11, $0x2000;
	v13 =	vadd.s32 v41, v17;
	vm11 =	vmand vm8, vm1  }
0x3e5: {  	v44 =	vld [tilespmem:s0+$0xFFFFFFF0];
	vm1 =	vge.f32 v38, $2.000000000e+00;
	vm2 =	vlt.s32 v13, $0x2000;
	vm8 =	vmand vm3, vm10  }
0x3e6: {  	vm3 =	vmand vm4, vm13;
	vm10 =	vmand vm6, vm15;
	vm6 =	vge.f32 v42, $2.000000000e+00  }
0x3e7: {  	vm4 =	vge.f32 v43, $2.000000000e+00;
	v45 =	vsel vm1, $0x1, v1;
	vm13 =	vmand vm7, vm2  }
0x3e8: {  	vm2 =	vmand vm5, vm14;
	v19 =	vsel vm10, $0xFFFFFFFF, v46;
	v49 =	vmpcnt.ones.xlane vm1  }
0x3e9: {  	v15 =	vsel vm6, $0x1, v1;
	v50 =	vmpcnt.ones.xlane vm6;
	v52 =	vmpcnt.ones.xlane vm4;
	[tilespmem:$0x1FFD0] =	vst v19  }
0x3ea: {  	vm5 =	vge.f32 v44, $2.000000000e+00;
	v27 =	vsel vm1, $0xFFFFFFFF, v1;
	v60 =	vsel vm4, $0x1, v1;
	v47 =	vld [tilespmem:s0+$0x0]  }
0x3eb: {  	v30 =	vsel vm4, $0xFFFFFFFF, v1;
	(xrf0) =	vadd.scan.msk.s32 $0xffff, v45;
	v19 =	vor.u32 s26, v2;
	v54 =	vmpcnt.ones.xlane vm5;
	v48 =	vld [tilespmem:s0+$0x10]  }
0x3ec: {  	v57 =	vadd.s32 v27, v8;
	v62 =	vsel vm5, $0x1, v1;
	v51 =	vadd.s32 v8, v49;
	v53 =	vld [tilespmem:s0+$0x20];
	[tilespmem:v5+s16+$0x0] =	vst.idx.msk vm0, v6  }
0x3ed: {  	v43 =	vsel vm5, $0xFFFFFFFF, v1;
	(xrf0) =	vadd.scan.msk.s32 $0xffff, v15;
	[tilespmem:v14+s16+$0x0] =	vst.idx.msk vm12, v19;
	v25 =	vadd.s32 v51, v50  }
0x3ee: {  	s10 =	sadd.s32 $0x70, s26;
	v6 =	vsel vm6, $0xFFFFFFFF, v1;
	[tilespmem:v16+s16+$0x0] =	vst.idx.msk vm9, v20;
	(xrf0) =	vadd.scan.msk.s32 $0xffff, v60;
	v55 =	vadd.s32 v25, v52  }
0x3ef: {  	s11 =	sadd.s32 $0x40, s26;
	v28 =	vld [tilespmem:s0+$0x30];
	v6 =	vadd.s32 v6, v51;
	v51 =	vor.u32 s10, v2;
	(xrf0) =	vadd.scan.msk.s32 $0xffff, v62;
	v59 =	vadd.s32 v55, v54  }
0x3f0: {  	v54 =	vor.u32 s11, v2;
	[tilespmem:v7+s16+$0x0] =	vst.idx.msk vm8, v22;
	vm7 =	vge.f32 v47, $2.000000000e+00;
	vm10 =	vge.f32 v48, $2.000000000e+00  }
0x3f1: {  	[tilespmem:v9+s16+$0x0] =	vst.idx.msk vm3, v39;
	v56, _, _ =	vpop (xrf0);
	vm15 =	vge.f32 v53, $2.000000000e+00;
	v58 =	vmpcnt.ones.xlane vm7;
	v33 =	vsel vm7, $0x1, v1  }
0x3f2: {  	v8 =	vadd.s32 v56, v57;
	v61 =	vmpcnt.ones.xlane vm10;
	v35 =	vsel vm10, $0x1, v1;
	(xrf0) =	vadd.scan.msk.s32 $0xffff, v33  }
0x3f3: {  	v34 =	vmpcnt.ones.xlane vm15;
	v38 =	vsel vm15, $0x1, v1;
	vm14 =	vlt.s32 v8, $0x2000;
	(xrf0) =	vadd.scan.msk.s32 $0xffff, v35  }
0x3f4: {  	vm14 =	vmand vm1, vm14;
	v63 =	vadd.s32 v59, v58;
	vm1 =	vge.f32 v28, $2.000000000e+00;
	(xrf0) =	vadd.scan.msk.s32 $0xffff, v38  }
0x3f5: {  	s9 =	sadd.s32 $0x60, s26;
	[tilespmem:v13+s16+$0x0] =	vst.idx.msk vm13, v51;
	v40, _, _ =	vpop (xrf0);
	v36 =	vadd.s32 v63, v61;
	v37 =	vmpcnt.ones.xlane vm1;
	v29 =	vsel vm1, $0x1, v1  }
0x3f6: {  	s28 =	sadd.s32 $0x20, s25;
	[tilespmem:v10+s16+$0x0] =	vst.idx.msk vm2, v54;
	v48 =	vor.u32 s9, v2;
	v42, _, _ =	vpop (xrf0);
	v26 =	vadd.s32 v36, v34;
	(xrf0) =	vadd.scan.msk.s32 $0xffff, v29  }
0x3f7: {  	v25 =	vadd.s32 v30, v25;
	v62 =	vor.u32 s28, v2;
	[tilespmem:v12+s16+$0x0] =	vst.idx.msk vm11, v48;
	v44, _, _ =	vpop (xrf0);
	v24 =	vadd.s32 v26, v37  }
0x3f8: {  	v5 =	vadd.s32 v43, v55;
	v45 =	vsel vm7, $0xFFFFFFFF, v1;
	v10 =	vld [tilespmem:$0x1FFD0];
	(v2sf) =	vpush v24, $0x0;
	v46, _, _ =	vpop (xrf0)  }
0x3f9: {  	v31 =	vsel vm10, $0xFFFFFFFF, v1;
	v41 =	vsel vm15, $0xFFFFFFFF, v1;
	v15 =	vadd.s32 v45, v59;
	v47, _, _ =	vpop (xrf0)  }
0x3fa: {  	v6 =	vadd.s32 v40, v6;
	v49 =	vadd.s32 v42, v25;
	v23 =	vadd.s32 v41, v36;
	v50, _, _ =	vpop (xrf0)  }
0x3fb: {  	v32 =	vsel vm1, $0xFFFFFFFF, v1;
	vm9 =	vlt.s32 v49, $0x2000;
	v52 =	vadd.s32 v50, v23  }
0x3fc: {  	vm3 =	vmand vm4, vm9;
	v26 =	vadd.s32 v32, v26;
	v53, _, _ =	vpop (xrf0);
	vm12 =	vlt.s32 v52, $0x2000  }
0x3fd: {  	v55 =	vadd.s32 v53, v26;
	vm0 =	vmand vm15, vm12;
	vm12 =	vnez.u8 v10  }
0x3fe: {  	v58 =	vor.u32 s25, v2;
	v18 =	vadd.s32 v31, v63;
	vm13 =	vlt.s32 v55, $0x2000  }
0x3ff: {  	v5 =	vadd.s32 v44, v5;
	vm15 =	vlt.s32 v6, $0x2000;
	vm1 =	vmand vm1, vm13  }
0x400: {  	vm11 =	vlt.s32 v5, $0x2000;
	v7 =	vadd.s32 v46, v15;
	vm6 =	vmand vm6, vm15  }
0x401: {  	s12 =	sadd.s32 $0x50, s26;
	vm2 =	vmand vm5, vm11;
	[tilespmem:v8+s16+$0x0] =	vst.idx.msk vm14, v58;
	v57 =	vadd.s32 v47, v18;
	vm13 =	vlt.s32 v7, $0x2000  }
0x402: {  	s13 =	sadd.s32 $0x60, s25;
	v56 =	vor.u32 s12, v2;
	[tilespmem:v49+s16+$0x0] =	vst.idx.msk vm3, v62;
	vm15 =	vlt.s32 v57, $0x2000;
	vm4 =	vmand vm7, vm13  }
0x403: {  	s14 =	sadd.s32 $0x70, s25;
	v59 =	vor.u32 s13, v2;
	vm5 =	vmand vm10, vm15;
	[tilespmem:v11+s16+$0x0] =	vst.idx.msk vm12, v56  }
0x404: {  	s26 =	sadd.s32 $0x10, s25;
	v60 =	vor.u32 s14, v2;
	[tilespmem:v52+s16+$0x0] =	vst.idx.msk vm0, v59  }
0x405: {  	s29 =	sadd.s32 $0x30, s25;
	v61 =	vor.u32 s26, v2;
	[tilespmem:v55+s16+$0x0] =	vst.idx.msk vm1, v60  }
0x406: {  	s30 =	sadd.s32 $0x40, s25;
	[tilespmem:v6+s16+$0x0] =	vst.idx.msk vm6, v61;
	v6 =	vor.u32 s29, v2  }
0x407: {  	s31 =	sadd.s32 $0x50, s25;
	v63 =	vor.u32 s30, v2;
	[tilespmem:v5+s16+$0x0] =	vst.idx.msk vm2, v6;
	s26 =	spop (v2sf)  }
0x408: {  	v5 =	vor.u32 s31, v2;
	[tilespmem:v7+s16+$0x0] =	vst.idx.msk vm4, v63;
	p0 =	slt.s32 s26, $0x2000;
	s0 =	smov.u32 s26  }
0x409: {  	[tilespmem:v57+s16+$0x0] =	vst.idx.msk vm5, v5;
	s0 =	simm.s32 @!p0 $0x2000  }
0x40a: {  	s1 =	simm.s32 $0x1C700;
	[tilespmem:s0+$0x18180] =	vst v3  }
0x40b: {  	s3 =	simm.s32 $0x0;
	[tilespmem:s1+$0x0] =	vst v1  }
.LBB2_132:
0x40c: {  	s3 =	sadd.s32 $0x10, s3  }
0x40d: {  	p0 =	slt.u32 s3, $0x100  }
.Ltmp68:
0x40e: {  	_ = 	snop;
	(pc) =	sbr.rel @p0 .LBB2_132-.Ltmp68, $3  }
0x40f: {  	_ =	sdelay $0x1  }
0x410: {  	s1 =	sadd.s32 $0x10, s1  }
0x411: {  	[tilespmem:s1+$0x0] =	vst v1  }
0x412: {  	s0 =	sadd.s32 $0xF, s0  }
0x413: {  	s1 =	sand.u32 $0xF, s0  }
0x414: {  	p0 =	slt.s32 s26, $0xFFFFFFF2;
	s3 =	sshra.s32 s0, $0x1F;
	p1 =	sne.s32 s1, $0x0  }
0x415: {  	s31 =	sshrl.u32 s3, $0x1C;
	p0 =	por !p0, !p1  }
0x416: {  	s1 =	simm.s32 $0x1;
	s0 =	sadd.s32 s31, s0;
	p0 =	por !p0, !p0  }
0x417: {  	s0 =	sshra.s32 s0, $0x4;
	s1 =	simm.s32 @!p0 $0x0  }
0x418: {  	s28 =	ssub.s32 s0, s1  }
0x419: {  	p0 =	sgt.s32 s28, $0x0  }
.Ltmp69:
0x41a: {  	_ = 	snop;
	(pc) =	sbr.rel @!p0 .LBB2_134-.Ltmp69, $2  }
0x41b: {  	_ =	sdelay $0x2  }
0x41c: {  	s25 =	sshll.u32 s28, $0x4  }
0x41d: {  	s0 =	simm.s32 $0x18180  }
0x41e: {  	v5 =	vld [tilespmem:s0+$0x0];
	_ =	sdelay $0x2  }
0x41f: {  	p1 =	sgt.s32 s25, $0x10  }
.Ltmp70:
0x420: {  	_ = 	snop;
	(pc) =	sbr.rel @!p1 .LBB2_145-.Ltmp70, $2  }
0x421: {  	_ =	sdelay $0x2  }
0x422: {  	p0 =	por $0x0, $0x0;
	s0 =	simm.s32 $0x18190;
	v5 =	vld.idx.msk [tilespmem:v5+s2+$0x0], $0xffff  }
0x423: {  	v6 =	vld [tilespmem:s0+$0x0];
	_ =	sdelay $0x2  }
0x424: {  	p1 =	sgt.s32 s25, $0x20  }
.Ltmp71:
0x425: {  	_ = 	snop;
	(pc) =	sbr.rel @!p1 .LBB2_148-.Ltmp71, $4  }
0x426: {  	v5 =	vadd.s32 $0xC0000000, v5  }
0x427: {  	v7 =	vshra.s32 v5, $0x13  }
0x428: {  	vm0 =	vgt.s32 v7, $0x0  }
0x429: {  	s0 =	simm.s32 $0x20;
	s1 =	simm.s32 $0x181A0;
	p0 =	por $0x1, $0x1;
	v5 =	vld.idx.msk [tilespmem:v6+s2+$0x0], $0xffff;
	v6 =	vnsel vm0, $0x0, v7  }
.LBB2_147:
0x42a: {  	v7 =	vld [tilespmem:s1+$0x0];
	s0 =	sadd.s32 $0x10, s0;
	v6 =	vmin.u32 v6, $0x10  }
0x42b: {  	p1 =	slt.s32 s0, s25;
	v6 =	vshll.u32 v6, $0x4  }
0x42c: {  	v6 =	vor.u32 v2, v6;
	_ =	sdelay $0x1  }
.Ltmp72:
0x42d: {  	(pc) =	sbr.rel @p1 .LBB2_147-.Ltmp72, $4  }
0x42e: {  	v5 =	vadd.s32 $0xC0000000, v5  }
0x42f: {  	v8 =	vshra.s32 v5, $0x13  }
0x430: {  	vm0 =	vgt.s32 v8, $0x0;
	[tilespmem:v6+s17+$0x0] =	vst.idx.add.s32.msk $0xffff, v4  }
0x431: {  	s1 =	sadd.s32 $0x10, s1;
	v6 =	vnsel vm0, $0x0, v8;
	v5 =	vld.idx.msk [tilespmem:v7+s2+$0x0], $0xffff  }
.LBB2_148:
0x432: {  	_ =	sdelay $0x3  }
0x433: {  	v5 =	vadd.s32 $0xC0000000, v5  }
0x434: {  	v5 =	vshra.s32 v5, $0x13  }
0x435: {  	vm0 =	vgt.s32 v5, $0x0  }
0x436: {  	v6 =	vmin.u32 @p0 v6, $0x10;
	v5 =	vnsel vm0, $0x0, v5  }
0x437: {  	v6 =	vshll.u32 @p0 v6, $0x4;
	v5 =	vmin.u32 v5, $0x10  }
0x438: {  	v6 =	vor.u32 @p0 v2, v6;
	v5 =	vshll.u32 v5, $0x4  }
0x439: {  	v5 =	vor.u32 v2, v5;
	_ =	sdelay $0x3  }
0x43a: {  	[tilespmem:v6+s17+$0x0] =	vst.idx.add.s32.msk @p0 $0xffff, v4  }
0x43b: {  	[tilespmem:v5+s17+$0x0] =	vst.idx.add.s32.msk $0xffff, v4  }
.LBB2_134:
0x43c: {  	s0 =	simm.s32 $0x1C800  }
0x43d: {  	v5 =	vld [tilespmem:s0+$0x0];
	_ =	sdelay $0x4  }
0x43e: {  	(xrf0) =	vadd.scan.msk.s32 $0xffff, v5;
	_ =	sdelay $0x5  }
0x43f: {  	v5, _, _ =	vpop (xrf0)  }
0x440: {  	(v2sf) =	vpush v5, $0xF;
	_ =	sdelay $0x1  }
0x441: {  	s12 =	simm.s32 $0x1C7F0  }
0x442: {  	v5 =	vld [tilespmem:s12+$0x0]  }
0x443: {  	s13 =	simm.s32 $0x1C7E0  }
0x444: {  	v6 =	vld [tilespmem:s13+$0x0];
	_ =	sdelay $0x2  }
0x445: {  	(xrf0) =	vadd.scan.msk.s32 $0xffff, v5;
	_ =	sdelay $0x1  }
0x446: {  	(xrf0) =	vadd.scan.msk.s32 $0xffff, v6;
	_ =	sdelay $0x2  }
0x447: {  	s14 =	simm.s32 $0x1C7D0  }
0x448: {  	v7 =	vld [tilespmem:s14+$0x0];
	v6, _, _ =	vpop (xrf0)  }
0x449: {  	s8 =	spop (v2sf);
	(v2sf) =	vpush v6, $0xF  }
0x44a: {  	v6, _, _ =	vpop (xrf0)  }
0x44b: {  	(v2sf) =	vpush v6, $0xF;
	_ =	sdelay $0x1  }
0x44c: {  	s30 =	sadd.s32 $0xFFFFFE00, s26;
	s26 =	simm.s32 $0x1C7C0;
	(xrf0) =	vadd.scan.msk.s32 $0xffff, v7  }
0x44d: {  	v5 =	vld [tilespmem:s26+$0x0]  }
0x44e: {  	s29 =	simm.s32 $0x0;
	s5 =	simm.s32 $0x10  }
0x44f: {  	s7 =	simm.s32 $0xF;
	s4 =	simm.s32 $0xE;
	s1 =	simm.s32 $0xD  }
0x450: {  	s9 =	simm.s32 $0xB;
	s10 =	simm.s32 $0x1C7B0;
	p1 =	por $0x1, $0x1  }
0x451: {  	s6 =	simm.s32 $0x0;
	s3 =	simm.s32 $0x0;
	s31 =	sadd.s32 $0x0, s8  }
0x452: {  	s0 =	simm.s32 $0xC;
	s26 =	simm.s32 $0x0;
	(xrf0) =	vadd.scan.msk.s32 $0xffff, v5;
	v5, _, _ =	vpop (xrf0);
	p3 =	sgt.s32 s31, $0x1FF  }
.LBB2_135:
0x453: {  	p0 =	sne.s32 s9, $0x0;
	p1 =	por !p1, !p3;
	s11 =	smov.u32 s0  }
0x454: {  	v6 =	vld [tilespmem:s10+$0x0];
	(v2sf) =	vpush v5, $0xF;
	s0 =	smov.u32 s9;
	s9 =	sadd.s32 $0xFFFFFFFF, s9;
	s12 =	smov.u32 s6  }
.Ltmp73:
0x455: {  	s6 =	smov.u32 s31;
	p1 =	por !p1, !p1;
	(pc) =	sbr.rel @p0 .LBB2_135-.Ltmp73, $4  }
0x456: {  	s29 =	smov.u32 @p1 s5;
	s3 =	smov.u32 @p1 s8;
	s5 =	smov.u32 s7  }
0x457: {  	s26 =	smov.u32 @p1 s12;
	s7 =	smov.u32 s4;
	s8 =	spop (v2sf)  }
0x458: {  	s4 =	smov.u32 s1;
	s1 =	smov.u32 s11;
	s31 =	sadd.s32 s31, s8  }
0x459: {  	s10 =	sadd.s32 $0xFFFFFFF0, s10;
	p1 =	slt.s32 s6, $0x200;
	(xrf0) =	vadd.scan.msk.s32 $0xffff, v6;
	v5, _, _ =	vpop (xrf0);
	p3 =	sgt.s32 s31, $0x1FF  }
0x45a: {  	_ =	sdelay $0x4  }
0x45b: {  	(v2sf) =	vpush v5, $0xF;
	v5, _, _ =	vpop (xrf0)  }
0x45c: {  	(v2sf) =	vpush v5, $0xF;
	_ =	sdelay $0x7  }
0x45d: {  	p0 =	por !p1, !p3  }
0x45e: {  	s9 =	spop (v2sf);
	p0 =	por !p0, !p0  }
0x45f: {  	s29 =	smov.u32 @p0 s5;
	s5 =	sadd.s32 s31, s9  }
0x460: {  	p4 =	slt.s32 s31, $0x200;
	p5 =	sgt.s32 s5, $0x1FF;
	s10 =	spop (v2sf)  }
0x461: {  	s3 =	smov.u32 @p0 s8;
	p1 =	por !p4, !p5;
	s11 =	sadd.s32 s5, s10  }
0x462: {  	p6 =	slt.s32 s5, $0x200;
	p1 =	por !p1, !p1;
	p4 =	sgt.s32 s11, $0x1FF  }
0x463: {  	s29 =	smov.u32 @p1 s7;
	p3 =	por !p6, !p4;
	s12 =	spop (v2sf)  }
0x464: {  	p4 =	slt.s32 s11, $0x200;
	s13 =	sadd.s32 s11, s12;
	s14 =	spop (v2sf)  }
0x465: {  	p3 =	por !p3, !p3;
	p6 =	sgt.s32 s13, $0x1FF;
	s8 =	sadd.s32 s13, s14  }
0x466: {  	p4 =	por !p4, !p6;
	p6 =	slt.s32 s13, $0x200;
	p5 =	sgt.s32 s8, $0x1FF  }
0x467: {  	s29 =	smov.u32 @p3 s4;
	p4 =	por !p4, !p4;
	p5 =	por !p6, !p5  }
0x468: {  	s3 =	smov.u32 @p1 s9;
	s29 =	smov.u32 @p4 s1;
	p5 =	por !p5, !p5  }
0x469: {  	s3 =	smov.u32 @p3 s10;
	p6 =	sgt.u32 s30, $0x1E00;
	s29 =	smov.u32 @p5 s0  }
0x46a: {  	s26 =	smov.u32 @p0 s6;
	s3 =	smov.u32 @p4 s12;
	p0 =	sgt.u32 @!p6 s29, $0xF  }
0x46b: {  	s3 =	smov.u32 @p5 s14;
	p0 =	por p6, p0  }
0x46c: {  	s26 =	smov.u32 @p1 s31;
	p1 =	sgt.s32 @!p0 s3, $0x400  }
0x46d: {  	p0 =	por p0, p1  }
.Ltmp74:
0x46e: {  	_ = 	snop;
	(pc) =	sbr.rel @p0 .LBB2_165-.Ltmp74, $4  }
0x46f: {  	s26 =	smov.u32 @p3 s5;
	p3 =	slt.s32 s28, $0x1  }
0x470: {  	s0 =	simm.s32 @!p3 $0x0  }
0x471: {  	s26 =	smov.u32 @p4 s11;
	s0 =	simm.s32 @p3 $0x1  }
0x472: {  	s26 =	smov.u32 @p5 s13;
	[smem:$0x7FB] =	sst s0  }
.Ltmp75:
0x473: {  	(pc) =	sbr.rel @p3 .LBB2_138-.Ltmp75, $2  }
0x474: {  	_ =	sdelay $0x2  }
0x475: {  	s28 =	sshll.u32 s29, $0x13  }
0x476: {  	p1 =	sgt.s32 s25, $0x10  }
.Ltmp76:
0x477: {  	_ = 	snop;
	(pc) =	sbr.rel @!p1 .LBB2_150-.Ltmp76, $4  }
0x478: {  	_ = 	snop  }
0x479: {  	s0 =	sor.u32 $0x40000000, s28;
	s1 =	sadd.s32 $0x40080000, s28;
	s31 =	simm.s32 $0x18180  }
0x47a: {  	s5 =	simm.s32 $0x80;
	p3 =	por p6, p6;
	p4 =	por $0x0, $0x0  }
0x47b: {  	v5 =	vimm.s32 $0x0;
	p5 =	por $0x0, $0x0;
	p6 =	por $0x0, $0x0;
	p0 =	por $0x0, $0x0;
	v7 =	vmov s0;
	v8 =	vmov s1;
	v9 =	vld [tilespmem:s31+$0x0]  }
0x47c: {  	p1 =	sgt.s32 s25, $0x20  }
.Ltmp77:
0x47d: {  	_ = 	snop;
	(pc) =	sbr.rel @!p1 .LBB2_152-.Ltmp77, $3  }
0x47e: {  	_ =	sdelay $0x1  }
0x47f: {  	s0 =	simm.s32 $0x18190  }
0x480: {  	p4 =	por $0x1, $0x1;
	v10 =	vld [tilespmem:s0+$0x0]  }
0x481: {  	_ =	sdelay $0x3  }
0x482: {  	v6 =	vld.idx.msk [tilespmem:v9+s2+$0x0], $0xffff;
	_ =	sdelay $0x2  }
0x483: {  	p1 =	sgt.s32 s25, $0x30  }
.Ltmp78:
0x484: {  	s0 =	simm.s32 $0x181A0;
	(pc) =	sbr.rel @!p1 .LBB2_154-.Ltmp78, $2  }
0x485: {  	vm0 =	vle.s32 v7, v6;
	vm1 =	vgt.s32 v8, v6;
	v6 =	vld [tilespmem:s0+$0x0];
	_ =	sdelay $0x2  }
0x486: {  	p5 =	por $0x1, $0x1;
	vm3 =	vmand vm0, vm1  }
0x487: {  	_ =	sdelay $0x1  }
0x488: {  	s0 =	simm.s32 $0x181B0  }
0x489: {  	v11 =	vsel vm3, $0x1, v1;
	v21 =	vld [tilespmem:s0+$0x0]  }
0x48a: {  	v12 =	vld.idx.msk [tilespmem:v10+s2+$0x0], $0xffff;
	(xrf0) =	vadd.scan.msk.s32 $0xffff, v11  }
0x48b: {  	p1 =	sgt.s32 s25, $0x40  }
.Ltmp79:
0x48c: {  	_ = 	snop;
	(pc) =	sbr.rel @!p1 .LBB2_156-.Ltmp79, $4  }
0x48d: {  	_ = 	snop  }
0x48e: {  	vm1 =	vmmov vm3  }
0x48f: {  	v11 =	vsel vm1, $0xFFFFFFFF, v1;
	vm0 =	vle.s32 v7, v12;
	vm2 =	vgt.s32 v8, v12  }
0x490: {  	p6 =	por $0x1, $0x1;
	v14 =	vadd.s32 v11, v5;
	vm2 =	vmand vm0, vm2;
	v16, _, _ =	vpop (xrf0)  }
0x491: {  	_ =	sdelay $0x1  }
0x492: {  	v11 =	vsel vm2, $0x1, v1  }
0x493: {  	(xrf0) =	vadd.scan.msk.s32 $0xffff, v11;
	v11 =	vadd.s32 v16, v14  }
0x494: {  	v12 =	vld.idx.msk [tilespmem:v6+s2+$0x0], $0xffff;
	vm0 =	vlt.s32 v11, $0x400  }
0x495: {  	p1 =	sgt.s32 s25, $0x50;
	vm0 =	vmand vm1, vm0  }
.Ltmp80:
0x496: {  	v13 =	vmpcnt.ones.xlane vm1;
	s0 =	simm.s32 $0x181C0;
	(pc) =	sbr.rel @!p1 .LBB2_158-.Ltmp80, $4  }
0x497: {  	vm4 =	vmmov vm2;
	v22 =	vld [tilespmem:s0+$0x0]  }
0x498: {  	v15 =	vsel vm4, $0xFFFFFFFF, v1;
	v18 =	vadd.s32 v5, v13  }
0x499: {  	v19 =	vadd.s32 v15, v18;
	vm3 =	vle.s32 v7, v12;
	vm5 =	vgt.s32 v8, v12  }
0x49a: {  	s1 =	simm.s32 $0x50;
	p0 =	por $0x1, $0x1;
	v13 =	vmov v10;
	v12 =	vmov v9;
	vm3 =	vmand vm3, vm5;
	v20, _, _ =	vpop (xrf0)  }
.LBB2_159:
0x49b: {  	s1 =	sadd.s32 $0x10, s1;
	s0 =	sadd.s32 $0x10, s0;
	v15 =	vld.idx.msk [tilespmem:v21+s2+$0x0], $0xffff;
	v17 =	vsel vm3, $0x1, v1;
	[tilespmem:v11+s18+$0x0] =	vst.idx.msk vm0, v12;
	v11 =	vadd.s32 v20, v19;
	v12 =	vmov v13  }
0x49c: {  	v13 =	vmovc v6;
	v6 =	vmov v21;
	v21 =	vmov v22;
	p1 =	slt.s32 s1, s25;
	(xrf0) =	vadd.scan.msk.s32 $0xffff, v17;
	vm0 =	vlt.s32 v11, $0x400;
	v22 =	vld [tilespmem:s0+$0x0]  }
0x49d: {  	vm0 =	vmand vm4, vm0  }
.Ltmp81:
0x49e: {  	(pc) =	sbr.rel @p1 .LBB2_159-.Ltmp81, $4  }
0x49f: {  	v17 =	vmpcnt.ones.xlane vm4;
	vm4 =	vmmov vm3  }
0x4a0: {  	v19 =	vsel vm4, $0xFFFFFFFF, v1  }
0x4a1: {  	v18 =	vadd.s32 v18, v17;
	vm3 =	vle.s32 v7, v15;
	vm5 =	vgt.s32 v8, v15  }
0x4a2: {  	v19 =	vadd.s32 v19, v18;
	vm3 =	vmand vm3, vm5;
	v20, _, _ =	vpop (xrf0)  }
0x4a3: {  	v17 =	vmov v6;
	v15 =	vmov v21;
	v6 =	vmov v22  }
.LBB2_161:
0x4a4: {  	_ =	sdelay $0x3  }
0x4a5: {  	v21 =	vld.idx.msk @p4 [tilespmem:v15+s2+$0x0], $0xffff;
	_ =	sdelay $0x1  }
0x4a6: {  	v22 =	vsel @p5 vm3, $0x1, v1;
	v19 =	vadd.s32 @p6 v20, v19;
	v59 =	vld.idx.msk [tilespmem:v6+s2+$0x0], $0xffff;
	vm3 =	vmmov @p5 vm3  }
0x4a7: {  	(xrf0) =	vadd.scan.msk.s32 @p5 $0xffff, v22;
	vm5 =	vlt.s32 @p6 v19, $0x400;
	v22 =	vmpcnt.ones.xlane @p6 vm4;
	vm1 =	vmmov @p5 vm3  }
0x4a8: {  	vm4 =	vmand @p6 vm4, vm5;
	v20 =	vmpcnt.ones.xlane @p5 vm1  }
0x4a9: {  	v18 =	vadd.s32 @p6 v18, v22;
	vm6 =	vle.s32 @p4 v7, v21;
	vm7 =	vgt.s32 @p4 v8, v21  }
0x4aa: {  	v18 =	vpsel p6, v18, v5;
	v21 =	vsel @p5 vm3, $0xFFFFFFFF, v1;
	vm5 =	vmand @p4 vm6, vm7  }
0x4ab: {  	vm3 =	vle.s32 v7, v59;
	vm14 =	vgt.s32 v8, v59;
	vm2 =	vmmov @p4 vm5  }
0x4ac: {  	v7 =	vadd.s32 @p5 v21, v18;
	vm5 =	vmand vm3, vm14;
	v22 =	vsel @p4 vm2, $0x1, v1  }
0x4ad: {  	v8, _, _ =	vpop @p5 (xrf0);
	v7 =	vpsel p5, v7, v14;
	v60 =	vsel vm5, $0x1, v1;
	(xrf0) =	vadd.scan.msk.s32 @p4 $0xffff, v22  }
0x4ae: {  	v8 =	vpsel p5, v8, v16;
	vm2 =	vmmov @p4 vm2;
	v16 =	vadd.s32 @p5 v18, v20;
	(xrf0) =	vadd.scan.msk.s32 $0xffff, v60  }
0x4af: {  	v14 =	vsel @p4 vm2, $0xFFFFFFFF, v1;
	v16 =	vpsel p5, v16, v5;
	vm2 =	vmmov @p4 vm2  }
0x4b0: {  	v7 =	vadd.s32 @p5 v8, v7;
	v8 =	vadd.s32 @p4 v14, v16;
	v14 =	vmpcnt.ones.xlane @p4 vm2  }
0x4b1: {  	v19 =	vpsel p6, v19, v0  }
0x4b2: {  	vm3 =	vmmov @p6 vm4;
	vm5 =	vmmov vm5;
	v14 =	vadd.s32 @p4 v16, v14  }
0x4b3: {  	v61 =	vsel vm5, $0xFFFFFFFF, v1;
	vm4 =	vlt.s32 @p5 v7, $0x400;
	v5 =	vpsel p4, v14, v5;
	v18, _, _ =	vpop @p4 (xrf0)  }
0x4b4: {  	v8 =	vpsel p4, v8, v0;
	v14 =	vadd.s32 v61, v5;
	v18 =	vpsel p4, v18, v0;
	v62, _, _ =	vpop (xrf0)  }
0x4b5: {  	vm1 =	vmand @p5 vm1, vm4;
	v8 =	vadd.s32 @p4 v18, v8;
	v14 =	vadd.s32 v62, v14  }
0x4b6: {  	vm1 =	vmmov @p5 vm1;
	vm4 =	vlt.s32 @p4 v8, $0x400;
	vm15 =	vlt.s32 v14, $0x400  }
0x4b7: {  	v7 =	vpsel p5, v7, v0;
	vm2 =	vmand @p4 vm2, vm4;
	vm4 =	vmand vm5, vm15  }
0x4b8: {  	vm2 =	vmmov @p4 vm2  }
0x4b9: {  	v16 =	vmov @p5 v17;
	v8 =	vpsel p4, v8, v0  }
0x4ba: {  	[tilespmem:v11+s18+$0x0] =	vst.idx.msk @p0 vm0, v12;
	v11 =	vpsel p6, v13, v0;
	v9 =	vpsel p5, v16, v9  }
0x4bb: {  	v10 =	vpsel p4, v15, v10;
	[tilespmem:v19+s18+$0x0] =	vst.idx.msk @p6 vm3, v11;
	v9 =	vpsel p5, v9, v0  }
0x4bc: {  	v10 =	vpsel p4, v10, v0;
	[tilespmem:v7+s18+$0x0] =	vst.idx.msk @p5 vm1, v9  }
0x4bd: {  	v7 =	vpsel p4, v10, v0;
	[tilespmem:v14+s18+$0x0] =	vst.idx.msk vm4, v6  }
.Ltmp82:
0x4be: {  	[tilespmem:v8+s18+$0x0] =	vst.idx.msk @p4 vm2, v7;
	(pc) =	sbr.rel .LBB2_139-.Ltmp82, $3  }
0x4bf: {  	s0 =	sld [smem:$0x7FB]  }
0x4c0: {  	v63 =	vmpcnt.ones.xlane vm5;
	_ =	sdelay $0x1  }
0x4c1: {  	p6 =	por p3, p3;
	v5 =	vadd.s32 v5, v63;
	p3 =	seq.s32 s0, $0x1  }
.LBB2_138:
0x4c2: {  	v5 =	vimm.s32 $0x0;
	s5 =	simm.s32 $0x80  }
.LBB2_139:
0x4c3: {  	(v2sf) =	vpush v5, $0x0;
	_ =	sdelay $0xe  }
0x4c4: {  	s1 =	spop (v2sf)  }
0x4c5: {  	s0 =	sadd.s32 $0xF, s1  }
0x4c6: {  	s3 =	sand.u32 $0xF, s0;
	s30 =	sshra.s32 s0, $0x1F  }
0x4c7: {  	p1 =	slt.s32 s0, $0x1;
	p0 =	sne.s32 s3, $0x0;
	s3 =	sshrl.u32 s30, $0x1C  }
0x4c8: {  	p0 =	por !p1, !p0;
	s0 =	sadd.s32 s3, s0  }
.Ltmp83:
0x4c9: {  	s3 =	simm.s32 $0x1;
	p0 =	por !p0, !p0;
	(pc) =	sbr.rel .LBB2_140-.Ltmp83, $4  }
0x4ca: {  	s0 =	sshrl.u32 s0, $0x4;
	s3 =	simm.s32 @!p0 $0x0  }
0x4cb: {  	s31 =	ssub.s32 $0x200, s26;
	p1 =	slt.s32 s1, $0x400;
	s0 =	ssub.s32 s0, s3  }
0x4cc: {  	s4 =	sor.u32 $0xC0000000, s28;
	s1 =	simm.s32 @!p1 $0x400;
	s0 =	sshll.u32 s0, $0x4  }
0x4cd: {  	v5 =	vmov s4;
	v6 =	vmov s31;
	[tilespmem:s1+$0x1C280] =	vst v3;
	s1 =	simm.s32 $0xD;
	p0 =	slt.s32 s0, $0x1  }
.LBB2_141:
0x4ce: {  	v8 =	vimm.s32 $0x0  }
.LBB2_142:
0x4cf: {  	s1 =	sadd.s32 $0x1, s1  }
0x4d0: {  	p1 =	seq.s32 s1, $0x20  }
.Ltmp84:
0x4d1: {  	_ = 	snop;
	(pc) =	sbr.rel @p1 .LBB2_143-.Ltmp84, $3  }
0x4d2: {  	_ =	sdelay $0x1  }
0x4d3: {  	vm0 =	vlt.s32 v8, v6  }
0x4d4: {  	v5 =	vsel vm0, v5, v7  }
.LBB2_140:
.Ltmp85:
0x4d5: {  	(pc) =	sbr.rel @p0 .LBB2_141-.Ltmp85, $3  }
0x4d6: {  	_ =	sdelay $0x1  }
0x4d7: {  	s3 =	sshrl.u32 s19, s1  }
0x4d8: {  	v7 =	vor.u32 s3, v5  }
0x4d9: {  	s3 =	simm.s32 $0x1C280  }
0x4da: {  	v10 =	vld [tilespmem:s3+$0x0];
	_ =	sdelay $0x2  }
0x4db: {  	p1 =	sgt.s32 s0, $0x10  }
.Ltmp86:
0x4dc: {  	_ = 	snop;
	(pc) =	sbr.rel @!p1 .LBB2_164-.Ltmp86, $2  }
0x4dd: {  	_ =	sdelay $0x2  }
0x4de: {  	v9 =	vxor.u32 $0x80000000, v7;
	v8 =	vimm.s32 $0x0;
	s4 =	simm.s32 $0x1C290;
	s3 =	simm.s32 $0x10;
	v10 =	vld.idx.msk [tilespmem:v10+s2+$0x0], $0xffff  }
.LBB2_163:
0x4df: {  	v11 =	vld [tilespmem:s4+$0x0];
	s3 =	sadd.s32 $0x10, s3  }
0x4e0: {  	p1 =	slt.s32 s3, s0;
	_ =	sdelay $0x2  }
.Ltmp87:
0x4e1: {  	(pc) =	sbr.rel @p1 .LBB2_163-.Ltmp87, $3  }
0x4e2: {  	vm0 =	vge.f32 v10, v9  }
0x4e3: {  	v12 =	vmpcnt.ones.xlane vm0;
	_ =	sdelay $0x1  }
0x4e4: {  	s4 =	sadd.s32 $0x10, s4;
	v8 =	vadd.s32 v8, v12;
	v10 =	vld.idx.msk [tilespmem:v11+s2+$0x0], $0xffff  }
.LBB2_164:
0x4e5: {  	_ =	sdelay $0x2  }
.Ltmp88:
0x4e6: {  	_ = 	snop;
	(pc) =	sbr.rel .LBB2_142-.Ltmp88, $3  }
0x4e7: {  	vm0 =	vge.f32 v10, v9  }
0x4e8: {  	v9 =	vmpcnt.ones.xlane vm0;
	_ =	sdelay $0x1  }
0x4e9: {  	v8 =	vadd.s32 v8, v9  }
.LBB2_143:
0x4ea: {  	(v2sf) =	vpush v5, $0x0;
	_ =	sdelay $0xe  }
0x4eb: {  	s26 =	spop (v2sf)  }
.LBB2_176:
0x4ec: {  	_ =	swait.ge [sflag:s22], $0x8000  }
0x4ed: {  	s0 =	sld [smem:$0x7FC];
	_ =	sdelay $0x2  }
0x4ee: {  	p0 =	seq.s32 s0, $0x1  }
.Ltmp89:
0x4ef: {  	_ = 	snop;
	(pc) =	sbr.rel @p0 .LBB2_177-.Ltmp89, $3  }
0x4f0: {  	_ =	sdelay $0x1  }
0x4f1: {  	[sflag:s22] =	ssyncset.done $0x0  }
0x4f2: {  	[sflag:s22] =	ssyncadd.s32 $0xFFFF8000  }
.Ltmp90:
0x4f3: {  	(pc) =	sbr.rel @p2 .LBB2_184-.Ltmp90, $2  }
0x4f4: {  	_ =	sdelay $0x2  }
0x4f5: {  	s4 =	simm.s32 $0x400  }
0x4f6: {  	s0 =	simm.s32 $0x1A200  }
0x4f7: {  	v5 =	vld [tilespmem:s0+$0x0];
	_ =	sdelay $0x1  }
0x4f8: {  	p0 =	sgt.s32 s24, $0x10  }
.Ltmp91:
0x4f9: {  	_ = 	snop;
	(pc) =	sbr.rel @!p0 .LBB2_183-.Ltmp91, $2  }
0x4fa: {  	_ =	sdelay $0x2  }
0x4fb: {  	s1 =	simm.s32 $0x1A210;
	s0 =	simm.s32 $0x10  }
.LBB2_182:
0x4fc: {  	s0 =	sadd.s32 $0x10, s0;
	[tilespmem:v5+s20+$0x0] =	vst.idx.msk $0xffff, v0;
	v5 =	vld [tilespmem:s1+$0x0]  }
0x4fd: {  	p0 =	slt.s32 s0, s24;
	_ =	sdelay $0x1  }
.Ltmp92:
0x4fe: {  	(pc) =	sbr.rel @p0 .LBB2_182-.Ltmp92, $2  }
0x4ff: {  	_ =	sdelay $0x2  }
0x500: {  	s1 =	sadd.s32 $0x10, s1  }
.LBB2_183:
.Ltmp93:
0x501: {  	_ = 	snop;
	(pc) =	sbr.rel .LBB2_184-.Ltmp93, $2  }
0x502: {  	_ =	sdelay $0x2  }
0x503: {  	[tilespmem:v5+s20+$0x0] =	vst.idx.msk $0xffff, v0  }
.LBB2_177:
0x504: {  	s0 =	simm.s32 $0x10140  }
0x505: {  	[tilespmem:s0+$0xFFFFFFC0] =	vst v0  }
0x506: {  	[tilespmem:s0+$0x30] =	vst v0  }
0x507: {  	[tilespmem:s0+$0x20] =	vst v0  }
0x508: {  	[tilespmem:s0+$0x10] =	vst v0  }
0x509: {  	[tilespmem:s0+$0x0] =	vst v0  }
0x50a: {  	[tilespmem:s0+$0xFFFFFFF0] =	vst v0  }
0x50b: {  	s4 =	simm.s32 $0x400;
	s1 =	simm.s32 $0x0;
	[tilespmem:s0+$0xFFFFFFE0] =	vst v0  }
.LBB2_178:
0x50c: {  	s1 =	sadd.s32 $0x80, s1;
	[tilespmem:s0+$0xFFFFFFD0] =	vst v0;
	s0 =	sadd.s32 $0x80, s0  }
0x50d: {  	[tilespmem:s0+$0xFFFFFFC0] =	vst v0;
	p0 =	slt.u32 s1, $0x7F80  }
0x50e: {  	[tilespmem:s0+$0x30] =	vst v0  }
.Ltmp94:
0x50f: {  	[tilespmem:s0+$0x20] =	vst v0;
	(pc) =	sbr.rel @p0 .LBB2_178-.Ltmp94, $4  }
0x510: {  	[tilespmem:s0+$0x10] =	vst v0  }
0x511: {  	[tilespmem:s0+$0x0] =	vst v0  }
0x512: {  	[tilespmem:s0+$0xFFFFFFF0] =	vst v0  }
0x513: {  	[tilespmem:s0+$0xFFFFFFE0] =	vst v0  }
0x514: {  	[tilespmem:s0+$0xFFFFFFD0] =	vst v0  }
.LBB2_184:
0x515: {  	s0 =	sxor.u32 $0x80000000, s26  }
.Ltmp95:
0x516: {  	p0 =	sgt.s32 s0, $0x1;
	(pc) =	sbr.rel @p6 .LBB2_185-.Ltmp95, $3  }
0x517: {  	s0 =	simm.s32 @!p0 $0x1  }
0x518: {  	v5 =	vmov s0  }
0x519: {  	v5 =	vbroadcast v5, $0x0;
	_ =	sdelay $0x1  }
.Ltmp96:
0x51a: {  	(pc) =	sbr.rel @p3 .LBB2_196-.Ltmp96, $1  }
0x51b: {  	_ =	sdelay $0x3  }
0x51c: {  	s0 =	simm.s32 $0x18180  }
0x51d: {  	v6 =	vld [tilespmem:s0+$0x0];
	_ =	sdelay $0x4  }
0x51e: {  	p1 =	sgt.s32 s25, $0x10  }
.Ltmp97:
0x51f: {  	_ = 	snop;
	(pc) =	sbr.rel @!p1 .LBB2_190-.Ltmp97, $3  }
0x520: {  	_ = 	snop  }
0x521: {  	v7 =	vld.idx.msk [tilespmem:v6+s2+$0x0], $0xffff;
	_ =	sdelay $0x1  }
0x522: {  	p0 =	por $0x0, $0x0;
	s0 =	simm.s32 $0x18190  }
0x523: {  	v8 =	vld [tilespmem:s0+$0x0];
	_ =	sdelay $0x2  }
0x524: {  	p1 =	sgt.s32 s25, $0x20  }
.Ltmp98:
0x525: {  	_ = 	snop;
	(pc) =	sbr.rel @!p1 .LBB2_192-.Ltmp98, $2  }
0x526: {  	vm0 =	vge.f32 v7, v5;
	_ =	sdelay $0x2  }
0x527: {  	s0 =	simm.s32 $0x20;
	s1 =	simm.s32 $0x181A0;
	p0 =	por $0x1, $0x1;
	v9 =	vld.idx.msk [tilespmem:v8+s2+$0x0], $0xffff  }
.LBB2_193:
0x528: {  	v10 =	vld [tilespmem:s1+$0x0];
	s0 =	sadd.s32 $0x10, s0  }
0x529: {  	p1 =	slt.s32 s0, s25  }
0x52a: {  	[tilespmem:v6+s20+$0x0] =	vst.idx.msk vm0, v7;
	v6 =	vmov v8;
	_ =	sdelay $0x1  }
.Ltmp99:
0x52b: {  	(pc) =	sbr.rel @p1 .LBB2_193-.Ltmp99, $2  }
0x52c: {  	vm0 =	vge.f32 v9, v5;
	v7 =	vmov v9;
	v8 =	vmov v10;
	_ =	sdelay $0x2  }
0x52d: {  	s1 =	sadd.s32 $0x10, s1;
	v9 =	vld.idx.msk [tilespmem:v10+s2+$0x0], $0xffff  }
0x52e: {  	_ =	sdelay $0x3  }
0x52f: {  	v10 =	vmovc v7;
	v11 =	vmov v6;
	v6 =	vmov v8;
	v7 =	vmov v9  }
.LBB2_195:
0x530: {  	vm1 =	vge.f32 v7, v5;
	_ =	sdelay $0x1  }
.Ltmp100:
0x531: {  	_ = 	snop;
	(pc) =	sbr.rel .LBB2_196-.Ltmp100, $3  }
0x532: {  	_ =	sdelay $0x1  }
0x533: {  	[tilespmem:v11+s20+$0x0] =	vst.idx.msk @p0 vm0, v10  }
0x534: {  	[tilespmem:v6+s20+$0x0] =	vst.idx.msk vm1, v7  }
.LBB2_185:
0x535: {  	s3 =	simm.s32 $0x40  }
0x536: {  	v9 =	vld [tilespmem:s3+$0x30]  }
0x537: {  	v12 =	vld [tilespmem:s3+$0xFFFFFFD0]  }
0x538: {  	v11 =	vld [tilespmem:s3+$0xFFFFFFE0]  }
0x539: {  	v10 =	vld [tilespmem:s3+$0xFFFFFFF0]  }
0x53a: {  	v8 =	vld [tilespmem:s3+$0x0]  }
0x53b: {  	v7 =	vld [tilespmem:s3+$0x10];
	vm0 =	vge.f32 v9, v5  }
0x53c: {  	s0 =	simm.s32 $0x10140;
	v6 =	vld [tilespmem:s3+$0x20];
	vm1 =	vge.f32 v12, v5;
	v13 =	vnsel vm0, $0x0, v9  }
0x53d: {  	s1 =	simm.s32 $0x0;
	v9 =	vld [tilespmem:s3+$0xFFFFFFC0];
	v12 =	vnsel vm1, $0x0, v12;
	vm0 =	vge.f32 v11, v5;
	s3 =	simm.s32 $0xC0;
	[tilespmem:s0+$0x30] =	vst v13  }
.LBB2_186:
0x53e: {  	v13 =	vld [tilespmem:s3+$0x30];
	s1 =	sadd.s32 $0x80, s1;
	[tilespmem:s0+$0xFFFFFFD0] =	vst v12;
	v11 =	vnsel vm0, $0x0, v11;
	vm0 =	vge.f32 v10, v5  }
0x53f: {  	v12 =	vld [tilespmem:s3+$0xFFFFFFD0];
	p0 =	slt.u32 s1, $0x7F80;
	[tilespmem:s0+$0xFFFFFFE0] =	vst v11;
	v10 =	vnsel vm0, $0x0, v10;
	vm0 =	vge.f32 v8, v5  }
0x540: {  	v11 =	vld [tilespmem:s3+$0xFFFFFFE0];
	[tilespmem:s0+$0xFFFFFFF0] =	vst v10;
	v8 =	vnsel vm0, $0x0, v8;
	vm0 =	vge.f32 v7, v5  }
.Ltmp101:
0x541: {  	v10 =	vld [tilespmem:s3+$0xFFFFFFF0];
	[tilespmem:s0+$0x0] =	vst v8;
	v7 =	vnsel vm0, $0x0, v7;
	vm0 =	vge.f32 v6, v5;
	(pc) =	sbr.rel @p0 .LBB2_186-.Ltmp101, $4  }
0x542: {  	v8 =	vld [tilespmem:s3+$0x0];
	vm1 =	vge.f32 v9, v5;
	[tilespmem:s0+$0x10] =	vst v7;
	v6 =	vnsel vm0, $0x0, v6  }
0x543: {  	v7 =	vld [tilespmem:s3+$0x10];
	vm0 =	vge.f32 v13, v5;
	v9 =	vnsel vm1, $0x0, v9;
	[tilespmem:s0+$0x20] =	vst v6  }
0x544: {  	vm1 =	vge.f32 v12, v5;
	v6 =	vld [tilespmem:s3+$0x20];
	v13 =	vnsel vm0, $0x0, v13;
	[tilespmem:s0+$0xFFFFFFC0] =	vst v9;
	s0 =	sadd.s32 $0x80, s0  }
0x545: {  	v9 =	vld [tilespmem:s3+$0xFFFFFFC0];
	v12 =	vnsel vm1, $0x0, v12;
	vm0 =	vge.f32 v11, v5;
	[tilespmem:s0+$0x30] =	vst v13;
	s3 =	sadd.s32 $0x80, s3  }
0x546: {  	[tilespmem:s0+$0xFFFFFFD0] =	vst v12;
	v11 =	vnsel vm0, $0x0, v11;
	vm12 =	vge.f32 v10, v5  }
0x547: {  	[tilespmem:s0+$0xFFFFFFE0] =	vst v11;
	v10 =	vnsel vm12, $0x0, v10;
	vm13 =	vge.f32 v8, v5  }
0x548: {  	[tilespmem:s0+$0xFFFFFFF0] =	vst v10;
	v8 =	vnsel vm13, $0x0, v8;
	vm14 =	vge.f32 v7, v5  }
0x549: {  	[tilespmem:s0+$0x0] =	vst v8;
	v7 =	vnsel vm14, $0x0, v7;
	vm15 =	vge.f32 v6, v5  }
0x54a: {  	vm1 =	vge.f32 v9, v5;
	[tilespmem:s0+$0x10] =	vst v7;
	v5 =	vnsel vm15, $0x0, v6  }
0x54b: {  	v6 =	vnsel vm1, $0x0, v9;
	[tilespmem:s0+$0x20] =	vst v5  }
0x54c: {  	[tilespmem:s0+$0xFFFFFFC0] =	vst v6  }
.LBB2_196:
0x54d: {  	s0 =	rddreg [dreg:$0x9];
	s11 =	simm.s32 $0x1  }
0x54e: {  	[hbm4b:s0+s5] =	stream.strided.scatter [tilespmem:s20], [sflag:$0x2], $0x8000, s4, s5, $0x38;
	[tilespmem:$0x1C880] =	vst v63  }
0x54f: {  	_ =	swait.ge [sflag:s11], $0x8000  }
0x550: {  	[sflag:s11] =	ssyncset.done $0x0  }
0x551: {  	s12 =	simm.s32 $0x80C0;
	[sflag:s11] =	ssyncadd.s32 $0xFFFF8000  }
0x552: {  	v5 =	vld [tilespmem:s12+$0xFFFFFFC0]  }
0x553: {  	v6 =	vld [tilespmem:s12+$0xFFFFFFD0]  }
0x554: {  	v7 =	vld [tilespmem:s12+$0xFFFFFFE0]  }
0x555: {  	v8 =	vld [tilespmem:s12+$0xFFFFFFF0]  }
0x556: {  	v9 =	vld [tilespmem:s12+$0x0];
	_ =	sdelay $0x3  }
0x557: {  	v10 =	vimm.s32 $0x0;
	vm3 =	vge.f32 v5, $2.000000000e+00;
	vm0 =	vge.f32 v6, $2.000000000e+00  }
0x558: {  	v5 =	vld [tilespmem:s12+$0x10];
	vm1 =	vge.f32 v7, $2.000000000e+00;
	vm5 =	vge.f32 v8, $2.000000000e+00;
	vm2 =	vge.f32 v9, $2.000000000e+00  }
0x559: {  	v6 =	vld [tilespmem:s12+$0x20];
	v11 =	vmpcnt.ones.xlane vm3;
	v12 =	vsel vm3, $0x1, v1;
	v13 =	vmpcnt.ones.xlane vm0  }
0x55a: {  	v14 =	vmpcnt.ones.xlane vm1;
	v15 =	vsel vm5, $0x1, v1;
	v16 =	vsel vm2, $0x1, v1  }
0x55b: {  	v18 =	vsel vm0, $0xFFFFFFFF, v1;
	v19 =	vsel vm1, $0xFFFFFFFF, v1;
	v11 =	vadd.s32 v10, v11  }
0x55c: {  	v7 =	vld [tilespmem:s12+$0x30];
	v20 =	vsel vm5, $0xFFFFFFFF, v1;
	v21 =	vsel vm2, $0xFFFFFFFF, v1;
	v8 =	vadd.s32 v11, v13  }
0x55d: {  	v13 =	vmpcnt.ones.xlane vm5;
	v11 =	vadd.s32 v18, v11;
	v9 =	vadd.s32 v8, v14  }
0x55e: {  	v14 =	vmpcnt.ones.xlane vm2;
	vm4 =	vge.f32 v5, $2.000000000e+00;
	vm6 =	vge.f32 v6, $2.000000000e+00  }
0x55f: {  	(xrf0) =	vadd.scan.msk.s32 $0xffff, v12;
	v6 =	vsel vm0, $0x1, v1;
	v5 =	vadd.s32 v9, v13;
	v13 =	vmpcnt.ones.xlane vm4  }
0x560: {  	(xrf0) =	vadd.scan.msk.s32 $0xffff, v6;
	v6 =	vsel vm1, $0x1, v1;
	v12 =	vadd.s32 v5, v14;
	v14 =	vmpcnt.ones.xlane vm6  }
0x561: {  	s13 =	simm.s32 $0x0;
	vm7 =	vge.f32 v7, $2.000000000e+00;
	v8 =	vadd.s32 v19, v8;
	(xrf0) =	vadd.scan.msk.s32 $0xffff, v6;
	v13 =	vadd.s32 v12, v13  }
0x562: {  	v19 =	vor.u32 s13, v2;
	(xrf0) =	vadd.scan.msk.s32 $0xffff, v15;
	v6 =	vadd.s32 v13, v14;
	v14 =	vsel vm4, $0x1, v1  }
0x563: {  	v7 =	vmpcnt.ones.xlane vm7;
	v17 =	vsel vm6, $0x1, v1;
	v22 =	vsel vm4, $0xFFFFFFFF, v1;
	(xrf0) =	vadd.scan.msk.s32 $0xffff, v16  }
0x564: {  	s1 =	simm.s32 $0x10;
	v23 =	vsel vm6, $0xFFFFFFFF, v1;
	v24 =	vsel vm7, $0xFFFFFFFF, v1;
	v16 =	vsel vm7, $0x1, v1;
	(xrf0) =	vadd.scan.msk.s32 $0xffff, v14  }
0x565: {  	s3 =	simm.s32 $0x20;
	v9 =	vadd.s32 v20, v9;
	v20 =	vor.u32 s1, v2;
	v15 =	vsel vm3, $0xFFFFFFFF, v1;
	v14, _, _ =	vpop (xrf0);
	(xrf0) =	vadd.scan.msk.s32 $0xffff, v17  }
0x566: {  	s14 =	simm.s32 $0x30;
	v5 =	vadd.s32 v21, v5;
	v21 =	vor.u32 s3, v2;
	v12 =	vadd.s32 v22, v12;
	v17, _, _ =	vpop (xrf0)  }
0x567: {  	v13 =	vadd.s32 v23, v13;
	v10 =	vadd.s32 v15, v10;
	v23 =	vor.u32 s14, v2;
	(xrf0) =	vadd.scan.msk.s32 $0xffff, v16;
	v16, _, _ =	vpop (xrf0)  }
0x568: {  	s24 =	simm.s32 $0x40;
	v7 =	vadd.s32 v6, v7;
	v6 =	vadd.s32 v24, v6;
	v10 =	vadd.s32 v14, v10;
	v15, _, _ =	vpop (xrf0)  }
0x569: {  	s28 =	simm.s32 $0x8140;
	v24 =	vor.u32 s24, v2;
	v14 =	vadd.s32 v17, v11;
	vm8 =	vlt.s32 v10, $0x2000;
	v11, _, _ =	vpop (xrf0)  }
0x56a: {  	v22 =	vld [tilespmem:s28+$0x0];
	v8 =	vadd.s32 v16, v8;
	vm9 =	vlt.s32 v14, $0x2000;
	v15 =	vadd.s32 v15, v9;
	v9, _, _ =	vpop (xrf0)  }
0x56b: {  	vm12 =	vmand vm3, vm8;
	vm10 =	vlt.s32 v8, $0x2000;
	v16 =	vadd.s32 v11, v5;
	v11, _, _ =	vpop (xrf0)  }
0x56c: {  	v18 =	vld [tilespmem:s28+$0xFFFFFFF0];
	vm8 =	vmand vm0, vm9;
	v5 =	vadd.s32 v9, v12;
	v9 =	vadd.s32 v11, v13  }
0x56d: {  	vm13 =	vlt.s32 v15, $0x2000;
	vm1 =	vmand vm1, vm10;
	v12 =	vld [tilespmem:s28+$0xFFFFFFC0];
	vm3 =	vlt.s32 v9, $0x2000  }
0x56e: {  	vm14 =	vlt.s32 v16, $0x2000;
	vm9 =	vmand vm5, vm13;
	v11, _, _ =	vpop (xrf0);
	v13 =	vld [tilespmem:s28+$0xFFFFFFD0];
	vm3 =	vmand vm6, vm3  }
0x56f: {  	s26 =	simm.s32 $0x50;
	v17 =	vld [tilespmem:s28+$0xFFFFFFE0];
	vm5 =	vge.f32 v22, $2.000000000e+00;
	vm15 =	vlt.s32 v5, $0x2000;
	v11 =	vadd.s32 v11, v6  }
0x570: {  	s30 =	simm.s32 $0x60;
	s31 =	simm.s32 $0x70;
	vm10 =	vmand vm2, vm14;
	v6 =	vor.u32 s26, v2;
	vm0 =	vlt.s32 v11, $0x2000  }
0x571: {  	[tilespmem:v10+s21+$0x0] =	vst.idx.msk vm12, v19;
	v10 =	vor.u32 s30, v2;
	v19 =	vor.u32 s31, v2;
	vm6 =	vmand vm7, vm0  }
0x572: {  	vm0 =	vmand vm4, vm15;
	vm4 =	vge.f32 v18, $2.000000000e+00;
	vm11 =	vge.f32 v12, $2.000000000e+00;
	v12 =	vld [tilespmem:s28+$0x10]  }
0x573: {  	v18 =	vmpcnt.ones.xlane vm4;
	v26 =	vmpcnt.ones.xlane vm11;
	vm2 =	vge.f32 v13, $2.000000000e+00;
	v13 =	vld [tilespmem:s28+$0x20]  }
0x574: {  	v25 =	vsel vm11, $0x1, v1;
	v27 =	vmpcnt.ones.xlane vm2;
	[tilespmem:v9+s21+$0x0] =	vst.idx.msk vm3, v10;
	vm3 =	vge.f32 v17, $2.000000000e+00;
	v17 =	vld [tilespmem:s28+$0x30]  }
0x575: {  	(xrf0) =	vadd.scan.msk.s32 $0xffff, v25;
	v10 =	vsel vm2, $0x1, v1;
	v9 =	vadd.s32 v7, v26;
	v25 =	vmpcnt.ones.xlane vm3  }
0x576: {  	[tilespmem:v8+s21+$0x0] =	vst.idx.msk vm1, v21;
	v21 =	vsel vm5, $0x1, v1;
	(xrf0) =	vadd.scan.msk.s32 $0xffff, v10;
	v10 =	vadd.s32 v9, v27  }
0x577: {  	[tilespmem:v11+s21+$0x0] =	vst.idx.msk vm6, v19;
	v19 =	vmpcnt.ones.xlane vm5;
	vm6 =	vge.f32 v12, $2.000000000e+00;
	v11 =	vadd.s32 v10, v25  }
0x578: {  	[tilespmem:v14+s21+$0x0] =	vst.idx.msk vm8, v20;
	v22 =	vsel vm4, $0xFFFFFFFF, v1;
	v14 =	vmpcnt.ones.xlane vm6;
	v12 =	vadd.s32 v11, v18  }
0x579: {  	vm8 =	vge.f32 v13, $2.000000000e+00;
	v13 =	vadd.s32 v12, v19;
	vm7 =	vge.f32 v17, $2.000000000e+00  }
0x57a: {  	[tilespmem:v15+s21+$0x0] =	vst.idx.msk vm9, v23;
	v18 =	vsel vm3, $0x1, v1;
	v15 =	vadd.s32 v13, v14;
	v14 =	vmpcnt.ones.xlane vm7  }
0x57b: {  	[tilespmem:v16+s21+$0x0] =	vst.idx.msk vm10, v24;
	v16 =	vsel vm4, $0x1, v1;
	v8 =	vmpcnt.ones.xlane vm8;
	(xrf0) =	vadd.scan.msk.s32 $0xffff, v18  }
0x57c: {  	v23 =	vsel vm5, $0xFFFFFFFF, v1;
	v24 =	vsel vm6, $0x1, v1;
	v27 =	vsel vm8, $0x1, v1;
	(xrf0) =	vadd.scan.msk.s32 $0xffff, v16  }
0x57d: {  	v25 =	vsel vm8, $0xFFFFFFFF, v1;
	v18 =	vsel vm11, $0xFFFFFFFF, v1;
	v17 =	vadd.s32 v15, v8;
	(xrf0) =	vadd.scan.msk.s32 $0xffff, v21  }
0x57e: {  	v19 =	vsel vm2, $0xFFFFFFFF, v1;
	v20 =	vsel vm7, $0x1, v1;
	v8 =	vadd.s32 v17, v14;
	v14, _, _ =	vpop (xrf0);
	(xrf0) =	vadd.scan.msk.s32 $0xffff, v24  }
0x57f: {  	s29 =	simm.s32 $0x180;
	s24 =	simm.s32 $0x100;
	s26 =	simm.s32 $0x80;
	v26 =	vsel vm7, $0xFFFFFFFF, v1;
	v21 =	vsel vm3, $0xFFFFFFFF, v1;
	v24 =	vsel vm6, $0xFFFFFFFF, v1;
	v16, _, _ =	vpop (xrf0);
	(xrf0) =	vadd.scan.msk.s32 $0xffff, v27  }
.LBB2_197:
0x580: {  	p0 =	slt.u32 s29, $0x7F80;
	v13 =	vadd.s32 v24, v13;
	v15 =	vadd.s32 v25, v15;
	v17 =	vadd.s32 v26, v17;
	(xrf0) =	vadd.scan.msk.s32 $0xffff, v20  }
0x581: {  	v21 =	vadd.s32 v21, v10;
	v11 =	vadd.s32 v22, v11;
	v12 =	vadd.s32 v23, v12;
	v20, _, _ =	vpop (xrf0)  }
0x582: {  	v22 =	vadd.s32 v18, v7;
	v9 =	vadd.s32 v19, v9;
	v18 =	vadd.s32 v20, v21;
	v10, _, _ =	vpop (xrf0)  }
0x583: {  	v14 =	vadd.s32 v14, v22;
	v16 =	vadd.s32 v16, v9;
	v19 =	vadd.s32 v10, v11;
	v7, _, _ =	vpop (xrf0)  }
0x584: {  	vm9 =	vlt.s32 v14, $0x2000;
	vm10 =	vlt.s32 v16, $0x2000;
	v20 =	vadd.s32 v7, v12;
	v7, _, _ =	vpop (xrf0);
	[tilespmem:v5+s21+$0x0] =	vst.idx.msk vm0, v6  }
0x585: {  	vm0 =	vlt.s32 v18, $0x2000;
	vm14 =	vlt.s32 v19, $0x2000;
	v5 =	vadd.s32 v7, v13;
	v6, _, _ =	vpop (xrf0)  }
0x586: {  	vm15 =	vlt.s32 v20, $0x2000;
	vm1 =	vlt.s32 v5, $0x2000;
	v9 =	vadd.s32 v6, v15;
	v6, _, _ =	vpop (xrf0)  }
0x587: {  	s28 =	sadd.s32 $0x80, s28;
	vm13 =	vmand vm11, vm9;
	v7 =	vmovc v8;
	vm11 =	vlt.s32 v9, $0x2000;
	v11 =	vadd.s32 v6, v17  }
0x588: {  	vm9 =	vmand vm2, vm10;
	v10 =	vld [tilespmem:s28+$0xFFFFFFC0];
	vm8 =	vmand vm8, vm11;
	vm2 =	vlt.s32 v11, $0x2000  }
0x589: {  	vm12 =	vmand vm3, vm0;
	vm14 =	vmand vm4, vm14;
	v12 =	vld [tilespmem:s28+$0xFFFFFFD0];
	vm7 =	vmand vm7, vm2  }
0x58a: {  	s0 =	sadd.s32 $0x10, s26;
	s1 =	sadd.s32 $0x20, s26;
	vm10 =	vmand vm5, vm15;
	vm0 =	vmand vm6, vm1;
	v13 =	vld [tilespmem:s28+$0xFFFFFFE0]  }
0x58b: {  	s3 =	sadd.s32 $0x50, s26;
	v22 =	vor.u32 s1, v2;
	s1 =	sadd.s32 $0x40, s26;
	v21 =	vor.u32 s0, v2;
	s0 =	sadd.s32 $0x30, s26;
	v17 =	vor.u32 s26, v2;
	v15 =	vld [tilespmem:s28+$0xFFFFFFF0]  }
0x58c: {  	v25 =	vor.u32 s1, v2;
	s1 =	sadd.s32 $0x70, s26;
	v24 =	vor.u32 s0, v2;
	s0 =	sadd.s32 $0x60, s26;
	v6 =	vor.u32 s3, v2;
	s26 =	smov.u32 s24;
	v23 =	vld [tilespmem:s28+$0x0]  }
0x58d: {  	s24 =	smov.u32 s29;
	vm11 =	vge.f32 v10, $2.000000000e+00;
	v26 =	vld [tilespmem:s28+$0x10];
	[tilespmem:v14+s21+$0x0] =	vst.idx.msk vm13, v17;
	v10 =	vor.u32 s0, v2;
	v14 =	vor.u32 s1, v2  }
0x58e: {  	v17 =	vsel vm11, $0x1, v1;
	v27 =	vmpcnt.ones.xlane vm11;
	vm2 =	vge.f32 v12, $2.000000000e+00;
	v28 =	vld [tilespmem:s28+$0x20];
	[tilespmem:v9+s21+$0x0] =	vst.idx.msk vm8, v10  }
0x58f: {  	v10 =	vsel vm2, $0x1, v1;
	v12 =	vmpcnt.ones.xlane vm2;
	vm3 =	vge.f32 v13, $2.000000000e+00;
	v29 =	vld [tilespmem:s28+$0x30];
	(xrf0) =	vadd.scan.msk.s32 $0xffff, v17  }
0x590: {  	v9 =	vadd.s32 v8, v27;
	v8 =	vmpcnt.ones.xlane vm3;
	vm4 =	vge.f32 v15, $2.000000000e+00;
	(xrf0) =	vadd.scan.msk.s32 $0xffff, v10  }
0x591: {  	v10 =	vadd.s32 v9, v12;
	v12 =	vmpcnt.ones.xlane vm4;
	vm5 =	vge.f32 v23, $2.000000000e+00;
	[tilespmem:v11+s21+$0x0] =	vst.idx.msk vm7, v14  }
0x592: {  	v11 =	vadd.s32 v10, v8;
	v8 =	vmpcnt.ones.xlane vm5;
	vm6 =	vge.f32 v26, $2.000000000e+00;
	[tilespmem:v16+s21+$0x0] =	vst.idx.msk vm9, v21  }
0x593: {  	v12 =	vadd.s32 v11, v12;
	v23 =	vmpcnt.ones.xlane vm6;
	vm8 =	vge.f32 v28, $2.000000000e+00;
	[tilespmem:v18+s21+$0x0] =	vst.idx.msk vm12, v22  }
0x594: {  	v13 =	vadd.s32 v12, v8;
	v8 =	vmpcnt.ones.xlane vm8;
	vm7 =	vge.f32 v29, $2.000000000e+00;
	[tilespmem:v19+s21+$0x0] =	vst.idx.msk vm14, v24  }
0x595: {  	v18 =	vsel vm3, $0x1, v1;
	v15 =	vadd.s32 v13, v23;
	v19 =	vmpcnt.ones.xlane vm7;
	v14, _, _ =	vpop (xrf0);
	[tilespmem:v20+s21+$0x0] =	vst.idx.msk vm10, v25  }
.Ltmp102:
0x596: {  	v21 =	vsel vm5, $0x1, v1;
	v20 =	vsel vm4, $0x1, v1;
	v17 =	vadd.s32 v15, v8;
	v16, _, _ =	vpop (xrf0);
	(xrf0) =	vadd.scan.msk.s32 $0xffff, v18;
	(pc) =	sbr.rel @p0 .LBB2_197-.Ltmp102, $4  }
0x597: {  	v24 =	vsel vm6, $0x1, v1;
	v27 =	vsel vm8, $0x1, v1;
	v8 =	vadd.s32 v17, v19;
	(xrf0) =	vadd.scan.msk.s32 $0xffff, v20  }
0x598: {  	v18 =	vsel vm11, $0xFFFFFFFF, v1;
	v19 =	vsel vm2, $0xFFFFFFFF, v1;
	v20 =	vsel vm7, $0x1, v1;
	(xrf0) =	vadd.scan.msk.s32 $0xffff, v21  }
0x599: {  	v22 =	vsel vm4, $0xFFFFFFFF, v1;
	v23 =	vsel vm5, $0xFFFFFFFF, v1;
	v21 =	vsel vm3, $0xFFFFFFFF, v1;
	(xrf0) =	vadd.scan.msk.s32 $0xffff, v24  }
0x59a: {  	s29 =	sadd.s32 $0x80, s29;
	v25 =	vsel vm8, $0xFFFFFFFF, v1;
	v26 =	vsel vm7, $0xFFFFFFFF, v1;
	v24 =	vsel vm6, $0xFFFFFFFF, v1;
	(xrf0) =	vadd.scan.msk.s32 $0xffff, v27  }
0x59b: {  	v13 =	vadd.s32 v24, v13;
	v15 =	vadd.s32 v25, v15;
	v17 =	vadd.s32 v26, v17  }
0x59c: {  	v10 =	vadd.s32 v21, v10;
	v11 =	vadd.s32 v22, v11;
	v12 =	vadd.s32 v23, v12  }
0x59d: {  	(xrf0) =	vadd.scan.msk.s32 $0xffff, v20;
	v18 =	vadd.s32 v18, v7;
	v9 =	vadd.s32 v19, v9;
	s1 =	sadd.s32 $0x10, s26;
	v46 =	vimm.s32 $0x0;
	v35, _, _ =	vpop (xrf0)  }
0x59e: {  	s3 =	sadd.s32 $0x20, s26;
	v14 =	vadd.s32 v14, v18;
	v16 =	vadd.s32 v16, v9;
	v20 =	vor.u32 s1, v2;
	v36, _, _ =	vpop (xrf0)  }
0x59f: {  	s0 =	sadd.s32 $0x80, s28;
	v22 =	vor.u32 s3, v2;
	v7 =	vadd.s32 v35, v10;
	vm1 =	vlt.s32 v14, $0x2000;
	v37, _, _ =	vpop (xrf0)  }
0x5a0: {  	v38 =	vld [tilespmem:s0+$0xFFFFFFC0];
	vm9 =	vlt.s32 v16, $0x2000;
	v9 =	vadd.s32 v36, v11;
	vm10 =	vlt.s32 v7, $0x2000;
	v39, _, _ =	vpop (xrf0)  }
0x5a1: {  	v42 =	vld [tilespmem:s0+$0xFFFFFFD0];
	vm12 =	vmand vm11, vm1;
	vm9 =	vmand vm2, vm9;
	v10 =	vadd.s32 v37, v12;
	v40, _, _ =	vpop (xrf0)  }
0x5a2: {  	s8 =	sadd.s32 $0x30, s26;
	v43 =	vld [tilespmem:s0+$0xFFFFFFE0];
	vm13 =	vlt.s32 v9, $0x2000;
	v11 =	vadd.s32 v39, v13;
	v12 =	vadd.s32 v40, v15  }
0x5a3: {  	vm14 =	vlt.s32 v10, $0x2000;
	v39 =	vor.u32 s8, v2;
	v41, _, _ =	vpop (xrf0);
	vm1 =	vlt.s32 v12, $0x2000  }
0x5a4: {  	vm15 =	vlt.s32 v11, $0x2000;
	v13 =	vadd.s32 v41, v17;
	vm11 =	vmand vm8, vm1  }
0x5a5: {  	v44 =	vld [tilespmem:s0+$0xFFFFFFF0];
	vm1 =	vge.f32 v38, $2.000000000e+00;
	vm2 =	vlt.s32 v13, $0x2000;
	vm8 =	vmand vm3, vm10  }
0x5a6: {  	vm3 =	vmand vm4, vm13;
	vm10 =	vmand vm6, vm15;
	vm6 =	vge.f32 v42, $2.000000000e+00  }
0x5a7: {  	vm4 =	vge.f32 v43, $2.000000000e+00;
	v45 =	vsel vm1, $0x1, v1;
	vm13 =	vmand vm7, vm2  }
0x5a8: {  	vm2 =	vmand vm5, vm14;
	v19 =	vsel vm10, $0xFFFFFFFF, v46;
	v49 =	vmpcnt.ones.xlane vm1  }
0x5a9: {  	v15 =	vsel vm6, $0x1, v1;
	v50 =	vmpcnt.ones.xlane vm6;
	v52 =	vmpcnt.ones.xlane vm4;
	[tilespmem:$0x1FFC0] =	vst v19  }
0x5aa: {  	vm5 =	vge.f32 v44, $2.000000000e+00;
	v27 =	vsel vm1, $0xFFFFFFFF, v1;
	v60 =	vsel vm4, $0x1, v1;
	v47 =	vld [tilespmem:s0+$0x0]  }
0x5ab: {  	v30 =	vsel vm4, $0xFFFFFFFF, v1;
	(xrf0) =	vadd.scan.msk.s32 $0xffff, v45;
	v19 =	vor.u32 s26, v2;
	v54 =	vmpcnt.ones.xlane vm5;
	v48 =	vld [tilespmem:s0+$0x10]  }
0x5ac: {  	v57 =	vadd.s32 v27, v8;
	v62 =	vsel vm5, $0x1, v1;
	v51 =	vadd.s32 v8, v49;
	v53 =	vld [tilespmem:s0+$0x20];
	[tilespmem:v5+s21+$0x0] =	vst.idx.msk vm0, v6  }
0x5ad: {  	v43 =	vsel vm5, $0xFFFFFFFF, v1;
	(xrf0) =	vadd.scan.msk.s32 $0xffff, v15;
	[tilespmem:v14+s21+$0x0] =	vst.idx.msk vm12, v19;
	v25 =	vadd.s32 v51, v50  }
0x5ae: {  	s10 =	sadd.s32 $0x70, s26;
	v6 =	vsel vm6, $0xFFFFFFFF, v1;
	[tilespmem:v16+s21+$0x0] =	vst.idx.msk vm9, v20;
	(xrf0) =	vadd.scan.msk.s32 $0xffff, v60;
	v55 =	vadd.s32 v25, v52  }
0x5af: {  	s11 =	sadd.s32 $0x40, s26;
	v28 =	vld [tilespmem:s0+$0x30];
	v6 =	vadd.s32 v6, v51;
	v51 =	vor.u32 s10, v2;
	(xrf0) =	vadd.scan.msk.s32 $0xffff, v62;
	v59 =	vadd.s32 v55, v54  }
0x5b0: {  	v54 =	vor.u32 s11, v2;
	[tilespmem:v7+s21+$0x0] =	vst.idx.msk vm8, v22;
	vm7 =	vge.f32 v47, $2.000000000e+00;
	vm10 =	vge.f32 v48, $2.000000000e+00  }
0x5b1: {  	[tilespmem:v9+s21+$0x0] =	vst.idx.msk vm3, v39;
	v56, _, _ =	vpop (xrf0);
	vm15 =	vge.f32 v53, $2.000000000e+00;
	v58 =	vmpcnt.ones.xlane vm7;
	v33 =	vsel vm7, $0x1, v1  }
0x5b2: {  	v8 =	vadd.s32 v56, v57;
	v61 =	vmpcnt.ones.xlane vm10;
	v35 =	vsel vm10, $0x1, v1;
	(xrf0) =	vadd.scan.msk.s32 $0xffff, v33  }
0x5b3: {  	v34 =	vmpcnt.ones.xlane vm15;
	v38 =	vsel vm15, $0x1, v1;
	vm14 =	vlt.s32 v8, $0x2000;
	(xrf0) =	vadd.scan.msk.s32 $0xffff, v35  }
0x5b4: {  	vm14 =	vmand vm1, vm14;
	v63 =	vadd.s32 v59, v58;
	vm1 =	vge.f32 v28, $2.000000000e+00;
	(xrf0) =	vadd.scan.msk.s32 $0xffff, v38  }
0x5b5: {  	s9 =	sadd.s32 $0x60, s26;
	[tilespmem:v13+s21+$0x0] =	vst.idx.msk vm13, v51;
	v40, _, _ =	vpop (xrf0);
	v36 =	vadd.s32 v63, v61;
	v37 =	vmpcnt.ones.xlane vm1;
	v29 =	vsel vm1, $0x1, v1  }
0x5b6: {  	s28 =	sadd.s32 $0x20, s24;
	[tilespmem:v10+s21+$0x0] =	vst.idx.msk vm2, v54;
	v48 =	vor.u32 s9, v2;
	v42, _, _ =	vpop (xrf0);
	v26 =	vadd.s32 v36, v34;
	(xrf0) =	vadd.scan.msk.s32 $0xffff, v29  }
0x5b7: {  	v25 =	vadd.s32 v30, v25;
	v62 =	vor.u32 s28, v2;
	[tilespmem:v12+s21+$0x0] =	vst.idx.msk vm11, v48;
	v44, _, _ =	vpop (xrf0);
	v24 =	vadd.s32 v26, v37  }
0x5b8: {  	v5 =	vadd.s32 v43, v55;
	v45 =	vsel vm7, $0xFFFFFFFF, v1;
	v10 =	vld [tilespmem:$0x1FFC0];
	(v2sf) =	vpush v24, $0x0;
	v46, _, _ =	vpop (xrf0)  }
0x5b9: {  	v31 =	vsel vm10, $0xFFFFFFFF, v1;
	v41 =	vsel vm15, $0xFFFFFFFF, v1;
	v15 =	vadd.s32 v45, v59;
	v47, _, _ =	vpop (xrf0)  }
0x5ba: {  	v6 =	vadd.s32 v40, v6;
	v49 =	vadd.s32 v42, v25;
	v23 =	vadd.s32 v41, v36;
	v50, _, _ =	vpop (xrf0)  }
0x5bb: {  	v32 =	vsel vm1, $0xFFFFFFFF, v1;
	vm9 =	vlt.s32 v49, $0x2000;
	v52 =	vadd.s32 v50, v23  }
0x5bc: {  	vm3 =	vmand vm4, vm9;
	v26 =	vadd.s32 v32, v26;
	v53, _, _ =	vpop (xrf0);
	vm12 =	vlt.s32 v52, $0x2000  }
0x5bd: {  	v55 =	vadd.s32 v53, v26;
	vm0 =	vmand vm15, vm12;
	vm12 =	vnez.u8 v10  }
0x5be: {  	v58 =	vor.u32 s24, v2;
	v18 =	vadd.s32 v31, v63;
	vm13 =	vlt.s32 v55, $0x2000  }
0x5bf: {  	v5 =	vadd.s32 v44, v5;
	vm15 =	vlt.s32 v6, $0x2000;
	vm1 =	vmand vm1, vm13  }
0x5c0: {  	vm11 =	vlt.s32 v5, $0x2000;
	v7 =	vadd.s32 v46, v15;
	vm6 =	vmand vm6, vm15  }
0x5c1: {  	s12 =	sadd.s32 $0x50, s26;
	vm2 =	vmand vm5, vm11;
	[tilespmem:v8+s21+$0x0] =	vst.idx.msk vm14, v58;
	v57 =	vadd.s32 v47, v18;
	vm13 =	vlt.s32 v7, $0x2000  }
0x5c2: {  	s13 =	sadd.s32 $0x60, s24;
	v56 =	vor.u32 s12, v2;
	[tilespmem:v49+s21+$0x0] =	vst.idx.msk vm3, v62;
	vm15 =	vlt.s32 v57, $0x2000;
	vm4 =	vmand vm7, vm13  }
0x5c3: {  	s14 =	sadd.s32 $0x70, s24;
	v59 =	vor.u32 s13, v2;
	vm5 =	vmand vm10, vm15;
	[tilespmem:v11+s21+$0x0] =	vst.idx.msk vm12, v56  }
0x5c4: {  	s26 =	sadd.s32 $0x10, s24;
	v60 =	vor.u32 s14, v2;
	[tilespmem:v52+s21+$0x0] =	vst.idx.msk vm0, v59  }
0x5c5: {  	s29 =	sadd.s32 $0x30, s24;
	v61 =	vor.u32 s26, v2;
	[tilespmem:v55+s21+$0x0] =	vst.idx.msk vm1, v60  }
0x5c6: {  	s30 =	sadd.s32 $0x40, s24;
	[tilespmem:v6+s21+$0x0] =	vst.idx.msk vm6, v61;
	v6 =	vor.u32 s29, v2  }
0x5c7: {  	s31 =	sadd.s32 $0x50, s24;
	v63 =	vor.u32 s30, v2;
	[tilespmem:v5+s21+$0x0] =	vst.idx.msk vm2, v6;
	s26 =	spop (v2sf)  }
0x5c8: {  	v5 =	vor.u32 s31, v2;
	[tilespmem:v7+s21+$0x0] =	vst.idx.msk vm4, v63;
	p0 =	slt.s32 s26, $0x2000;
	s0 =	smov.u32 s26  }
0x5c9: {  	[tilespmem:v57+s21+$0x0] =	vst.idx.msk vm5, v5;
	s0 =	simm.s32 @!p0 $0x2000  }
0x5ca: {  	s1 =	simm.s32 $0x1C700;
	[tilespmem:s0+$0x1A200] =	vst v3  }
0x5cb: {  	s3 =	simm.s32 $0x0;
	[tilespmem:s1+$0x0] =	vst v1  }
.LBB2_199:
0x5cc: {  	s3 =	sadd.s32 $0x10, s3  }
0x5cd: {  	p0 =	slt.u32 s3, $0x100  }
.Ltmp103:
0x5ce: {  	_ = 	snop;
	(pc) =	sbr.rel @p0 .LBB2_199-.Ltmp103, $3  }
0x5cf: {  	_ =	sdelay $0x1  }
0x5d0: {  	s1 =	sadd.s32 $0x10, s1  }
0x5d1: {  	[tilespmem:s1+$0x0] =	vst v1  }
0x5d2: {  	s0 =	sadd.s32 $0xF, s0  }
0x5d3: {  	s1 =	sand.u32 $0xF, s0  }
0x5d4: {  	p0 =	slt.s32 s26, $0xFFFFFFF2;
	s3 =	sshra.s32 s0, $0x1F;
	p1 =	sne.s32 s1, $0x0  }
0x5d5: {  	s31 =	sshrl.u32 s3, $0x1C;
	p0 =	por !p0, !p1  }
0x5d6: {  	s1 =	simm.s32 $0x1;
	s0 =	sadd.s32 s31, s0;
	p0 =	por !p0, !p0  }
0x5d7: {  	s0 =	sshra.s32 s0, $0x4;
	s1 =	simm.s32 @!p0 $0x0  }
0x5d8: {  	s28 =	ssub.s32 s0, s1  }
0x5d9: {  	p0 =	sgt.s32 s28, $0x0  }
.Ltmp104:
0x5da: {  	_ = 	snop;
	(pc) =	sbr.rel @!p0 .LBB2_201-.Ltmp104, $2  }
0x5db: {  	_ =	sdelay $0x2  }
0x5dc: {  	s24 =	sshll.u32 s28, $0x4  }
0x5dd: {  	s0 =	simm.s32 $0x1A200  }
0x5de: {  	v5 =	vld [tilespmem:s0+$0x0];
	_ =	sdelay $0x2  }
0x5df: {  	p1 =	sgt.s32 s24, $0x10  }
.Ltmp105:
0x5e0: {  	_ = 	snop;
	(pc) =	sbr.rel @!p1 .LBB2_212-.Ltmp105, $2  }
0x5e1: {  	_ =	sdelay $0x2  }
0x5e2: {  	p0 =	por $0x0, $0x0;
	s0 =	simm.s32 $0x1A210;
	v5 =	vld.idx.msk [tilespmem:v5+s15+$0x0], $0xffff  }
0x5e3: {  	v6 =	vld [tilespmem:s0+$0x0];
	_ =	sdelay $0x2  }
0x5e4: {  	p1 =	sgt.s32 s24, $0x20  }
.Ltmp106:
0x5e5: {  	_ = 	snop;
	(pc) =	sbr.rel @!p1 .LBB2_215-.Ltmp106, $4  }
0x5e6: {  	v5 =	vadd.s32 $0xC0000000, v5  }
0x5e7: {  	v7 =	vshra.s32 v5, $0x13  }
0x5e8: {  	vm0 =	vgt.s32 v7, $0x0  }
0x5e9: {  	s0 =	simm.s32 $0x20;
	s1 =	simm.s32 $0x1A220;
	p0 =	por $0x1, $0x1;
	v5 =	vld.idx.msk [tilespmem:v6+s15+$0x0], $0xffff;
	v6 =	vnsel vm0, $0x0, v7  }
.LBB2_214:
0x5ea: {  	v7 =	vld [tilespmem:s1+$0x0];
	s0 =	sadd.s32 $0x10, s0;
	v6 =	vmin.u32 v6, $0x10  }
0x5eb: {  	p1 =	slt.s32 s0, s24;
	v6 =	vshll.u32 v6, $0x4  }
0x5ec: {  	v6 =	vor.u32 v2, v6;
	_ =	sdelay $0x1  }
.Ltmp107:
0x5ed: {  	(pc) =	sbr.rel @p1 .LBB2_214-.Ltmp107, $4  }
0x5ee: {  	v5 =	vadd.s32 $0xC0000000, v5  }
0x5ef: {  	v8 =	vshra.s32 v5, $0x13  }
0x5f0: {  	vm0 =	vgt.s32 v8, $0x0;
	[tilespmem:v6+s17+$0x0] =	vst.idx.add.s32.msk $0xffff, v4  }
0x5f1: {  	s1 =	sadd.s32 $0x10, s1;
	v6 =	vnsel vm0, $0x0, v8;
	v5 =	vld.idx.msk [tilespmem:v7+s15+$0x0], $0xffff  }
.LBB2_215:
0x5f2: {  	_ =	sdelay $0x3  }
0x5f3: {  	v5 =	vadd.s32 $0xC0000000, v5  }
0x5f4: {  	v5 =	vshra.s32 v5, $0x13  }
0x5f5: {  	vm0 =	vgt.s32 v5, $0x0  }
0x5f6: {  	v6 =	vmin.u32 @p0 v6, $0x10;
	v5 =	vnsel vm0, $0x0, v5  }
0x5f7: {  	v6 =	vshll.u32 @p0 v6, $0x4;
	v5 =	vmin.u32 v5, $0x10  }
0x5f8: {  	v6 =	vor.u32 @p0 v2, v6;
	v5 =	vshll.u32 v5, $0x4  }
0x5f9: {  	v5 =	vor.u32 v2, v5;
	_ =	sdelay $0x3  }
0x5fa: {  	[tilespmem:v6+s17+$0x0] =	vst.idx.add.s32.msk @p0 $0xffff, v4  }
0x5fb: {  	[tilespmem:v5+s17+$0x0] =	vst.idx.add.s32.msk $0xffff, v4  }
.LBB2_201:
0x5fc: {  	s0 =	simm.s32 $0x1C800  }
0x5fd: {  	v5 =	vld [tilespmem:s0+$0x0];
	_ =	sdelay $0x4  }
0x5fe: {  	(xrf0) =	vadd.scan.msk.s32 $0xffff, v5;
	_ =	sdelay $0x5  }
0x5ff: {  	v5, _, _ =	vpop (xrf0)  }
0x600: {  	(v2sf) =	vpush v5, $0xF;
	_ =	sdelay $0x1  }
0x601: {  	s12 =	simm.s32 $0x1C7F0  }
0x602: {  	v5 =	vld [tilespmem:s12+$0x0]  }
0x603: {  	s13 =	simm.s32 $0x1C7E0  }
0x604: {  	v6 =	vld [tilespmem:s13+$0x0];
	_ =	sdelay $0x2  }
0x605: {  	(xrf0) =	vadd.scan.msk.s32 $0xffff, v5;
	_ =	sdelay $0x1  }
0x606: {  	(xrf0) =	vadd.scan.msk.s32 $0xffff, v6;
	_ =	sdelay $0x2  }
0x607: {  	s14 =	simm.s32 $0x1C7D0  }
0x608: {  	v7 =	vld [tilespmem:s14+$0x0];
	v6, _, _ =	vpop (xrf0)  }
0x609: {  	s8 =	spop (v2sf);
	(v2sf) =	vpush v6, $0xF  }
0x60a: {  	v6, _, _ =	vpop (xrf0)  }
0x60b: {  	(v2sf) =	vpush v6, $0xF;
	_ =	sdelay $0x1  }
0x60c: {  	s30 =	sadd.s32 $0xFFFFFE00, s26;
	s26 =	simm.s32 $0x1C7C0;
	(xrf0) =	vadd.scan.msk.s32 $0xffff, v7  }
0x60d: {  	v5 =	vld [tilespmem:s26+$0x0]  }
0x60e: {  	s29 =	simm.s32 $0x0;
	s5 =	simm.s32 $0x10  }
0x60f: {  	s7 =	simm.s32 $0xF;
	s4 =	simm.s32 $0xE;
	s1 =	simm.s32 $0xD  }
0x610: {  	s9 =	simm.s32 $0xB;
	s10 =	simm.s32 $0x1C7B0;
	p1 =	por $0x1, $0x1  }
0x611: {  	s6 =	simm.s32 $0x0;
	s3 =	simm.s32 $0x0;
	s31 =	sadd.s32 $0x0, s8  }
0x612: {  	s0 =	simm.s32 $0xC;
	s26 =	simm.s32 $0x0;
	(xrf0) =	vadd.scan.msk.s32 $0xffff, v5;
	v5, _, _ =	vpop (xrf0);
	p2 =	sgt.s32 s31, $0x1FF  }
.LBB2_202:
0x613: {  	p0 =	sne.s32 s9, $0x0;
	p1 =	por !p1, !p2;
	s11 =	smov.u32 s0  }
0x614: {  	v6 =	vld [tilespmem:s10+$0x0];
	(v2sf) =	vpush v5, $0xF;
	s0 =	smov.u32 s9;
	s9 =	sadd.s32 $0xFFFFFFFF, s9;
	s12 =	smov.u32 s6  }
.Ltmp108:
0x615: {  	s6 =	smov.u32 s31;
	p1 =	por !p1, !p1;
	(pc) =	sbr.rel @p0 .LBB2_202-.Ltmp108, $4  }
0x616: {  	s29 =	smov.u32 @p1 s5;
	s3 =	smov.u32 @p1 s8;
	s5 =	smov.u32 s7  }
0x617: {  	s26 =	smov.u32 @p1 s12;
	s7 =	smov.u32 s4;
	s8 =	spop (v2sf)  }
0x618: {  	s4 =	smov.u32 s1;
	s1 =	smov.u32 s11;
	s31 =	sadd.s32 s31, s8  }
0x619: {  	s10 =	sadd.s32 $0xFFFFFFF0, s10;
	p1 =	slt.s32 s6, $0x200;
	(xrf0) =	vadd.scan.msk.s32 $0xffff, v6;
	v5, _, _ =	vpop (xrf0);
	p2 =	sgt.s32 s31, $0x1FF  }
0x61a: {  	_ =	sdelay $0x4  }
0x61b: {  	(v2sf) =	vpush v5, $0xF;
	v5, _, _ =	vpop (xrf0)  }
0x61c: {  	(v2sf) =	vpush v5, $0xF;
	_ =	sdelay $0x7  }
0x61d: {  	p0 =	por !p1, !p2  }
0x61e: {  	s9 =	spop (v2sf);
	p1 =	por !p0, !p0  }
0x61f: {  	s29 =	smov.u32 @p1 s5;
	s5 =	sadd.s32 s31, s9  }
0x620: {  	p4 =	slt.s32 s31, $0x200;
	p5 =	sgt.s32 s5, $0x1FF;
	s10 =	spop (v2sf)  }
0x621: {  	s3 =	smov.u32 @p1 s8;
	p0 =	por !p4, !p5;
	s11 =	sadd.s32 s5, s10  }
0x622: {  	p3 =	slt.s32 s5, $0x200;
	p2 =	por !p0, !p0;
	p4 =	sgt.s32 s11, $0x1FF  }
0x623: {  	s29 =	smov.u32 @p2 s7;
	p3 =	por !p3, !p4;
	s12 =	spop (v2sf)  }
0x624: {  	p4 =	slt.s32 s11, $0x200;
	s13 =	sadd.s32 s11, s12;
	s14 =	spop (v2sf)  }
0x625: {  	p3 =	por !p3, !p3;
	p5 =	sgt.s32 s13, $0x1FF;
	s8 =	sadd.s32 s13, s14  }
0x626: {  	p4 =	por !p4, !p5;
	p5 =	slt.s32 s13, $0x200;
	p0 =	sgt.s32 s8, $0x1FF  }
0x627: {  	s29 =	smov.u32 @p3 s4;
	p4 =	por !p4, !p4;
	p0 =	por !p5, !p0  }
0x628: {  	s3 =	smov.u32 @p2 s9;
	s29 =	smov.u32 @p4 s1;
	p5 =	por !p0, !p0  }
0x629: {  	s3 =	smov.u32 @p3 s10;
	p0 =	sgt.u32 s30, $0x1E00;
	s29 =	smov.u32 @p5 s0  }
0x62a: {  	s26 =	smov.u32 @p1 s6;
	s3 =	smov.u32 @p4 s12;
	p1 =	sgt.u32 @!p0 s29, $0xF  }
0x62b: {  	s3 =	smov.u32 @p5 s14;
	p1 =	por p0, p1  }
0x62c: {  	s26 =	smov.u32 @p2 s31;
	p2 =	sgt.s32 @!p1 s3, $0x400  }
0x62d: {  	p1 =	por p1, p2  }
.Ltmp109:
0x62e: {  	_ = 	snop;
	(pc) =	sbr.rel @p1 .LBB2_232-.Ltmp109, $4  }
0x62f: {  	_ = 	snop  }
0x630: {  	s26 =	smov.u32 @p3 s5  }
0x631: {  	s26 =	smov.u32 @p4 s11  }
0x632: {  	s26 =	smov.u32 @p5 s13;
	p2 =	slt.s32 s28, $0x1  }
.Ltmp110:
0x633: {  	(pc) =	sbr.rel @p2 .LBB2_205-.Ltmp110, $2  }
0x634: {  	_ =	sdelay $0x2  }
0x635: {  	s28 =	sshll.u32 s29, $0x13  }
0x636: {  	p3 =	sgt.s32 s24, $0x10  }
.Ltmp111:
0x637: {  	_ = 	snop;
	(pc) =	sbr.rel @!p3 .LBB2_217-.Ltmp111, $4  }
0x638: {  	s0 =	simm.s32 @!p6 $0x0;
	s30 =	sor.u32 $0x40000000, s28  }
0x639: {  	s1 =	sadd.s32 $0x40080000, s28;
	s31 =	simm.s32 $0x1A200;
	s0 =	simm.s32 @p6 $0x1  }
0x63a: {  	s14 =	simm.s32 $0x80;
	p4 =	por $0x0, $0x0;
	[smem:$0x7FA] =	sst s0  }
0x63b: {  	v5 =	vimm.s32 $0x0;
	p5 =	por $0x0, $0x0;
	p1 =	por $0x0, $0x0;
	v7 =	vmov s30;
	v8 =	vmov s1;
	p6 =	por $0x0, $0x0;
	v9 =	vld [tilespmem:s31+$0x0]  }
0x63c: {  	p3 =	sgt.s32 s24, $0x20  }
.Ltmp112:
0x63d: {  	_ = 	snop;
	(pc) =	sbr.rel @!p3 .LBB2_219-.Ltmp112, $3  }
0x63e: {  	_ =	sdelay $0x1  }
0x63f: {  	s0 =	simm.s32 $0x1A210  }
0x640: {  	p4 =	por $0x1, $0x1;
	v10 =	vld [tilespmem:s0+$0x0]  }
0x641: {  	_ =	sdelay $0x3  }
0x642: {  	v6 =	vld.idx.msk [tilespmem:v9+s15+$0x0], $0xffff;
	_ =	sdelay $0x2  }
0x643: {  	p3 =	sgt.s32 s24, $0x30  }
.Ltmp113:
0x644: {  	s0 =	simm.s32 $0x1A220;
	(pc) =	sbr.rel @!p3 .LBB2_221-.Ltmp113, $2  }
0x645: {  	vm0 =	vle.s32 v7, v6;
	vm1 =	vgt.s32 v8, v6;
	v6 =	vld [tilespmem:s0+$0x0];
	_ =	sdelay $0x2  }
0x646: {  	p5 =	por $0x1, $0x1;
	vm3 =	vmand vm0, vm1  }
0x647: {  	_ =	sdelay $0x1  }
0x648: {  	s0 =	simm.s32 $0x1A230  }
0x649: {  	v11 =	vsel vm3, $0x1, v1;
	v21 =	vld [tilespmem:s0+$0x0]  }
0x64a: {  	v12 =	vld.idx.msk [tilespmem:v10+s15+$0x0], $0xffff;
	(xrf0) =	vadd.scan.msk.s32 $0xffff, v11  }
0x64b: {  	p3 =	sgt.s32 s24, $0x40  }
.Ltmp114:
0x64c: {  	_ = 	snop;
	(pc) =	sbr.rel @!p3 .LBB2_223-.Ltmp114, $4  }
0x64d: {  	_ = 	snop  }
0x64e: {  	vm1 =	vmmov vm3  }
0x64f: {  	v11 =	vsel vm1, $0xFFFFFFFF, v1;
	vm0 =	vle.s32 v7, v12;
	vm2 =	vgt.s32 v8, v12  }
0x650: {  	p6 =	por $0x1, $0x1;
	v14 =	vadd.s32 v11, v5;
	vm2 =	vmand vm0, vm2;
	v16, _, _ =	vpop (xrf0)  }
0x651: {  	_ =	sdelay $0x1  }
0x652: {  	v11 =	vsel vm2, $0x1, v1  }
0x653: {  	(xrf0) =	vadd.scan.msk.s32 $0xffff, v11;
	v11 =	vadd.s32 v16, v14  }
0x654: {  	v12 =	vld.idx.msk [tilespmem:v6+s15+$0x0], $0xffff;
	vm0 =	vlt.s32 v11, $0x400  }
0x655: {  	p3 =	sgt.s32 s24, $0x50;
	vm0 =	vmand vm1, vm0  }
.Ltmp115:
0x656: {  	v13 =	vmpcnt.ones.xlane vm1;
	s0 =	simm.s32 $0x1A240;
	(pc) =	sbr.rel @!p3 .LBB2_225-.Ltmp115, $4  }
0x657: {  	vm4 =	vmmov vm2;
	v22 =	vld [tilespmem:s0+$0x0]  }
0x658: {  	v15 =	vsel vm4, $0xFFFFFFFF, v1;
	v18 =	vadd.s32 v5, v13  }
0x659: {  	v19 =	vadd.s32 v15, v18;
	vm3 =	vle.s32 v7, v12;
	vm5 =	vgt.s32 v8, v12  }
0x65a: {  	s1 =	simm.s32 $0x50;
	p1 =	por $0x1, $0x1;
	v13 =	vmov v10;
	v12 =	vmov v9;
	vm3 =	vmand vm3, vm5;
	v20, _, _ =	vpop (xrf0)  }
.LBB2_226:
0x65b: {  	s1 =	sadd.s32 $0x10, s1;
	s0 =	sadd.s32 $0x10, s0;
	v15 =	vld.idx.msk [tilespmem:v21+s15+$0x0], $0xffff;
	v17 =	vsel vm3, $0x1, v1;
	[tilespmem:v11+s18+$0x0] =	vst.idx.msk vm0, v12;
	v11 =	vadd.s32 v20, v19;
	v12 =	vmov v13  }
0x65c: {  	v13 =	vmovc v6;
	v6 =	vmov v21;
	v21 =	vmov v22;
	p3 =	slt.s32 s1, s24;
	(xrf0) =	vadd.scan.msk.s32 $0xffff, v17;
	vm0 =	vlt.s32 v11, $0x400;
	v22 =	vld [tilespmem:s0+$0x0]  }
0x65d: {  	vm0 =	vmand vm4, vm0  }
.Ltmp116:
0x65e: {  	(pc) =	sbr.rel @p3 .LBB2_226-.Ltmp116, $4  }
0x65f: {  	v17 =	vmpcnt.ones.xlane vm4;
	vm4 =	vmmov vm3  }
0x660: {  	v19 =	vsel vm4, $0xFFFFFFFF, v1  }
0x661: {  	v18 =	vadd.s32 v18, v17;
	vm3 =	vle.s32 v7, v15;
	vm5 =	vgt.s32 v8, v15  }
0x662: {  	v19 =	vadd.s32 v19, v18;
	vm3 =	vmand vm3, vm5;
	v20, _, _ =	vpop (xrf0)  }
0x663: {  	v17 =	vmov v6;
	v15 =	vmov v21;
	v6 =	vmov v22  }
.LBB2_228:
0x664: {  	_ =	sdelay $0x3  }
0x665: {  	v21 =	vld.idx.msk @p4 [tilespmem:v15+s15+$0x0], $0xffff;
	_ =	sdelay $0x1  }
0x666: {  	v22 =	vsel @p5 vm3, $0x1, v1;
	v19 =	vadd.s32 @p6 v20, v19;
	v59 =	vld.idx.msk [tilespmem:v6+s15+$0x0], $0xffff;
	vm3 =	vmmov @p5 vm3  }
0x667: {  	(xrf0) =	vadd.scan.msk.s32 @p5 $0xffff, v22;
	vm5 =	vlt.s32 @p6 v19, $0x400;
	v22 =	vmpcnt.ones.xlane @p6 vm4;
	vm1 =	vmmov @p5 vm3  }
0x668: {  	vm4 =	vmand @p6 vm4, vm5;
	v20 =	vmpcnt.ones.xlane @p5 vm1  }
0x669: {  	v18 =	vadd.s32 @p6 v18, v22;
	vm6 =	vle.s32 @p4 v7, v21;
	vm7 =	vgt.s32 @p4 v8, v21  }
0x66a: {  	v18 =	vpsel p6, v18, v5;
	v21 =	vsel @p5 vm3, $0xFFFFFFFF, v1;
	vm5 =	vmand @p4 vm6, vm7  }
0x66b: {  	vm3 =	vle.s32 v7, v59;
	vm14 =	vgt.s32 v8, v59;
	vm2 =	vmmov @p4 vm5  }
0x66c: {  	v7 =	vadd.s32 @p5 v21, v18;
	vm5 =	vmand vm3, vm14;
	v22 =	vsel @p4 vm2, $0x1, v1  }
0x66d: {  	v8, _, _ =	vpop @p5 (xrf0);
	v7 =	vpsel p5, v7, v14;
	v60 =	vsel vm5, $0x1, v1;
	(xrf0) =	vadd.scan.msk.s32 @p4 $0xffff, v22  }
0x66e: {  	v8 =	vpsel p5, v8, v16;
	vm2 =	vmmov @p4 vm2;
	v16 =	vadd.s32 @p5 v18, v20;
	(xrf0) =	vadd.scan.msk.s32 $0xffff, v60  }
0x66f: {  	v14 =	vsel @p4 vm2, $0xFFFFFFFF, v1;
	v16 =	vpsel p5, v16, v5;
	vm2 =	vmmov @p4 vm2  }
0x670: {  	v7 =	vadd.s32 @p5 v8, v7;
	v8 =	vadd.s32 @p4 v14, v16;
	v14 =	vmpcnt.ones.xlane @p4 vm2  }
0x671: {  	v19 =	vpsel p6, v19, v0  }
0x672: {  	vm3 =	vmmov @p6 vm4;
	vm5 =	vmmov vm5;
	v14 =	vadd.s32 @p4 v16, v14  }
0x673: {  	v61 =	vsel vm5, $0xFFFFFFFF, v1;
	vm4 =	vlt.s32 @p5 v7, $0x400;
	v5 =	vpsel p4, v14, v5;
	v18, _, _ =	vpop @p4 (xrf0)  }
0x674: {  	v8 =	vpsel p4, v8, v0;
	v14 =	vadd.s32 v61, v5;
	v18 =	vpsel p4, v18, v0;
	v62, _, _ =	vpop (xrf0)  }
0x675: {  	vm1 =	vmand @p5 vm1, vm4;
	v8 =	vadd.s32 @p4 v18, v8;
	v14 =	vadd.s32 v62, v14  }
0x676: {  	vm1 =	vmmov @p5 vm1;
	vm4 =	vlt.s32 @p4 v8, $0x400;
	vm15 =	vlt.s32 v14, $0x400  }
0x677: {  	v7 =	vpsel p5, v7, v0;
	vm2 =	vmand @p4 vm2, vm4;
	vm4 =	vmand vm5, vm15  }
0x678: {  	vm2 =	vmmov @p4 vm2  }
0x679: {  	v16 =	vmov @p5 v17;
	v8 =	vpsel p4, v8, v0  }
0x67a: {  	[tilespmem:v11+s18+$0x0] =	vst.idx.msk @p1 vm0, v12;
	v11 =	vpsel p6, v13, v0;
	v9 =	vpsel p5, v16, v9  }
0x67b: {  	v10 =	vpsel p4, v15, v10;
	[tilespmem:v19+s18+$0x0] =	vst.idx.msk @p6 vm3, v11;
	v9 =	vpsel p5, v9, v0  }
0x67c: {  	v10 =	vpsel p4, v10, v0;
	[tilespmem:v7+s18+$0x0] =	vst.idx.msk @p5 vm1, v9  }
0x67d: {  	v7 =	vpsel p4, v10, v0;
	[tilespmem:v14+s18+$0x0] =	vst.idx.msk vm4, v6  }
.Ltmp117:
0x67e: {  	[tilespmem:v8+s18+$0x0] =	vst.idx.msk @p4 vm2, v7;
	(pc) =	sbr.rel .LBB2_206-.Ltmp117, $3  }
0x67f: {  	s0 =	sld [smem:$0x7FA]  }
0x680: {  	v63 =	vmpcnt.ones.xlane vm5;
	_ =	sdelay $0x1  }
0x681: {  	v5 =	vadd.s32 v5, v63;
	p6 =	seq.s32 s0, $0x1  }
.LBB2_205:
0x682: {  	v5 =	vimm.s32 $0x0;
	s14 =	simm.s32 $0x80  }
.LBB2_206:
0x683: {  	(v2sf) =	vpush v5, $0x0;
	_ =	sdelay $0xe  }
0x684: {  	s1 =	spop (v2sf)  }
0x685: {  	s0 =	sadd.s32 $0xF, s1  }
0x686: {  	s3 =	sand.u32 $0xF, s0;
	s30 =	sshra.s32 s0, $0x1F  }
0x687: {  	p3 =	slt.s32 s0, $0x1;
	p1 =	sne.s32 s3, $0x0;
	s3 =	sshrl.u32 s30, $0x1C  }
0x688: {  	p1 =	por !p3, !p1;
	s0 =	sadd.s32 s3, s0  }
.Ltmp118:
0x689: {  	s3 =	simm.s32 $0x1;
	p1 =	por !p1, !p1;
	(pc) =	sbr.rel .LBB2_207-.Ltmp118, $4  }
0x68a: {  	s0 =	sshrl.u32 s0, $0x4;
	s3 =	simm.s32 @!p1 $0x0  }
0x68b: {  	s31 =	ssub.s32 $0x200, s26;
	p3 =	slt.s32 s1, $0x400;
	s0 =	ssub.s32 s0, s3  }
0x68c: {  	s4 =	sor.u32 $0xC0000000, s28;
	s1 =	simm.s32 @!p3 $0x400;
	s0 =	sshll.u32 s0, $0x4  }
0x68d: {  	v5 =	vmov s4;
	v6 =	vmov s31;
	[tilespmem:s1+$0x1C280] =	vst v3;
	s1 =	simm.s32 $0xD;
	p1 =	slt.s32 s0, $0x1  }
.LBB2_208:
0x68e: {  	v8 =	vimm.s32 $0x0  }
.LBB2_209:
0x68f: {  	s1 =	sadd.s32 $0x1, s1  }
0x690: {  	p3 =	seq.s32 s1, $0x20  }
.Ltmp119:
0x691: {  	_ = 	snop;
	(pc) =	sbr.rel @p3 .LBB2_210-.Ltmp119, $3  }
0x692: {  	_ =	sdelay $0x1  }
0x693: {  	vm0 =	vlt.s32 v8, v6  }
0x694: {  	v5 =	vsel vm0, v5, v7  }
.LBB2_207:
.Ltmp120:
0x695: {  	(pc) =	sbr.rel @p1 .LBB2_208-.Ltmp120, $3  }
0x696: {  	_ =	sdelay $0x1  }
0x697: {  	s3 =	sshrl.u32 s19, s1  }
0x698: {  	v7 =	vor.u32 s3, v5  }
0x699: {  	s3 =	simm.s32 $0x1C280  }
0x69a: {  	v10 =	vld [tilespmem:s3+$0x0];
	_ =	sdelay $0x2  }
0x69b: {  	p3 =	sgt.s32 s0, $0x10  }
.Ltmp121:
0x69c: {  	_ = 	snop;
	(pc) =	sbr.rel @!p3 .LBB2_231-.Ltmp121, $2  }
0x69d: {  	_ =	sdelay $0x2  }
0x69e: {  	v9 =	vxor.u32 $0x80000000, v7;
	v8 =	vimm.s32 $0x0;
	s4 =	simm.s32 $0x1C290;
	s3 =	simm.s32 $0x10;
	v10 =	vld.idx.msk [tilespmem:v10+s15+$0x0], $0xffff  }
.LBB2_230:
0x69f: {  	v11 =	vld [tilespmem:s4+$0x0];
	s3 =	sadd.s32 $0x10, s3  }
0x6a0: {  	p3 =	slt.s32 s3, s0;
	_ =	sdelay $0x2  }
.Ltmp122:
0x6a1: {  	(pc) =	sbr.rel @p3 .LBB2_230-.Ltmp122, $3  }
0x6a2: {  	vm0 =	vge.f32 v10, v9  }
0x6a3: {  	v12 =	vmpcnt.ones.xlane vm0;
	_ =	sdelay $0x1  }
0x6a4: {  	s4 =	sadd.s32 $0x10, s4;
	v8 =	vadd.s32 v8, v12;
	v10 =	vld.idx.msk [tilespmem:v11+s15+$0x0], $0xffff  }
.LBB2_231:
0x6a5: {  	_ =	sdelay $0x2  }
.Ltmp123:
0x6a6: {  	_ = 	snop;
	(pc) =	sbr.rel .LBB2_209-.Ltmp123, $3  }
0x6a7: {  	vm0 =	vge.f32 v10, v9  }
0x6a8: {  	v9 =	vmpcnt.ones.xlane vm0;
	_ =	sdelay $0x1  }
0x6a9: {  	v8 =	vadd.s32 v8, v9  }
.LBB2_210:
0x6aa: {  	(v2sf) =	vpush v5, $0x0;
	_ =	sdelay $0xe  }
0x6ab: {  	s26 =	spop (v2sf)  }
.LBB2_243:
.Ltmp124:
0x6ac: {  	(pc) =	sbr.rel @p6 .LBB2_244-.Ltmp124, $4  }
0x6ad: {  	_ = 	snop  }
0x6ae: {  	_ =	swait.ge [sflag:s22], $0x8000  }
0x6af: {  	[sflag:s22] =	ssyncset.done $0x0  }
0x6b0: {  	[sflag:s22] =	ssyncadd.s32 $0xFFFF8000  }
0x6b1: {  	s0 =	sld [smem:$0x7FB];
	_ =	sdelay $0x2  }
0x6b2: {  	p1 =	seq.s32 s0, $0x1  }
.Ltmp125:
0x6b3: {  	_ = 	snop;
	(pc) =	sbr.rel @p1 .LBB2_251-.Ltmp125, $2  }
0x6b4: {  	_ =	sdelay $0x2  }
0x6b5: {  	s4 =	simm.s32 $0x400  }
0x6b6: {  	s0 =	simm.s32 $0x18180  }
0x6b7: {  	v5 =	vld [tilespmem:s0+$0x0];
	_ =	sdelay $0x1  }
0x6b8: {  	p1 =	sgt.s32 s25, $0x10  }
.Ltmp126:
0x6b9: {  	_ = 	snop;
	(pc) =	sbr.rel @!p1 .LBB2_250-.Ltmp126, $2  }
0x6ba: {  	_ =	sdelay $0x2  }
0x6bb: {  	s1 =	simm.s32 $0x18190;
	s0 =	simm.s32 $0x10  }
.LBB2_249:
0x6bc: {  	s0 =	sadd.s32 $0x10, s0;
	[tilespmem:v5+s20+$0x0] =	vst.idx.msk $0xffff, v0;
	v5 =	vld [tilespmem:s1+$0x0]  }
0x6bd: {  	p1 =	slt.s32 s0, s25;
	_ =	sdelay $0x1  }
.Ltmp127:
0x6be: {  	(pc) =	sbr.rel @p1 .LBB2_249-.Ltmp127, $2  }
0x6bf: {  	_ =	sdelay $0x2  }
0x6c0: {  	s1 =	sadd.s32 $0x10, s1  }
.LBB2_250:
.Ltmp128:
0x6c1: {  	_ = 	snop;
	(pc) =	sbr.rel .LBB2_251-.Ltmp128, $2  }
0x6c2: {  	_ =	sdelay $0x2  }
0x6c3: {  	[tilespmem:v5+s20+$0x0] =	vst.idx.msk $0xffff, v0  }
.LBB2_244:
0x6c4: {  	s0 =	simm.s32 $0x10140  }
0x6c5: {  	[tilespmem:s0+$0xFFFFFFC0] =	vst v0  }
0x6c6: {  	[tilespmem:s0+$0x30] =	vst v0  }
0x6c7: {  	[tilespmem:s0+$0x20] =	vst v0  }
0x6c8: {  	[tilespmem:s0+$0x10] =	vst v0  }
0x6c9: {  	[tilespmem:s0+$0x0] =	vst v0  }
0x6ca: {  	[tilespmem:s0+$0xFFFFFFF0] =	vst v0  }
0x6cb: {  	s4 =	simm.s32 $0x400;
	s1 =	simm.s32 $0x0;
	[tilespmem:s0+$0xFFFFFFE0] =	vst v0  }
.LBB2_245:
0x6cc: {  	s1 =	sadd.s32 $0x80, s1;
	[tilespmem:s0+$0xFFFFFFD0] =	vst v0;
	s0 =	sadd.s32 $0x80, s0  }
0x6cd: {  	[tilespmem:s0+$0xFFFFFFC0] =	vst v0;
	p1 =	slt.u32 s1, $0x7F80  }
0x6ce: {  	[tilespmem:s0+$0x30] =	vst v0  }
.Ltmp129:
0x6cf: {  	[tilespmem:s0+$0x20] =	vst v0;
	(pc) =	sbr.rel @p1 .LBB2_245-.Ltmp129, $4  }
0x6d0: {  	[tilespmem:s0+$0x10] =	vst v0  }
0x6d1: {  	[tilespmem:s0+$0x0] =	vst v0  }
0x6d2: {  	[tilespmem:s0+$0xFFFFFFF0] =	vst v0  }
0x6d3: {  	[tilespmem:s0+$0xFFFFFFE0] =	vst v0  }
0x6d4: {  	[tilespmem:s0+$0xFFFFFFD0] =	vst v0  }
.LBB2_251:
0x6d5: {  	s0 =	sxor.u32 $0x80000000, s26  }
.Ltmp130:
0x6d6: {  	p1 =	sgt.s32 s0, $0x1;
	(pc) =	sbr.rel @p0 .LBB2_252-.Ltmp130, $3  }
0x6d7: {  	s0 =	simm.s32 @!p1 $0x1  }
0x6d8: {  	v5 =	vmov s0  }
0x6d9: {  	v5 =	vbroadcast v5, $0x0;
	_ =	sdelay $0x1  }
.Ltmp131:
0x6da: {  	(pc) =	sbr.rel @p2 .LBB2_263-.Ltmp131, $1  }
0x6db: {  	_ =	sdelay $0x3  }
0x6dc: {  	s0 =	simm.s32 $0x1A200  }
0x6dd: {  	v6 =	vld [tilespmem:s0+$0x0];
	_ =	sdelay $0x6  }
0x6de: {  	p1 =	sgt.s32 s24, $0x10  }
.Ltmp132:
0x6df: {  	v7 =	vld.idx.msk [tilespmem:v6+s15+$0x0], $0xffff;
	(pc) =	sbr.rel @!p1 .LBB2_257-.Ltmp132, $2  }
0x6e0: {  	_ =	sdelay $0x2  }
0x6e1: {  	p0 =	por $0x0, $0x0;
	s0 =	simm.s32 $0x1A210  }
0x6e2: {  	v8 =	vld [tilespmem:s0+$0x0];
	_ =	sdelay $0x2  }
0x6e3: {  	p1 =	sgt.s32 s24, $0x20  }
.Ltmp133:
0x6e4: {  	_ = 	snop;
	(pc) =	sbr.rel @!p1 .LBB2_259-.Ltmp133, $2  }
0x6e5: {  	vm0 =	vge.f32 v7, v5;
	_ =	sdelay $0x2  }
0x6e6: {  	s0 =	simm.s32 $0x20;
	s1 =	simm.s32 $0x1A220;
	p0 =	por $0x1, $0x1;
	v9 =	vld.idx.msk [tilespmem:v8+s15+$0x0], $0xffff  }
.LBB2_260:
0x6e7: {  	v10 =	vld [tilespmem:s1+$0x0];
	s0 =	sadd.s32 $0x10, s0  }
0x6e8: {  	p1 =	slt.s32 s0, s24  }
0x6e9: {  	[tilespmem:v6+s20+$0x0] =	vst.idx.msk vm0, v7;
	v6 =	vmov v8;
	_ =	sdelay $0x1  }
.Ltmp134:
0x6ea: {  	(pc) =	sbr.rel @p1 .LBB2_260-.Ltmp134, $2  }
0x6eb: {  	vm0 =	vge.f32 v9, v5;
	v7 =	vmov v9;
	v8 =	vmov v10;
	_ =	sdelay $0x2  }
0x6ec: {  	s1 =	sadd.s32 $0x10, s1;
	v9 =	vld.idx.msk [tilespmem:v10+s15+$0x0], $0xffff  }
.Ltmp135:
0x6ed: {  	_ = 	snop;
	(pc) =	sbr.rel .LBB2_262-.Ltmp135, $2  }
0x6ee: {  	_ =	sdelay $0x2  }
0x6ef: {  	v10 =	vmovc v7;
	v11 =	vmov v6;
	v6 =	vmov v8;
	v7 =	vmov v9  }
.LBB2_252:
0x6f0: {  	s3 =	simm.s32 $0x80C0  }
0x6f1: {  	v9 =	vld [tilespmem:s3+$0x30]  }
0x6f2: {  	v12 =	vld [tilespmem:s3+$0xFFFFFFD0]  }
0x6f3: {  	v11 =	vld [tilespmem:s3+$0xFFFFFFE0]  }
0x6f4: {  	v10 =	vld [tilespmem:s3+$0xFFFFFFF0]  }
0x6f5: {  	v8 =	vld [tilespmem:s3+$0x0]  }
0x6f6: {  	v7 =	vld [tilespmem:s3+$0x10];
	vm0 =	vge.f32 v9, v5  }
0x6f7: {  	s0 =	simm.s32 $0x10140;
	v6 =	vld [tilespmem:s3+$0x20];
	vm1 =	vge.f32 v12, v5;
	v13 =	vnsel vm0, $0x0, v9  }
0x6f8: {  	s1 =	simm.s32 $0x0;
	v9 =	vld [tilespmem:s3+$0xFFFFFFC0];
	v12 =	vnsel vm1, $0x0, v12;
	vm0 =	vge.f32 v11, v5;
	s3 =	simm.s32 $0x8140;
	[tilespmem:s0+$0x30] =	vst v13  }
.LBB2_253:
0x6f9: {  	v13 =	vld [tilespmem:s3+$0x30];
	s1 =	sadd.s32 $0x80, s1;
	[tilespmem:s0+$0xFFFFFFD0] =	vst v12;
	v11 =	vnsel vm0, $0x0, v11;
	vm0 =	vge.f32 v10, v5  }
0x6fa: {  	v12 =	vld [tilespmem:s3+$0xFFFFFFD0];
	p0 =	slt.u32 s1, $0x7F80;
	[tilespmem:s0+$0xFFFFFFE0] =	vst v11;
	v10 =	vnsel vm0, $0x0, v10;
	vm0 =	vge.f32 v8, v5  }
0x6fb: {  	v11 =	vld [tilespmem:s3+$0xFFFFFFE0];
	[tilespmem:s0+$0xFFFFFFF0] =	vst v10;
	v8 =	vnsel vm0, $0x0, v8;
	vm0 =	vge.f32 v7, v5  }
.Ltmp136:
0x6fc: {  	v10 =	vld [tilespmem:s3+$0xFFFFFFF0];
	[tilespmem:s0+$0x0] =	vst v8;
	v7 =	vnsel vm0, $0x0, v7;
	vm0 =	vge.f32 v6, v5;
	(pc) =	sbr.rel @p0 .LBB2_253-.Ltmp136, $4  }
0x6fd: {  	v8 =	vld [tilespmem:s3+$0x0];
	vm1 =	vge.f32 v9, v5;
	[tilespmem:s0+$0x10] =	vst v7;
	v6 =	vnsel vm0, $0x0, v6  }
0x6fe: {  	v7 =	vld [tilespmem:s3+$0x10];
	vm0 =	vge.f32 v13, v5;
	v9 =	vnsel vm1, $0x0, v9;
	[tilespmem:s0+$0x20] =	vst v6  }
0x6ff: {  	vm1 =	vge.f32 v12, v5;
	v6 =	vld [tilespmem:s3+$0x20];
	v13 =	vnsel vm0, $0x0, v13;
	[tilespmem:s0+$0xFFFFFFC0] =	vst v9;
	s0 =	sadd.s32 $0x80, s0  }
0x700: {  	v9 =	vld [tilespmem:s3+$0xFFFFFFC0];
	v12 =	vnsel vm1, $0x0, v12;
	vm0 =	vge.f32 v11, v5;
	[tilespmem:s0+$0x30] =	vst v13;
	s3 =	sadd.s32 $0x80, s3  }
0x701: {  	[tilespmem:s0+$0xFFFFFFD0] =	vst v12;
	v11 =	vnsel vm0, $0x0, v11;
	vm12 =	vge.f32 v10, v5  }
0x702: {  	[tilespmem:s0+$0xFFFFFFE0] =	vst v11;
	v10 =	vnsel vm12, $0x0, v10;
	vm13 =	vge.f32 v8, v5  }
.Ltmp137:
0x703: {  	[tilespmem:s0+$0xFFFFFFF0] =	vst v10;
	v8 =	vnsel vm13, $0x0, v8;
	vm14 =	vge.f32 v7, v5;
	(pc) =	sbr.rel .LBB2_263-.Ltmp137, $4  }
0x704: {  	[tilespmem:s0+$0x0] =	vst v8;
	v7 =	vnsel vm14, $0x0, v7;
	vm15 =	vge.f32 v6, v5  }
0x705: {  	vm1 =	vge.f32 v9, v5;
	[tilespmem:s0+$0x10] =	vst v7;
	v5 =	vnsel vm15, $0x0, v6  }
0x706: {  	v6 =	vnsel vm1, $0x0, v9;
	[tilespmem:s0+$0x20] =	vst v5  }
0x707: {  	[tilespmem:s0+$0xFFFFFFC0] =	vst v6  }
.LBB2_37:
0x708: {  	s0 =	sld [smem:$0x7FD];
	_ =	sdelay $0x2  }
0x709: {  	p0 =	seq.s32 s0, $0x1  }
.Ltmp138:
0x70a: {  	_ = 	snop;
	(pc) =	sbr.rel @p0 .LBB2_45-.Ltmp138, $2  }
0x70b: {  	_ =	sdelay $0x2  }
0x70c: {  	s24 =	simm.s32 $0x0;
	s26 =	simm.s32 $0x0;
	s5 =	simm.s32 $0x400  }
.Ltmp139:
0x70d: {  	(pc) =	sbr.rel .LBB2_39-.Ltmp139, $2  }
0x70e: {  	_ =	sdelay $0x2  }
0x70f: {  	s0 =	simm.s32 $0x2;
	v5 =	vimm.s32 $0xC0000000  }
.LBB2_45:
0x710: {  	s3 =	simm.s32 $0x20  }
0x711: {  	v9 =	vld [tilespmem:s3+$0x10]  }
0x712: {  	v7 =	vld [tilespmem:s3+$0x0]  }
0x713: {  	v6 =	vld [tilespmem:s3+$0xFFFFFFE0]  }
0x714: {  	s0 =	sshrl.u32 s19, s26;
	v8 =	vld [tilespmem:s3+$0xFFFFFFF0]  }
0x715: {  	s0 =	sor.u32 s0, s24  }
0x716: {  	s1 =	sxor.u32 $0x80000000, s0  }
0x717: {  	v10 =	vimm.s32 $0x0;
	v5 =	vmov s1  }
0x718: {  	s3 =	simm.s32 $0x60;
	s1 =	simm.s32 $0x0;
	v11 =	vshra.s32 v9, $0x1F;
	v13 =	vshra.s32 v6, $0x1F;
	v12 =	vshra.s32 v7, $0x1F  }
.LBB2_46:
0x719: {  	v14 =	vld [tilespmem:s3+$0x10];
	v13 =	vand.u32 $0x7FFFFFFF, v13;
	v15 =	vshra.s32 v8, $0x1F;
	v11 =	vand.u32 $0x7FFFFFFF, v11  }
0x71a: {  	v12 =	vand.u32 $0x7FFFFFFF, v12;
	s1 =	sadd.s32 $0x40, s1;
	v16 =	vld [tilespmem:s3+$0x0];
	v13 =	vxor.u32 v6, v13;
	v15 =	vand.u32 $0x7FFFFFFF, v15  }
0x71b: {  	v9 =	vxor.u32 v9, v11;
	p0 =	slt.u32 s1, $0x7FC0;
	v6 =	vld [tilespmem:s3+$0xFFFFFFE0];
	vm0 =	vge.s32 v13, v5;
	v13 =	vxor.u32 v8, v15  }
.Ltmp140:
0x71c: {  	v7 =	vxor.u32 v7, v12;
	v8 =	vld [tilespmem:s3+$0xFFFFFFF0];
	v11 =	vsel vm0, $0x1, v1;
	vm0 =	vge.s32 v13, v5;
	(pc) =	sbr.rel @p0 .LBB2_46-.Ltmp140, $4  }
0x71d: {  	v10 =	vadd.s32 v11, v10;
	v11 =	vsel vm0, $0x1, v1;
	vm0 =	vge.s32 v7, v5  }
0x71e: {  	v12 =	vadd.s32 v11, v10;
	v10 =	vsel vm0, $0x1, v1;
	vm0 =	vge.s32 v9, v5;
	v9 =	vmovc v14  }
0x71f: {  	v11 =	vshra.s32 v9, $0x1F;
	v10 =	vadd.s32 v10, v12;
	v14 =	vsel vm0, $0x1, v1;
	v7 =	vmovc v16  }
0x720: {  	s3 =	sadd.s32 $0x40, s3;
	v13 =	vshra.s32 v6, $0x1F;
	v12 =	vshra.s32 v7, $0x1F;
	v10 =	vadd.s32 v14, v10  }
0x721: {  	v13 =	vand.u32 $0x7FFFFFFF, v13;
	v14 =	vshra.s32 v8, $0x1F;
	v11 =	vand.u32 $0x7FFFFFFF, v11  }
0x722: {  	v12 =	vand.u32 $0x7FFFFFFF, v12;
	v6 =	vxor.u32 v6, v13;
	v60 =	vand.u32 $0x7FFFFFFF, v14  }
0x723: {  	v61 =	vxor.u32 v9, v11;
	vm0 =	vge.s32 v6, v5;
	v6 =	vxor.u32 v8, v60  }
0x724: {  	v62 =	vsel vm0, $0x1, v1;
	vm13 =	vge.s32 v6, v5;
	v6 =	vxor.u32 v7, v12  }
0x725: {  	v7 =	vadd.s32 v62, v10;
	v63 =	vsel vm13, $0x1, v1;
	vm14 =	vge.s32 v6, v5  }
0x726: {  	vm15 =	vge.s32 v61, v5;
	v6 =	vadd.s32 v63, v7;
	v7 =	vsel vm14, $0x1, v1  }
0x727: {  	v5 =	vadd.s32 v7, v6;
	v6 =	vsel vm15, $0x1, v1  }
0x728: {  	v5 =	vadd.s32 v6, v5  }
0x729: {  	(xrf0) =	vadd.scan.msk.s32 $0xffff, v5;
	_ =	sdelay $0x5  }
0x72a: {  	v5, _, _ =	vpop (xrf0)  }
0x72b: {  	(v2sf) =	vpush v5, $0xF;
	_ =	sdelay $0xa  }
0x72c: {  	s26 =	sadd.s32 $0x1, s26  }
0x72d: {  	p1 =	sne.s32 s26, $0x20  }
.Ltmp141:
0x72e: {  	_ = 	snop;
	(pc) =	sbr.rel @p1 .LBB2_45-.Ltmp141, $4  }
.Ltmp142:
0x72f: {  	_ = 	snop;
	(pc) =	sbr.rel @!p1 .LBB2_48-.Ltmp142, $4  }
0x730: {  	s1 =	spop (v2sf)  }
0x731: {  	p0 =	sgt.s32 s1, $0x1FF  }
0x732: {  	s24 =	smov.u32 @p0 s0  }
0x733: {  	_ = 	snop  }
.LBB2_42:
0x734: {  	vm0 =	vge.f32 v9, v8  }
0x735: {  	v8 =	vmpcnt.ones.xlane vm0;
	_ =	sdelay $0x1  }
0x736: {  	v7 =	vadd.s32 v7, v8  }
0x737: {  	vm15 =	vgt.s32 v7, $0x1FF  }
0x738: {  	v5 =	vsel vm15, v6, v5  }
.LBB2_43:
0x739: {  	s0 =	sadd.s32 $0x1, s0  }
0x73a: {  	p0 =	seq.s32 s0, $0x20  }
.Ltmp143:
0x73b: {  	_ = 	snop;
	(pc) =	sbr.rel @p0 .LBB2_44-.Ltmp143, $1  }
0x73c: {  	_ =	sdelay $0x3  }
.LBB2_39:
.Ltmp144:
0x73d: {  	(pc) =	sbr.rel @p3 .LBB2_43-.Ltmp144, $1  }
0x73e: {  	_ =	sdelay $0x3  }
0x73f: {  	s31 =	simm.s32 $0x18180  }
0x740: {  	v9 =	vld [tilespmem:s31+$0x0];
	_ =	sdelay $0x6  }
0x741: {  	p0 =	sgt.s32 s25, $0x10  }
.Ltmp145:
0x742: {  	v9 =	vld.idx.msk [tilespmem:v9+s2+$0x0], $0xffff;
	(pc) =	sbr.rel @!p0 .LBB2_42-.Ltmp145, $4  }
0x743: {  	_ = 	snop  }
0x744: {  	s1 =	sshrl.u32 s19, s0  }
0x745: {  	v6 =	vor.u32 s1, v5  }
0x746: {  	v7 =	vimm.s32 $0x0;
	s3 =	simm.s32 $0x18190;
	s1 =	simm.s32 $0x10;
	v8 =	vxor.u32 $0x80000000, v6  }
.LBB2_41:
0x747: {  	v10 =	vld [tilespmem:s3+$0x0];
	s1 =	sadd.s32 $0x10, s1  }
0x748: {  	p0 =	slt.s32 s1, s25;
	_ =	sdelay $0x2  }
.Ltmp146:
0x749: {  	(pc) =	sbr.rel @p0 .LBB2_41-.Ltmp146, $3  }
0x74a: {  	vm0 =	vge.f32 v9, v8  }
0x74b: {  	v11 =	vmpcnt.ones.xlane vm0;
	_ =	sdelay $0x1  }
0x74c: {  	s3 =	sadd.s32 $0x10, s3;
	v7 =	vadd.s32 v7, v11;
	v9 =	vld.idx.msk [tilespmem:v10+s2+$0x0], $0xffff  }
.Ltmp147:
0x74d: {  	_ = 	snop;
	(pc) =	sbr.rel .LBB2_42-.Ltmp147, $1  }
0x74e: {  	_ =	sdelay $0x3  }
.LBB2_98:
0x74f: {  	s0 =	sld [smem:$0x7FC];
	_ =	sdelay $0x2  }
0x750: {  	p0 =	seq.s32 s0, $0x1  }
.Ltmp148:
0x751: {  	_ = 	snop;
	(pc) =	sbr.rel @p0 .LBB2_106-.Ltmp148, $2  }
0x752: {  	_ =	sdelay $0x2  }
0x753: {  	s26 =	simm.s32 $0x0;
	s28 =	simm.s32 $0x0;
	s5 =	simm.s32 $0x80  }
.Ltmp149:
0x754: {  	(pc) =	sbr.rel .LBB2_100-.Ltmp149, $2  }
0x755: {  	_ =	sdelay $0x2  }
0x756: {  	s0 =	simm.s32 $0x2;
	v5 =	vimm.s32 $0xC0000000  }
.LBB2_106:
0x757: {  	s3 =	simm.s32 $0x80A0  }
0x758: {  	v9 =	vld [tilespmem:s3+$0x10]  }
0x759: {  	v7 =	vld [tilespmem:s3+$0x0]  }
0x75a: {  	v6 =	vld [tilespmem:s3+$0xFFFFFFE0]  }
0x75b: {  	s0 =	sshrl.u32 s19, s28;
	v8 =	vld [tilespmem:s3+$0xFFFFFFF0]  }
0x75c: {  	s0 =	sor.u32 s0, s26  }
0x75d: {  	s1 =	sxor.u32 $0x80000000, s0  }
0x75e: {  	v10 =	vimm.s32 $0x0;
	v5 =	vmov s1  }
0x75f: {  	s3 =	simm.s32 $0x80E0;
	s1 =	simm.s32 $0x0;
	v11 =	vshra.s32 v9, $0x1F;
	v13 =	vshra.s32 v6, $0x1F;
	v12 =	vshra.s32 v7, $0x1F  }
.LBB2_107:
0x760: {  	v14 =	vld [tilespmem:s3+$0x10];
	v13 =	vand.u32 $0x7FFFFFFF, v13;
	v15 =	vshra.s32 v8, $0x1F;
	v11 =	vand.u32 $0x7FFFFFFF, v11  }
0x761: {  	v12 =	vand.u32 $0x7FFFFFFF, v12;
	s1 =	sadd.s32 $0x40, s1;
	v16 =	vld [tilespmem:s3+$0x0];
	v13 =	vxor.u32 v6, v13;
	v15 =	vand.u32 $0x7FFFFFFF, v15  }
0x762: {  	v9 =	vxor.u32 v9, v11;
	p0 =	slt.u32 s1, $0x7FC0;
	v6 =	vld [tilespmem:s3+$0xFFFFFFE0];
	vm0 =	vge.s32 v13, v5;
	v13 =	vxor.u32 v8, v15  }
.Ltmp150:
0x763: {  	v7 =	vxor.u32 v7, v12;
	v8 =	vld [tilespmem:s3+$0xFFFFFFF0];
	v11 =	vsel vm0, $0x1, v1;
	vm0 =	vge.s32 v13, v5;
	(pc) =	sbr.rel @p0 .LBB2_107-.Ltmp150, $4  }
0x764: {  	v10 =	vadd.s32 v11, v10;
	v11 =	vsel vm0, $0x1, v1;
	vm0 =	vge.s32 v7, v5  }
0x765: {  	v12 =	vadd.s32 v11, v10;
	v10 =	vsel vm0, $0x1, v1;
	vm0 =	vge.s32 v9, v5;
	v9 =	vmovc v14  }
0x766: {  	v11 =	vshra.s32 v9, $0x1F;
	v10 =	vadd.s32 v10, v12;
	v14 =	vsel vm0, $0x1, v1;
	v7 =	vmovc v16  }
0x767: {  	s3 =	sadd.s32 $0x40, s3;
	v13 =	vshra.s32 v6, $0x1F;
	v12 =	vshra.s32 v7, $0x1F;
	v10 =	vadd.s32 v14, v10  }
0x768: {  	v13 =	vand.u32 $0x7FFFFFFF, v13;
	v14 =	vshra.s32 v8, $0x1F;
	v11 =	vand.u32 $0x7FFFFFFF, v11  }
0x769: {  	v12 =	vand.u32 $0x7FFFFFFF, v12;
	v6 =	vxor.u32 v6, v13;
	v60 =	vand.u32 $0x7FFFFFFF, v14  }
0x76a: {  	v61 =	vxor.u32 v9, v11;
	vm0 =	vge.s32 v6, v5;
	v6 =	vxor.u32 v8, v60  }
0x76b: {  	v62 =	vsel vm0, $0x1, v1;
	vm13 =	vge.s32 v6, v5;
	v6 =	vxor.u32 v7, v12  }
0x76c: {  	v7 =	vadd.s32 v62, v10;
	v63 =	vsel vm13, $0x1, v1;
	vm14 =	vge.s32 v6, v5  }
0x76d: {  	vm15 =	vge.s32 v61, v5;
	v6 =	vadd.s32 v63, v7;
	v7 =	vsel vm14, $0x1, v1  }
0x76e: {  	v5 =	vadd.s32 v7, v6;
	v6 =	vsel vm15, $0x1, v1  }
0x76f: {  	v5 =	vadd.s32 v6, v5  }
0x770: {  	(xrf0) =	vadd.scan.msk.s32 $0xffff, v5;
	_ =	sdelay $0x5  }
0x771: {  	v5, _, _ =	vpop (xrf0)  }
0x772: {  	(v2sf) =	vpush v5, $0xF;
	_ =	sdelay $0xa  }
0x773: {  	s28 =	sadd.s32 $0x1, s28  }
0x774: {  	p1 =	sne.s32 s28, $0x20  }
.Ltmp151:
0x775: {  	_ = 	snop;
	(pc) =	sbr.rel @p1 .LBB2_106-.Ltmp151, $4  }
.Ltmp152:
0x776: {  	_ = 	snop;
	(pc) =	sbr.rel @!p1 .LBB2_109-.Ltmp152, $4  }
0x777: {  	s1 =	spop (v2sf)  }
0x778: {  	p0 =	sgt.s32 s1, $0x1FF  }
0x779: {  	s26 =	smov.u32 @p0 s0  }
0x77a: {  	_ = 	snop  }
.LBB2_103:
0x77b: {  	vm0 =	vge.f32 v9, v8  }
0x77c: {  	v8 =	vmpcnt.ones.xlane vm0;
	_ =	sdelay $0x1  }
0x77d: {  	v7 =	vadd.s32 v7, v8  }
0x77e: {  	vm15 =	vgt.s32 v7, $0x1FF  }
0x77f: {  	v5 =	vsel vm15, v6, v5  }
.LBB2_104:
0x780: {  	s0 =	sadd.s32 $0x1, s0  }
0x781: {  	p0 =	seq.s32 s0, $0x20  }
.Ltmp153:
0x782: {  	_ = 	snop;
	(pc) =	sbr.rel @p0 .LBB2_105-.Ltmp153, $1  }
0x783: {  	_ =	sdelay $0x3  }
.LBB2_100:
.Ltmp154:
0x784: {  	(pc) =	sbr.rel @p2 .LBB2_104-.Ltmp154, $1  }
0x785: {  	_ =	sdelay $0x3  }
0x786: {  	s31 =	simm.s32 $0x1A200  }
0x787: {  	v9 =	vld [tilespmem:s31+$0x0];
	_ =	sdelay $0x6  }
0x788: {  	p0 =	sgt.s32 s24, $0x10  }
.Ltmp155:
0x789: {  	v9 =	vld.idx.msk [tilespmem:v9+s15+$0x0], $0xffff;
	(pc) =	sbr.rel @!p0 .LBB2_103-.Ltmp155, $4  }
0x78a: {  	_ = 	snop  }
0x78b: {  	s1 =	sshrl.u32 s19, s0  }
0x78c: {  	v6 =	vor.u32 s1, v5  }
0x78d: {  	v7 =	vimm.s32 $0x0;
	s3 =	simm.s32 $0x1A210;
	s1 =	simm.s32 $0x10;
	v8 =	vxor.u32 $0x80000000, v6  }
.LBB2_102:
0x78e: {  	v10 =	vld [tilespmem:s3+$0x0];
	s1 =	sadd.s32 $0x10, s1  }
0x78f: {  	p0 =	slt.s32 s1, s24;
	_ =	sdelay $0x2  }
.Ltmp156:
0x790: {  	(pc) =	sbr.rel @p0 .LBB2_102-.Ltmp156, $3  }
0x791: {  	vm0 =	vge.f32 v9, v8  }
0x792: {  	v11 =	vmpcnt.ones.xlane vm0;
	_ =	sdelay $0x1  }
0x793: {  	s3 =	sadd.s32 $0x10, s3;
	v7 =	vadd.s32 v7, v11;
	v9 =	vld.idx.msk [tilespmem:v10+s15+$0x0], $0xffff  }
.Ltmp157:
0x794: {  	_ = 	snop;
	(pc) =	sbr.rel .LBB2_103-.Ltmp157, $1  }
0x795: {  	_ =	sdelay $0x3  }
.LBB2_165:
.Ltmp158:
0x796: {  	(pc) =	sbr.rel @p6 .LBB2_173-.Ltmp158, $2  }
0x797: {  	_ =	sdelay $0x2  }
0x798: {  	s26 =	simm.s32 $0x0;
	s28 =	simm.s32 $0x0;
	s5 =	simm.s32 $0x80  }
.Ltmp159:
0x799: {  	(pc) =	sbr.rel .LBB2_167-.Ltmp159, $2  }
0x79a: {  	_ =	sdelay $0x2  }
0x79b: {  	s0 =	simm.s32 $0x2;
	v5 =	vimm.s32 $0xC0000000  }
.LBB2_173:
0x79c: {  	s3 =	simm.s32 $0x20  }
0x79d: {  	v9 =	vld [tilespmem:s3+$0x10]  }
0x79e: {  	v7 =	vld [tilespmem:s3+$0x0]  }
0x79f: {  	v6 =	vld [tilespmem:s3+$0xFFFFFFE0]  }
0x7a0: {  	s0 =	sshrl.u32 s19, s28;
	v8 =	vld [tilespmem:s3+$0xFFFFFFF0]  }
0x7a1: {  	s0 =	sor.u32 s0, s26  }
0x7a2: {  	s1 =	sxor.u32 $0x80000000, s0  }
0x7a3: {  	v10 =	vimm.s32 $0x0;
	v5 =	vmov s1  }
0x7a4: {  	s3 =	simm.s32 $0x60;
	s1 =	simm.s32 $0x0;
	v11 =	vshra.s32 v9, $0x1F;
	v13 =	vshra.s32 v6, $0x1F;
	v12 =	vshra.s32 v7, $0x1F  }
.LBB2_174:
0x7a5: {  	v14 =	vld [tilespmem:s3+$0x10];
	v13 =	vand.u32 $0x7FFFFFFF, v13;
	v15 =	vshra.s32 v8, $0x1F;
	v11 =	vand.u32 $0x7FFFFFFF, v11  }
0x7a6: {  	v12 =	vand.u32 $0x7FFFFFFF, v12;
	s1 =	sadd.s32 $0x40, s1;
	v16 =	vld [tilespmem:s3+$0x0];
	v13 =	vxor.u32 v6, v13;
	v15 =	vand.u32 $0x7FFFFFFF, v15  }
0x7a7: {  	v9 =	vxor.u32 v9, v11;
	p0 =	slt.u32 s1, $0x7FC0;
	v6 =	vld [tilespmem:s3+$0xFFFFFFE0];
	vm0 =	vge.s32 v13, v5;
	v13 =	vxor.u32 v8, v15  }
.Ltmp160:
0x7a8: {  	v7 =	vxor.u32 v7, v12;
	v8 =	vld [tilespmem:s3+$0xFFFFFFF0];
	v11 =	vsel vm0, $0x1, v1;
	vm0 =	vge.s32 v13, v5;
	(pc) =	sbr.rel @p0 .LBB2_174-.Ltmp160, $4  }
0x7a9: {  	v10 =	vadd.s32 v11, v10;
	v11 =	vsel vm0, $0x1, v1;
	vm0 =	vge.s32 v7, v5  }
0x7aa: {  	v12 =	vadd.s32 v11, v10;
	v10 =	vsel vm0, $0x1, v1;
	vm0 =	vge.s32 v9, v5;
	v9 =	vmovc v14  }
0x7ab: {  	v11 =	vshra.s32 v9, $0x1F;
	v10 =	vadd.s32 v10, v12;
	v14 =	vsel vm0, $0x1, v1;
	v7 =	vmovc v16  }
0x7ac: {  	s3 =	sadd.s32 $0x40, s3;
	v13 =	vshra.s32 v6, $0x1F;
	v12 =	vshra.s32 v7, $0x1F;
	v10 =	vadd.s32 v14, v10  }
0x7ad: {  	v13 =	vand.u32 $0x7FFFFFFF, v13;
	v14 =	vshra.s32 v8, $0x1F;
	v11 =	vand.u32 $0x7FFFFFFF, v11  }
0x7ae: {  	v12 =	vand.u32 $0x7FFFFFFF, v12;
	v6 =	vxor.u32 v6, v13;
	v60 =	vand.u32 $0x7FFFFFFF, v14  }
0x7af: {  	v61 =	vxor.u32 v9, v11;
	vm0 =	vge.s32 v6, v5;
	v6 =	vxor.u32 v8, v60  }
0x7b0: {  	v62 =	vsel vm0, $0x1, v1;
	vm13 =	vge.s32 v6, v5;
	v6 =	vxor.u32 v7, v12  }
0x7b1: {  	v7 =	vadd.s32 v62, v10;
	v63 =	vsel vm13, $0x1, v1;
	vm14 =	vge.s32 v6, v5  }
0x7b2: {  	vm15 =	vge.s32 v61, v5;
	v6 =	vadd.s32 v63, v7;
	v7 =	vsel vm14, $0x1, v1  }
0x7b3: {  	v5 =	vadd.s32 v7, v6;
	v6 =	vsel vm15, $0x1, v1  }
0x7b4: {  	v5 =	vadd.s32 v6, v5  }
0x7b5: {  	(xrf0) =	vadd.scan.msk.s32 $0xffff, v5;
	_ =	sdelay $0x5  }
0x7b6: {  	v5, _, _ =	vpop (xrf0)  }
0x7b7: {  	(v2sf) =	vpush v5, $0xF;
	_ =	sdelay $0xa  }
0x7b8: {  	s28 =	sadd.s32 $0x1, s28  }
0x7b9: {  	p1 =	sne.s32 s28, $0x20  }
.Ltmp161:
0x7ba: {  	_ = 	snop;
	(pc) =	sbr.rel @p1 .LBB2_173-.Ltmp161, $4  }
.Ltmp162:
0x7bb: {  	_ = 	snop;
	(pc) =	sbr.rel @!p1 .LBB2_176-.Ltmp162, $4  }
0x7bc: {  	s1 =	spop (v2sf)  }
0x7bd: {  	p0 =	sgt.s32 s1, $0x1FF  }
0x7be: {  	s26 =	smov.u32 @p0 s0  }
0x7bf: {  	_ = 	snop  }
.LBB2_170:
0x7c0: {  	vm0 =	vge.f32 v9, v8  }
0x7c1: {  	v8 =	vmpcnt.ones.xlane vm0;
	_ =	sdelay $0x1  }
0x7c2: {  	v7 =	vadd.s32 v7, v8  }
0x7c3: {  	vm15 =	vgt.s32 v7, $0x1FF  }
0x7c4: {  	v5 =	vsel vm15, v6, v5  }
.LBB2_171:
0x7c5: {  	s0 =	sadd.s32 $0x1, s0  }
0x7c6: {  	p0 =	seq.s32 s0, $0x20  }
.Ltmp163:
0x7c7: {  	_ = 	snop;
	(pc) =	sbr.rel @p0 .LBB2_172-.Ltmp163, $1  }
0x7c8: {  	_ =	sdelay $0x3  }
.LBB2_167:
.Ltmp164:
0x7c9: {  	(pc) =	sbr.rel @p3 .LBB2_171-.Ltmp164, $1  }
0x7ca: {  	_ =	sdelay $0x3  }
0x7cb: {  	s31 =	simm.s32 $0x18180  }
0x7cc: {  	v9 =	vld [tilespmem:s31+$0x0];
	_ =	sdelay $0x6  }
0x7cd: {  	p0 =	sgt.s32 s25, $0x10  }
.Ltmp165:
0x7ce: {  	v9 =	vld.idx.msk [tilespmem:v9+s2+$0x0], $0xffff;
	(pc) =	sbr.rel @!p0 .LBB2_170-.Ltmp165, $4  }
0x7cf: {  	_ = 	snop  }
0x7d0: {  	s1 =	sshrl.u32 s19, s0  }
0x7d1: {  	v6 =	vor.u32 s1, v5  }
0x7d2: {  	v7 =	vimm.s32 $0x0;
	s3 =	simm.s32 $0x18190;
	s1 =	simm.s32 $0x10;
	v8 =	vxor.u32 $0x80000000, v6  }
.LBB2_169:
0x7d3: {  	v10 =	vld [tilespmem:s3+$0x0];
	s1 =	sadd.s32 $0x10, s1  }
0x7d4: {  	p0 =	slt.s32 s1, s25;
	_ =	sdelay $0x2  }
.Ltmp166:
0x7d5: {  	(pc) =	sbr.rel @p0 .LBB2_169-.Ltmp166, $3  }
0x7d6: {  	vm0 =	vge.f32 v9, v8  }
0x7d7: {  	v11 =	vmpcnt.ones.xlane vm0;
	_ =	sdelay $0x1  }
0x7d8: {  	s3 =	sadd.s32 $0x10, s3;
	v7 =	vadd.s32 v7, v11;
	v9 =	vld.idx.msk [tilespmem:v10+s2+$0x0], $0xffff  }
.Ltmp167:
0x7d9: {  	_ = 	snop;
	(pc) =	sbr.rel .LBB2_170-.Ltmp167, $1  }
0x7da: {  	_ =	sdelay $0x3  }
.LBB2_232:
.Ltmp168:
0x7db: {  	(pc) =	sbr.rel @p0 .LBB2_240-.Ltmp168, $2  }
0x7dc: {  	_ =	sdelay $0x2  }
0x7dd: {  	s26 =	simm.s32 $0x0;
	s28 =	simm.s32 $0x0;
	s14 =	simm.s32 $0x80  }
.Ltmp169:
0x7de: {  	(pc) =	sbr.rel .LBB2_234-.Ltmp169, $2  }
0x7df: {  	_ =	sdelay $0x2  }
0x7e0: {  	s0 =	simm.s32 $0x2;
	v5 =	vimm.s32 $0xC0000000  }
.LBB2_240:
0x7e1: {  	s3 =	simm.s32 $0x80A0  }
0x7e2: {  	v9 =	vld [tilespmem:s3+$0x10]  }
0x7e3: {  	v7 =	vld [tilespmem:s3+$0x0]  }
0x7e4: {  	v6 =	vld [tilespmem:s3+$0xFFFFFFE0]  }
0x7e5: {  	s0 =	sshrl.u32 s19, s28;
	v8 =	vld [tilespmem:s3+$0xFFFFFFF0]  }
0x7e6: {  	s0 =	sor.u32 s0, s26  }
0x7e7: {  	s1 =	sxor.u32 $0x80000000, s0  }
0x7e8: {  	v10 =	vimm.s32 $0x0;
	v5 =	vmov s1  }
0x7e9: {  	s3 =	simm.s32 $0x80E0;
	s1 =	simm.s32 $0x0;
	v11 =	vshra.s32 v9, $0x1F;
	v13 =	vshra.s32 v6, $0x1F;
	v12 =	vshra.s32 v7, $0x1F  }
.LBB2_241:
0x7ea: {  	v14 =	vld [tilespmem:s3+$0x10];
	v13 =	vand.u32 $0x7FFFFFFF, v13;
	v15 =	vshra.s32 v8, $0x1F;
	v11 =	vand.u32 $0x7FFFFFFF, v11  }
0x7eb: {  	v12 =	vand.u32 $0x7FFFFFFF, v12;
	s1 =	sadd.s32 $0x40, s1;
	v16 =	vld [tilespmem:s3+$0x0];
	v13 =	vxor.u32 v6, v13;
	v15 =	vand.u32 $0x7FFFFFFF, v15  }
0x7ec: {  	v9 =	vxor.u32 v9, v11;
	p1 =	slt.u32 s1, $0x7FC0;
	v6 =	vld [tilespmem:s3+$0xFFFFFFE0];
	vm0 =	vge.s32 v13, v5;
	v13 =	vxor.u32 v8, v15  }
.Ltmp170:
0x7ed: {  	v7 =	vxor.u32 v7, v12;
	v8 =	vld [tilespmem:s3+$0xFFFFFFF0];
	v11 =	vsel vm0, $0x1, v1;
	vm0 =	vge.s32 v13, v5;
	(pc) =	sbr.rel @p1 .LBB2_241-.Ltmp170, $4  }
0x7ee: {  	v10 =	vadd.s32 v11, v10;
	v11 =	vsel vm0, $0x1, v1;
	vm0 =	vge.s32 v7, v5  }
0x7ef: {  	v12 =	vadd.s32 v11, v10;
	v10 =	vsel vm0, $0x1, v1;
	vm0 =	vge.s32 v9, v5;
	v9 =	vmovc v14  }
0x7f0: {  	v11 =	vshra.s32 v9, $0x1F;
	v10 =	vadd.s32 v10, v12;
	v14 =	vsel vm0, $0x1, v1;
	v7 =	vmovc v16  }
0x7f1: {  	s3 =	sadd.s32 $0x40, s3;
	v13 =	vshra.s32 v6, $0x1F;
	v12 =	vshra.s32 v7, $0x1F;
	v10 =	vadd.s32 v14, v10  }
0x7f2: {  	v13 =	vand.u32 $0x7FFFFFFF, v13;
	v14 =	vshra.s32 v8, $0x1F;
	v11 =	vand.u32 $0x7FFFFFFF, v11  }
0x7f3: {  	v12 =	vand.u32 $0x7FFFFFFF, v12;
	v6 =	vxor.u32 v6, v13;
	v60 =	vand.u32 $0x7FFFFFFF, v14  }
0x7f4: {  	v61 =	vxor.u32 v9, v11;
	vm0 =	vge.s32 v6, v5;
	v6 =	vxor.u32 v8, v60  }
0x7f5: {  	v62 =	vsel vm0, $0x1, v1;
	vm13 =	vge.s32 v6, v5;
	v6 =	vxor.u32 v7, v12  }
0x7f6: {  	v7 =	vadd.s32 v62, v10;
	v63 =	vsel vm13, $0x1, v1;
	vm14 =	vge.s32 v6, v5  }
0x7f7: {  	vm15 =	vge.s32 v61, v5;
	v6 =	vadd.s32 v63, v7;
	v7 =	vsel vm14, $0x1, v1  }
0x7f8: {  	v5 =	vadd.s32 v7, v6;
	v6 =	vsel vm15, $0x1, v1  }
0x7f9: {  	v5 =	vadd.s32 v6, v5  }
0x7fa: {  	(xrf0) =	vadd.scan.msk.s32 $0xffff, v5;
	_ =	sdelay $0x5  }
0x7fb: {  	v5, _, _ =	vpop (xrf0)  }
0x7fc: {  	(v2sf) =	vpush v5, $0xF;
	_ =	sdelay $0xa  }
0x7fd: {  	s28 =	sadd.s32 $0x1, s28  }
0x7fe: {  	p3 =	sne.s32 s28, $0x20  }
.Ltmp171:
0x7ff: {  	_ = 	snop;
	(pc) =	sbr.rel @p3 .LBB2_240-.Ltmp171, $4  }
.Ltmp172:
0x800: {  	_ = 	snop;
	(pc) =	sbr.rel @!p3 .LBB2_243-.Ltmp172, $4  }
0x801: {  	s1 =	spop (v2sf)  }
0x802: {  	p1 =	sgt.s32 s1, $0x1FF  }
0x803: {  	s26 =	smov.u32 @p1 s0  }
0x804: {  	_ = 	snop  }
.LBB2_237:
0x805: {  	vm0 =	vge.f32 v9, v8  }
0x806: {  	v8 =	vmpcnt.ones.xlane vm0;
	_ =	sdelay $0x1  }
0x807: {  	v7 =	vadd.s32 v7, v8  }
0x808: {  	vm15 =	vgt.s32 v7, $0x1FF  }
0x809: {  	v5 =	vsel vm15, v6, v5  }
.LBB2_238:
0x80a: {  	s0 =	sadd.s32 $0x1, s0  }
0x80b: {  	p1 =	seq.s32 s0, $0x20  }
.Ltmp173:
0x80c: {  	_ = 	snop;
	(pc) =	sbr.rel @p1 .LBB2_239-.Ltmp173, $1  }
0x80d: {  	_ =	sdelay $0x3  }
.LBB2_234:
.Ltmp174:
0x80e: {  	(pc) =	sbr.rel @p2 .LBB2_238-.Ltmp174, $1  }
0x80f: {  	_ =	sdelay $0x3  }
0x810: {  	s31 =	simm.s32 $0x1A200  }
0x811: {  	v9 =	vld [tilespmem:s31+$0x0];
	_ =	sdelay $0x6  }
0x812: {  	p1 =	sgt.s32 s24, $0x10  }
.Ltmp175:
0x813: {  	v9 =	vld.idx.msk [tilespmem:v9+s15+$0x0], $0xffff;
	(pc) =	sbr.rel @!p1 .LBB2_237-.Ltmp175, $4  }
0x814: {  	_ = 	snop  }
0x815: {  	s1 =	sshrl.u32 s19, s0  }
0x816: {  	v6 =	vor.u32 s1, v5  }
0x817: {  	v7 =	vimm.s32 $0x0;
	s3 =	simm.s32 $0x1A210;
	s1 =	simm.s32 $0x10;
	v8 =	vxor.u32 $0x80000000, v6  }
.LBB2_236:
0x818: {  	v10 =	vld [tilespmem:s3+$0x0];
	s1 =	sadd.s32 $0x10, s1  }
0x819: {  	p1 =	slt.s32 s1, s24;
	_ =	sdelay $0x2  }
.Ltmp176:
0x81a: {  	(pc) =	sbr.rel @p1 .LBB2_236-.Ltmp176, $3  }
0x81b: {  	vm0 =	vge.f32 v9, v8  }
0x81c: {  	v11 =	vmpcnt.ones.xlane vm0;
	_ =	sdelay $0x1  }
0x81d: {  	s3 =	sadd.s32 $0x10, s3;
	v7 =	vadd.s32 v7, v11;
	v9 =	vld.idx.msk [tilespmem:v10+s15+$0x0], $0xffff  }
.Ltmp177:
0x81e: {  	_ = 	snop;
	(pc) =	sbr.rel .LBB2_237-.Ltmp177, $1  }
0x81f: {  	_ =	sdelay $0x3  }
.LBB2_44:
0x820: {  	(v2sf) =	vpush v5, $0x0;
	_ =	sdelay $0xa  }
.Ltmp178:
0x821: {  	_ = 	snop;
	(pc) =	sbr.rel .LBB2_48-.Ltmp178, $2  }
0x822: {  	_ =	sdelay $0x2  }
0x823: {  	s24 =	spop (v2sf)  }
.LBB2_105:
0x824: {  	(v2sf) =	vpush v5, $0x0;
	_ =	sdelay $0xa  }
.Ltmp179:
0x825: {  	_ = 	snop;
	(pc) =	sbr.rel .LBB2_109-.Ltmp179, $2  }
0x826: {  	_ =	sdelay $0x2  }
0x827: {  	s26 =	spop (v2sf)  }
.LBB2_172:
0x828: {  	(v2sf) =	vpush v5, $0x0;
	_ =	sdelay $0xa  }
.Ltmp180:
0x829: {  	_ = 	snop;
	(pc) =	sbr.rel .LBB2_176-.Ltmp180, $2  }
0x82a: {  	_ =	sdelay $0x2  }
0x82b: {  	s26 =	spop (v2sf)  }
.LBB2_239:
0x82c: {  	(v2sf) =	vpush v5, $0x0;
	_ =	sdelay $0xa  }
.Ltmp181:
0x82d: {  	_ = 	snop;
	(pc) =	sbr.rel .LBB2_243-.Ltmp181, $2  }
0x82e: {  	_ =	sdelay $0x2  }
0x82f: {  	s26 =	spop (v2sf)  }
.LBB2_17:
.Ltmp182:
0x830: {  	(pc) =	sbr.rel .LBB2_20-.Ltmp182, $2  }
0x831: {  	_ =	sdelay $0x2  }
0x832: {  	_ = 	snop  }
.LBB2_78:
.Ltmp183:
0x833: {  	(pc) =	sbr.rel .LBB2_81-.Ltmp183, $2  }
0x834: {  	_ =	sdelay $0x2  }
0x835: {  	_ = 	snop  }
.LBB2_145:
.Ltmp184:
0x836: {  	(pc) =	sbr.rel .LBB2_148-.Ltmp184, $2  }
0x837: {  	_ =	sdelay $0x2  }
0x838: {  	_ = 	snop  }
.LBB2_212:
.Ltmp185:
0x839: {  	(pc) =	sbr.rel .LBB2_215-.Ltmp185, $2  }
0x83a: {  	_ =	sdelay $0x2  }
0x83b: {  	_ = 	snop  }
.LBB2_22:
.Ltmp186:
0x83c: {  	_ = 	snop;
	(pc) =	sbr.rel .LBB2_33-.Ltmp186, $2  }
0x83d: {  	_ =	sdelay $0x2  }
0x83e: {  	v18 =	vimm.s32 $0x0;
	v6 =	vmov v9  }
.LBB2_83:
.Ltmp187:
0x83f: {  	_ = 	snop;
	(pc) =	sbr.rel .LBB2_94-.Ltmp187, $2  }
0x840: {  	_ =	sdelay $0x2  }
0x841: {  	v18 =	vimm.s32 $0x0;
	v6 =	vmov v9  }
.LBB2_150:
.Ltmp188:
0x842: {  	_ = 	snop;
	(pc) =	sbr.rel .LBB2_161-.Ltmp188, $2  }
0x843: {  	_ =	sdelay $0x2  }
0x844: {  	v18 =	vimm.s32 $0x0;
	v6 =	vmov v9  }
.LBB2_217:
.Ltmp189:
0x845: {  	_ = 	snop;
	(pc) =	sbr.rel .LBB2_228-.Ltmp189, $2  }
0x846: {  	_ =	sdelay $0x2  }
0x847: {  	v18 =	vimm.s32 $0x0;
	v6 =	vmov v9  }
.LBB2_24:
.Ltmp190:
0x848: {  	_ = 	snop;
	(pc) =	sbr.rel .LBB2_33-.Ltmp190, $2  }
0x849: {  	_ =	sdelay $0x2  }
0x84a: {  	v15 =	vmov v9;
	v18 =	vimm.s32 $0x0;
	v6 =	vmov v10  }
.LBB2_85:
.Ltmp191:
0x84b: {  	_ = 	snop;
	(pc) =	sbr.rel .LBB2_94-.Ltmp191, $2  }
0x84c: {  	_ =	sdelay $0x2  }
0x84d: {  	v15 =	vmov v9;
	v18 =	vimm.s32 $0x0;
	v6 =	vmov v10  }
.LBB2_152:
.Ltmp192:
0x84e: {  	_ = 	snop;
	(pc) =	sbr.rel .LBB2_161-.Ltmp192, $2  }
0x84f: {  	_ =	sdelay $0x2  }
0x850: {  	v15 =	vmov v9;
	v18 =	vimm.s32 $0x0;
	v6 =	vmov v10  }
.LBB2_219:
.Ltmp193:
0x851: {  	_ = 	snop;
	(pc) =	sbr.rel .LBB2_228-.Ltmp193, $2  }
0x852: {  	_ =	sdelay $0x2  }
0x853: {  	v15 =	vmov v9;
	v18 =	vimm.s32 $0x0;
	v6 =	vmov v10  }
.LBB2_26:
.Ltmp194:
0x854: {  	(pc) =	sbr.rel .LBB2_33-.Ltmp194, $2  }
0x855: {  	_ =	sdelay $0x2  }
0x856: {  	v15 =	vmov v10;
	v17 =	vmov v9;
	v18 =	vimm.s32 $0x0  }
.LBB2_87:
.Ltmp195:
0x857: {  	(pc) =	sbr.rel .LBB2_94-.Ltmp195, $2  }
0x858: {  	_ =	sdelay $0x2  }
0x859: {  	v15 =	vmov v10;
	v17 =	vmov v9;
	v18 =	vimm.s32 $0x0  }
.LBB2_154:
.Ltmp196:
0x85a: {  	(pc) =	sbr.rel .LBB2_161-.Ltmp196, $2  }
0x85b: {  	_ =	sdelay $0x2  }
0x85c: {  	v15 =	vmov v10;
	v17 =	vmov v9;
	v18 =	vimm.s32 $0x0  }
.LBB2_221:
.Ltmp197:
0x85d: {  	(pc) =	sbr.rel .LBB2_228-.Ltmp197, $2  }
0x85e: {  	_ =	sdelay $0x2  }
0x85f: {  	v15 =	vmov v10;
	v17 =	vmov v9;
	v18 =	vimm.s32 $0x0  }
.LBB2_28:
.Ltmp198:
0x860: {  	(pc) =	sbr.rel .LBB2_33-.Ltmp198, $3  }
0x861: {  	_ =	sdelay $0x1  }
0x862: {  	v15 =	vmovc v6;
	vm3 =	vmmov vm2;
	v19 =	vmov v14;
	v20 =	vmov v16  }
0x863: {  	v13 =	vmovc v9;
	v17 =	vmovc v10;
	v6 =	vmov v21;
	vm4 =	vmmov vm1;
	v18 =	vimm.s32 $0x0  }
.LBB2_89:
.Ltmp199:
0x864: {  	(pc) =	sbr.rel .LBB2_94-.Ltmp199, $3  }
0x865: {  	_ =	sdelay $0x1  }
0x866: {  	v15 =	vmovc v6;
	vm3 =	vmmov vm2;
	v19 =	vmov v14;
	v20 =	vmov v16  }
0x867: {  	v13 =	vmovc v9;
	v17 =	vmovc v10;
	v6 =	vmov v21;
	vm4 =	vmmov vm1;
	v18 =	vimm.s32 $0x0  }
.LBB2_156:
.Ltmp200:
0x868: {  	(pc) =	sbr.rel .LBB2_161-.Ltmp200, $3  }
0x869: {  	_ =	sdelay $0x1  }
0x86a: {  	v15 =	vmovc v6;
	vm3 =	vmmov vm2;
	v19 =	vmov v14;
	v20 =	vmov v16  }
0x86b: {  	v13 =	vmovc v9;
	v17 =	vmovc v10;
	v6 =	vmov v21;
	vm4 =	vmmov vm1;
	v18 =	vimm.s32 $0x0  }
.LBB2_223:
.Ltmp201:
0x86c: {  	(pc) =	sbr.rel .LBB2_228-.Ltmp201, $3  }
0x86d: {  	_ =	sdelay $0x1  }
0x86e: {  	v15 =	vmovc v6;
	vm3 =	vmmov vm2;
	v19 =	vmov v14;
	v20 =	vmov v16  }
0x86f: {  	v13 =	vmovc v9;
	v17 =	vmovc v10;
	v6 =	vmov v21;
	vm4 =	vmmov vm1;
	v18 =	vimm.s32 $0x0  }
.LBB2_30:
.Ltmp202:
0x870: {  	(pc) =	sbr.rel .LBB2_33-.Ltmp202, $2  }
0x871: {  	_ =	sdelay $0x2  }
0x872: {  	v17 =	vmovc v6;
	v15 =	vmovc v21;
	v12 =	vmov v9;
	v13 =	vmov v10;
	v6 =	vmov v22  }
.LBB2_91:
.Ltmp203:
0x873: {  	(pc) =	sbr.rel .LBB2_94-.Ltmp203, $2  }
0x874: {  	_ =	sdelay $0x2  }
0x875: {  	v17 =	vmovc v6;
	v15 =	vmovc v21;
	v12 =	vmov v9;
	v13 =	vmov v10;
	v6 =	vmov v22  }
.LBB2_158:
.Ltmp204:
0x876: {  	(pc) =	sbr.rel .LBB2_161-.Ltmp204, $2  }
0x877: {  	_ =	sdelay $0x2  }
0x878: {  	v17 =	vmovc v6;
	v15 =	vmovc v21;
	v12 =	vmov v9;
	v13 =	vmov v10;
	v6 =	vmov v22  }
.LBB2_225:
.Ltmp205:
0x879: {  	(pc) =	sbr.rel .LBB2_228-.Ltmp205, $2  }
0x87a: {  	_ =	sdelay $0x2  }
0x87b: {  	v17 =	vmovc v6;
	v15 =	vmovc v21;
	v12 =	vmov v9;
	v13 =	vmov v10;
	v6 =	vmov v22  }
.LBB2_56:
.Ltmp206:
0x87c: {  	(pc) =	sbr.rel .LBB2_61-.Ltmp206, $2  }
0x87d: {  	_ =	sdelay $0x2  }
0x87e: {  	_ = 	snop  }
.LBB2_123:
.Ltmp207:
0x87f: {  	(pc) =	sbr.rel .LBB2_128-.Ltmp207, $2  }
0x880: {  	_ =	sdelay $0x2  }
0x881: {  	_ = 	snop  }
.LBB2_190:
.Ltmp208:
0x882: {  	(pc) =	sbr.rel .LBB2_195-.Ltmp208, $2  }
0x883: {  	_ =	sdelay $0x2  }
0x884: {  	_ = 	snop  }
.LBB2_58:
.Ltmp209:
0x885: {  	_ = 	snop;
	(pc) =	sbr.rel .LBB2_61-.Ltmp209, $2  }
0x886: {  	_ =	sdelay $0x2  }
0x887: {  	v10 =	vmovc v7;
	v11 =	vmov v6;
	v6 =	vmov v8;
	v7 =	vmov v9  }
.LBB2_125:
.Ltmp210:
0x888: {  	_ = 	snop;
	(pc) =	sbr.rel .LBB2_128-.Ltmp210, $2  }
0x889: {  	_ =	sdelay $0x2  }
0x88a: {  	v10 =	vmovc v7;
	v11 =	vmov v6;
	v6 =	vmov v8;
	v7 =	vmov v9  }
.LBB2_192:
.Ltmp211:
0x88b: {  	_ = 	snop;
	(pc) =	sbr.rel .LBB2_195-.Ltmp211, $2  }
0x88c: {  	_ =	sdelay $0x2  }
0x88d: {  	v10 =	vmovc v7;
	v11 =	vmov v6;
	v6 =	vmov v8;
	v7 =	vmov v9  }
.LBB2_259:
.Ltmp212:
0x88e: {  	_ = 	snop;
	(pc) =	sbr.rel .LBB2_262-.Ltmp212, $2  }
0x88f: {  	_ =	sdelay $0x2  }
0x890: {  	v10 =	vmovc v7;
	v11 =	vmov v6;
	v6 =	vmov v8;
	v7 =	vmov v9  }
.LBB2_264:
0x891: {  	_ =	sfence.sel $0x180000  }
0x892: {  	[bflag:$0x0] =	sbarrier.arrive $0xFFFF  }
0x893: {  	_ =	strace $0x90000047  }
0x894: {  	s0 =	stileid.u32;
	[bflag:$0x2] =	sbarrier.arrive $0xFFFF  }
0x895: {  	p0 =	sne.s32 s0, $0x0;
	s0 =	rddreg [dreg:$0x2]  }
0x896: {  	s0 =	sadd.s32 @!p0 $0x100000, s0  }
0x897: {  	[sflag:s0] =	ssyncadd.tile.s32 @!p0 $0x1;
	_ =	shalt  }
.Lfunc_end2:
_tile_overlayer_lowered:
.L_overlay_start_2:
0x898: {  	(tag) =	ssettag $0x2  }
0x899: {  	s0 =	rddreg [dreg:$0x0];
	s2 =	stileid.u32  }
0x89a: {  	s1 =	rddreg [dreg:$0x1];
	p0 =	sne.s32 s2, $0x0  }
0x89b: {  	s3 =	rddreg [dreg:$0x2];
	[bflag:$0x3] =	sbarrier.arrive $0xFFFF;
	s2 =	simm.s32 @!p0 $0x1C03  }
0x89c: {  	[timem:s3], [sflag:s2] =	dma.local @!p0 [hbm:s0], s1  }
0x89d: {  	s0 =	simm.s32 @!p0 $0x3  }
0x89e: {  	_ =	swait.ge @!p0 [sflag:s0], s1  }
0x89f: {  	s1 =	ssub.s32 @!p0 $0x0, s1;
	[sflag:s0] =	ssyncset.done @!p0 $0x0  }
0x8a0: {  	[sflag:s0] =	ssyncadd.s32 @!p0 s1  }
0x8a1: {  	[bflag:$0x3] =	sbarrier.arrive $0xFFFF  }
0x8a2: {  	_ =	shalt  }

</sc_bundles>
